<compile_context>
chip_gen: v7x
topology: tpu7x:2x2x1
jax: 0.10.2.dev20260603
libtpu: 0.0.44.dev20260713+nightly
codegen_flags: <defaults>
</compile_context>

<pallas_src>
import functools

import jax
import jax.numpy as jnp
from jax import lax
from jax.experimental import pallas as pl
from jax.experimental.pallas import tpu as pltpu
from jax.experimental.pallas import tpu_sc as plsc

D_HALF = 64
D = 2 * D_HALF
_NC = 2
_NS = 16
_NW = _NC * _NS
_SR = 8
_SUB = 160
_LANES = 16


@functools.partial(jax.jit, static_argnames=("v",))
def _sc_gather_pairs(i_2d, j_2d, ptab, v):
    b, p = i_2d.shape
    nv = ptab.shape[0]
    n = b * p
    rows_per_w = b // _NW
    stripes = rows_per_w // _SR
    pairs_per_stripe = _SR * p
    subs = pairs_per_stripe // _SUB
    full_vecs = p // _LANES
    tail = p - _LANES
    mesh = plsc.VectorSubcoreMesh(core_axis_name="c", subcore_axis_name="s")

    @functools.partial(
        pl.kernel,
        mesh=mesh,
        out_type=jax.ShapeDtypeStruct((n, D), jnp.float32),
        scratch_types=[
            pltpu.VMEM((_SR, p), jnp.int32),
            pltpu.VMEM((_SR, p), jnp.int32),
            pltpu.VMEM((pairs_per_stripe,), jnp.int32),
            pltpu.VMEM((pairs_per_stripe,), jnp.int32),
            pltpu.VMEM((2, _SUB, D), jnp.float32),
            pltpu.VMEM_SHARED((nv, D), jnp.float32),
            pltpu.SemaphoreType.DMA,
            pltpu.SemaphoreType.DMA,
            pltpu.SemaphoreType.DMA,
            pltpu.SemaphoreType.DMA,
            pltpu.SemaphoreType.DMA,
        ],
    )
    def k(i_hbm, j_hbm, ptab_hbm, out_hbm, iv, jv, kv0, kv1,
          rows, ptab_sp, sg0, sg1, sw0, sw1, si):
        kv = (kv0, kv1)
        sg = (sg0, sg1)
        sw = (sw0, sw1)
        wid = lax.axis_index("s") * _NC + lax.axis_index("c")
        wrow0 = wid * rows_per_w

        def idx_start(st):
            rb = wrow0 + st * _SR
            pltpu.async_copy(i_hbm.at[pl.ds(rb, _SR)], iv, si)
            pltpu.async_copy(j_hbm.at[pl.ds(rb, _SR)], jv, si)

        def idx_wait(st):
            rb = wrow0 + st * _SR
            pltpu.make_async_copy(i_hbm.at[pl.ds(rb, _SR)], iv, si).wait()
            pltpu.make_async_copy(j_hbm.at[pl.ds(rb, _SR)], jv, si).wait()

        def combine(s):
            for r in range(_SR):
                def body(u, c, _r=r):
                    sl = pl.ds(u * _LANES, _LANES)
                    ksl = pl.ds(_r * p + u * _LANES, _LANES)
                    kv[s][ksl] = iv[_r, sl] * v + jv[_r, sl]
                    return c
                lax.fori_loop(0, full_vecs, body, 0)
                tsl = pl.ds(tail, _LANES)
                kv[s][pl.ds(r * p + tail, _LANES)] = (
                    iv[r, tsl] * v + jv[r, tsl]
                )

        def gather_start(s, q, rs):
            pltpu.async_copy(
                ptab_sp.at[kv[s].at[pl.ds(q * _SUB, _SUB)]], rows.at[rs], sg[rs]
            )

        def gather_wait(s, q, rs):
            pltpu.make_async_copy(
                ptab_sp.at[kv[s].at[pl.ds(q * _SUB, _SUB)]], rows.at[rs], sg[rs]
            ).wait()

        def write_start(st, q, rs):
            ob = (wrow0 + st * _SR) * p + q * _SUB
            pltpu.async_copy(rows.at[rs], out_hbm.at[pl.ds(ob, _SUB)], sw[rs])

        def write_wait(st, q, rs):
            ob = (wrow0 + st * _SR) * p + q * _SUB
            pltpu.make_async_copy(
                rows.at[rs], out_hbm.at[pl.ds(ob, _SUB)], sw[rs]
            ).wait()

        idx_start(0)
        sid = lax.axis_index("s")
        stage_rows = (nv // (_NS * _SR)) * _SR
        sb = sid * stage_rows
        pltpu.sync_copy(
            ptab_hbm.at[pl.ds(sb, stage_rows)], ptab_sp.at[pl.ds(sb, stage_rows)]
        )
        rem = nv - _NS * stage_rows

        @pl.when(sid == 0)
        def _():
            pltpu.sync_copy(
                ptab_hbm.at[pl.ds(_NS * stage_rows, rem)],
                ptab_sp.at[pl.ds(_NS * stage_rows, rem)],
            )

        plsc.subcore_barrier()

        idx_wait(0)
        combine(0)
        idx_start(1)
        gather_start(0, 0, 0)

        def outer(g, carry):
            for ss in (0, 1):
                st = 2 * g + ss
                for q in range(subs):
                    rs = q % 2
                    gather_wait(ss, q, rs)
                    write_start(st, q, rs)
                    if q < subs - 1:
                        if q == 0:
                            @pl.when(st >= 1)
                            def _():
                                write_wait(st - 1, subs - 1, 1 - rs)
                        else:
                            write_wait(st, q - 1, 1 - rs)
                        gather_start(ss, q + 1, 1 - rs)
                        if q == 0:
                            @pl.when(st < stripes - 1)
                            def _():
                                idx_wait(st + 1)
                                combine(1 - ss)

                            @pl.when(st < stripes - 2)
                            def _():
                                idx_start(st + 2)
                    else:
                        @pl.when(st < stripes - 1)
                        def _():
                            write_wait(st, q - 1, 1 - rs)
                            gather_start(1 - ss, 0, 1 - rs)
            return carry

        lax.fori_loop(0, stripes // 2, outer, 0)
        write_wait(stripes - 1, subs - 2, 0)
        write_wait(stripes - 1, subs - 1, 1)

    return k(i_2d, j_2d, ptab)


def kernel(i_indices, j_indices, pe):
    b, p = i_indices.shape
    v = pe.shape[0]
    ptab = jnp.concatenate(
        [jnp.repeat(pe, v, axis=0), jnp.tile(pe, (v, 1))], axis=1
    )
    out = _sc_gather_pairs(i_indices, j_indices, ptab, v)
    return out.reshape(b, p, D)

# --- scband reference (transcript-rebuilt; emitter-appended) ---
"""Pipeline reference for scband-positional-encoding2-d-4707284157016 (READ-ONLY COPY).

The authoritative reference and input builder live on the scoring server;
editing this copy changes nothing except your own understanding.
"""

import math
import jax, jax.numpy as jnp
import numpy as np

D_MODEL = 128
MAX_LEN = 100
BATCH = 16384
N_PAIRS = 200


def _make_pe(d_model=D_MODEL, max_len=MAX_LEN):
    half = d_model // 2
    pe = np.zeros((max_len, half), dtype=np.float32)
    position = np.arange(0, max_len, dtype=np.float32)[:, None]
    div_term = np.exp(np.arange(0, half, 2, dtype=np.float32) * (-math.log(10000.0) / half))
    pe[:, 0::2] = np.sin(position * div_term)
    pe[:, 1::2] = np.cos(position * div_term)
    return jnp.asarray(pe)


def setup_inputs(seed: int = 0) -> dict:
    key = jax.random.key(seed)
    k1, k2 = jax.random.split(key)
    i_indices = jax.random.randint(k1, (BATCH, N_PAIRS), 0, MAX_LEN, dtype=jnp.int32)
    j_indices = jax.random.randint(k2, (BATCH, N_PAIRS), 0, MAX_LEN, dtype=jnp.int32)
    pe = _make_pe()
    return {"i_indices": i_indices, "j_indices": j_indices, "pe": pe}


def reference(i_indices, j_indices, pe):
    # pe_i = self.pe[i_indices]; pe_j = self.pe[j_indices]
    pe_i = jnp.take(pe, i_indices, axis=0)  # (B, P, d_model//2)
    pe_j = jnp.take(pe, j_indices, axis=0)  # (B, P, d_model//2)
    return jnp.concatenate([pe_i, pe_j], axis=-1)  # (B, P, d_model)

if __name__ == "__main__":
    import jax
    _d = setup_inputs()
    print(jax.jit(kernel)(*tuple(_d.values())))

</pallas_src>

<mosaic_0001>
#map = affine_map<(d0, d1) -> (0, 0)>
module attributes {stable_mosaic.version = 14 : i64} {
  func.func @k(%arg0: i32, %arg1: i32, %arg2: memref<16384x200xi32, #tpu.memory_space<hbm>>, %arg3: memref<16384x200xi32, #tpu.memory_space<hbm>>, %arg4: memref<10000x128xf32, #tpu.memory_space<hbm>>, %arg5: memref<3276800x128xf32, #tpu.memory_space<hbm>>, %arg6: memref<8x200xi32, #tpu.memory_space<vmem>>, %arg7: memref<8x200xi32, #tpu.memory_space<vmem>>, %arg8: memref<1600xi32, #tpu.memory_space<vmem>>, %arg9: memref<1600xi32, #tpu.memory_space<vmem>>, %arg10: memref<2x160x128xf32, #tpu.memory_space<vmem>>, %arg11: memref<10000x128xf32, #tpu.memory_space<vmem_shared>>, %arg12: memref<!tpu.dma_semaphore, #tpu.memory_space<semaphore_mem>>, %arg13: memref<!tpu.dma_semaphore, #tpu.memory_space<semaphore_mem>>, %arg14: memref<!tpu.dma_semaphore, #tpu.memory_space<semaphore_mem>>, %arg15: memref<!tpu.dma_semaphore, #tpu.memory_space<semaphore_mem>>, %arg16: memref<!tpu.dma_semaphore, #tpu.memory_space<semaphore_mem>>) attributes {dimension_semantics = [#tpu.dimension_semantics<core_parallel>, #tpu.dimension_semantics<subcore_parallel>], iteration_bounds = array<i64: 2, 16>, scalar_prefetch = 0 : i64, scratch_operands = 11 : i64, tpu.core_type = #tpu.core_type<sc_vector_subcore>, window_params = [{transform_indices = #map}, {transform_indices = #map}, {transform_indices = #map}, {transform_indices = #map}]} {
    %mul3A = arith.constant 2 : i32
    %mul3A_0 = arith.muli %arg1, %mul3A : i32
    %add3A = arith.addi %mul3A_0, %arg0 : i32
    %mul3A_1 = arith.constant 512 : i32
    %mul3A_2 = arith.muli %add3A, %mul3A_1 : i32
    %add3A_3 = arith.constant 0 : i32
    %add3A_4 = arith.addi %mul3A_2, %add3A_3 : i32
    %dma_start3A = arith.constant 0 : i32
    %dma_start3A_5 = tpu.memref_slice %arg2[%add3A_4, %dma_start3A] : memref<16384x200xi32, #tpu.memory_space<hbm>> -> memref<8x200xi32, #tpu.memory_space<hbm>>
    %dma_start3A_6 = arith.constant 0 : i32
    %dma_start3A_7 = tpu.memref_slice %arg2[%add3A_4, %dma_start3A_6] : memref<16384x200xi32, #tpu.memory_space<hbm>> -> memref<8x200xi32, #tpu.memory_space<hbm>>
    tpu.enqueue_dma source(%dma_start3A_7 : memref<8x200xi32, #tpu.memory_space<hbm>>) target(%arg6 : memref<8x200xi32, #tpu.memory_space<vmem>>) target_semaphore(%arg16 : memref<!tpu.dma_semaphore, #tpu.memory_space<semaphore_mem>>)
    %dma_start3A_8 = arith.constant 0 : i32
    %dma_start3A_9 = tpu.memref_slice %arg3[%add3A_4, %dma_start3A_8] : memref<16384x200xi32, #tpu.memory_space<hbm>> -> memref<8x200xi32, #tpu.memory_space<hbm>>
    %dma_start3A_10 = arith.constant 0 : i32
    %dma_start3A_11 = tpu.memref_slice %arg3[%add3A_4, %dma_start3A_10] : memref<16384x200xi32, #tpu.memory_space<hbm>> -> memref<8x200xi32, #tpu.memory_space<hbm>>
    tpu.enqueue_dma source(%dma_start3A_11 : memref<8x200xi32, #tpu.memory_space<hbm>>) target(%arg7 : memref<8x200xi32, #tpu.memory_space<vmem>>) target_semaphore(%arg16 : memref<!tpu.dma_semaphore, #tpu.memory_space<semaphore_mem>>)
    %mul3A_12 = arith.constant 624 : i32
    %mul3A_13 = arith.muli %arg1, %mul3A_12 : i32
    "tpu.region"() ({
      %run_scoped3A = tpu.sem_alloc : memref<!tpu.dma_semaphore, #tpu.memory_space<semaphore_mem>>
      %dma_start3A_278 = arith.constant 0 : i32
      %dma_start3A_279 = tpu.memref_slice %arg11[%mul3A_13, %dma_start3A_278] : memref<10000x128xf32, #tpu.memory_space<vmem_shared>> -> memref<624x128xf32, #tpu.memory_space<vmem_shared>>
      %dma_start3A_280 = arith.constant 0 : i32
      %dma_start3A_281 = tpu.memref_slice %arg4[%mul3A_13, %dma_start3A_280] : memref<10000x128xf32, #tpu.memory_space<hbm>> -> memref<624x128xf32, #tpu.memory_space<hbm>>
      tpu.enqueue_dma source(%dma_start3A_281 : memref<624x128xf32, #tpu.memory_space<hbm>>) target(%dma_start3A_279 : memref<624x128xf32, #tpu.memory_space<vmem_shared>>) target_semaphore(%run_scoped3A : memref<!tpu.dma_semaphore, #tpu.memory_space<semaphore_mem>>)
      %dma_wait3A_282 = arith.constant 0 : i32
      %dma_wait3A_283 = tpu.memref_slice %arg11[%mul3A_13, %dma_wait3A_282] : memref<10000x128xf32, #tpu.memory_space<vmem_shared>> -> memref<624x128xf32, #tpu.memory_space<vmem_shared>>
      %dma_wait3A_284 = arith.constant 0 : i32
      %dma_wait3A_285 = tpu.memref_slice %arg4[%mul3A_13, %dma_wait3A_284] : memref<10000x128xf32, #tpu.memory_space<hbm>> -> memref<624x128xf32, #tpu.memory_space<hbm>>
      tpu.wait_dma2 semaphore(%run_scoped3A : memref<!tpu.dma_semaphore, #tpu.memory_space<semaphore_mem>>) src(%dma_wait3A_285 : memref<624x128xf32, #tpu.memory_space<hbm>>) dst(%dma_wait3A_283 : memref<624x128xf32, #tpu.memory_space<vmem_shared>>)
      tpu.yield
    }) : () -> ()
    %eq3A = arith.constant 0 : i32
    %eq3A_14 = arith.cmpi eq, %arg1, %eq3A : i32
    %convert_element_type3A = arith.extui %eq3A_14 : i1 to i32
    %cond3A = arith.constant 0 : i32
    %cond3A_15 = arith.cmpi ne, %convert_element_type3A, %cond3A : i32
    scf.if %cond3A_15 {
      "tpu.region"() ({
        %run_scoped3A = tpu.sem_alloc : memref<!tpu.dma_semaphore, #tpu.memory_space<semaphore_mem>>
        %dma_start3A_278 = arith.constant 9984 : i32
        %dma_start3A_279 = arith.constant 0 : i32
        %dma_start3A_280 = tpu.memref_slice %arg11[%dma_start3A_278, %dma_start3A_279] : memref<10000x128xf32, #tpu.memory_space<vmem_shared>> -> memref<16x128xf32, #tpu.memory_space<vmem_shared>>
        %dma_start3A_281 = arith.constant 9984 : i32
        %dma_start3A_282 = arith.constant 0 : i32
        %dma_start3A_283 = tpu.memref_slice %arg4[%dma_start3A_281, %dma_start3A_282] : memref<10000x128xf32, #tpu.memory_space<hbm>> -> memref<16x128xf32, #tpu.memory_space<hbm>>
        tpu.enqueue_dma source(%dma_start3A_283 : memref<16x128xf32, #tpu.memory_space<hbm>>) target(%dma_start3A_280 : memref<16x128xf32, #tpu.memory_space<vmem_shared>>) target_semaphore(%run_scoped3A : memref<!tpu.dma_semaphore, #tpu.memory_space<semaphore_mem>>)
        %dma_wait3A_284 = arith.constant 9984 : i32
        %dma_wait3A_285 = arith.constant 0 : i32
        %dma_wait3A_286 = tpu.memref_slice %arg11[%dma_wait3A_284, %dma_wait3A_285] : memref<10000x128xf32, #tpu.memory_space<vmem_shared>> -> memref<16x128xf32, #tpu.memory_space<vmem_shared>>
        %dma_wait3A_287 = arith.constant 9984 : i32
        %dma_wait3A_288 = arith.constant 0 : i32
        %dma_wait3A_289 = tpu.memref_slice %arg4[%dma_wait3A_287, %dma_wait3A_288] : memref<10000x128xf32, #tpu.memory_space<hbm>> -> memref<16x128xf32, #tpu.memory_space<hbm>>
        tpu.wait_dma2 semaphore(%run_scoped3A : memref<!tpu.dma_semaphore, #tpu.memory_space<semaphore_mem>>) src(%dma_wait3A_289 : memref<16x128xf32, #tpu.memory_space<hbm>>) dst(%dma_wait3A_286 : memref<16x128xf32, #tpu.memory_space<vmem_shared>>)
        tpu.yield
      }) : () -> ()
    } else {
    }
    %barrier3A = arith.constant 0 : index
    tpu.barrier barrier_id(%barrier3A)
    %add3A_16 = arith.constant 0 : i32
    %add3A_17 = arith.addi %mul3A_2, %add3A_16 : i32
    %dma_wait3A = arith.constant 0 : i32
    %dma_wait3A_18 = tpu.memref_slice %arg2[%add3A_17, %dma_wait3A] : memref<16384x200xi32, #tpu.memory_space<hbm>> -> memref<8x200xi32, #tpu.memory_space<hbm>>
    %dma_wait3A_19 = arith.constant 0 : i32
    %dma_wait3A_20 = tpu.memref_slice %arg2[%add3A_17, %dma_wait3A_19] : memref<16384x200xi32, #tpu.memory_space<hbm>> -> memref<8x200xi32, #tpu.memory_space<hbm>>
    tpu.wait_dma2 semaphore(%arg16 : memref<!tpu.dma_semaphore, #tpu.memory_space<semaphore_mem>>) src(%dma_wait3A_20 : memref<8x200xi32, #tpu.memory_space<hbm>>) dst(%arg6 : memref<8x200xi32, #tpu.memory_space<vmem>>)
    %dma_wait3A_21 = arith.constant 0 : i32
    %dma_wait3A_22 = tpu.memref_slice %arg3[%add3A_17, %dma_wait3A_21] : memref<16384x200xi32, #tpu.memory_space<hbm>> -> memref<8x200xi32, #tpu.memory_space<hbm>>
    %dma_wait3A_23 = arith.constant 0 : i32
    %dma_wait3A_24 = tpu.memref_slice %arg3[%add3A_17, %dma_wait3A_23] : memref<16384x200xi32, #tpu.memory_space<hbm>> -> memref<8x200xi32, #tpu.memory_space<hbm>>
    tpu.wait_dma2 semaphore(%arg16 : memref<!tpu.dma_semaphore, #tpu.memory_space<semaphore_mem>>) src(%dma_wait3A_24 : memref<8x200xi32, #tpu.memory_space<hbm>>) dst(%arg7 : memref<8x200xi32, #tpu.memory_space<vmem>>)
    %scan3A = arith.constant 0 : i32
    %scan3A_25 = arith.constant 0 : i32
    %scan3A_26 = arith.constant 12 : i32
    %scan3A_27 = arith.addi %scan3A_25, %scan3A_26 : i32
    %scan3A_28 = arith.constant 1 : i32
    scf.for %scan3A_278 = %scan3A_25 to %scan3A_27 step %scan3A_28  : i32 {
      %mul3A_279 = arith.constant 16 : i32
      %mul3A_280 = arith.muli %scan3A_278, %mul3A_279 : i32
      %mul3A_281 = arith.constant 16 : i32
      %mul3A_282 = arith.muli %scan3A_278, %mul3A_281 : i32
      %add3A_283 = arith.constant 0 : i32
      %add3A_284 = arith.addi %add3A_283, %mul3A_282 : i32
      %get3A_285 = arith.constant 0 : i32
      %get3A_286 = arith.index_cast %get3A_285 : i32 to index
      %get3A_287 = arith.index_cast %mul3A_280 : i32 to index
      %get3A_288 = tpu.vector_load %arg6[%get3A_286, %get3A_287] {strides = array<i32>} : memref<8x200xi32, #tpu.memory_space<vmem>>, vector<1x16xi32>,
      %get3A_289 = vector.shape_cast %get3A_288 : vector<1x16xi32> to vector<16xi32>
      %mul3A_290 = arith.constant 100 : i32
      %mul3A_291 = vector.broadcast %mul3A_290 : i32 to vector<16xi32>
      %mul3A_292 = arith.muli %get3A_289, %mul3A_291 : vector<16xi32>
      %get3A_293 = arith.constant 0 : i32
      %get3A_294 = arith.index_cast %get3A_293 : i32 to index
      %get3A_295 = arith.index_cast %mul3A_280 : i32 to index
      %get3A_296 = tpu.vector_load %arg7[%get3A_294, %get3A_295] {strides = array<i32>} : memref<8x200xi32, #tpu.memory_space<vmem>>, vector<1x16xi32>,
      %get3A_297 = vector.shape_cast %get3A_296 : vector<1x16xi32> to vector<16xi32>
      %add3A_298 = arith.addi %mul3A_292, %get3A_297 : vector<16xi32>
      %swap3A_299 = arith.index_cast %add3A_284 : i32 to index
      %swap3A_300 = tpu.vector_load %arg8[%swap3A_299] {strides = array<i32>} : memref<1600xi32, #tpu.memory_space<vmem>>, vector<16xi32>,
      %swap3A_301 = vector.shape_cast %swap3A_300 : vector<16xi32> to vector<16xi32>
      %swap3A_302 = vector.shape_cast %add3A_298 : vector<16xi32> to vector<16xi32>
      tpu.vector_store %arg8[%swap3A_299], %swap3A_302 {strides = array<i32>} : memref<1600xi32, #tpu.memory_space<vmem>>, vector<16xi32>,
    }
    %scan3A_29 = arith.constant 12 : i32
    %get3A = arith.constant 0 : i32
    %get3A_30 = arith.index_cast %get3A : i32 to index
    %get3A_31 = arith.constant 184 : index
    %get3A_32 = tpu.vector_load %arg6[%get3A_30, %get3A_31] {strides = array<i32>} : memref<8x200xi32, #tpu.memory_space<vmem>>, vector<1x16xi32>,
    %get3A_33 = vector.shape_cast %get3A_32 : vector<1x16xi32> to vector<16xi32>
    %mul3A_34 = arith.constant 100 : i32
    %mul3A_35 = vector.broadcast %mul3A_34 : i32 to vector<16xi32>
    %mul3A_36 = arith.muli %get3A_33, %mul3A_35 : vector<16xi32>
    %get3A_37 = arith.constant 0 : i32
    %get3A_38 = arith.index_cast %get3A_37 : i32 to index
    %get3A_39 = arith.constant 184 : index
    %get3A_40 = tpu.vector_load %arg7[%get3A_38, %get3A_39] {strides = array<i32>} : memref<8x200xi32, #tpu.memory_space<vmem>>, vector<1x16xi32>,
    %get3A_41 = vector.shape_cast %get3A_40 : vector<1x16xi32> to vector<16xi32>
    %add3A_42 = arith.addi %mul3A_36, %get3A_41 : vector<16xi32>
    %swap3A = arith.constant 184 : index
    %swap3A_43 = tpu.vector_load %arg8[%swap3A] {strides = array<i32>} : memref<1600xi32, #tpu.memory_space<vmem>>, vector<16xi32>,
    %swap3A_44 = vector.shape_cast %swap3A_43 : vector<16xi32> to vector<16xi32>
    %swap3A_45 = vector.shape_cast %add3A_42 : vector<16xi32> to vector<16xi32>
    tpu.vector_store %arg8[%swap3A], %swap3A_45 {strides = array<i32>} : memref<1600xi32, #tpu.memory_space<vmem>>, vector<16xi32>,
    %scan3A_46 = arith.constant 0 : i32
    %scan3A_47 = arith.constant 0 : i32
    %scan3A_48 = arith.constant 12 : i32
    %scan3A_49 = arith.addi %scan3A_47, %scan3A_48 : i32
    %scan3A_50 = arith.constant 1 : i32
    scf.for %scan3A_278 = %scan3A_47 to %scan3A_49 step %scan3A_50  : i32 {
      %mul3A_279 = arith.constant 16 : i32
      %mul3A_280 = arith.muli %scan3A_278, %mul3A_279 : i32
      %mul3A_281 = arith.constant 16 : i32
      %mul3A_282 = arith.muli %scan3A_278, %mul3A_281 : i32
      %add3A_283 = arith.constant 200 : i32
      %add3A_284 = arith.addi %add3A_283, %mul3A_282 : i32
      %get3A_285 = arith.constant 1 : i32
      %get3A_286 = arith.index_cast %get3A_285 : i32 to index
      %get3A_287 = arith.index_cast %mul3A_280 : i32 to index
      %get3A_288 = tpu.vector_load %arg6[%get3A_286, %get3A_287] {strides = array<i32>} : memref<8x200xi32, #tpu.memory_space<vmem>>, vector<1x16xi32>,
      %get3A_289 = vector.shape_cast %get3A_288 : vector<1x16xi32> to vector<16xi32>
      %mul3A_290 = arith.constant 100 : i32
      %mul3A_291 = vector.broadcast %mul3A_290 : i32 to vector<16xi32>
      %mul3A_292 = arith.muli %get3A_289, %mul3A_291 : vector<16xi32>
      %get3A_293 = arith.constant 1 : i32
      %get3A_294 = arith.index_cast %get3A_293 : i32 to index
      %get3A_295 = arith.index_cast %mul3A_280 : i32 to index
      %get3A_296 = tpu.vector_load %arg7[%get3A_294, %get3A_295] {strides = array<i32>} : memref<8x200xi32, #tpu.memory_space<vmem>>, vector<1x16xi32>,
      %get3A_297 = vector.shape_cast %get3A_296 : vector<1x16xi32> to vector<16xi32>
      %add3A_298 = arith.addi %mul3A_292, %get3A_297 : vector<16xi32>
      %swap3A_299 = arith.index_cast %add3A_284 : i32 to index
      %swap3A_300 = tpu.vector_load %arg8[%swap3A_299] {strides = array<i32>} : memref<1600xi32, #tpu.memory_space<vmem>>, vector<16xi32>,
      %swap3A_301 = vector.shape_cast %swap3A_300 : vector<16xi32> to vector<16xi32>
      %swap3A_302 = vector.shape_cast %add3A_298 : vector<16xi32> to vector<16xi32>
      tpu.vector_store %arg8[%swap3A_299], %swap3A_302 {strides = array<i32>} : memref<1600xi32, #tpu.memory_space<vmem>>, vector<16xi32>,
    }
    %scan3A_51 = arith.constant 12 : i32
    %get3A_52 = arith.constant 1 : i32
    %get3A_53 = arith.index_cast %get3A_52 : i32 to index
    %get3A_54 = arith.constant 184 : index
    %get3A_55 = tpu.vector_load %arg6[%get3A_53, %get3A_54] {strides = array<i32>} : memref<8x200xi32, #tpu.memory_space<vmem>>, vector<1x16xi32>,
    %get3A_56 = vector.shape_cast %get3A_55 : vector<1x16xi32> to vector<16xi32>
    %mul3A_57 = arith.constant 100 : i32
    %mul3A_58 = vector.broadcast %mul3A_57 : i32 to vector<16xi32>
    %mul3A_59 = arith.muli %get3A_56, %mul3A_58 : vector<16xi32>
    %get3A_60 = arith.constant 1 : i32
    %get3A_61 = arith.index_cast %get3A_60 : i32 to index
    %get3A_62 = arith.constant 184 : index
    %get3A_63 = tpu.vector_load %arg7[%get3A_61, %get3A_62] {strides = array<i32>} : memref<8x200xi32, #tpu.memory_space<vmem>>, vector<1x16xi32>,
    %get3A_64 = vector.shape_cast %get3A_63 : vector<1x16xi32> to vector<16xi32>
    %add3A_65 = arith.addi %mul3A_59, %get3A_64 : vector<16xi32>
    %swap3A_66 = arith.constant 384 : index
    %swap3A_67 = tpu.vector_load %arg8[%swap3A_66] {strides = array<i32>} : memref<1600xi32, #tpu.memory_space<vmem>>, vector<16xi32>,
    %swap3A_68 = vector.shape_cast %swap3A_67 : vector<16xi32> to vector<16xi32>
    %swap3A_69 = vector.shape_cast %add3A_65 : vector<16xi32> to vector<16xi32>
    tpu.vector_store %arg8[%swap3A_66], %swap3A_69 {strides = array<i32>} : memref<1600xi32, #tpu.memory_space<vmem>>, vector<16xi32>,
    %scan3A_70 = arith.constant 0 : i32
    %scan3A_71 = arith.constant 0 : i32
    %scan3A_72 = arith.constant 12 : i32
    %scan3A_73 = arith.addi %scan3A_71, %scan3A_72 : i32
    %scan3A_74 = arith.constant 1 : i32
    scf.for %scan3A_278 = %scan3A_71 to %scan3A_73 step %scan3A_74  : i32 {
      %mul3A_279 = arith.constant 16 : i32
      %mul3A_280 = arith.muli %scan3A_278, %mul3A_279 : i32
      %mul3A_281 = arith.constant 16 : i32
      %mul3A_282 = arith.muli %scan3A_278, %mul3A_281 : i32
      %add3A_283 = arith.constant 400 : i32
      %add3A_284 = arith.addi %add3A_283, %mul3A_282 : i32
      %get3A_285 = arith.constant 2 : i32
      %get3A_286 = arith.index_cast %get3A_285 : i32 to index
      %get3A_287 = arith.index_cast %mul3A_280 : i32 to index
      %get3A_288 = tpu.vector_load %arg6[%get3A_286, %get3A_287] {strides = array<i32>} : memref<8x200xi32, #tpu.memory_space<vmem>>, vector<1x16xi32>,
      %get3A_289 = vector.shape_cast %get3A_288 : vector<1x16xi32> to vector<16xi32>
      %mul3A_290 = arith.constant 100 : i32
      %mul3A_291 = vector.broadcast %mul3A_290 : i32 to vector<16xi32>
      %mul3A_292 = arith.muli %get3A_289, %mul3A_291 : vector<16xi32>
      %get3A_293 = arith.constant 2 : i32
      %get3A_294 = arith.index_cast %get3A_293 : i32 to index
      %get3A_295 = arith.index_cast %mul3A_280 : i32 to index
      %get3A_296 = tpu.vector_load %arg7[%get3A_294, %get3A_295] {strides = array<i32>} : memref<8x200xi32, #tpu.memory_space<vmem>>, vector<1x16xi32>,
      %get3A_297 = vector.shape_cast %get3A_296 : vector<1x16xi32> to vector<16xi32>
      %add3A_298 = arith.addi %mul3A_292, %get3A_297 : vector<16xi32>
      %swap3A_299 = arith.index_cast %add3A_284 : i32 to index
      %swap3A_300 = tpu.vector_load %arg8[%swap3A_299] {strides = array<i32>} : memref<1600xi32, #tpu.memory_space<vmem>>, vector<16xi32>,
      %swap3A_301 = vector.shape_cast %swap3A_300 : vector<16xi32> to vector<16xi32>
      %swap3A_302 = vector.shape_cast %add3A_298 : vector<16xi32> to vector<16xi32>
      tpu.vector_store %arg8[%swap3A_299], %swap3A_302 {strides = array<i32>} : memref<1600xi32, #tpu.memory_space<vmem>>, vector<16xi32>,
    }
    %scan3A_75 = arith.constant 12 : i32
    %get3A_76 = arith.constant 2 : i32
    %get3A_77 = arith.index_cast %get3A_76 : i32 to index
    %get3A_78 = arith.constant 184 : index
    %get3A_79 = tpu.vector_load %arg6[%get3A_77, %get3A_78] {strides = array<i32>} : memref<8x200xi32, #tpu.memory_space<vmem>>, vector<1x16xi32>,
    %get3A_80 = vector.shape_cast %get3A_79 : vector<1x16xi32> to vector<16xi32>
    %mul3A_81 = arith.constant 100 : i32
    %mul3A_82 = vector.broadcast %mul3A_81 : i32 to vector<16xi32>
    %mul3A_83 = arith.muli %get3A_80, %mul3A_82 : vector<16xi32>
    %get3A_84 = arith.constant 2 : i32
    %get3A_85 = arith.index_cast %get3A_84 : i32 to index
    %get3A_86 = arith.constant 184 : index
    %get3A_87 = tpu.vector_load %arg7[%get3A_85, %get3A_86] {strides = array<i32>} : memref<8x200xi32, #tpu.memory_space<vmem>>, vector<1x16xi32>,
    %get3A_88 = vector.shape_cast %get3A_87 : vector<1x16xi32> to vector<16xi32>
    %add3A_89 = arith.addi %mul3A_83, %get3A_88 : vector<16xi32>
    %swap3A_90 = arith.constant 584 : index
    %swap3A_91 = tpu.vector_load %arg8[%swap3A_90] {strides = array<i32>} : memref<1600xi32, #tpu.memory_space<vmem>>, vector<16xi32>,
    %swap3A_92 = vector.shape_cast %swap3A_91 : vector<16xi32> to vector<16xi32>
    %swap3A_93 = vector.shape_cast %add3A_89 : vector<16xi32> to vector<16xi32>
    tpu.vector_store %arg8[%swap3A_90], %swap3A_93 {strides = array<i32>} : memref<1600xi32, #tpu.memory_space<vmem>>, vector<16xi32>,
    %scan3A_94 = arith.constant 0 : i32
    %scan3A_95 = arith.constant 0 : i32
    %scan3A_96 = arith.constant 12 : i32
    %scan3A_97 = arith.addi %scan3A_95, %scan3A_96 : i32
    %scan3A_98 = arith.constant 1 : i32
    scf.for %scan3A_278 = %scan3A_95 to %scan3A_97 step %scan3A_98  : i32 {
      %mul3A_279 = arith.constant 16 : i32
      %mul3A_280 = arith.muli %scan3A_278, %mul3A_279 : i32
      %mul3A_281 = arith.constant 16 : i32
      %mul3A_282 = arith.muli %scan3A_278, %mul3A_281 : i32
      %add3A_283 = arith.constant 600 : i32
      %add3A_284 = arith.addi %add3A_283, %mul3A_282 : i32
      %get3A_285 = arith.constant 3 : i32
      %get3A_286 = arith.index_cast %get3A_285 : i32 to index
      %get3A_287 = arith.index_cast %mul3A_280 : i32 to index
      %get3A_288 = tpu.vector_load %arg6[%get3A_286, %get3A_287] {strides = array<i32>} : memref<8x200xi32, #tpu.memory_space<vmem>>, vector<1x16xi32>,
      %get3A_289 = vector.shape_cast %get3A_288 : vector<1x16xi32> to vector<16xi32>
      %mul3A_290 = arith.constant 100 : i32
      %mul3A_291 = vector.broadcast %mul3A_290 : i32 to vector<16xi32>
      %mul3A_292 = arith.muli %get3A_289, %mul3A_291 : vector<16xi32>
      %get3A_293 = arith.constant 3 : i32
      %get3A_294 = arith.index_cast %get3A_293 : i32 to index
      %get3A_295 = arith.index_cast %mul3A_280 : i32 to index
      %get3A_296 = tpu.vector_load %arg7[%get3A_294, %get3A_295] {strides = array<i32>} : memref<8x200xi32, #tpu.memory_space<vmem>>, vector<1x16xi32>,
      %get3A_297 = vector.shape_cast %get3A_296 : vector<1x16xi32> to vector<16xi32>
      %add3A_298 = arith.addi %mul3A_292, %get3A_297 : vector<16xi32>
      %swap3A_299 = arith.index_cast %add3A_284 : i32 to index
      %swap3A_300 = tpu.vector_load %arg8[%swap3A_299] {strides = array<i32>} : memref<1600xi32, #tpu.memory_space<vmem>>, vector<16xi32>,
      %swap3A_301 = vector.shape_cast %swap3A_300 : vector<16xi32> to vector<16xi32>
      %swap3A_302 = vector.shape_cast %add3A_298 : vector<16xi32> to vector<16xi32>
      tpu.vector_store %arg8[%swap3A_299], %swap3A_302 {strides = array<i32>} : memref<1600xi32, #tpu.memory_space<vmem>>, vector<16xi32>,
    }
    %scan3A_99 = arith.constant 12 : i32
    %get3A_100 = arith.constant 3 : i32
    %get3A_101 = arith.index_cast %get3A_100 : i32 to index
    %get3A_102 = arith.constant 184 : index
    %get3A_103 = tpu.vector_load %arg6[%get3A_101, %get3A_102] {strides = array<i32>} : memref<8x200xi32, #tpu.memory_space<vmem>>, vector<1x16xi32>,
    %get3A_104 = vector.shape_cast %get3A_103 : vector<1x16xi32> to vector<16xi32>
    %mul3A_105 = arith.constant 100 : i32
    %mul3A_106 = vector.broadcast %mul3A_105 : i32 to vector<16xi32>
    %mul3A_107 = arith.muli %get3A_104, %mul3A_106 : vector<16xi32>
    %get3A_108 = arith.constant 3 : i32
    %get3A_109 = arith.index_cast %get3A_108 : i32 to index
    %get3A_110 = arith.constant 184 : index
    %get3A_111 = tpu.vector_load %arg7[%get3A_109, %get3A_110] {strides = array<i32>} : memref<8x200xi32, #tpu.memory_space<vmem>>, vector<1x16xi32>,
    %get3A_112 = vector.shape_cast %get3A_111 : vector<1x16xi32> to vector<16xi32>
    %add3A_113 = arith.addi %mul3A_107, %get3A_112 : vector<16xi32>
    %swap3A_114 = arith.constant 784 : index
    %swap3A_115 = tpu.vector_load %arg8[%swap3A_114] {strides = array<i32>} : memref<1600xi32, #tpu.memory_space<vmem>>, vector<16xi32>,
    %swap3A_116 = vector.shape_cast %swap3A_115 : vector<16xi32> to vector<16xi32>
    %swap3A_117 = vector.shape_cast %add3A_113 : vector<16xi32> to vector<16xi32>
    tpu.vector_store %arg8[%swap3A_114], %swap3A_117 {strides = array<i32>} : memref<1600xi32, #tpu.memory_space<vmem>>, vector<16xi32>,
    %scan3A_118 = arith.constant 0 : i32
    %scan3A_119 = arith.constant 0 : i32
    %scan3A_120 = arith.constant 12 : i32
    %scan3A_121 = arith.addi %scan3A_119, %scan3A_120 : i32
    %scan3A_122 = arith.constant 1 : i32
    scf.for %scan3A_278 = %scan3A_119 to %scan3A_121 step %scan3A_122  : i32 {
      %mul3A_279 = arith.constant 16 : i32
      %mul3A_280 = arith.muli %scan3A_278, %mul3A_279 : i32
      %mul3A_281 = arith.constant 16 : i32
      %mul3A_282 = arith.muli %scan3A_278, %mul3A_281 : i32
      %add3A_283 = arith.constant 800 : i32
      %add3A_284 = arith.addi %add3A_283, %mul3A_282 : i32
      %get3A_285 = arith.constant 4 : i32
      %get3A_286 = arith.index_cast %get3A_285 : i32 to index
      %get3A_287 = arith.index_cast %mul3A_280 : i32 to index
      %get3A_288 = tpu.vector_load %arg6[%get3A_286, %get3A_287] {strides = array<i32>} : memref<8x200xi32, #tpu.memory_space<vmem>>, vector<1x16xi32>,
      %get3A_289 = vector.shape_cast %get3A_288 : vector<1x16xi32> to vector<16xi32>
      %mul3A_290 = arith.constant 100 : i32
      %mul3A_291 = vector.broadcast %mul3A_290 : i32 to vector<16xi32>
      %mul3A_292 = arith.muli %get3A_289, %mul3A_291 : vector<16xi32>
      %get3A_293 = arith.constant 4 : i32
      %get3A_294 = arith.index_cast %get3A_293 : i32 to index
      %get3A_295 = arith.index_cast %mul3A_280 : i32 to index
      %get3A_296 = tpu.vector_load %arg7[%get3A_294, %get3A_295] {strides = array<i32>} : memref<8x200xi32, #tpu.memory_space<vmem>>, vector<1x16xi32>,
      %get3A_297 = vector.shape_cast %get3A_296 : vector<1x16xi32> to vector<16xi32>
      %add3A_298 = arith.addi %mul3A_292, %get3A_297 : vector<16xi32>
      %swap3A_299 = arith.index_cast %add3A_284 : i32 to index
      %swap3A_300 = tpu.vector_load %arg8[%swap3A_299] {strides = array<i32>} : memref<1600xi32, #tpu.memory_space<vmem>>, vector<16xi32>,
      %swap3A_301 = vector.shape_cast %swap3A_300 : vector<16xi32> to vector<16xi32>
      %swap3A_302 = vector.shape_cast %add3A_298 : vector<16xi32> to vector<16xi32>
      tpu.vector_store %arg8[%swap3A_299], %swap3A_302 {strides = array<i32>} : memref<1600xi32, #tpu.memory_space<vmem>>, vector<16xi32>,
    }
    %scan3A_123 = arith.constant 12 : i32
    %get3A_124 = arith.constant 4 : i32
    %get3A_125 = arith.index_cast %get3A_124 : i32 to index
    %get3A_126 = arith.constant 184 : index
    %get3A_127 = tpu.vector_load %arg6[%get3A_125, %get3A_126] {strides = array<i32>} : memref<8x200xi32, #tpu.memory_space<vmem>>, vector<1x16xi32>,
    %get3A_128 = vector.shape_cast %get3A_127 : vector<1x16xi32> to vector<16xi32>
    %mul3A_129 = arith.constant 100 : i32
    %mul3A_130 = vector.broadcast %mul3A_129 : i32 to vector<16xi32>
    %mul3A_131 = arith.muli %get3A_128, %mul3A_130 : vector<16xi32>
    %get3A_132 = arith.constant 4 : i32
    %get3A_133 = arith.index_cast %get3A_132 : i32 to index
    %get3A_134 = arith.constant 184 : index
    %get3A_135 = tpu.vector_load %arg7[%get3A_133, %get3A_134] {strides = array<i32>} : memref<8x200xi32, #tpu.memory_space<vmem>>, vector<1x16xi32>,
    %get3A_136 = vector.shape_cast %get3A_135 : vector<1x16xi32> to vector<16xi32>
    %add3A_137 = arith.addi %mul3A_131, %get3A_136 : vector<16xi32>
    %swap3A_138 = arith.constant 984 : index
    %swap3A_139 = tpu.vector_load %arg8[%swap3A_138] {strides = array<i32>} : memref<1600xi32, #tpu.memory_space<vmem>>, vector<16xi32>,
    %swap3A_140 = vector.shape_cast %swap3A_139 : vector<16xi32> to vector<16xi32>
    %swap3A_141 = vector.shape_cast %add3A_137 : vector<16xi32> to vector<16xi32>
    tpu.vector_store %arg8[%swap3A_138], %swap3A_141 {strides = array<i32>} : memref<1600xi32, #tpu.memory_space<vmem>>, vector<16xi32>,
    %scan3A_142 = arith.constant 0 : i32
    %scan3A_143 = arith.constant 0 : i32
    %scan3A_144 = arith.constant 12 : i32
    %scan3A_145 = arith.addi %scan3A_143, %scan3A_144 : i32
    %scan3A_146 = arith.constant 1 : i32
    scf.for %scan3A_278 = %scan3A_143 to %scan3A_145 step %scan3A_146  : i32 {
      %mul3A_279 = arith.constant 16 : i32
      %mul3A_280 = arith.muli %scan3A_278, %mul3A_279 : i32
      %mul3A_281 = arith.constant 16 : i32
      %mul3A_282 = arith.muli %scan3A_278, %mul3A_281 : i32
      %add3A_283 = arith.constant 1000 : i32
      %add3A_284 = arith.addi %add3A_283, %mul3A_282 : i32
      %get3A_285 = arith.constant 5 : i32
      %get3A_286 = arith.index_cast %get3A_285 : i32 to index
      %get3A_287 = arith.index_cast %mul3A_280 : i32 to index
      %get3A_288 = tpu.vector_load %arg6[%get3A_286, %get3A_287] {strides = array<i32>} : memref<8x200xi32, #tpu.memory_space<vmem>>, vector<1x16xi32>,
      %get3A_289 = vector.shape_cast %get3A_288 : vector<1x16xi32> to vector<16xi32>
      %mul3A_290 = arith.constant 100 : i32
      %mul3A_291 = vector.broadcast %mul3A_290 : i32 to vector<16xi32>
      %mul3A_292 = arith.muli %get3A_289, %mul3A_291 : vector<16xi32>
      %get3A_293 = arith.constant 5 : i32
      %get3A_294 = arith.index_cast %get3A_293 : i32 to index
      %get3A_295 = arith.index_cast %mul3A_280 : i32 to index
      %get3A_296 = tpu.vector_load %arg7[%get3A_294, %get3A_295] {strides = array<i32>} : memref<8x200xi32, #tpu.memory_space<vmem>>, vector<1x16xi32>,
      %get3A_297 = vector.shape_cast %get3A_296 : vector<1x16xi32> to vector<16xi32>
      %add3A_298 = arith.addi %mul3A_292, %get3A_297 : vector<16xi32>
      %swap3A_299 = arith.index_cast %add3A_284 : i32 to index
      %swap3A_300 = tpu.vector_load %arg8[%swap3A_299] {strides = array<i32>} : memref<1600xi32, #tpu.memory_space<vmem>>, vector<16xi32>,
      %swap3A_301 = vector.shape_cast %swap3A_300 : vector<16xi32> to vector<16xi32>
      %swap3A_302 = vector.shape_cast %add3A_298 : vector<16xi32> to vector<16xi32>
      tpu.vector_store %arg8[%swap3A_299], %swap3A_302 {strides = array<i32>} : memref<1600xi32, #tpu.memory_space<vmem>>, vector<16xi32>,
    }
    %scan3A_147 = arith.constant 12 : i32
    %get3A_148 = arith.constant 5 : i32
    %get3A_149 = arith.index_cast %get3A_148 : i32 to index
    %get3A_150 = arith.constant 184 : index
    %get3A_151 = tpu.vector_load %arg6[%get3A_149, %get3A_150] {strides = array<i32>} : memref<8x200xi32, #tpu.memory_space<vmem>>, vector<1x16xi32>,
    %get3A_152 = vector.shape_cast %get3A_151 : vector<1x16xi32> to vector<16xi32>
    %mul3A_153 = arith.constant 100 : i32
    %mul3A_154 = vector.broadcast %mul3A_153 : i32 to vector<16xi32>
    %mul3A_155 = arith.muli %get3A_152, %mul3A_154 : vector<16xi32>
    %get3A_156 = arith.constant 5 : i32
    %get3A_157 = arith.index_cast %get3A_156 : i32 to index
    %get3A_158 = arith.constant 184 : index
    %get3A_159 = tpu.vector_load %arg7[%get3A_157, %get3A_158] {strides = array<i32>} : memref<8x200xi32, #tpu.memory_space<vmem>>, vector<1x16xi32>,
    %get3A_160 = vector.shape_cast %get3A_159 : vector<1x16xi32> to vector<16xi32>
    %add3A_161 = arith.addi %mul3A_155, %get3A_160 : vector<16xi32>
    %swap3A_162 = arith.constant 1184 : index
    %swap3A_163 = tpu.vector_load %arg8[%swap3A_162] {strides = array<i32>} : memref<1600xi32, #tpu.memory_space<vmem>>, vector<16xi32>,
    %swap3A_164 = vector.shape_cast %swap3A_163 : vector<16xi32> to vector<16xi32>
    %swap3A_165 = vector.shape_cast %add3A_161 : vector<16xi32> to vector<16xi32>
    tpu.vector_store %arg8[%swap3A_162], %swap3A_165 {strides = array<i32>} : memref<1600xi32, #tpu.memory_space<vmem>>, vector<16xi32>,
    %scan3A_166 = arith.constant 0 : i32
    %scan3A_167 = arith.constant 0 : i32
    %scan3A_168 = arith.constant 12 : i32
    %scan3A_169 = arith.addi %scan3A_167, %scan3A_168 : i32
    %scan3A_170 = arith.constant 1 : i32
    scf.for %scan3A_278 = %scan3A_167 to %scan3A_169 step %scan3A_170  : i32 {
      %mul3A_279 = arith.constant 16 : i32
      %mul3A_280 = arith.muli %scan3A_278, %mul3A_279 : i32
      %mul3A_281 = arith.constant 16 : i32
      %mul3A_282 = arith.muli %scan3A_278, %mul3A_281 : i32
      %add3A_283 = arith.constant 1200 : i32
      %add3A_284 = arith.addi %add3A_283, %mul3A_282 : i32
      %get3A_285 = arith.constant 6 : i32
      %get3A_286 = arith.index_cast %get3A_285 : i32 to index
      %get3A_287 = arith.index_cast %mul3A_280 : i32 to index
      %get3A_288 = tpu.vector_load %arg6[%get3A_286, %get3A_287] {strides = array<i32>} : memref<8x200xi32, #tpu.memory_space<vmem>>, vector<1x16xi32>,
      %get3A_289 = vector.shape_cast %get3A_288 : vector<1x16xi32> to vector<16xi32>
      %mul3A_290 = arith.constant 100 : i32
      %mul3A_291 = vector.broadcast %mul3A_290 : i32 to vector<16xi32>
      %mul3A_292 = arith.muli %get3A_289, %mul3A_291 : vector<16xi32>
      %get3A_293 = arith.constant 6 : i32
      %get3A_294 = arith.index_cast %get3A_293 : i32 to index
      %get3A_295 = arith.index_cast %mul3A_280 : i32 to index
      %get3A_296 = tpu.vector_load %arg7[%get3A_294, %get3A_295] {strides = array<i32>} : memref<8x200xi32, #tpu.memory_space<vmem>>, vector<1x16xi32>,
      %get3A_297 = vector.shape_cast %get3A_296 : vector<1x16xi32> to vector<16xi32>
      %add3A_298 = arith.addi %mul3A_292, %get3A_297 : vector<16xi32>
      %swap3A_299 = arith.index_cast %add3A_284 : i32 to index
      %swap3A_300 = tpu.vector_load %arg8[%swap3A_299] {strides = array<i32>} : memref<1600xi32, #tpu.memory_space<vmem>>, vector<16xi32>,
      %swap3A_301 = vector.shape_cast %swap3A_300 : vector<16xi32> to vector<16xi32>
      %swap3A_302 = vector.shape_cast %add3A_298 : vector<16xi32> to vector<16xi32>
      tpu.vector_store %arg8[%swap3A_299], %swap3A_302 {strides = array<i32>} : memref<1600xi32, #tpu.memory_space<vmem>>, vector<16xi32>,
    }
    %scan3A_171 = arith.constant 12 : i32
    %get3A_172 = arith.constant 6 : i32
    %get3A_173 = arith.index_cast %get3A_172 : i32 to index
    %get3A_174 = arith.constant 184 : index
    %get3A_175 = tpu.vector_load %arg6[%get3A_173, %get3A_174] {strides = array<i32>} : memref<8x200xi32, #tpu.memory_space<vmem>>, vector<1x16xi32>,
    %get3A_176 = vector.shape_cast %get3A_175 : vector<1x16xi32> to vector<16xi32>
    %mul3A_177 = arith.constant 100 : i32
    %mul3A_178 = vector.broadcast %mul3A_177 : i32 to vector<16xi32>
    %mul3A_179 = arith.muli %get3A_176, %mul3A_178 : vector<16xi32>
    %get3A_180 = arith.constant 6 : i32
    %get3A_181 = arith.index_cast %get3A_180 : i32 to index
    %get3A_182 = arith.constant 184 : index
    %get3A_183 = tpu.vector_load %arg7[%get3A_181, %get3A_182] {strides = array<i32>} : memref<8x200xi32, #tpu.memory_space<vmem>>, vector<1x16xi32>,
    %get3A_184 = vector.shape_cast %get3A_183 : vector<1x16xi32> to vector<16xi32>
    %add3A_185 = arith.addi %mul3A_179, %get3A_184 : vector<16xi32>
    %swap3A_186 = arith.constant 1384 : index
    %swap3A_187 = tpu.vector_load %arg8[%swap3A_186] {strides = array<i32>} : memref<1600xi32, #tpu.memory_space<vmem>>, vector<16xi32>,
    %swap3A_188 = vector.shape_cast %swap3A_187 : vector<16xi32> to vector<16xi32>
    %swap3A_189 = vector.shape_cast %add3A_185 : vector<16xi32> to vector<16xi32>
    tpu.vector_store %arg8[%swap3A_186], %swap3A_189 {strides = array<i32>} : memref<1600xi32, #tpu.memory_space<vmem>>, vector<16xi32>,
    %scan3A_190 = arith.constant 0 : i32
    %scan3A_191 = arith.constant 0 : i32
    %scan3A_192 = arith.constant 12 : i32
    %scan3A_193 = arith.addi %scan3A_191, %scan3A_192 : i32
    %scan3A_194 = arith.constant 1 : i32
    scf.for %scan3A_278 = %scan3A_191 to %scan3A_193 step %scan3A_194  : i32 {
      %mul3A_279 = arith.constant 16 : i32
      %mul3A_280 = arith.muli %scan3A_278, %mul3A_279 : i32
      %mul3A_281 = arith.constant 16 : i32
      %mul3A_282 = arith.muli %scan3A_278, %mul3A_281 : i32
      %add3A_283 = arith.constant 1400 : i32
      %add3A_284 = arith.addi %add3A_283, %mul3A_282 : i32
      %get3A_285 = arith.constant 7 : i32
      %get3A_286 = arith.index_cast %get3A_285 : i32 to index
      %get3A_287 = arith.index_cast %mul3A_280 : i32 to index
      %get3A_288 = tpu.vector_load %arg6[%get3A_286, %get3A_287] {strides = array<i32>} : memref<8x200xi32, #tpu.memory_space<vmem>>, vector<1x16xi32>,
      %get3A_289 = vector.shape_cast %get3A_288 : vector<1x16xi32> to vector<16xi32>
      %mul3A_290 = arith.constant 100 : i32
      %mul3A_291 = vector.broadcast %mul3A_290 : i32 to vector<16xi32>
      %mul3A_292 = arith.muli %get3A_289, %mul3A_291 : vector<16xi32>
      %get3A_293 = arith.constant 7 : i32
      %get3A_294 = arith.index_cast %get3A_293 : i32 to index
      %get3A_295 = arith.index_cast %mul3A_280 : i32 to index
      %get3A_296 = tpu.vector_load %arg7[%get3A_294, %get3A_295] {strides = array<i32>} : memref<8x200xi32, #tpu.memory_space<vmem>>, vector<1x16xi32>,
      %get3A_297 = vector.shape_cast %get3A_296 : vector<1x16xi32> to vector<16xi32>
      %add3A_298 = arith.addi %mul3A_292, %get3A_297 : vector<16xi32>
      %swap3A_299 = arith.index_cast %add3A_284 : i32 to index
      %swap3A_300 = tpu.vector_load %arg8[%swap3A_299] {strides = array<i32>} : memref<1600xi32, #tpu.memory_space<vmem>>, vector<16xi32>,
      %swap3A_301 = vector.shape_cast %swap3A_300 : vector<16xi32> to vector<16xi32>
      %swap3A_302 = vector.shape_cast %add3A_298 : vector<16xi32> to vector<16xi32>
      tpu.vector_store %arg8[%swap3A_299], %swap3A_302 {strides = array<i32>} : memref<1600xi32, #tpu.memory_space<vmem>>, vector<16xi32>,
    }
    %scan3A_195 = arith.constant 12 : i32
    %get3A_196 = arith.constant 7 : i32
    %get3A_197 = arith.index_cast %get3A_196 : i32 to index
    %get3A_198 = arith.constant 184 : index
    %get3A_199 = tpu.vector_load %arg6[%get3A_197, %get3A_198] {strides = array<i32>} : memref<8x200xi32, #tpu.memory_space<vmem>>, vector<1x16xi32>,
    %get3A_200 = vector.shape_cast %get3A_199 : vector<1x16xi32> to vector<16xi32>
    %mul3A_201 = arith.constant 100 : i32
    %mul3A_202 = vector.broadcast %mul3A_201 : i32 to vector<16xi32>
    %mul3A_203 = arith.muli %get3A_200, %mul3A_202 : vector<16xi32>
    %get3A_204 = arith.constant 7 : i32
    %get3A_205 = arith.index_cast %get3A_204 : i32 to index
    %get3A_206 = arith.constant 184 : index
    %get3A_207 = tpu.vector_load %arg7[%get3A_205, %get3A_206] {strides = array<i32>} : memref<8x200xi32, #tpu.memory_space<vmem>>, vector<1x16xi32>,
    %get3A_208 = vector.shape_cast %get3A_207 : vector<1x16xi32> to vector<16xi32>
    %add3A_209 = arith.addi %mul3A_203, %get3A_208 : vector<16xi32>
    %swap3A_210 = arith.constant 1584 : index
    %swap3A_211 = tpu.vector_load %arg8[%swap3A_210] {strides = array<i32>} : memref<1600xi32, #tpu.memory_space<vmem>>, vector<16xi32>,
    %swap3A_212 = vector.shape_cast %swap3A_211 : vector<16xi32> to vector<16xi32>
    %swap3A_213 = vector.shape_cast %add3A_209 : vector<16xi32> to vector<16xi32>
    tpu.vector_store %arg8[%swap3A_210], %swap3A_213 {strides = array<i32>} : memref<1600xi32, #tpu.memory_space<vmem>>, vector<16xi32>,
    %add3A_214 = arith.constant 8 : i32
    %add3A_215 = arith.addi %mul3A_2, %add3A_214 : i32
    %dma_start3A_216 = arith.constant 0 : i32
    %dma_start3A_217 = tpu.memref_slice %arg2[%add3A_215, %dma_start3A_216] : memref<16384x200xi32, #tpu.memory_space<hbm>> -> memref<8x200xi32, #tpu.memory_space<hbm>>
    %dma_start3A_218 = arith.constant 0 : i32
    %dma_start3A_219 = tpu.memref_slice %arg2[%add3A_215, %dma_start3A_218] : memref<16384x200xi32, #tpu.memory_space<hbm>> -> memref<8x200xi32, #tpu.memory_space<hbm>>
    tpu.enqueue_dma source(%dma_start3A_219 : memref<8x200xi32, #tpu.memory_space<hbm>>) target(%arg6 : memref<8x200xi32, #tpu.memory_space<vmem>>) target_semaphore(%arg16 : memref<!tpu.dma_semaphore, #tpu.memory_space<semaphore_mem>>)
    %dma_start3A_220 = arith.constant 0 : i32
    %dma_start3A_221 = tpu.memref_slice %arg3[%add3A_215, %dma_start3A_220] : memref<16384x200xi32, #tpu.memory_space<hbm>> -> memref<8x200xi32, #tpu.memory_space<hbm>>
    %dma_start3A_222 = arith.constant 0 : i32
    %dma_start3A_223 = tpu.memref_slice %arg3[%add3A_215, %dma_start3A_222] : memref<16384x200xi32, #tpu.memory_space<hbm>> -> memref<8x200xi32, #tpu.memory_space<hbm>>
    tpu.enqueue_dma source(%dma_start3A_223 : memref<8x200xi32, #tpu.memory_space<hbm>>) target(%arg7 : memref<8x200xi32, #tpu.memory_space<vmem>>) target_semaphore(%arg16 : memref<!tpu.dma_semaphore, #tpu.memory_space<semaphore_mem>>)
    %dma_start3A_224 = arith.constant 0 : i32
    %dma_start3A_225 = arith.constant 0 : i32
    %dma_start3A_226 = arith.constant 0 : i32
    %dma_start3A_227 = tpu.memref_slice %arg10[%dma_start3A_224, %dma_start3A_225, %dma_start3A_226] : memref<2x160x128xf32, #tpu.memory_space<vmem>> -> memref<1x160x128xf32, #tpu.memory_space<vmem>>
    %dma_start3A_228 = tpu.memref_squeeze %dma_start3A_227 : memref<1x160x128xf32, #tpu.memory_space<vmem>> -> memref<160x128xf32, #tpu.memory_space<vmem>>
    %dma_start3A_229 = arith.constant 0 : i32
    %dma_start3A_230 = tpu.memref_slice %arg8[%dma_start3A_229] : memref<1600xi32, #tpu.memory_space<vmem>> -> memref<160xi32, #tpu.memory_space<vmem>>
    %dma_start3A_231 = arith.constant 0 : i32
    %dma_start3A_232 = arith.constant 0 : i32
    %dma_start3A_233 = tpu.memref_slice %arg11[%dma_start3A_231, %dma_start3A_232] : memref<10000x128xf32, #tpu.memory_space<vmem_shared>> -> memref<10000x128xf32, #tpu.memory_space<vmem_shared>>
    tpu.enqueue_indirect_dma source(%dma_start3A_233 : memref<10000x128xf32, #tpu.memory_space<vmem_shared>>) target(%dma_start3A_228 : memref<160x128xf32, #tpu.memory_space<vmem>>) offsets(%dma_start3A_230 : memref<160xi32, #tpu.memory_space<vmem>>) semaphore(%arg12 : memref<!tpu.dma_semaphore, #tpu.memory_space<semaphore_mem>>)
    %scan3A_234 = arith.constant 0 : i32
    %scan3A_235 = arith.constant 0 : i32
    %scan3A_236 = arith.constant 32 : i32
    %scan3A_237 = arith.addi %scan3A_235, %scan3A_236 : i32
    %scan3A_238 = arith.constant 1 : i32
    scf.for %scan3A_278 = %scan3A_235 to %scan3A_237 step %scan3A_238  : i32 {
      %mul3A_279 = arith.constant 2 : i32
      %mul3A_280 = arith.muli %mul3A_279, %scan3A_278 : i32
      %add3A_281 = arith.constant 0 : i32
      %add3A_282 = arith.addi %mul3A_280, %add3A_281 : i32
      %dma_wait3A_283 = arith.constant 0 : i32
      %dma_wait3A_284 = arith.constant 0 : i32
      %dma_wait3A_285 = arith.constant 0 : i32
      %dma_wait3A_286 = tpu.memref_slice %arg10[%dma_wait3A_283, %dma_wait3A_284, %dma_wait3A_285] : memref<2x160x128xf32, #tpu.memory_space<vmem>> -> memref<1x160x128xf32, #tpu.memory_space<vmem>>
      %dma_wait3A_287 = tpu.memref_squeeze %dma_wait3A_286 : memref<1x160x128xf32, #tpu.memory_space<vmem>> -> memref<160x128xf32, #tpu.memory_space<vmem>>
      %dma_wait3A_288 = arith.constant 0 : i32
      %dma_wait3A_289 = tpu.memref_slice %arg8[%dma_wait3A_288] : memref<1600xi32, #tpu.memory_space<vmem>> -> memref<160xi32, #tpu.memory_space<vmem>>
      %dma_wait3A_290 = arith.constant 0 : i32
      %dma_wait3A_291 = arith.constant 0 : i32
      %dma_wait3A_292 = tpu.memref_slice %arg11[%dma_wait3A_290, %dma_wait3A_291] : memref<10000x128xf32, #tpu.memory_space<vmem_shared>> -> memref<10000x128xf32, #tpu.memory_space<vmem_shared>>
      tpu.wait_indirect_dma semaphore(%arg12 : memref<!tpu.dma_semaphore, #tpu.memory_space<semaphore_mem>>) src(%dma_wait3A_292 : memref<10000x128xf32, #tpu.memory_space<vmem_shared>>) dst(%dma_wait3A_287 : memref<160x128xf32, #tpu.memory_space<vmem>>)
      %mul3A_293 = arith.constant 8 : i32
      %mul3A_294 = arith.muli %add3A_282, %mul3A_293 : i32
      %add3A_295 = arith.addi %mul3A_2, %mul3A_294 : i32
      %mul3A_296 = arith.constant 200 : i32
      %mul3A_297 = arith.muli %add3A_295, %mul3A_296 : i32
      %add3A_298 = arith.constant 0 : i32
      %add3A_299 = arith.addi %mul3A_297, %add3A_298 : i32
      %dma_start3A_300 = arith.constant 0 : i32
      %dma_start3A_301 = arith.constant 0 : i32
      %dma_start3A_302 = arith.constant 0 : i32
      %dma_start3A_303 = tpu.memref_slice %arg10[%dma_start3A_300, %dma_start3A_301, %dma_start3A_302] : memref<2x160x128xf32, #tpu.memory_space<vmem>> -> memref<1x160x128xf32, #tpu.memory_space<vmem>>
      %dma_start3A_304 = tpu.memref_squeeze %dma_start3A_303 : memref<1x160x128xf32, #tpu.memory_space<vmem>> -> memref<160x128xf32, #tpu.memory_space<vmem>>
      %dma_start3A_305 = arith.constant 0 : i32
      %dma_start3A_306 = tpu.memref_slice %arg5[%add3A_299, %dma_start3A_305] : memref<3276800x128xf32, #tpu.memory_space<hbm>> -> memref<160x128xf32, #tpu.memory_space<hbm>>
      %dma_start3A_307 = arith.constant 0 : i32
      %dma_start3A_308 = tpu.memref_slice %arg5[%add3A_299, %dma_start3A_307] : memref<3276800x128xf32, #tpu.memory_space<hbm>> -> memref<160x128xf32, #tpu.memory_space<hbm>>
      %dma_start3A_309 = arith.constant 0 : i32
      %dma_start3A_310 = arith.constant 0 : i32
      %dma_start3A_311 = tpu.memref_slice %arg10[%dma_start3A_300, %dma_start3A_309, %dma_start3A_310] : memref<2x160x128xf32, #tpu.memory_space<vmem>> -> memref<1x160x128xf32, #tpu.memory_space<vmem>>
      %dma_start3A_312 = tpu.memref_squeeze %dma_start3A_311 : memref<1x160x128xf32, #tpu.memory_space<vmem>> -> memref<160x128xf32, #tpu.memory_space<vmem>>
      tpu.enqueue_dma source(%dma_start3A_312 : memref<160x128xf32, #tpu.memory_space<vmem>>) target(%dma_start3A_308 : memref<160x128xf32, #tpu.memory_space<hbm>>) target_semaphore(%arg14 : memref<!tpu.dma_semaphore, #tpu.memory_space<semaphore_mem>>)
      %ge3A = arith.constant 1 : i32
      %ge3A_313 = arith.cmpi sge, %add3A_282, %ge3A : i32
      %convert_element_type3A_314 = arith.extui %ge3A_313 : i1 to i32
      %cond3A_315 = arith.constant 0 : i32
      %cond3A_316 = arith.cmpi ne, %convert_element_type3A_314, %cond3A_315 : i32
      scf.if %cond3A_316 {
        %sub3A = arith.constant 1 : i32
        %sub3A_1425 = arith.subi %add3A_282, %sub3A : i32
        %mul3A_1426 = arith.constant 8 : i32
        %mul3A_1427 = arith.muli %sub3A_1425, %mul3A_1426 : i32
        %add3A_1428 = arith.addi %mul3A_2, %mul3A_1427 : i32
        %mul3A_1429 = arith.constant 200 : i32
        %mul3A_1430 = arith.muli %add3A_1428, %mul3A_1429 : i32
        %add3A_1431 = arith.constant 1440 : i32
        %add3A_1432 = arith.addi %mul3A_1430, %add3A_1431 : i32
        %dma_wait3A_1433 = arith.constant 1 : i32
        %dma_wait3A_1434 = arith.constant 0 : i32
        %dma_wait3A_1435 = arith.constant 0 : i32
        %dma_wait3A_1436 = tpu.memref_slice %arg10[%dma_wait3A_1433, %dma_wait3A_1434, %dma_wait3A_1435] : memref<2x160x128xf32, #tpu.memory_space<vmem>> -> memref<1x160x128xf32, #tpu.memory_space<vmem>>
        %dma_wait3A_1437 = tpu.memref_squeeze %dma_wait3A_1436 : memref<1x160x128xf32, #tpu.memory_space<vmem>> -> memref<160x128xf32, #tpu.memory_space<vmem>>
        %dma_wait3A_1438 = arith.constant 0 : i32
        %dma_wait3A_1439 = tpu.memref_slice %arg5[%add3A_1432, %dma_wait3A_1438] : memref<3276800x128xf32, #tpu.memory_space<hbm>> -> memref<160x128xf32, #tpu.memory_space<hbm>>
        %dma_wait3A_1440 = arith.constant 0 : i32
        %dma_wait3A_1441 = tpu.memref_slice %arg5[%add3A_1432, %dma_wait3A_1440] : memref<3276800x128xf32, #tpu.memory_space<hbm>> -> memref<160x128xf32, #tpu.memory_space<hbm>>
        %dma_wait3A_1442 = arith.constant 0 : i32
        %dma_wait3A_1443 = arith.constant 0 : i32
        %dma_wait3A_1444 = tpu.memref_slice %arg10[%dma_wait3A_1433, %dma_wait3A_1442, %dma_wait3A_1443] : memref<2x160x128xf32, #tpu.memory_space<vmem>> -> memref<1x160x128xf32, #tpu.memory_space<vmem>>
        %dma_wait3A_1445 = tpu.memref_squeeze %dma_wait3A_1444 : memref<1x160x128xf32, #tpu.memory_space<vmem>> -> memref<160x128xf32, #tpu.memory_space<vmem>>
        tpu.wait_dma2 semaphore(%arg15 : memref<!tpu.dma_semaphore, #tpu.memory_space<semaphore_mem>>) src(%dma_wait3A_1445 : memref<160x128xf32, #tpu.memory_space<vmem>>) dst(%dma_wait3A_1441 : memref<160x128xf32, #tpu.memory_space<hbm>>)
      } else {
      }
      %dma_start3A_317 = arith.constant 1 : i32
      %dma_start3A_318 = arith.constant 0 : i32
      %dma_start3A_319 = arith.constant 0 : i32
      %dma_start3A_320 = tpu.memref_slice %arg10[%dma_start3A_317, %dma_start3A_318, %dma_start3A_319] : memref<2x160x128xf32, #tpu.memory_space<vmem>> -> memref<1x160x128xf32, #tpu.memory_space<vmem>>
      %dma_start3A_321 = tpu.memref_squeeze %dma_start3A_320 : memref<1x160x128xf32, #tpu.memory_space<vmem>> -> memref<160x128xf32, #tpu.memory_space<vmem>>
      %dma_start3A_322 = arith.constant 160 : i32
      %dma_start3A_323 = tpu.memref_slice %arg8[%dma_start3A_322] : memref<1600xi32, #tpu.memory_space<vmem>> -> memref<160xi32, #tpu.memory_space<vmem>>
      %dma_start3A_324 = arith.constant 0 : i32
      %dma_start3A_325 = arith.constant 0 : i32
      %dma_start3A_326 = tpu.memref_slice %arg11[%dma_start3A_324, %dma_start3A_325] : memref<10000x128xf32, #tpu.memory_space<vmem_shared>> -> memref<10000x128xf32, #tpu.memory_space<vmem_shared>>
      tpu.enqueue_indirect_dma source(%dma_start3A_326 : memref<10000x128xf32, #tpu.memory_space<vmem_shared>>) target(%dma_start3A_321 : memref<160x128xf32, #tpu.memory_space<vmem>>) offsets(%dma_start3A_323 : memref<160xi32, #tpu.memory_space<vmem>>) semaphore(%arg13 : memref<!tpu.dma_semaphore, #tpu.memory_space<semaphore_mem>>)
      %lt3A = arith.constant 63 : i32
      %lt3A_327 = arith.cmpi slt, %add3A_282, %lt3A : i32
      %convert_element_type3A_328 = arith.extui %lt3A_327 : i1 to i32
      %cond3A_329 = arith.constant 0 : i32
      %cond3A_330 = arith.cmpi ne, %convert_element_type3A_328, %cond3A_329 : i32
      scf.if %cond3A_330 {
        %add3A_1425 = arith.constant 1 : i32
        %add3A_1426 = arith.addi %add3A_282, %add3A_1425 : i32
        %mul3A_1427 = arith.constant 8 : i32
        %mul3A_1428 = arith.muli %add3A_1426, %mul3A_1427 : i32
        %add3A_1429 = arith.addi %mul3A_2, %mul3A_1428 : i32
        %dma_wait3A_1430 = arith.constant 0 : i32
        %dma_wait3A_1431 = tpu.memref_slice %arg2[%add3A_1429, %dma_wait3A_1430] : memref<16384x200xi32, #tpu.memory_space<hbm>> -> memref<8x200xi32, #tpu.memory_space<hbm>>
        %dma_wait3A_1432 = arith.constant 0 : i32
        %dma_wait3A_1433 = tpu.memref_slice %arg2[%add3A_1429, %dma_wait3A_1432] : memref<16384x200xi32, #tpu.memory_space<hbm>> -> memref<8x200xi32, #tpu.memory_space<hbm>>
        tpu.wait_dma2 semaphore(%arg16 : memref<!tpu.dma_semaphore, #tpu.memory_space<semaphore_mem>>) src(%dma_wait3A_1433 : memref<8x200xi32, #tpu.memory_space<hbm>>) dst(%arg6 : memref<8x200xi32, #tpu.memory_space<vmem>>)
        %dma_wait3A_1434 = arith.constant 0 : i32
        %dma_wait3A_1435 = tpu.memref_slice %arg3[%add3A_1429, %dma_wait3A_1434] : memref<16384x200xi32, #tpu.memory_space<hbm>> -> memref<8x200xi32, #tpu.memory_space<hbm>>
        %dma_wait3A_1436 = arith.constant 0 : i32
        %dma_wait3A_1437 = tpu.memref_slice %arg3[%add3A_1429, %dma_wait3A_1436] : memref<16384x200xi32, #tpu.memory_space<hbm>> -> memref<8x200xi32, #tpu.memory_space<hbm>>
        tpu.wait_dma2 semaphore(%arg16 : memref<!tpu.dma_semaphore, #tpu.memory_space<semaphore_mem>>) src(%dma_wait3A_1437 : memref<8x200xi32, #tpu.memory_space<hbm>>) dst(%arg7 : memref<8x200xi32, #tpu.memory_space<vmem>>)
        %scan3A_1438 = arith.constant 0 : i32
        %scan3A_1439 = arith.constant 0 : i32
        %scan3A_1440 = arith.constant 12 : i32
        %scan3A_1441 = arith.addi %scan3A_1439, %scan3A_1440 : i32
        %scan3A_1442 = arith.constant 1 : i32
        scf.for %scan3A_1630 = %scan3A_1439 to %scan3A_1441 step %scan3A_1442  : i32 {
          %mul3A_1631 = arith.constant 16 : i32
          %mul3A_1632 = arith.muli %scan3A_1630, %mul3A_1631 : i32
          %mul3A_1633 = arith.constant 16 : i32
          %mul3A_1634 = arith.muli %scan3A_1630, %mul3A_1633 : i32
          %add3A_1635 = arith.constant 0 : i32
          %add3A_1636 = arith.addi %add3A_1635, %mul3A_1634 : i32
          %get3A_1637 = arith.constant 0 : i32
          %get3A_1638 = arith.index_cast %get3A_1637 : i32 to index
          %get3A_1639 = arith.index_cast %mul3A_1632 : i32 to index
          %get3A_1640 = tpu.vector_load %arg6[%get3A_1638, %get3A_1639] {strides = array<i32>} : memref<8x200xi32, #tpu.memory_space<vmem>>, vector<1x16xi32>,
          %get3A_1641 = vector.shape_cast %get3A_1640 : vector<1x16xi32> to vector<16xi32>
          %mul3A_1642 = arith.constant 100 : i32
          %mul3A_1643 = vector.broadcast %mul3A_1642 : i32 to vector<16xi32>
          %mul3A_1644 = arith.muli %get3A_1641, %mul3A_1643 : vector<16xi32>
          %get3A_1645 = arith.constant 0 : i32
          %get3A_1646 = arith.index_cast %get3A_1645 : i32 to index
          %get3A_1647 = arith.index_cast %mul3A_1632 : i32 to index
          %get3A_1648 = tpu.vector_load %arg7[%get3A_1646, %get3A_1647] {strides = array<i32>} : memref<8x200xi32, #tpu.memory_space<vmem>>, vector<1x16xi32>,
          %get3A_1649 = vector.shape_cast %get3A_1648 : vector<1x16xi32> to vector<16xi32>
          %add3A_1650 = arith.addi %mul3A_1644, %get3A_1649 : vector<16xi32>
          %swap3A_1651 = arith.index_cast %add3A_1636 : i32 to index
          %swap3A_1652 = tpu.vector_load %arg9[%swap3A_1651] {strides = array<i32>} : memref<1600xi32, #tpu.memory_space<vmem>>, vector<16xi32>,
          %swap3A_1653 = vector.shape_cast %swap3A_1652 : vector<16xi32> to vector<16xi32>
          %swap3A_1654 = vector.shape_cast %add3A_1650 : vector<16xi32> to vector<16xi32>
          tpu.vector_store %arg9[%swap3A_1651], %swap3A_1654 {strides = array<i32>} : memref<1600xi32, #tpu.memory_space<vmem>>, vector<16xi32>,
        }
        %scan3A_1443 = arith.constant 12 : i32
        %get3A_1444 = arith.constant 0 : i32
        %get3A_1445 = arith.index_cast %get3A_1444 : i32 to index
        %get3A_1446 = arith.constant 184 : index
        %get3A_1447 = tpu.vector_load %arg6[%get3A_1445, %get3A_1446] {strides = array<i32>} : memref<8x200xi32, #tpu.memory_space<vmem>>, vector<1x16xi32>,
        %get3A_1448 = vector.shape_cast %get3A_1447 : vector<1x16xi32> to vector<16xi32>
        %mul3A_1449 = arith.constant 100 : i32
        %mul3A_1450 = vector.broadcast %mul3A_1449 : i32 to vector<16xi32>
        %mul3A_1451 = arith.muli %get3A_1448, %mul3A_1450 : vector<16xi32>
        %get3A_1452 = arith.constant 0 : i32
        %get3A_1453 = arith.index_cast %get3A_1452 : i32 to index
        %get3A_1454 = arith.constant 184 : index
        %get3A_1455 = tpu.vector_load %arg7[%get3A_1453, %get3A_1454] {strides = array<i32>} : memref<8x200xi32, #tpu.memory_space<vmem>>, vector<1x16xi32>,
        %get3A_1456 = vector.shape_cast %get3A_1455 : vector<1x16xi32> to vector<16xi32>
        %add3A_1457 = arith.addi %mul3A_1451, %get3A_1456 : vector<16xi32>
        %swap3A_1458 = arith.constant 184 : index
        %swap3A_1459 = tpu.vector_load %arg9[%swap3A_1458] {strides = array<i32>} : memref<1600xi32, #tpu.memory_space<vmem>>, vector<16xi32>,
        %swap3A_1460 = vector.shape_cast %swap3A_1459 : vector<16xi32> to vector<16xi32>
        %swap3A_1461 = vector.shape_cast %add3A_1457 : vector<16xi32> to vector<16xi32>
        tpu.vector_store %arg9[%swap3A_1458], %swap3A_1461 {strides = array<i32>} : memref<1600xi32, #tpu.memory_space<vmem>>, vector<16xi32>,
        %scan3A_1462 = arith.constant 0 : i32
        %scan3A_1463 = arith.constant 0 : i32
        %scan3A_1464 = arith.constant 12 : i32
        %scan3A_1465 = arith.addi %scan3A_1463, %scan3A_1464 : i32
        %scan3A_1466 = arith.constant 1 : i32
        scf.for %scan3A_1630 = %scan3A_1463 to %scan3A_1465 step %scan3A_1466  : i32 {
          %mul3A_1631 = arith.constant 16 : i32
          %mul3A_1632 = arith.muli %scan3A_1630, %mul3A_1631 : i32
          %mul3A_1633 = arith.constant 16 : i32
          %mul3A_1634 = arith.muli %scan3A_1630, %mul3A_1633 : i32
          %add3A_1635 = arith.constant 200 : i32
          %add3A_1636 = arith.addi %add3A_1635, %mul3A_1634 : i32
          %get3A_1637 = arith.constant 1 : i32
          %get3A_1638 = arith.index_cast %get3A_1637 : i32 to index
          %get3A_1639 = arith.index_cast %mul3A_1632 : i32 to index
          %get3A_1640 = tpu.vector_load %arg6[%get3A_1638, %get3A_1639] {strides = array<i32>} : memref<8x200xi32, #tpu.memory_space<vmem>>, vector<1x16xi32>,
          %get3A_1641 = vector.shape_cast %get3A_1640 : vector<1x16xi32> to vector<16xi32>
          %mul3A_1642 = arith.constant 100 : i32
          %mul3A_1643 = vector.broadcast %mul3A_1642 : i32 to vector<16xi32>
          %mul3A_1644 = arith.muli %get3A_1641, %mul3A_1643 : vector<16xi32>
          %get3A_1645 = arith.constant 1 : i32
          %get3A_1646 = arith.index_cast %get3A_1645 : i32 to index
          %get3A_1647 = arith.index_cast %mul3A_1632 : i32 to index
          %get3A_1648 = tpu.vector_load %arg7[%get3A_1646, %get3A_1647] {strides = array<i32>} : memref<8x200xi32, #tpu.memory_space<vmem>>, vector<1x16xi32>,
          %get3A_1649 = vector.shape_cast %get3A_1648 : vector<1x16xi32> to vector<16xi32>
          %add3A_1650 = arith.addi %mul3A_1644, %get3A_1649 : vector<16xi32>
          %swap3A_1651 = arith.index_cast %add3A_1636 : i32 to index
          %swap3A_1652 = tpu.vector_load %arg9[%swap3A_1651] {strides = array<i32>} : memref<1600xi32, #tpu.memory_space<vmem>>, vector<16xi32>,
          %swap3A_1653 = vector.shape_cast %swap3A_1652 : vector<16xi32> to vector<16xi32>
          %swap3A_1654 = vector.shape_cast %add3A_1650 : vector<16xi32> to vector<16xi32>
          tpu.vector_store %arg9[%swap3A_1651], %swap3A_1654 {strides = array<i32>} : memref<1600xi32, #tpu.memory_space<vmem>>, vector<16xi32>,
        }
        %scan3A_1467 = arith.constant 12 : i32
        %get3A_1468 = arith.constant 1 : i32
        %get3A_1469 = arith.index_cast %get3A_1468 : i32 to index
        %get3A_1470 = arith.constant 184 : index
        %get3A_1471 = tpu.vector_load %arg6[%get3A_1469, %get3A_1470] {strides = array<i32>} : memref<8x200xi32, #tpu.memory_space<vmem>>, vector<1x16xi32>,
        %get3A_1472 = vector.shape_cast %get3A_1471 : vector<1x16xi32> to vector<16xi32>
        %mul3A_1473 = arith.constant 100 : i32
        %mul3A_1474 = vector.broadcast %mul3A_1473 : i32 to vector<16xi32>
        %mul3A_1475 = arith.muli %get3A_1472, %mul3A_1474 : vector<16xi32>
        %get3A_1476 = arith.constant 1 : i32
        %get3A_1477 = arith.index_cast %get3A_1476 : i32 to index
        %get3A_1478 = arith.constant 184 : index
        %get3A_1479 = tpu.vector_load %arg7[%get3A_1477, %get3A_1478] {strides = array<i32>} : memref<8x200xi32, #tpu.memory_space<vmem>>, vector<1x16xi32>,
        %get3A_1480 = vector.shape_cast %get3A_1479 : vector<1x16xi32> to vector<16xi32>
        %add3A_1481 = arith.addi %mul3A_1475, %get3A_1480 : vector<16xi32>
        %swap3A_1482 = arith.constant 384 : index
        %swap3A_1483 = tpu.vector_load %arg9[%swap3A_1482] {strides = array<i32>} : memref<1600xi32, #tpu.memory_space<vmem>>, vector<16xi32>,
        %swap3A_1484 = vector.shape_cast %swap3A_1483 : vector<16xi32> to vector<16xi32>
        %swap3A_1485 = vector.shape_cast %add3A_1481 : vector<16xi32> to vector<16xi32>
        tpu.vector_store %arg9[%swap3A_1482], %swap3A_1485 {strides = array<i32>} : memref<1600xi32, #tpu.memory_space<vmem>>, vector<16xi32>,
        %scan3A_1486 = arith.constant 0 : i32
        %scan3A_1487 = arith.constant 0 : i32
        %scan3A_1488 = arith.constant 12 : i32
        %scan3A_1489 = arith.addi %scan3A_1487, %scan3A_1488 : i32
        %scan3A_1490 = arith.constant 1 : i32
        scf.for %scan3A_1630 = %scan3A_1487 to %scan3A_1489 step %scan3A_1490  : i32 {
          %mul3A_1631 = arith.constant 16 : i32
          %mul3A_1632 = arith.muli %scan3A_1630, %mul3A_1631 : i32
          %mul3A_1633 = arith.constant 16 : i32
          %mul3A_1634 = arith.muli %scan3A_1630, %mul3A_1633 : i32
          %add3A_1635 = arith.constant 400 : i32
          %add3A_1636 = arith.addi %add3A_1635, %mul3A_1634 : i32
          %get3A_1637 = arith.constant 2 : i32
          %get3A_1638 = arith.index_cast %get3A_1637 : i32 to index
          %get3A_1639 = arith.index_cast %mul3A_1632 : i32 to index
          %get3A_1640 = tpu.vector_load %arg6[%get3A_1638, %get3A_1639] {strides = array<i32>} : memref<8x200xi32, #tpu.memory_space<vmem>>, vector<1x16xi32>,
          %get3A_1641 = vector.shape_cast %get3A_1640 : vector<1x16xi32> to vector<16xi32>
          %mul3A_1642 = arith.constant 100 : i32
          %mul3A_1643 = vector.broadcast %mul3A_1642 : i32 to vector<16xi32>
          %mul3A_1644 = arith.muli %get3A_1641, %mul3A_1643 : vector<16xi32>
          %get3A_1645 = arith.constant 2 : i32
          %get3A_1646 = arith.index_cast %get3A_1645 : i32 to index
          %get3A_1647 = arith.index_cast %mul3A_1632 : i32 to index
          %get3A_1648 = tpu.vector_load %arg7[%get3A_1646, %get3A_1647] {strides = array<i32>} : memref<8x200xi32, #tpu.memory_space<vmem>>, vector<1x16xi32>,
          %get3A_1649 = vector.shape_cast %get3A_1648 : vector<1x16xi32> to vector<16xi32>
          %add3A_1650 = arith.addi %mul3A_1644, %get3A_1649 : vector<16xi32>
          %swap3A_1651 = arith.index_cast %add3A_1636 : i32 to index
          %swap3A_1652 = tpu.vector_load %arg9[%swap3A_1651] {strides = array<i32>} : memref<1600xi32, #tpu.memory_space<vmem>>, vector<16xi32>,
          %swap3A_1653 = vector.shape_cast %swap3A_1652 : vector<16xi32> to vector<16xi32>
          %swap3A_1654 = vector.shape_cast %add3A_1650 : vector<16xi32> to vector<16xi32>
          tpu.vector_store %arg9[%swap3A_1651], %swap3A_1654 {strides = array<i32>} : memref<1600xi32, #tpu.memory_space<vmem>>, vector<16xi32>,
        }
        %scan3A_1491 = arith.constant 12 : i32
        %get3A_1492 = arith.constant 2 : i32
        %get3A_1493 = arith.index_cast %get3A_1492 : i32 to index
        %get3A_1494 = arith.constant 184 : index
        %get3A_1495 = tpu.vector_load %arg6[%get3A_1493, %get3A_1494] {strides = array<i32>} : memref<8x200xi32, #tpu.memory_space<vmem>>, vector<1x16xi32>,
        %get3A_1496 = vector.shape_cast %get3A_1495 : vector<1x16xi32> to vector<16xi32>
        %mul3A_1497 = arith.constant 100 : i32
        %mul3A_1498 = vector.broadcast %mul3A_1497 : i32 to vector<16xi32>
        %mul3A_1499 = arith.muli %get3A_1496, %mul3A_1498 : vector<16xi32>
        %get3A_1500 = arith.constant 2 : i32
        %get3A_1501 = arith.index_cast %get3A_1500 : i32 to index
        %get3A_1502 = arith.constant 184 : index
        %get3A_1503 = tpu.vector_load %arg7[%get3A_1501, %get3A_1502] {strides = array<i32>} : memref<8x200xi32, #tpu.memory_space<vmem>>, vector<1x16xi32>,
        %get3A_1504 = vector.shape_cast %get3A_1503 : vector<1x16xi32> to vector<16xi32>
        %add3A_1505 = arith.addi %mul3A_1499, %get3A_1504 : vector<16xi32>
        %swap3A_1506 = arith.constant 584 : index
        %swap3A_1507 = tpu.vector_load %arg9[%swap3A_1506] {strides = array<i32>} : memref<1600xi32, #tpu.memory_space<vmem>>, vector<16xi32>,
        %swap3A_1508 = vector.shape_cast %swap3A_1507 : vector<16xi32> to vector<16xi32>
        %swap3A_1509 = vector.shape_cast %add3A_1505 : vector<16xi32> to vector<16xi32>
        tpu.vector_store %arg9[%swap3A_1506], %swap3A_1509 {strides = array<i32>} : memref<1600xi32, #tpu.memory_space<vmem>>, vector<16xi32>,
        %scan3A_1510 = arith.constant 0 : i32
        %scan3A_1511 = arith.constant 0 : i32
        %scan3A_1512 = arith.constant 12 : i32
        %scan3A_1513 = arith.addi %scan3A_1511, %scan3A_1512 : i32
        %scan3A_1514 = arith.constant 1 : i32
        scf.for %scan3A_1630 = %scan3A_1511 to %scan3A_1513 step %scan3A_1514  : i32 {
          %mul3A_1631 = arith.constant 16 : i32
          %mul3A_1632 = arith.muli %scan3A_1630, %mul3A_1631 : i32
          %mul3A_1633 = arith.constant 16 : i32
          %mul3A_1634 = arith.muli %scan3A_1630, %mul3A_1633 : i32
          %add3A_1635 = arith.constant 600 : i32
          %add3A_1636 = arith.addi %add3A_1635, %mul3A_1634 : i32
          %get3A_1637 = arith.constant 3 : i32
          %get3A_1638 = arith.index_cast %get3A_1637 : i32 to index
          %get3A_1639 = arith.index_cast %mul3A_1632 : i32 to index
          %get3A_1640 = tpu.vector_load %arg6[%get3A_1638, %get3A_1639] {strides = array<i32>} : memref<8x200xi32, #tpu.memory_space<vmem>>, vector<1x16xi32>,
          %get3A_1641 = vector.shape_cast %get3A_1640 : vector<1x16xi32> to vector<16xi32>
          %mul3A_1642 = arith.constant 100 : i32
          %mul3A_1643 = vector.broadcast %mul3A_1642 : i32 to vector<16xi32>
          %mul3A_1644 = arith.muli %get3A_1641, %mul3A_1643 : vector<16xi32>
          %get3A_1645 = arith.constant 3 : i32
          %get3A_1646 = arith.index_cast %get3A_1645 : i32 to index
          %get3A_1647 = arith.index_cast %mul3A_1632 : i32 to index
          %get3A_1648 = tpu.vector_load %arg7[%get3A_1646, %get3A_1647] {strides = array<i32>} : memref<8x200xi32, #tpu.memory_space<vmem>>, vector<1x16xi32>,
          %get3A_1649 = vector.shape_cast %get3A_1648 : vector<1x16xi32> to vector<16xi32>
          %add3A_1650 = arith.addi %mul3A_1644, %get3A_1649 : vector<16xi32>
          %swap3A_1651 = arith.index_cast %add3A_1636 : i32 to index
          %swap3A_1652 = tpu.vector_load %arg9[%swap3A_1651] {strides = array<i32>} : memref<1600xi32, #tpu.memory_space<vmem>>, vector<16xi32>,
          %swap3A_1653 = vector.shape_cast %swap3A_1652 : vector<16xi32> to vector<16xi32>
          %swap3A_1654 = vector.shape_cast %add3A_1650 : vector<16xi32> to vector<16xi32>
          tpu.vector_store %arg9[%swap3A_1651], %swap3A_1654 {strides = array<i32>} : memref<1600xi32, #tpu.memory_space<vmem>>, vector<16xi32>,
        }
        %scan3A_1515 = arith.constant 12 : i32
        %get3A_1516 = arith.constant 3 : i32
        %get3A_1517 = arith.index_cast %get3A_1516 : i32 to index
        %get3A_1518 = arith.constant 184 : index
        %get3A_1519 = tpu.vector_load %arg6[%get3A_1517, %get3A_1518] {strides = array<i32>} : memref<8x200xi32, #tpu.memory_space<vmem>>, vector<1x16xi32>,
        %get3A_1520 = vector.shape_cast %get3A_1519 : vector<1x16xi32> to vector<16xi32>
        %mul3A_1521 = arith.constant 100 : i32
        %mul3A_1522 = vector.broadcast %mul3A_1521 : i32 to vector<16xi32>
        %mul3A_1523 = arith.muli %get3A_1520, %mul3A_1522 : vector<16xi32>
        %get3A_1524 = arith.constant 3 : i32
        %get3A_1525 = arith.index_cast %get3A_1524 : i32 to index
        %get3A_1526 = arith.constant 184 : index
        %get3A_1527 = tpu.vector_load %arg7[%get3A_1525, %get3A_1526] {strides = array<i32>} : memref<8x200xi32, #tpu.memory_space<vmem>>, vector<1x16xi32>,
        %get3A_1528 = vector.shape_cast %get3A_1527 : vector<1x16xi32> to vector<16xi32>
        %add3A_1529 = arith.addi %mul3A_1523, %get3A_1528 : vector<16xi32>
        %swap3A_1530 = arith.constant 784 : index
        %swap3A_1531 = tpu.vector_load %arg9[%swap3A_1530] {strides = array<i32>} : memref<1600xi32, #tpu.memory_space<vmem>>, vector<16xi32>,
        %swap3A_1532 = vector.shape_cast %swap3A_1531 : vector<16xi32> to vector<16xi32>
        %swap3A_1533 = vector.shape_cast %add3A_1529 : vector<16xi32> to vector<16xi32>
        tpu.vector_store %arg9[%swap3A_1530], %swap3A_1533 {strides = array<i32>} : memref<1600xi32, #tpu.memory_space<vmem>>, vector<16xi32>,
        %scan3A_1534 = arith.constant 0 : i32
        %scan3A_1535 = arith.constant 0 : i32
        %scan3A_1536 = arith.constant 12 : i32
        %scan3A_1537 = arith.addi %scan3A_1535, %scan3A_1536 : i32
        %scan3A_1538 = arith.constant 1 : i32
        scf.for %scan3A_1630 = %scan3A_1535 to %scan3A_1537 step %scan3A_1538  : i32 {
          %mul3A_1631 = arith.constant 16 : i32
          %mul3A_1632 = arith.muli %scan3A_1630, %mul3A_1631 : i32
          %mul3A_1633 = arith.constant 16 : i32
          %mul3A_1634 = arith.muli %scan3A_1630, %mul3A_1633 : i32
          %add3A_1635 = arith.constant 800 : i32
          %add3A_1636 = arith.addi %add3A_1635, %mul3A_1634 : i32
          %get3A_1637 = arith.constant 4 : i32
          %get3A_1638 = arith.index_cast %get3A_1637 : i32 to index
          %get3A_1639 = arith.index_cast %mul3A_1632 : i32 to index
          %get3A_1640 = tpu.vector_load %arg6[%get3A_1638, %get3A_1639] {strides = array<i32>} : memref<8x200xi32, #tpu.memory_space<vmem>>, vector<1x16xi32>,
          %get3A_1641 = vector.shape_cast %get3A_1640 : vector<1x16xi32> to vector<16xi32>
          %mul3A_1642 = arith.constant 100 : i32
          %mul3A_1643 = vector.broadcast %mul3A_1642 : i32 to vector<16xi32>
          %mul3A_1644 = arith.muli %get3A_1641, %mul3A_1643 : vector<16xi32>
          %get3A_1645 = arith.constant 4 : i32
          %get3A_1646 = arith.index_cast %get3A_1645 : i32 to index
          %get3A_1647 = arith.index_cast %mul3A_1632 : i32 to index
          %get3A_1648 = tpu.vector_load %arg7[%get3A_1646, %get3A_1647] {strides = array<i32>} : memref<8x200xi32, #tpu.memory_space<vmem>>, vector<1x16xi32>,
          %get3A_1649 = vector.shape_cast %get3A_1648 : vector<1x16xi32> to vector<16xi32>
          %add3A_1650 = arith.addi %mul3A_1644, %get3A_1649 : vector<16xi32>
          %swap3A_1651 = arith.index_cast %add3A_1636 : i32 to index
          %swap3A_1652 = tpu.vector_load %arg9[%swap3A_1651] {strides = array<i32>} : memref<1600xi32, #tpu.memory_space<vmem>>, vector<16xi32>,
          %swap3A_1653 = vector.shape_cast %swap3A_1652 : vector<16xi32> to vector<16xi32>
          %swap3A_1654 = vector.shape_cast %add3A_1650 : vector<16xi32> to vector<16xi32>
          tpu.vector_store %arg9[%swap3A_1651], %swap3A_1654 {strides = array<i32>} : memref<1600xi32, #tpu.memory_space<vmem>>, vector<16xi32>,
        }
        %scan3A_1539 = arith.constant 12 : i32
        %get3A_1540 = arith.constant 4 : i32
        %get3A_1541 = arith.index_cast %get3A_1540 : i32 to index
        %get3A_1542 = arith.constant 184 : index
        %get3A_1543 = tpu.vector_load %arg6[%get3A_1541, %get3A_1542] {strides = array<i32>} : memref<8x200xi32, #tpu.memory_space<vmem>>, vector<1x16xi32>,
        %get3A_1544 = vector.shape_cast %get3A_1543 : vector<1x16xi32> to vector<16xi32>
        %mul3A_1545 = arith.constant 100 : i32
        %mul3A_1546 = vector.broadcast %mul3A_1545 : i32 to vector<16xi32>
        %mul3A_1547 = arith.muli %get3A_1544, %mul3A_1546 : vector<16xi32>
        %get3A_1548 = arith.constant 4 : i32
        %get3A_1549 = arith.index_cast %get3A_1548 : i32 to index
        %get3A_1550 = arith.constant 184 : index
        %get3A_1551 = tpu.vector_load %arg7[%get3A_1549, %get3A_1550] {strides = array<i32>} : memref<8x200xi32, #tpu.memory_space<vmem>>, vector<1x16xi32>,
        %get3A_1552 = vector.shape_cast %get3A_1551 : vector<1x16xi32> to vector<16xi32>
        %add3A_1553 = arith.addi %mul3A_1547, %get3A_1552 : vector<16xi32>
        %swap3A_1554 = arith.constant 984 : index
        %swap3A_1555 = tpu.vector_load %arg9[%swap3A_1554] {strides = array<i32>} : memref<1600xi32, #tpu.memory_space<vmem>>, vector<16xi32>,
        %swap3A_1556 = vector.shape_cast %swap3A_1555 : vector<16xi32> to vector<16xi32>
        %swap3A_1557 = vector.shape_cast %add3A_1553 : vector<16xi32> to vector<16xi32>
        tpu.vector_store %arg9[%swap3A_1554], %swap3A_1557 {strides = array<i32>} : memref<1600xi32, #tpu.memory_space<vmem>>, vector<16xi32>,
        %scan3A_1558 = arith.constant 0 : i32
        %scan3A_1559 = arith.constant 0 : i32
        %scan3A_1560 = arith.constant 12 : i32
        %scan3A_1561 = arith.addi %scan3A_1559, %scan3A_1560 : i32
        %scan3A_1562 = arith.constant 1 : i32
        scf.for %scan3A_1630 = %scan3A_1559 to %scan3A_1561 step %scan3A_1562  : i32 {
          %mul3A_1631 = arith.constant 16 : i32
          %mul3A_1632 = arith.muli %scan3A_1630, %mul3A_1631 : i32
          %mul3A_1633 = arith.constant 16 : i32
          %mul3A_1634 = arith.muli %scan3A_1630, %mul3A_1633 : i32
          %add3A_1635 = arith.constant 1000 : i32
          %add3A_1636 = arith.addi %add3A_1635, %mul3A_1634 : i32
          %get3A_1637 = arith.constant 5 : i32
          %get3A_1638 = arith.index_cast %get3A_1637 : i32 to index
          %get3A_1639 = arith.index_cast %mul3A_1632 : i32 to index
          %get3A_1640 = tpu.vector_load %arg6[%get3A_1638, %get3A_1639] {strides = array<i32>} : memref<8x200xi32, #tpu.memory_space<vmem>>, vector<1x16xi32>,
          %get3A_1641 = vector.shape_cast %get3A_1640 : vector<1x16xi32> to vector<16xi32>
          %mul3A_1642 = arith.constant 100 : i32
          %mul3A_1643 = vector.broadcast %mul3A_1642 : i32 to vector<16xi32>
          %mul3A_1644 = arith.muli %get3A_1641, %mul3A_1643 : vector<16xi32>
          %get3A_1645 = arith.constant 5 : i32
          %get3A_1646 = arith.index_cast %get3A_1645 : i32 to index
          %get3A_1647 = arith.index_cast %mul3A_1632 : i32 to index
          %get3A_1648 = tpu.vector_load %arg7[%get3A_1646, %get3A_1647] {strides = array<i32>} : memref<8x200xi32, #tpu.memory_space<vmem>>, vector<1x16xi32>,
          %get3A_1649 = vector.shape_cast %get3A_1648 : vector<1x16xi32> to vector<16xi32>
          %add3A_1650 = arith.addi %mul3A_1644, %get3A_1649 : vector<16xi32>
          %swap3A_1651 = arith.index_cast %add3A_1636 : i32 to index
          %swap3A_1652 = tpu.vector_load %arg9[%swap3A_1651] {strides = array<i32>} : memref<1600xi32, #tpu.memory_space<vmem>>, vector<16xi32>,
          %swap3A_1653 = vector.shape_cast %swap3A_1652 : vector<16xi32> to vector<16xi32>
          %swap3A_1654 = vector.shape_cast %add3A_1650 : vector<16xi32> to vector<16xi32>
          tpu.vector_store %arg9[%swap3A_1651], %swap3A_1654 {strides = array<i32>} : memref<1600xi32, #tpu.memory_space<vmem>>, vector<16xi32>,
        }
        %scan3A_1563 = arith.constant 12 : i32
        %get3A_1564 = arith.constant 5 : i32
        %get3A_1565 = arith.index_cast %get3A_1564 : i32 to index
        %get3A_1566 = arith.constant 184 : index
        %get3A_1567 = tpu.vector_load %arg6[%get3A_1565, %get3A_1566] {strides = array<i32>} : memref<8x200xi32, #tpu.memory_space<vmem>>, vector<1x16xi32>,
        %get3A_1568 = vector.shape_cast %get3A_1567 : vector<1x16xi32> to vector<16xi32>
        %mul3A_1569 = arith.constant 100 : i32
        %mul3A_1570 = vector.broadcast %mul3A_1569 : i32 to vector<16xi32>
        %mul3A_1571 = arith.muli %get3A_1568, %mul3A_1570 : vector<16xi32>
        %get3A_1572 = arith.constant 5 : i32
        %get3A_1573 = arith.index_cast %get3A_1572 : i32 to index
        %get3A_1574 = arith.constant 184 : index
        %get3A_1575 = tpu.vector_load %arg7[%get3A_1573, %get3A_1574] {strides = array<i32>} : memref<8x200xi32, #tpu.memory_space<vmem>>, vector<1x16xi32>,
        %get3A_1576 = vector.shape_cast %get3A_1575 : vector<1x16xi32> to vector<16xi32>
        %add3A_1577 = arith.addi %mul3A_1571, %get3A_1576 : vector<16xi32>
        %swap3A_1578 = arith.constant 1184 : index
        %swap3A_1579 = tpu.vector_load %arg9[%swap3A_1578] {strides = array<i32>} : memref<1600xi32, #tpu.memory_space<vmem>>, vector<16xi32>,
        %swap3A_1580 = vector.shape_cast %swap3A_1579 : vector<16xi32> to vector<16xi32>
        %swap3A_1581 = vector.shape_cast %add3A_1577 : vector<16xi32> to vector<16xi32>
        tpu.vector_store %arg9[%swap3A_1578], %swap3A_1581 {strides = array<i32>} : memref<1600xi32, #tpu.memory_space<vmem>>, vector<16xi32>,
        %scan3A_1582 = arith.constant 0 : i32
        %scan3A_1583 = arith.constant 0 : i32
        %scan3A_1584 = arith.constant 12 : i32
        %scan3A_1585 = arith.addi %scan3A_1583, %scan3A_1584 : i32
        %scan3A_1586 = arith.constant 1 : i32
        scf.for %scan3A_1630 = %scan3A_1583 to %scan3A_1585 step %scan3A_1586  : i32 {
          %mul3A_1631 = arith.constant 16 : i32
          %mul3A_1632 = arith.muli %scan3A_1630, %mul3A_1631 : i32
          %mul3A_1633 = arith.constant 16 : i32
          %mul3A_1634 = arith.muli %scan3A_1630, %mul3A_1633 : i32
          %add3A_1635 = arith.constant 1200 : i32
          %add3A_1636 = arith.addi %add3A_1635, %mul3A_1634 : i32
          %get3A_1637 = arith.constant 6 : i32
          %get3A_1638 = arith.index_cast %get3A_1637 : i32 to index
          %get3A_1639 = arith.index_cast %mul3A_1632 : i32 to index
          %get3A_1640 = tpu.vector_load %arg6[%get3A_1638, %get3A_1639] {strides = array<i32>} : memref<8x200xi32, #tpu.memory_space<vmem>>, vector<1x16xi32>,
          %get3A_1641 = vector.shape_cast %get3A_1640 : vector<1x16xi32> to vector<16xi32>
          %mul3A_1642 = arith.constant 100 : i32
          %mul3A_1643 = vector.broadcast %mul3A_1642 : i32 to vector<16xi32>
          %mul3A_1644 = arith.muli %get3A_1641, %mul3A_1643 : vector<16xi32>
          %get3A_1645 = arith.constant 6 : i32
          %get3A_1646 = arith.index_cast %get3A_1645 : i32 to index
          %get3A_1647 = arith.index_cast %mul3A_1632 : i32 to index
          %get3A_1648 = tpu.vector_load %arg7[%get3A_1646, %get3A_1647] {strides = array<i32>} : memref<8x200xi32, #tpu.memory_space<vmem>>, vector<1x16xi32>,
          %get3A_1649 = vector.shape_cast %get3A_1648 : vector<1x16xi32> to vector<16xi32>
          %add3A_1650 = arith.addi %mul3A_1644, %get3A_1649 : vector<16xi32>
          %swap3A_1651 = arith.index_cast %add3A_1636 : i32 to index
          %swap3A_1652 = tpu.vector_load %arg9[%swap3A_1651] {strides = array<i32>} : memref<1600xi32, #tpu.memory_space<vmem>>, vector<16xi32>,
          %swap3A_1653 = vector.shape_cast %swap3A_1652 : vector<16xi32> to vector<16xi32>
          %swap3A_1654 = vector.shape_cast %add3A_1650 : vector<16xi32> to vector<16xi32>
          tpu.vector_store %arg9[%swap3A_1651], %swap3A_1654 {strides = array<i32>} : memref<1600xi32, #tpu.memory_space<vmem>>, vector<16xi32>,
        }
        %scan3A_1587 = arith.constant 12 : i32
        %get3A_1588 = arith.constant 6 : i32
        %get3A_1589 = arith.index_cast %get3A_1588 : i32 to index
        %get3A_1590 = arith.constant 184 : index
        %get3A_1591 = tpu.vector_load %arg6[%get3A_1589, %get3A_1590] {strides = array<i32>} : memref<8x200xi32, #tpu.memory_space<vmem>>, vector<1x16xi32>,
        %get3A_1592 = vector.shape_cast %get3A_1591 : vector<1x16xi32> to vector<16xi32>
        %mul3A_1593 = arith.constant 100 : i32
        %mul3A_1594 = vector.broadcast %mul3A_1593 : i32 to vector<16xi32>
        %mul3A_1595 = arith.muli %get3A_1592, %mul3A_1594 : vector<16xi32>
        %get3A_1596 = arith.constant 6 : i32
        %get3A_1597 = arith.index_cast %get3A_1596 : i32 to index
        %get3A_1598 = arith.constant 184 : index
        %get3A_1599 = tpu.vector_load %arg7[%get3A_1597, %get3A_1598] {strides = array<i32>} : memref<8x200xi32, #tpu.memory_space<vmem>>, vector<1x16xi32>,
        %get3A_1600 = vector.shape_cast %get3A_1599 : vector<1x16xi32> to vector<16xi32>
        %add3A_1601 = arith.addi %mul3A_1595, %get3A_1600 : vector<16xi32>
        %swap3A_1602 = arith.constant 1384 : index
        %swap3A_1603 = tpu.vector_load %arg9[%swap3A_1602] {strides = array<i32>} : memref<1600xi32, #tpu.memory_space<vmem>>, vector<16xi32>,
        %swap3A_1604 = vector.shape_cast %swap3A_1603 : vector<16xi32> to vector<16xi32>
        %swap3A_1605 = vector.shape_cast %add3A_1601 : vector<16xi32> to vector<16xi32>
        tpu.vector_store %arg9[%swap3A_1602], %swap3A_1605 {strides = array<i32>} : memref<1600xi32, #tpu.memory_space<vmem>>, vector<16xi32>,
        %scan3A_1606 = arith.constant 0 : i32
        %scan3A_1607 = arith.constant 0 : i32
        %scan3A_1608 = arith.constant 12 : i32
        %scan3A_1609 = arith.addi %scan3A_1607, %scan3A_1608 : i32
        %scan3A_1610 = arith.constant 1 : i32
        scf.for %scan3A_1630 = %scan3A_1607 to %scan3A_1609 step %scan3A_1610  : i32 {
          %mul3A_1631 = arith.constant 16 : i32
          %mul3A_1632 = arith.muli %scan3A_1630, %mul3A_1631 : i32
          %mul3A_1633 = arith.constant 16 : i32
          %mul3A_1634 = arith.muli %scan3A_1630, %mul3A_1633 : i32
          %add3A_1635 = arith.constant 1400 : i32
          %add3A_1636 = arith.addi %add3A_1635, %mul3A_1634 : i32
          %get3A_1637 = arith.constant 7 : i32
          %get3A_1638 = arith.index_cast %get3A_1637 : i32 to index
          %get3A_1639 = arith.index_cast %mul3A_1632 : i32 to index
          %get3A_1640 = tpu.vector_load %arg6[%get3A_1638, %get3A_1639] {strides = array<i32>} : memref<8x200xi32, #tpu.memory_space<vmem>>, vector<1x16xi32>,
          %get3A_1641 = vector.shape_cast %get3A_1640 : vector<1x16xi32> to vector<16xi32>
          %mul3A_1642 = arith.constant 100 : i32
          %mul3A_1643 = vector.broadcast %mul3A_1642 : i32 to vector<16xi32>
          %mul3A_1644 = arith.muli %get3A_1641, %mul3A_1643 : vector<16xi32>
          %get3A_1645 = arith.constant 7 : i32
          %get3A_1646 = arith.index_cast %get3A_1645 : i32 to index
          %get3A_1647 = arith.index_cast %mul3A_1632 : i32 to index
          %get3A_1648 = tpu.vector_load %arg7[%get3A_1646, %get3A_1647] {strides = array<i32>} : memref<8x200xi32, #tpu.memory_space<vmem>>, vector<1x16xi32>,
          %get3A_1649 = vector.shape_cast %get3A_1648 : vector<1x16xi32> to vector<16xi32>
          %add3A_1650 = arith.addi %mul3A_1644, %get3A_1649 : vector<16xi32>
          %swap3A_1651 = arith.index_cast %add3A_1636 : i32 to index
          %swap3A_1652 = tpu.vector_load %arg9[%swap3A_1651] {strides = array<i32>} : memref<1600xi32, #tpu.memory_space<vmem>>, vector<16xi32>,
          %swap3A_1653 = vector.shape_cast %swap3A_1652 : vector<16xi32> to vector<16xi32>
          %swap3A_1654 = vector.shape_cast %add3A_1650 : vector<16xi32> to vector<16xi32>
          tpu.vector_store %arg9[%swap3A_1651], %swap3A_1654 {strides = array<i32>} : memref<1600xi32, #tpu.memory_space<vmem>>, vector<16xi32>,
        }
        %scan3A_1611 = arith.constant 12 : i32
        %get3A_1612 = arith.constant 7 : i32
        %get3A_1613 = arith.index_cast %get3A_1612 : i32 to index
        %get3A_1614 = arith.constant 184 : index
        %get3A_1615 = tpu.vector_load %arg6[%get3A_1613, %get3A_1614] {strides = array<i32>} : memref<8x200xi32, #tpu.memory_space<vmem>>, vector<1x16xi32>,
        %get3A_1616 = vector.shape_cast %get3A_1615 : vector<1x16xi32> to vector<16xi32>
        %mul3A_1617 = arith.constant 100 : i32
        %mul3A_1618 = vector.broadcast %mul3A_1617 : i32 to vector<16xi32>
        %mul3A_1619 = arith.muli %get3A_1616, %mul3A_1618 : vector<16xi32>
        %get3A_1620 = arith.constant 7 : i32
        %get3A_1621 = arith.index_cast %get3A_1620 : i32 to index
        %get3A_1622 = arith.constant 184 : index
        %get3A_1623 = tpu.vector_load %arg7[%get3A_1621, %get3A_1622] {strides = array<i32>} : memref<8x200xi32, #tpu.memory_space<vmem>>, vector<1x16xi32>,
        %get3A_1624 = vector.shape_cast %get3A_1623 : vector<1x16xi32> to vector<16xi32>
        %add3A_1625 = arith.addi %mul3A_1619, %get3A_1624 : vector<16xi32>
        %swap3A_1626 = arith.constant 1584 : index
        %swap3A_1627 = tpu.vector_load %arg9[%swap3A_1626] {strides = array<i32>} : memref<1600xi32, #tpu.memory_space<vmem>>, vector<16xi32>,
        %swap3A_1628 = vector.shape_cast %swap3A_1627 : vector<16xi32> to vector<16xi32>
        %swap3A_1629 = vector.shape_cast %add3A_1625 : vector<16xi32> to vector<16xi32>
        tpu.vector_store %arg9[%swap3A_1626], %swap3A_1629 {strides = array<i32>} : memref<1600xi32, #tpu.memory_space<vmem>>, vector<16xi32>,
      } else {
      }
      %lt3A_331 = arith.constant 62 : i32
      %lt3A_332 = arith.cmpi slt, %add3A_282, %lt3A_331 : i32
      %convert_element_type3A_333 = arith.extui %lt3A_332 : i1 to i32
      %cond3A_334 = arith.constant 0 : i32
      %cond3A_335 = arith.cmpi ne, %convert_element_type3A_333, %cond3A_334 : i32
      scf.if %cond3A_335 {
        %add3A_1425 = arith.constant 2 : i32
        %add3A_1426 = arith.addi %add3A_282, %add3A_1425 : i32
        %mul3A_1427 = arith.constant 8 : i32
        %mul3A_1428 = arith.muli %add3A_1426, %mul3A_1427 : i32
        %add3A_1429 = arith.addi %mul3A_2, %mul3A_1428 : i32
        %dma_start3A_1430 = arith.constant 0 : i32
        %dma_start3A_1431 = tpu.memref_slice %arg2[%add3A_1429, %dma_start3A_1430] : memref<16384x200xi32, #tpu.memory_space<hbm>> -> memref<8x200xi32, #tpu.memory_space<hbm>>
        %dma_start3A_1432 = arith.constant 0 : i32
        %dma_start3A_1433 = tpu.memref_slice %arg2[%add3A_1429, %dma_start3A_1432] : memref<16384x200xi32, #tpu.memory_space<hbm>> -> memref<8x200xi32, #tpu.memory_space<hbm>>
        tpu.enqueue_dma source(%dma_start3A_1433 : memref<8x200xi32, #tpu.memory_space<hbm>>) target(%arg6 : memref<8x200xi32, #tpu.memory_space<vmem>>) target_semaphore(%arg16 : memref<!tpu.dma_semaphore, #tpu.memory_space<semaphore_mem>>)
        %dma_start3A_1434 = arith.constant 0 : i32
        %dma_start3A_1435 = tpu.memref_slice %arg3[%add3A_1429, %dma_start3A_1434] : memref<16384x200xi32, #tpu.memory_space<hbm>> -> memref<8x200xi32, #tpu.memory_space<hbm>>
        %dma_start3A_1436 = arith.constant 0 : i32
        %dma_start3A_1437 = tpu.memref_slice %arg3[%add3A_1429, %dma_start3A_1436] : memref<16384x200xi32, #tpu.memory_space<hbm>> -> memref<8x200xi32, #tpu.memory_space<hbm>>
        tpu.enqueue_dma source(%dma_start3A_1437 : memref<8x200xi32, #tpu.memory_space<hbm>>) target(%arg7 : memref<8x200xi32, #tpu.memory_space<vmem>>) target_semaphore(%arg16 : memref<!tpu.dma_semaphore, #tpu.memory_space<semaphore_mem>>)
      } else {
      }
      %dma_wait3A_336 = arith.constant 1 : i32
      %dma_wait3A_337 = arith.constant 0 : i32
      %dma_wait3A_338 = arith.constant 0 : i32
      %dma_wait3A_339 = tpu.memref_slice %arg10[%dma_wait3A_336, %dma_wait3A_337, %dma_wait3A_338] : memref<2x160x128xf32, #tpu.memory_space<vmem>> -> memref<1x160x128xf32, #tpu.memory_space<vmem>>
      %dma_wait3A_340 = tpu.memref_squeeze %dma_wait3A_339 : memref<1x160x128xf32, #tpu.memory_space<vmem>> -> memref<160x128xf32, #tpu.memory_space<vmem>>
      %dma_wait3A_341 = arith.constant 160 : i32
      %dma_wait3A_342 = tpu.memref_slice %arg8[%dma_wait3A_341] : memref<1600xi32, #tpu.memory_space<vmem>> -> memref<160xi32, #tpu.memory_space<vmem>>
      %dma_wait3A_343 = arith.constant 0 : i32
      %dma_wait3A_344 = arith.constant 0 : i32
      %dma_wait3A_345 = tpu.memref_slice %arg11[%dma_wait3A_343, %dma_wait3A_344] : memref<10000x128xf32, #tpu.memory_space<vmem_shared>> -> memref<10000x128xf32, #tpu.memory_space<vmem_shared>>
      tpu.wait_indirect_dma semaphore(%arg13 : memref<!tpu.dma_semaphore, #tpu.memory_space<semaphore_mem>>) src(%dma_wait3A_345 : memref<10000x128xf32, #tpu.memory_space<vmem_shared>>) dst(%dma_wait3A_340 : memref<160x128xf32, #tpu.memory_space<vmem>>)
      %mul3A_346 = arith.constant 8 : i32
      %mul3A_347 = arith.muli %add3A_282, %mul3A_346 : i32
      %add3A_348 = arith.addi %mul3A_2, %mul3A_347 : i32
      %mul3A_349 = arith.constant 200 : i32
      %mul3A_350 = arith.muli %add3A_348, %mul3A_349 : i32
      %add3A_351 = arith.constant 160 : i32
      %add3A_352 = arith.addi %mul3A_350, %add3A_351 : i32
      %dma_start3A_353 = arith.constant 1 : i32
      %dma_start3A_354 = arith.constant 0 : i32
      %dma_start3A_355 = arith.constant 0 : i32
      %dma_start3A_356 = tpu.memref_slice %arg10[%dma_start3A_353, %dma_start3A_354, %dma_start3A_355] : memref<2x160x128xf32, #tpu.memory_space<vmem>> -> memref<1x160x128xf32, #tpu.memory_space<vmem>>
      %dma_start3A_357 = tpu.memref_squeeze %dma_start3A_356 : memref<1x160x128xf32, #tpu.memory_space<vmem>> -> memref<160x128xf32, #tpu.memory_space<vmem>>
      %dma_start3A_358 = arith.constant 0 : i32
      %dma_start3A_359 = tpu.memref_slice %arg5[%add3A_352, %dma_start3A_358] : memref<3276800x128xf32, #tpu.memory_space<hbm>> -> memref<160x128xf32, #tpu.memory_space<hbm>>
      %dma_start3A_360 = arith.constant 0 : i32
      %dma_start3A_361 = tpu.memref_slice %arg5[%add3A_352, %dma_start3A_360] : memref<3276800x128xf32, #tpu.memory_space<hbm>> -> memref<160x128xf32, #tpu.memory_space<hbm>>
      %dma_start3A_362 = arith.constant 0 : i32
      %dma_start3A_363 = arith.constant 0 : i32
      %dma_start3A_364 = tpu.memref_slice %arg10[%dma_start3A_353, %dma_start3A_362, %dma_start3A_363] : memref<2x160x128xf32, #tpu.memory_space<vmem>> -> memref<1x160x128xf32, #tpu.memory_space<vmem>>
      %dma_start3A_365 = tpu.memref_squeeze %dma_start3A_364 : memref<1x160x128xf32, #tpu.memory_space<vmem>> -> memref<160x128xf32, #tpu.memory_space<vmem>>
      tpu.enqueue_dma source(%dma_start3A_365 : memref<160x128xf32, #tpu.memory_space<vmem>>) target(%dma_start3A_361 : memref<160x128xf32, #tpu.memory_space<hbm>>) target_semaphore(%arg15 : memref<!tpu.dma_semaphore, #tpu.memory_space<semaphore_mem>>)
      %mul3A_366 = arith.constant 8 : i32
      %mul3A_367 = arith.muli %add3A_282, %mul3A_366 : i32
      %add3A_368 = arith.addi %mul3A_2, %mul3A_367 : i32
      %mul3A_369 = arith.constant 200 : i32
      %mul3A_370 = arith.muli %add3A_368, %mul3A_369 : i32
      %add3A_371 = arith.constant 0 : i32
      %add3A_372 = arith.addi %mul3A_370, %add3A_371 : i32
      %dma_wait3A_373 = arith.constant 0 : i32
      %dma_wait3A_374 = arith.constant 0 : i32
      %dma_wait3A_375 = arith.constant 0 : i32
      %dma_wait3A_376 = tpu.memref_slice %arg10[%dma_wait3A_373, %dma_wait3A_374, %dma_wait3A_375] : memref<2x160x128xf32, #tpu.memory_space<vmem>> -> memref<1x160x128xf32, #tpu.memory_space<vmem>>
      %dma_wait3A_377 = tpu.memref_squeeze %dma_wait3A_376 : memref<1x160x128xf32, #tpu.memory_space<vmem>> -> memref<160x128xf32, #tpu.memory_space<vmem>>
      %dma_wait3A_378 = arith.constant 0 : i32
      %dma_wait3A_379 = tpu.memref_slice %arg5[%add3A_372, %dma_wait3A_378] : memref<3276800x128xf32, #tpu.memory_space<hbm>> -> memref<160x128xf32, #tpu.memory_space<hbm>>
      %dma_wait3A_380 = arith.constant 0 : i32
      %dma_wait3A_381 = tpu.memref_slice %arg5[%add3A_372, %dma_wait3A_380] : memref<3276800x128xf32, #tpu.memory_space<hbm>> -> memref<160x128xf32, #tpu.memory_space<hbm>>
      %dma_wait3A_382 = arith.constant 0 : i32
      %dma_wait3A_383 = arith.constant 0 : i32
      %dma_wait3A_384 = tpu.memref_slice %arg10[%dma_wait3A_373, %dma_wait3A_382, %dma_wait3A_383] : memref<2x160x128xf32, #tpu.memory_space<vmem>> -> memref<1x160x128xf32, #tpu.memory_space<vmem>>
      %dma_wait3A_385 = tpu.memref_squeeze %dma_wait3A_384 : memref<1x160x128xf32, #tpu.memory_space<vmem>> -> memref<160x128xf32, #tpu.memory_space<vmem>>
      tpu.wait_dma2 semaphore(%arg14 : memref<!tpu.dma_semaphore, #tpu.memory_space<semaphore_mem>>) src(%dma_wait3A_385 : memref<160x128xf32, #tpu.memory_space<vmem>>) dst(%dma_wait3A_381 : memref<160x128xf32, #tpu.memory_space<hbm>>)
      %dma_start3A_386 = arith.constant 0 : i32
      %dma_start3A_387 = arith.constant 0 : i32
      %dma_start3A_388 = arith.constant 0 : i32
      %dma_start3A_389 = tpu.memref_slice %arg10[%dma_start3A_386, %dma_start3A_387, %dma_start3A_388] : memref<2x160x128xf32, #tpu.memory_space<vmem>> -> memref<1x160x128xf32, #tpu.memory_space<vmem>>
      %dma_start3A_390 = tpu.memref_squeeze %dma_start3A_389 : memref<1x160x128xf32, #tpu.memory_space<vmem>> -> memref<160x128xf32, #tpu.memory_space<vmem>>
      %dma_start3A_391 = arith.constant 320 : i32
      %dma_start3A_392 = tpu.memref_slice %arg8[%dma_start3A_391] : memref<1600xi32, #tpu.memory_space<vmem>> -> memref<160xi32, #tpu.memory_space<vmem>>
      %dma_start3A_393 = arith.constant 0 : i32
      %dma_start3A_394 = arith.constant 0 : i32
      %dma_start3A_395 = tpu.memref_slice %arg11[%dma_start3A_393, %dma_start3A_394] : memref<10000x128xf32, #tpu.memory_space<vmem_shared>> -> memref<10000x128xf32, #tpu.memory_space<vmem_shared>>
      tpu.enqueue_indirect_dma source(%dma_start3A_395 : memref<10000x128xf32, #tpu.memory_space<vmem_shared>>) target(%dma_start3A_390 : memref<160x128xf32, #tpu.memory_space<vmem>>) offsets(%dma_start3A_392 : memref<160xi32, #tpu.memory_space<vmem>>) semaphore(%arg12 : memref<!tpu.dma_semaphore, #tpu.memory_space<semaphore_mem>>)
      %dma_wait3A_396 = arith.constant 0 : i32
      %dma_wait3A_397 = arith.constant 0 : i32
      %dma_wait3A_398 = arith.constant 0 : i32
      %dma_wait3A_399 = tpu.memref_slice %arg10[%dma_wait3A_396, %dma_wait3A_397, %dma_wait3A_398] : memref<2x160x128xf32, #tpu.memory_space<vmem>> -> memref<1x160x128xf32, #tpu.memory_space<vmem>>
      %dma_wait3A_400 = tpu.memref_squeeze %dma_wait3A_399 : memref<1x160x128xf32, #tpu.memory_space<vmem>> -> memref<160x128xf32, #tpu.memory_space<vmem>>
      %dma_wait3A_401 = arith.constant 320 : i32
      %dma_wait3A_402 = tpu.memref_slice %arg8[%dma_wait3A_401] : memref<1600xi32, #tpu.memory_space<vmem>> -> memref<160xi32, #tpu.memory_space<vmem>>
      %dma_wait3A_403 = arith.constant 0 : i32
      %dma_wait3A_404 = arith.constant 0 : i32
      %dma_wait3A_405 = tpu.memref_slice %arg11[%dma_wait3A_403, %dma_wait3A_404] : memref<10000x128xf32, #tpu.memory_space<vmem_shared>> -> memref<10000x128xf32, #tpu.memory_space<vmem_shared>>
      tpu.wait_indirect_dma semaphore(%arg12 : memref<!tpu.dma_semaphore, #tpu.memory_space<semaphore_mem>>) src(%dma_wait3A_405 : memref<10000x128xf32, #tpu.memory_space<vmem_shared>>) dst(%dma_wait3A_400 : memref<160x128xf32, #tpu.memory_space<vmem>>)
      %mul3A_406 = arith.constant 8 : i32
      %mul3A_407 = arith.muli %add3A_282, %mul3A_406 : i32
      %add3A_408 = arith.addi %mul3A_2, %mul3A_407 : i32
      %mul3A_409 = arith.constant 200 : i32
      %mul3A_410 = arith.muli %add3A_408, %mul3A_409 : i32
      %add3A_411 = arith.constant 320 : i32
      %add3A_412 = arith.addi %mul3A_410, %add3A_411 : i32
      %dma_start3A_413 = arith.constant 0 : i32
      %dma_start3A_414 = arith.constant 0 : i32
      %dma_start3A_415 = arith.constant 0 : i32
      %dma_start3A_416 = tpu.memref_slice %arg10[%dma_start3A_413, %dma_start3A_414, %dma_start3A_415] : memref<2x160x128xf32, #tpu.memory_space<vmem>> -> memref<1x160x128xf32, #tpu.memory_space<vmem>>
      %dma_start3A_417 = tpu.memref_squeeze %dma_start3A_416 : memref<1x160x128xf32, #tpu.memory_space<vmem>> -> memref<160x128xf32, #tpu.memory_space<vmem>>
      %dma_start3A_418 = arith.constant 0 : i32
      %dma_start3A_419 = tpu.memref_slice %arg5[%add3A_412, %dma_start3A_418] : memref<3276800x128xf32, #tpu.memory_space<hbm>> -> memref<160x128xf32, #tpu.memory_space<hbm>>
      %dma_start3A_420 = arith.constant 0 : i32
      %dma_start3A_421 = tpu.memref_slice %arg5[%add3A_412, %dma_start3A_420] : memref<3276800x128xf32, #tpu.memory_space<hbm>> -> memref<160x128xf32, #tpu.memory_space<hbm>>
      %dma_start3A_422 = arith.constant 0 : i32
      %dma_start3A_423 = arith.constant 0 : i32
      %dma_start3A_424 = tpu.memref_slice %arg10[%dma_start3A_413, %dma_start3A_422, %dma_start3A_423] : memref<2x160x128xf32, #tpu.memory_space<vmem>> -> memref<1x160x128xf32, #tpu.memory_space<vmem>>
      %dma_start3A_425 = tpu.memref_squeeze %dma_start3A_424 : memref<1x160x128xf32, #tpu.memory_space<vmem>> -> memref<160x128xf32, #tpu.memory_space<vmem>>
      tpu.enqueue_dma source(%dma_start3A_425 : memref<160x128xf32, #tpu.memory_space<vmem>>) target(%dma_start3A_421 : memref<160x128xf32, #tpu.memory_space<hbm>>) target_semaphore(%arg14 : memref<!tpu.dma_semaphore, #tpu.memory_space<semaphore_mem>>)
      %mul3A_426 = arith.constant 8 : i32
      %mul3A_427 = arith.muli %add3A_282, %mul3A_426 : i32
      %add3A_428 = arith.addi %mul3A_2, %mul3A_427 : i32
      %mul3A_429 = arith.constant 200 : i32
      %mul3A_430 = arith.muli %add3A_428, %mul3A_429 : i32
      %add3A_431 = arith.constant 160 : i32
      %add3A_432 = arith.addi %mul3A_430, %add3A_431 : i32
      %dma_wait3A_433 = arith.constant 1 : i32
      %dma_wait3A_434 = arith.constant 0 : i32
      %dma_wait3A_435 = arith.constant 0 : i32
      %dma_wait3A_436 = tpu.memref_slice %arg10[%dma_wait3A_433, %dma_wait3A_434, %dma_wait3A_435] : memref<2x160x128xf32, #tpu.memory_space<vmem>> -> memref<1x160x128xf32, #tpu.memory_space<vmem>>
      %dma_wait3A_437 = tpu.memref_squeeze %dma_wait3A_436 : memref<1x160x128xf32, #tpu.memory_space<vmem>> -> memref<160x128xf32, #tpu.memory_space<vmem>>
      %dma_wait3A_438 = arith.constant 0 : i32
      %dma_wait3A_439 = tpu.memref_slice %arg5[%add3A_432, %dma_wait3A_438] : memref<3276800x128xf32, #tpu.memory_space<hbm>> -> memref<160x128xf32, #tpu.memory_space<hbm>>
      %dma_wait3A_440 = arith.constant 0 : i32
      %dma_wait3A_441 = tpu.memref_slice %arg5[%add3A_432, %dma_wait3A_440] : memref<3276800x128xf32, #tpu.memory_space<hbm>> -> memref<160x128xf32, #tpu.memory_space<hbm>>
      %dma_wait3A_442 = arith.constant 0 : i32
      %dma_wait3A_443 = arith.constant 0 : i32
      %dma_wait3A_444 = tpu.memref_slice %arg10[%dma_wait3A_433, %dma_wait3A_442, %dma_wait3A_443] : memref<2x160x128xf32, #tpu.memory_space<vmem>> -> memref<1x160x128xf32, #tpu.memory_space<vmem>>
      %dma_wait3A_445 = tpu.memref_squeeze %dma_wait3A_444 : memref<1x160x128xf32, #tpu.memory_space<vmem>> -> memref<160x128xf32, #tpu.memory_space<vmem>>
      tpu.wait_dma2 semaphore(%arg15 : memref<!tpu.dma_semaphore, #tpu.memory_space<semaphore_mem>>) src(%dma_wait3A_445 : memref<160x128xf32, #tpu.memory_space<vmem>>) dst(%dma_wait3A_441 : memref<160x128xf32, #tpu.memory_space<hbm>>)
      %dma_start3A_446 = arith.constant 1 : i32
      %dma_start3A_447 = arith.constant 0 : i32
      %dma_start3A_448 = arith.constant 0 : i32
      %dma_start3A_449 = tpu.memref_slice %arg10[%dma_start3A_446, %dma_start3A_447, %dma_start3A_448] : memref<2x160x128xf32, #tpu.memory_space<vmem>> -> memref<1x160x128xf32, #tpu.memory_space<vmem>>
      %dma_start3A_450 = tpu.memref_squeeze %dma_start3A_449 : memref<1x160x128xf32, #tpu.memory_space<vmem>> -> memref<160x128xf32, #tpu.memory_space<vmem>>
      %dma_start3A_451 = arith.constant 480 : i32
      %dma_start3A_452 = tpu.memref_slice %arg8[%dma_start3A_451] : memref<1600xi32, #tpu.memory_space<vmem>> -> memref<160xi32, #tpu.memory_space<vmem>>
      %dma_start3A_453 = arith.constant 0 : i32
      %dma_start3A_454 = arith.constant 0 : i32
      %dma_start3A_455 = tpu.memref_slice %arg11[%dma_start3A_453, %dma_start3A_454] : memref<10000x128xf32, #tpu.memory_space<vmem_shared>> -> memref<10000x128xf32, #tpu.memory_space<vmem_shared>>
      tpu.enqueue_indirect_dma source(%dma_start3A_455 : memref<10000x128xf32, #tpu.memory_space<vmem_shared>>) target(%dma_start3A_450 : memref<160x128xf32, #tpu.memory_space<vmem>>) offsets(%dma_start3A_452 : memref<160xi32, #tpu.memory_space<vmem>>) semaphore(%arg13 : memref<!tpu.dma_semaphore, #tpu.memory_space<semaphore_mem>>)
      %dma_wait3A_456 = arith.constant 1 : i32
      %dma_wait3A_457 = arith.constant 0 : i32
      %dma_wait3A_458 = arith.constant 0 : i32
      %dma_wait3A_459 = tpu.memref_slice %arg10[%dma_wait3A_456, %dma_wait3A_457, %dma_wait3A_458] : memref<2x160x128xf32, #tpu.memory_space<vmem>> -> memref<1x160x128xf32, #tpu.memory_space<vmem>>
      %dma_wait3A_460 = tpu.memref_squeeze %dma_wait3A_459 : memref<1x160x128xf32, #tpu.memory_space<vmem>> -> memref<160x128xf32, #tpu.memory_space<vmem>>
      %dma_wait3A_461 = arith.constant 480 : i32
      %dma_wait3A_462 = tpu.memref_slice %arg8[%dma_wait3A_461] : memref<1600xi32, #tpu.memory_space<vmem>> -> memref<160xi32, #tpu.memory_space<vmem>>
      %dma_wait3A_463 = arith.constant 0 : i32
      %dma_wait3A_464 = arith.constant 0 : i32
      %dma_wait3A_465 = tpu.memref_slice %arg11[%dma_wait3A_463, %dma_wait3A_464] : memref<10000x128xf32, #tpu.memory_space<vmem_shared>> -> memref<10000x128xf32, #tpu.memory_space<vmem_shared>>
      tpu.wait_indirect_dma semaphore(%arg13 : memref<!tpu.dma_semaphore, #tpu.memory_space<semaphore_mem>>) src(%dma_wait3A_465 : memref<10000x128xf32, #tpu.memory_space<vmem_shared>>) dst(%dma_wait3A_460 : memref<160x128xf32, #tpu.memory_space<vmem>>)
      %mul3A_466 = arith.constant 8 : i32
      %mul3A_467 = arith.muli %add3A_282, %mul3A_466 : i32
      %add3A_468 = arith.addi %mul3A_2, %mul3A_467 : i32
      %mul3A_469 = arith.constant 200 : i32
      %mul3A_470 = arith.muli %add3A_468, %mul3A_469 : i32
      %add3A_471 = arith.constant 480 : i32
      %add3A_472 = arith.addi %mul3A_470, %add3A_471 : i32
      %dma_start3A_473 = arith.constant 1 : i32
      %dma_start3A_474 = arith.constant 0 : i32
      %dma_start3A_475 = arith.constant 0 : i32
      %dma_start3A_476 = tpu.memref_slice %arg10[%dma_start3A_473, %dma_start3A_474, %dma_start3A_475] : memref<2x160x128xf32, #tpu.memory_space<vmem>> -> memref<1x160x128xf32, #tpu.memory_space<vmem>>
      %dma_start3A_477 = tpu.memref_squeeze %dma_start3A_476 : memref<1x160x128xf32, #tpu.memory_space<vmem>> -> memref<160x128xf32, #tpu.memory_space<vmem>>
      %dma_start3A_478 = arith.constant 0 : i32
      %dma_start3A_479 = tpu.memref_slice %arg5[%add3A_472, %dma_start3A_478] : memref<3276800x128xf32, #tpu.memory_space<hbm>> -> memref<160x128xf32, #tpu.memory_space<hbm>>
      %dma_start3A_480 = arith.constant 0 : i32
      %dma_start3A_481 = tpu.memref_slice %arg5[%add3A_472, %dma_start3A_480] : memref<3276800x128xf32, #tpu.memory_space<hbm>> -> memref<160x128xf32, #tpu.memory_space<hbm>>
      %dma_start3A_482 = arith.constant 0 : i32
      %dma_start3A_483 = arith.constant 0 : i32
      %dma_start3A_484 = tpu.memref_slice %arg10[%dma_start3A_473, %dma_start3A_482, %dma_start3A_483] : memref<2x160x128xf32, #tpu.memory_space<vmem>> -> memref<1x160x128xf32, #tpu.memory_space<vmem>>
      %dma_start3A_485 = tpu.memref_squeeze %dma_start3A_484 : memref<1x160x128xf32, #tpu.memory_space<vmem>> -> memref<160x128xf32, #tpu.memory_space<vmem>>
      tpu.enqueue_dma source(%dma_start3A_485 : memref<160x128xf32, #tpu.memory_space<vmem>>) target(%dma_start3A_481 : memref<160x128xf32, #tpu.memory_space<hbm>>) target_semaphore(%arg15 : memref<!tpu.dma_semaphore, #tpu.memory_space<semaphore_mem>>)
      %mul3A_486 = arith.constant 8 : i32
      %mul3A_487 = arith.muli %add3A_282, %mul3A_486 : i32
      %add3A_488 = arith.addi %mul3A_2, %mul3A_487 : i32
      %mul3A_489 = arith.constant 200 : i32
      %mul3A_490 = arith.muli %add3A_488, %mul3A_489 : i32
      %add3A_491 = arith.constant 320 : i32
      %add3A_492 = arith.addi %mul3A_490, %add3A_491 : i32
      %dma_wait3A_493 = arith.constant 0 : i32
      %dma_wait3A_494 = arith.constant 0 : i32
      %dma_wait3A_495 = arith.constant 0 : i32
      %dma_wait3A_496 = tpu.memref_slice %arg10[%dma_wait3A_493, %dma_wait3A_494, %dma_wait3A_495] : memref<2x160x128xf32, #tpu.memory_space<vmem>> -> memref<1x160x128xf32, #tpu.memory_space<vmem>>
      %dma_wait3A_497 = tpu.memref_squeeze %dma_wait3A_496 : memref<1x160x128xf32, #tpu.memory_space<vmem>> -> memref<160x128xf32, #tpu.memory_space<vmem>>
      %dma_wait3A_498 = arith.constant 0 : i32
      %dma_wait3A_499 = tpu.memref_slice %arg5[%add3A_492, %dma_wait3A_498] : memref<3276800x128xf32, #tpu.memory_space<hbm>> -> memref<160x128xf32, #tpu.memory_space<hbm>>
      %dma_wait3A_500 = arith.constant 0 : i32
      %dma_wait3A_501 = tpu.memref_slice %arg5[%add3A_492, %dma_wait3A_500] : memref<3276800x128xf32, #tpu.memory_space<hbm>> -> memref<160x128xf32, #tpu.memory_space<hbm>>
      %dma_wait3A_502 = arith.constant 0 : i32
      %dma_wait3A_503 = arith.constant 0 : i32
      %dma_wait3A_504 = tpu.memref_slice %arg10[%dma_wait3A_493, %dma_wait3A_502, %dma_wait3A_503] : memref<2x160x128xf32, #tpu.memory_space<vmem>> -> memref<1x160x128xf32, #tpu.memory_space<vmem>>
      %dma_wait3A_505 = tpu.memref_squeeze %dma_wait3A_504 : memref<1x160x128xf32, #tpu.memory_space<vmem>> -> memref<160x128xf32, #tpu.memory_space<vmem>>
      tpu.wait_dma2 semaphore(%arg14 : memref<!tpu.dma_semaphore, #tpu.memory_space<semaphore_mem>>) src(%dma_wait3A_505 : memref<160x128xf32, #tpu.memory_space<vmem>>) dst(%dma_wait3A_501 : memref<160x128xf32, #tpu.memory_space<hbm>>)
      %dma_start3A_506 = arith.constant 0 : i32
      %dma_start3A_507 = arith.constant 0 : i32
      %dma_start3A_508 = arith.constant 0 : i32
      %dma_start3A_509 = tpu.memref_slice %arg10[%dma_start3A_506, %dma_start3A_507, %dma_start3A_508] : memref<2x160x128xf32, #tpu.memory_space<vmem>> -> memref<1x160x128xf32, #tpu.memory_space<vmem>>
      %dma_start3A_510 = tpu.memref_squeeze %dma_start3A_509 : memref<1x160x128xf32, #tpu.memory_space<vmem>> -> memref<160x128xf32, #tpu.memory_space<vmem>>
      %dma_start3A_511 = arith.constant 640 : i32
      %dma_start3A_512 = tpu.memref_slice %arg8[%dma_start3A_511] : memref<1600xi32, #tpu.memory_space<vmem>> -> memref<160xi32, #tpu.memory_space<vmem>>
      %dma_start3A_513 = arith.constant 0 : i32
      %dma_start3A_514 = arith.constant 0 : i32
      %dma_start3A_515 = tpu.memref_slice %arg11[%dma_start3A_513, %dma_start3A_514] : memref<10000x128xf32, #tpu.memory_space<vmem_shared>> -> memref<10000x128xf32, #tpu.memory_space<vmem_shared>>
      tpu.enqueue_indirect_dma source(%dma_start3A_515 : memref<10000x128xf32, #tpu.memory_space<vmem_shared>>) target(%dma_start3A_510 : memref<160x128xf32, #tpu.memory_space<vmem>>) offsets(%dma_start3A_512 : memref<160xi32, #tpu.memory_space<vmem>>) semaphore(%arg12 : memref<!tpu.dma_semaphore, #tpu.memory_space<semaphore_mem>>)
      %dma_wait3A_516 = arith.constant 0 : i32
      %dma_wait3A_517 = arith.constant 0 : i32
      %dma_wait3A_518 = arith.constant 0 : i32
      %dma_wait3A_519 = tpu.memref_slice %arg10[%dma_wait3A_516, %dma_wait3A_517, %dma_wait3A_518] : memref<2x160x128xf32, #tpu.memory_space<vmem>> -> memref<1x160x128xf32, #tpu.memory_space<vmem>>
      %dma_wait3A_520 = tpu.memref_squeeze %dma_wait3A_519 : memref<1x160x128xf32, #tpu.memory_space<vmem>> -> memref<160x128xf32, #tpu.memory_space<vmem>>
      %dma_wait3A_521 = arith.constant 640 : i32
      %dma_wait3A_522 = tpu.memref_slice %arg8[%dma_wait3A_521] : memref<1600xi32, #tpu.memory_space<vmem>> -> memref<160xi32, #tpu.memory_space<vmem>>
      %dma_wait3A_523 = arith.constant 0 : i32
      %dma_wait3A_524 = arith.constant 0 : i32
      %dma_wait3A_525 = tpu.memref_slice %arg11[%dma_wait3A_523, %dma_wait3A_524] : memref<10000x128xf32, #tpu.memory_space<vmem_shared>> -> memref<10000x128xf32, #tpu.memory_space<vmem_shared>>
      tpu.wait_indirect_dma semaphore(%arg12 : memref<!tpu.dma_semaphore, #tpu.memory_space<semaphore_mem>>) src(%dma_wait3A_525 : memref<10000x128xf32, #tpu.memory_space<vmem_shared>>) dst(%dma_wait3A_520 : memref<160x128xf32, #tpu.memory_space<vmem>>)
      %mul3A_526 = arith.constant 8 : i32
      %mul3A_527 = arith.muli %add3A_282, %mul3A_526 : i32
      %add3A_528 = arith.addi %mul3A_2, %mul3A_527 : i32
      %mul3A_529 = arith.constant 200 : i32
      %mul3A_530 = arith.muli %add3A_528, %mul3A_529 : i32
      %add3A_531 = arith.constant 640 : i32
      %add3A_532 = arith.addi %mul3A_530, %add3A_531 : i32
      %dma_start3A_533 = arith.constant 0 : i32
      %dma_start3A_534 = arith.constant 0 : i32
      %dma_start3A_535 = arith.constant 0 : i32
      %dma_start3A_536 = tpu.memref_slice %arg10[%dma_start3A_533, %dma_start3A_534, %dma_start3A_535] : memref<2x160x128xf32, #tpu.memory_space<vmem>> -> memref<1x160x128xf32, #tpu.memory_space<vmem>>
      %dma_start3A_537 = tpu.memref_squeeze %dma_start3A_536 : memref<1x160x128xf32, #tpu.memory_space<vmem>> -> memref<160x128xf32, #tpu.memory_space<vmem>>
      %dma_start3A_538 = arith.constant 0 : i32
      %dma_start3A_539 = tpu.memref_slice %arg5[%add3A_532, %dma_start3A_538] : memref<3276800x128xf32, #tpu.memory_space<hbm>> -> memref<160x128xf32, #tpu.memory_space<hbm>>
      %dma_start3A_540 = arith.constant 0 : i32
      %dma_start3A_541 = tpu.memref_slice %arg5[%add3A_532, %dma_start3A_540] : memref<3276800x128xf32, #tpu.memory_space<hbm>> -> memref<160x128xf32, #tpu.memory_space<hbm>>
      %dma_start3A_542 = arith.constant 0 : i32
      %dma_start3A_543 = arith.constant 0 : i32
      %dma_start3A_544 = tpu.memref_slice %arg10[%dma_start3A_533, %dma_start3A_542, %dma_start3A_543] : memref<2x160x128xf32, #tpu.memory_space<vmem>> -> memref<1x160x128xf32, #tpu.memory_space<vmem>>
      %dma_start3A_545 = tpu.memref_squeeze %dma_start3A_544 : memref<1x160x128xf32, #tpu.memory_space<vmem>> -> memref<160x128xf32, #tpu.memory_space<vmem>>
      tpu.enqueue_dma source(%dma_start3A_545 : memref<160x128xf32, #tpu.memory_space<vmem>>) target(%dma_start3A_541 : memref<160x128xf32, #tpu.memory_space<hbm>>) target_semaphore(%arg14 : memref<!tpu.dma_semaphore, #tpu.memory_space<semaphore_mem>>)
      %mul3A_546 = arith.constant 8 : i32
      %mul3A_547 = arith.muli %add3A_282, %mul3A_546 : i32
      %add3A_548 = arith.addi %mul3A_2, %mul3A_547 : i32
      %mul3A_549 = arith.constant 200 : i32
      %mul3A_550 = arith.muli %add3A_548, %mul3A_549 : i32
      %add3A_551 = arith.constant 480 : i32
      %add3A_552 = arith.addi %mul3A_550, %add3A_551 : i32
      %dma_wait3A_553 = arith.constant 1 : i32
      %dma_wait3A_554 = arith.constant 0 : i32
      %dma_wait3A_555 = arith.constant 0 : i32
      %dma_wait3A_556 = tpu.memref_slice %arg10[%dma_wait3A_553, %dma_wait3A_554, %dma_wait3A_555] : memref<2x160x128xf32, #tpu.memory_space<vmem>> -> memref<1x160x128xf32, #tpu.memory_space<vmem>>
      %dma_wait3A_557 = tpu.memref_squeeze %dma_wait3A_556 : memref<1x160x128xf32, #tpu.memory_space<vmem>> -> memref<160x128xf32, #tpu.memory_space<vmem>>
      %dma_wait3A_558 = arith.constant 0 : i32
      %dma_wait3A_559 = tpu.memref_slice %arg5[%add3A_552, %dma_wait3A_558] : memref<3276800x128xf32, #tpu.memory_space<hbm>> -> memref<160x128xf32, #tpu.memory_space<hbm>>
      %dma_wait3A_560 = arith.constant 0 : i32
      %dma_wait3A_561 = tpu.memref_slice %arg5[%add3A_552, %dma_wait3A_560] : memref<3276800x128xf32, #tpu.memory_space<hbm>> -> memref<160x128xf32, #tpu.memory_space<hbm>>
      %dma_wait3A_562 = arith.constant 0 : i32
      %dma_wait3A_563 = arith.constant 0 : i32
      %dma_wait3A_564 = tpu.memref_slice %arg10[%dma_wait3A_553, %dma_wait3A_562, %dma_wait3A_563] : memref<2x160x128xf32, #tpu.memory_space<vmem>> -> memref<1x160x128xf32, #tpu.memory_space<vmem>>
      %dma_wait3A_565 = tpu.memref_squeeze %dma_wait3A_564 : memref<1x160x128xf32, #tpu.memory_space<vmem>> -> memref<160x128xf32, #tpu.memory_space<vmem>>
      tpu.wait_dma2 semaphore(%arg15 : memref<!tpu.dma_semaphore, #tpu.memory_space<semaphore_mem>>) src(%dma_wait3A_565 : memref<160x128xf32, #tpu.memory_space<vmem>>) dst(%dma_wait3A_561 : memref<160x128xf32, #tpu.memory_space<hbm>>)
      %dma_start3A_566 = arith.constant 1 : i32
      %dma_start3A_567 = arith.constant 0 : i32
      %dma_start3A_568 = arith.constant 0 : i32
      %dma_start3A_569 = tpu.memref_slice %arg10[%dma_start3A_566, %dma_start3A_567, %dma_start3A_568] : memref<2x160x128xf32, #tpu.memory_space<vmem>> -> memref<1x160x128xf32, #tpu.memory_space<vmem>>
      %dma_start3A_570 = tpu.memref_squeeze %dma_start3A_569 : memref<1x160x128xf32, #tpu.memory_space<vmem>> -> memref<160x128xf32, #tpu.memory_space<vmem>>
      %dma_start3A_571 = arith.constant 800 : i32
      %dma_start3A_572 = tpu.memref_slice %arg8[%dma_start3A_571] : memref<1600xi32, #tpu.memory_space<vmem>> -> memref<160xi32, #tpu.memory_space<vmem>>
      %dma_start3A_573 = arith.constant 0 : i32
      %dma_start3A_574 = arith.constant 0 : i32
      %dma_start3A_575 = tpu.memref_slice %arg11[%dma_start3A_573, %dma_start3A_574] : memref<10000x128xf32, #tpu.memory_space<vmem_shared>> -> memref<10000x128xf32, #tpu.memory_space<vmem_shared>>
      tpu.enqueue_indirect_dma source(%dma_start3A_575 : memref<10000x128xf32, #tpu.memory_space<vmem_shared>>) target(%dma_start3A_570 : memref<160x128xf32, #tpu.memory_space<vmem>>) offsets(%dma_start3A_572 : memref<160xi32, #tpu.memory_space<vmem>>) semaphore(%arg13 : memref<!tpu.dma_semaphore, #tpu.memory_space<semaphore_mem>>)
      %dma_wait3A_576 = arith.constant 1 : i32
      %dma_wait3A_577 = arith.constant 0 : i32
      %dma_wait3A_578 = arith.constant 0 : i32
      %dma_wait3A_579 = tpu.memref_slice %arg10[%dma_wait3A_576, %dma_wait3A_577, %dma_wait3A_578] : memref<2x160x128xf32, #tpu.memory_space<vmem>> -> memref<1x160x128xf32, #tpu.memory_space<vmem>>
      %dma_wait3A_580 = tpu.memref_squeeze %dma_wait3A_579 : memref<1x160x128xf32, #tpu.memory_space<vmem>> -> memref<160x128xf32, #tpu.memory_space<vmem>>
      %dma_wait3A_581 = arith.constant 800 : i32
      %dma_wait3A_582 = tpu.memref_slice %arg8[%dma_wait3A_581] : memref<1600xi32, #tpu.memory_space<vmem>> -> memref<160xi32, #tpu.memory_space<vmem>>
      %dma_wait3A_583 = arith.constant 0 : i32
      %dma_wait3A_584 = arith.constant 0 : i32
      %dma_wait3A_585 = tpu.memref_slice %arg11[%dma_wait3A_583, %dma_wait3A_584] : memref<10000x128xf32, #tpu.memory_space<vmem_shared>> -> memref<10000x128xf32, #tpu.memory_space<vmem_shared>>
      tpu.wait_indirect_dma semaphore(%arg13 : memref<!tpu.dma_semaphore, #tpu.memory_space<semaphore_mem>>) src(%dma_wait3A_585 : memref<10000x128xf32, #tpu.memory_space<vmem_shared>>) dst(%dma_wait3A_580 : memref<160x128xf32, #tpu.memory_space<vmem>>)
      %mul3A_586 = arith.constant 8 : i32
      %mul3A_587 = arith.muli %add3A_282, %mul3A_586 : i32
      %add3A_588 = arith.addi %mul3A_2, %mul3A_587 : i32
      %mul3A_589 = arith.constant 200 : i32
      %mul3A_590 = arith.muli %add3A_588, %mul3A_589 : i32
      %add3A_591 = arith.constant 800 : i32
      %add3A_592 = arith.addi %mul3A_590, %add3A_591 : i32
      %dma_start3A_593 = arith.constant 1 : i32
      %dma_start3A_594 = arith.constant 0 : i32
      %dma_start3A_595 = arith.constant 0 : i32
      %dma_start3A_596 = tpu.memref_slice %arg10[%dma_start3A_593, %dma_start3A_594, %dma_start3A_595] : memref<2x160x128xf32, #tpu.memory_space<vmem>> -> memref<1x160x128xf32, #tpu.memory_space<vmem>>
      %dma_start3A_597 = tpu.memref_squeeze %dma_start3A_596 : memref<1x160x128xf32, #tpu.memory_space<vmem>> -> memref<160x128xf32, #tpu.memory_space<vmem>>
      %dma_start3A_598 = arith.constant 0 : i32
      %dma_start3A_599 = tpu.memref_slice %arg5[%add3A_592, %dma_start3A_598] : memref<3276800x128xf32, #tpu.memory_space<hbm>> -> memref<160x128xf32, #tpu.memory_space<hbm>>
      %dma_start3A_600 = arith.constant 0 : i32
      %dma_start3A_601 = tpu.memref_slice %arg5[%add3A_592, %dma_start3A_600] : memref<3276800x128xf32, #tpu.memory_space<hbm>> -> memref<160x128xf32, #tpu.memory_space<hbm>>
      %dma_start3A_602 = arith.constant 0 : i32
      %dma_start3A_603 = arith.constant 0 : i32
      %dma_start3A_604 = tpu.memref_slice %arg10[%dma_start3A_593, %dma_start3A_602, %dma_start3A_603] : memref<2x160x128xf32, #tpu.memory_space<vmem>> -> memref<1x160x128xf32, #tpu.memory_space<vmem>>
      %dma_start3A_605 = tpu.memref_squeeze %dma_start3A_604 : memref<1x160x128xf32, #tpu.memory_space<vmem>> -> memref<160x128xf32, #tpu.memory_space<vmem>>
      tpu.enqueue_dma source(%dma_start3A_605 : memref<160x128xf32, #tpu.memory_space<vmem>>) target(%dma_start3A_601 : memref<160x128xf32, #tpu.memory_space<hbm>>) target_semaphore(%arg15 : memref<!tpu.dma_semaphore, #tpu.memory_space<semaphore_mem>>)
      %mul3A_606 = arith.constant 8 : i32
      %mul3A_607 = arith.muli %add3A_282, %mul3A_606 : i32
      %add3A_608 = arith.addi %mul3A_2, %mul3A_607 : i32
      %mul3A_609 = arith.constant 200 : i32
      %mul3A_610 = arith.muli %add3A_608, %mul3A_609 : i32
      %add3A_611 = arith.constant 640 : i32
      %add3A_612 = arith.addi %mul3A_610, %add3A_611 : i32
      %dma_wait3A_613 = arith.constant 0 : i32
      %dma_wait3A_614 = arith.constant 0 : i32
      %dma_wait3A_615 = arith.constant 0 : i32
      %dma_wait3A_616 = tpu.memref_slice %arg10[%dma_wait3A_613, %dma_wait3A_614, %dma_wait3A_615] : memref<2x160x128xf32, #tpu.memory_space<vmem>> -> memref<1x160x128xf32, #tpu.memory_space<vmem>>
      %dma_wait3A_617 = tpu.memref_squeeze %dma_wait3A_616 : memref<1x160x128xf32, #tpu.memory_space<vmem>> -> memref<160x128xf32, #tpu.memory_space<vmem>>
      %dma_wait3A_618 = arith.constant 0 : i32
      %dma_wait3A_619 = tpu.memref_slice %arg5[%add3A_612, %dma_wait3A_618] : memref<3276800x128xf32, #tpu.memory_space<hbm>> -> memref<160x128xf32, #tpu.memory_space<hbm>>
      %dma_wait3A_620 = arith.constant 0 : i32
      %dma_wait3A_621 = tpu.memref_slice %arg5[%add3A_612, %dma_wait3A_620] : memref<3276800x128xf32, #tpu.memory_space<hbm>> -> memref<160x128xf32, #tpu.memory_space<hbm>>
      %dma_wait3A_622 = arith.constant 0 : i32
      %dma_wait3A_623 = arith.constant 0 : i32
      %dma_wait3A_624 = tpu.memref_slice %arg10[%dma_wait3A_613, %dma_wait3A_622, %dma_wait3A_623] : memref<2x160x128xf32, #tpu.memory_space<vmem>> -> memref<1x160x128xf32, #tpu.memory_space<vmem>>
      %dma_wait3A_625 = tpu.memref_squeeze %dma_wait3A_624 : memref<1x160x128xf32, #tpu.memory_space<vmem>> -> memref<160x128xf32, #tpu.memory_space<vmem>>
      tpu.wait_dma2 semaphore(%arg14 : memref<!tpu.dma_semaphore, #tpu.memory_space<semaphore_mem>>) src(%dma_wait3A_625 : memref<160x128xf32, #tpu.memory_space<vmem>>) dst(%dma_wait3A_621 : memref<160x128xf32, #tpu.memory_space<hbm>>)
      %dma_start3A_626 = arith.constant 0 : i32
      %dma_start3A_627 = arith.constant 0 : i32
      %dma_start3A_628 = arith.constant 0 : i32
      %dma_start3A_629 = tpu.memref_slice %arg10[%dma_start3A_626, %dma_start3A_627, %dma_start3A_628] : memref<2x160x128xf32, #tpu.memory_space<vmem>> -> memref<1x160x128xf32, #tpu.memory_space<vmem>>
      %dma_start3A_630 = tpu.memref_squeeze %dma_start3A_629 : memref<1x160x128xf32, #tpu.memory_space<vmem>> -> memref<160x128xf32, #tpu.memory_space<vmem>>
      %dma_start3A_631 = arith.constant 960 : i32
      %dma_start3A_632 = tpu.memref_slice %arg8[%dma_start3A_631] : memref<1600xi32, #tpu.memory_space<vmem>> -> memref<160xi32, #tpu.memory_space<vmem>>
      %dma_start3A_633 = arith.constant 0 : i32
      %dma_start3A_634 = arith.constant 0 : i32
      %dma_start3A_635 = tpu.memref_slice %arg11[%dma_start3A_633, %dma_start3A_634] : memref<10000x128xf32, #tpu.memory_space<vmem_shared>> -> memref<10000x128xf32, #tpu.memory_space<vmem_shared>>
      tpu.enqueue_indirect_dma source(%dma_start3A_635 : memref<10000x128xf32, #tpu.memory_space<vmem_shared>>) target(%dma_start3A_630 : memref<160x128xf32, #tpu.memory_space<vmem>>) offsets(%dma_start3A_632 : memref<160xi32, #tpu.memory_space<vmem>>) semaphore(%arg12 : memref<!tpu.dma_semaphore, #tpu.memory_space<semaphore_mem>>)
      %dma_wait3A_636 = arith.constant 0 : i32
      %dma_wait3A_637 = arith.constant 0 : i32
      %dma_wait3A_638 = arith.constant 0 : i32
      %dma_wait3A_639 = tpu.memref_slice %arg10[%dma_wait3A_636, %dma_wait3A_637, %dma_wait3A_638] : memref<2x160x128xf32, #tpu.memory_space<vmem>> -> memref<1x160x128xf32, #tpu.memory_space<vmem>>
      %dma_wait3A_640 = tpu.memref_squeeze %dma_wait3A_639 : memref<1x160x128xf32, #tpu.memory_space<vmem>> -> memref<160x128xf32, #tpu.memory_space<vmem>>
      %dma_wait3A_641 = arith.constant 960 : i32
      %dma_wait3A_642 = tpu.memref_slice %arg8[%dma_wait3A_641] : memref<1600xi32, #tpu.memory_space<vmem>> -> memref<160xi32, #tpu.memory_space<vmem>>
      %dma_wait3A_643 = arith.constant 0 : i32
      %dma_wait3A_644 = arith.constant 0 : i32
      %dma_wait3A_645 = tpu.memref_slice %arg11[%dma_wait3A_643, %dma_wait3A_644] : memref<10000x128xf32, #tpu.memory_space<vmem_shared>> -> memref<10000x128xf32, #tpu.memory_space<vmem_shared>>
      tpu.wait_indirect_dma semaphore(%arg12 : memref<!tpu.dma_semaphore, #tpu.memory_space<semaphore_mem>>) src(%dma_wait3A_645 : memref<10000x128xf32, #tpu.memory_space<vmem_shared>>) dst(%dma_wait3A_640 : memref<160x128xf32, #tpu.memory_space<vmem>>)
      %mul3A_646 = arith.constant 8 : i32
      %mul3A_647 = arith.muli %add3A_282, %mul3A_646 : i32
      %add3A_648 = arith.addi %mul3A_2, %mul3A_647 : i32
      %mul3A_649 = arith.constant 200 : i32
      %mul3A_650 = arith.muli %add3A_648, %mul3A_649 : i32
      %add3A_651 = arith.constant 960 : i32
      %add3A_652 = arith.addi %mul3A_650, %add3A_651 : i32
      %dma_start3A_653 = arith.constant 0 : i32
      %dma_start3A_654 = arith.constant 0 : i32
      %dma_start3A_655 = arith.constant 0 : i32
      %dma_start3A_656 = tpu.memref_slice %arg10[%dma_start3A_653, %dma_start3A_654, %dma_start3A_655] : memref<2x160x128xf32, #tpu.memory_space<vmem>> -> memref<1x160x128xf32, #tpu.memory_space<vmem>>
      %dma_start3A_657 = tpu.memref_squeeze %dma_start3A_656 : memref<1x160x128xf32, #tpu.memory_space<vmem>> -> memref<160x128xf32, #tpu.memory_space<vmem>>
      %dma_start3A_658 = arith.constant 0 : i32
      %dma_start3A_659 = tpu.memref_slice %arg5[%add3A_652, %dma_start3A_658] : memref<3276800x128xf32, #tpu.memory_space<hbm>> -> memref<160x128xf32, #tpu.memory_space<hbm>>
      %dma_start3A_660 = arith.constant 0 : i32
      %dma_start3A_661 = tpu.memref_slice %arg5[%add3A_652, %dma_start3A_660] : memref<3276800x128xf32, #tpu.memory_space<hbm>> -> memref<160x128xf32, #tpu.memory_space<hbm>>
      %dma_start3A_662 = arith.constant 0 : i32
      %dma_start3A_663 = arith.constant 0 : i32
      %dma_start3A_664 = tpu.memref_slice %arg10[%dma_start3A_653, %dma_start3A_662, %dma_start3A_663] : memref<2x160x128xf32, #tpu.memory_space<vmem>> -> memref<1x160x128xf32, #tpu.memory_space<vmem>>
      %dma_start3A_665 = tpu.memref_squeeze %dma_start3A_664 : memref<1x160x128xf32, #tpu.memory_space<vmem>> -> memref<160x128xf32, #tpu.memory_space<vmem>>
      tpu.enqueue_dma source(%dma_start3A_665 : memref<160x128xf32, #tpu.memory_space<vmem>>) target(%dma_start3A_661 : memref<160x128xf32, #tpu.memory_space<hbm>>) target_semaphore(%arg14 : memref<!tpu.dma_semaphore, #tpu.memory_space<semaphore_mem>>)
      %mul3A_666 = arith.constant 8 : i32
      %mul3A_667 = arith.muli %add3A_282, %mul3A_666 : i32
      %add3A_668 = arith.addi %mul3A_2, %mul3A_667 : i32
      %mul3A_669 = arith.constant 200 : i32
      %mul3A_670 = arith.muli %add3A_668, %mul3A_669 : i32
      %add3A_671 = arith.constant 800 : i32
      %add3A_672 = arith.addi %mul3A_670, %add3A_671 : i32
      %dma_wait3A_673 = arith.constant 1 : i32
      %dma_wait3A_674 = arith.constant 0 : i32
      %dma_wait3A_675 = arith.constant 0 : i32
      %dma_wait3A_676 = tpu.memref_slice %arg10[%dma_wait3A_673, %dma_wait3A_674, %dma_wait3A_675] : memref<2x160x128xf32, #tpu.memory_space<vmem>> -> memref<1x160x128xf32, #tpu.memory_space<vmem>>
      %dma_wait3A_677 = tpu.memref_squeeze %dma_wait3A_676 : memref<1x160x128xf32, #tpu.memory_space<vmem>> -> memref<160x128xf32, #tpu.memory_space<vmem>>
      %dma_wait3A_678 = arith.constant 0 : i32
      %dma_wait3A_679 = tpu.memref_slice %arg5[%add3A_672, %dma_wait3A_678] : memref<3276800x128xf32, #tpu.memory_space<hbm>> -> memref<160x128xf32, #tpu.memory_space<hbm>>
      %dma_wait3A_680 = arith.constant 0 : i32
      %dma_wait3A_681 = tpu.memref_slice %arg5[%add3A_672, %dma_wait3A_680] : memref<3276800x128xf32, #tpu.memory_space<hbm>> -> memref<160x128xf32, #tpu.memory_space<hbm>>
      %dma_wait3A_682 = arith.constant 0 : i32
      %dma_wait3A_683 = arith.constant 0 : i32
      %dma_wait3A_684 = tpu.memref_slice %arg10[%dma_wait3A_673, %dma_wait3A_682, %dma_wait3A_683] : memref<2x160x128xf32, #tpu.memory_space<vmem>> -> memref<1x160x128xf32, #tpu.memory_space<vmem>>
      %dma_wait3A_685 = tpu.memref_squeeze %dma_wait3A_684 : memref<1x160x128xf32, #tpu.memory_space<vmem>> -> memref<160x128xf32, #tpu.memory_space<vmem>>
      tpu.wait_dma2 semaphore(%arg15 : memref<!tpu.dma_semaphore, #tpu.memory_space<semaphore_mem>>) src(%dma_wait3A_685 : memref<160x128xf32, #tpu.memory_space<vmem>>) dst(%dma_wait3A_681 : memref<160x128xf32, #tpu.memory_space<hbm>>)
      %dma_start3A_686 = arith.constant 1 : i32
      %dma_start3A_687 = arith.constant 0 : i32
      %dma_start3A_688 = arith.constant 0 : i32
      %dma_start3A_689 = tpu.memref_slice %arg10[%dma_start3A_686, %dma_start3A_687, %dma_start3A_688] : memref<2x160x128xf32, #tpu.memory_space<vmem>> -> memref<1x160x128xf32, #tpu.memory_space<vmem>>
      %dma_start3A_690 = tpu.memref_squeeze %dma_start3A_689 : memref<1x160x128xf32, #tpu.memory_space<vmem>> -> memref<160x128xf32, #tpu.memory_space<vmem>>
      %dma_start3A_691 = arith.constant 1120 : i32
      %dma_start3A_692 = tpu.memref_slice %arg8[%dma_start3A_691] : memref<1600xi32, #tpu.memory_space<vmem>> -> memref<160xi32, #tpu.memory_space<vmem>>
      %dma_start3A_693 = arith.constant 0 : i32
      %dma_start3A_694 = arith.constant 0 : i32
      %dma_start3A_695 = tpu.memref_slice %arg11[%dma_start3A_693, %dma_start3A_694] : memref<10000x128xf32, #tpu.memory_space<vmem_shared>> -> memref<10000x128xf32, #tpu.memory_space<vmem_shared>>
      tpu.enqueue_indirect_dma source(%dma_start3A_695 : memref<10000x128xf32, #tpu.memory_space<vmem_shared>>) target(%dma_start3A_690 : memref<160x128xf32, #tpu.memory_space<vmem>>) offsets(%dma_start3A_692 : memref<160xi32, #tpu.memory_space<vmem>>) semaphore(%arg13 : memref<!tpu.dma_semaphore, #tpu.memory_space<semaphore_mem>>)
      %dma_wait3A_696 = arith.constant 1 : i32
      %dma_wait3A_697 = arith.constant 0 : i32
      %dma_wait3A_698 = arith.constant 0 : i32
      %dma_wait3A_699 = tpu.memref_slice %arg10[%dma_wait3A_696, %dma_wait3A_697, %dma_wait3A_698] : memref<2x160x128xf32, #tpu.memory_space<vmem>> -> memref<1x160x128xf32, #tpu.memory_space<vmem>>
      %dma_wait3A_700 = tpu.memref_squeeze %dma_wait3A_699 : memref<1x160x128xf32, #tpu.memory_space<vmem>> -> memref<160x128xf32, #tpu.memory_space<vmem>>
      %dma_wait3A_701 = arith.constant 1120 : i32
      %dma_wait3A_702 = tpu.memref_slice %arg8[%dma_wait3A_701] : memref<1600xi32, #tpu.memory_space<vmem>> -> memref<160xi32, #tpu.memory_space<vmem>>
      %dma_wait3A_703 = arith.constant 0 : i32
      %dma_wait3A_704 = arith.constant 0 : i32
      %dma_wait3A_705 = tpu.memref_slice %arg11[%dma_wait3A_703, %dma_wait3A_704] : memref<10000x128xf32, #tpu.memory_space<vmem_shared>> -> memref<10000x128xf32, #tpu.memory_space<vmem_shared>>
      tpu.wait_indirect_dma semaphore(%arg13 : memref<!tpu.dma_semaphore, #tpu.memory_space<semaphore_mem>>) src(%dma_wait3A_705 : memref<10000x128xf32, #tpu.memory_space<vmem_shared>>) dst(%dma_wait3A_700 : memref<160x128xf32, #tpu.memory_space<vmem>>)
      %mul3A_706 = arith.constant 8 : i32
      %mul3A_707 = arith.muli %add3A_282, %mul3A_706 : i32
      %add3A_708 = arith.addi %mul3A_2, %mul3A_707 : i32
      %mul3A_709 = arith.constant 200 : i32
      %mul3A_710 = arith.muli %add3A_708, %mul3A_709 : i32
      %add3A_711 = arith.constant 1120 : i32
      %add3A_712 = arith.addi %mul3A_710, %add3A_711 : i32
      %dma_start3A_713 = arith.constant 1 : i32
      %dma_start3A_714 = arith.constant 0 : i32
      %dma_start3A_715 = arith.constant 0 : i32
      %dma_start3A_716 = tpu.memref_slice %arg10[%dma_start3A_713, %dma_start3A_714, %dma_start3A_715] : memref<2x160x128xf32, #tpu.memory_space<vmem>> -> memref<1x160x128xf32, #tpu.memory_space<vmem>>
      %dma_start3A_717 = tpu.memref_squeeze %dma_start3A_716 : memref<1x160x128xf32, #tpu.memory_space<vmem>> -> memref<160x128xf32, #tpu.memory_space<vmem>>
      %dma_start3A_718 = arith.constant 0 : i32
      %dma_start3A_719 = tpu.memref_slice %arg5[%add3A_712, %dma_start3A_718] : memref<3276800x128xf32, #tpu.memory_space<hbm>> -> memref<160x128xf32, #tpu.memory_space<hbm>>
      %dma_start3A_720 = arith.constant 0 : i32
      %dma_start3A_721 = tpu.memref_slice %arg5[%add3A_712, %dma_start3A_720] : memref<3276800x128xf32, #tpu.memory_space<hbm>> -> memref<160x128xf32, #tpu.memory_space<hbm>>
      %dma_start3A_722 = arith.constant 0 : i32
      %dma_start3A_723 = arith.constant 0 : i32
      %dma_start3A_724 = tpu.memref_slice %arg10[%dma_start3A_713, %dma_start3A_722, %dma_start3A_723] : memref<2x160x128xf32, #tpu.memory_space<vmem>> -> memref<1x160x128xf32, #tpu.memory_space<vmem>>
      %dma_start3A_725 = tpu.memref_squeeze %dma_start3A_724 : memref<1x160x128xf32, #tpu.memory_space<vmem>> -> memref<160x128xf32, #tpu.memory_space<vmem>>
      tpu.enqueue_dma source(%dma_start3A_725 : memref<160x128xf32, #tpu.memory_space<vmem>>) target(%dma_start3A_721 : memref<160x128xf32, #tpu.memory_space<hbm>>) target_semaphore(%arg15 : memref<!tpu.dma_semaphore, #tpu.memory_space<semaphore_mem>>)
      %mul3A_726 = arith.constant 8 : i32
      %mul3A_727 = arith.muli %add3A_282, %mul3A_726 : i32
      %add3A_728 = arith.addi %mul3A_2, %mul3A_727 : i32
      %mul3A_729 = arith.constant 200 : i32
      %mul3A_730 = arith.muli %add3A_728, %mul3A_729 : i32
      %add3A_731 = arith.constant 960 : i32
      %add3A_732 = arith.addi %mul3A_730, %add3A_731 : i32
      %dma_wait3A_733 = arith.constant 0 : i32
      %dma_wait3A_734 = arith.constant 0 : i32
      %dma_wait3A_735 = arith.constant 0 : i32
      %dma_wait3A_736 = tpu.memref_slice %arg10[%dma_wait3A_733, %dma_wait3A_734, %dma_wait3A_735] : memref<2x160x128xf32, #tpu.memory_space<vmem>> -> memref<1x160x128xf32, #tpu.memory_space<vmem>>
      %dma_wait3A_737 = tpu.memref_squeeze %dma_wait3A_736 : memref<1x160x128xf32, #tpu.memory_space<vmem>> -> memref<160x128xf32, #tpu.memory_space<vmem>>
      %dma_wait3A_738 = arith.constant 0 : i32
      %dma_wait3A_739 = tpu.memref_slice %arg5[%add3A_732, %dma_wait3A_738] : memref<3276800x128xf32, #tpu.memory_space<hbm>> -> memref<160x128xf32, #tpu.memory_space<hbm>>
      %dma_wait3A_740 = arith.constant 0 : i32
      %dma_wait3A_741 = tpu.memref_slice %arg5[%add3A_732, %dma_wait3A_740] : memref<3276800x128xf32, #tpu.memory_space<hbm>> -> memref<160x128xf32, #tpu.memory_space<hbm>>
      %dma_wait3A_742 = arith.constant 0 : i32
      %dma_wait3A_743 = arith.constant 0 : i32
      %dma_wait3A_744 = tpu.memref_slice %arg10[%dma_wait3A_733, %dma_wait3A_742, %dma_wait3A_743] : memref<2x160x128xf32, #tpu.memory_space<vmem>> -> memref<1x160x128xf32, #tpu.memory_space<vmem>>
      %dma_wait3A_745 = tpu.memref_squeeze %dma_wait3A_744 : memref<1x160x128xf32, #tpu.memory_space<vmem>> -> memref<160x128xf32, #tpu.memory_space<vmem>>
      tpu.wait_dma2 semaphore(%arg14 : memref<!tpu.dma_semaphore, #tpu.memory_space<semaphore_mem>>) src(%dma_wait3A_745 : memref<160x128xf32, #tpu.memory_space<vmem>>) dst(%dma_wait3A_741 : memref<160x128xf32, #tpu.memory_space<hbm>>)
      %dma_start3A_746 = arith.constant 0 : i32
      %dma_start3A_747 = arith.constant 0 : i32
      %dma_start3A_748 = arith.constant 0 : i32
      %dma_start3A_749 = tpu.memref_slice %arg10[%dma_start3A_746, %dma_start3A_747, %dma_start3A_748] : memref<2x160x128xf32, #tpu.memory_space<vmem>> -> memref<1x160x128xf32, #tpu.memory_space<vmem>>
      %dma_start3A_750 = tpu.memref_squeeze %dma_start3A_749 : memref<1x160x128xf32, #tpu.memory_space<vmem>> -> memref<160x128xf32, #tpu.memory_space<vmem>>
      %dma_start3A_751 = arith.constant 1280 : i32
      %dma_start3A_752 = tpu.memref_slice %arg8[%dma_start3A_751] : memref<1600xi32, #tpu.memory_space<vmem>> -> memref<160xi32, #tpu.memory_space<vmem>>
      %dma_start3A_753 = arith.constant 0 : i32
      %dma_start3A_754 = arith.constant 0 : i32
      %dma_start3A_755 = tpu.memref_slice %arg11[%dma_start3A_753, %dma_start3A_754] : memref<10000x128xf32, #tpu.memory_space<vmem_shared>> -> memref<10000x128xf32, #tpu.memory_space<vmem_shared>>
      tpu.enqueue_indirect_dma source(%dma_start3A_755 : memref<10000x128xf32, #tpu.memory_space<vmem_shared>>) target(%dma_start3A_750 : memref<160x128xf32, #tpu.memory_space<vmem>>) offsets(%dma_start3A_752 : memref<160xi32, #tpu.memory_space<vmem>>) semaphore(%arg12 : memref<!tpu.dma_semaphore, #tpu.memory_space<semaphore_mem>>)
      %dma_wait3A_756 = arith.constant 0 : i32
      %dma_wait3A_757 = arith.constant 0 : i32
      %dma_wait3A_758 = arith.constant 0 : i32
      %dma_wait3A_759 = tpu.memref_slice %arg10[%dma_wait3A_756, %dma_wait3A_757, %dma_wait3A_758] : memref<2x160x128xf32, #tpu.memory_space<vmem>> -> memref<1x160x128xf32, #tpu.memory_space<vmem>>
      %dma_wait3A_760 = tpu.memref_squeeze %dma_wait3A_759 : memref<1x160x128xf32, #tpu.memory_space<vmem>> -> memref<160x128xf32, #tpu.memory_space<vmem>>
      %dma_wait3A_761 = arith.constant 1280 : i32
      %dma_wait3A_762 = tpu.memref_slice %arg8[%dma_wait3A_761] : memref<1600xi32, #tpu.memory_space<vmem>> -> memref<160xi32, #tpu.memory_space<vmem>>
      %dma_wait3A_763 = arith.constant 0 : i32
      %dma_wait3A_764 = arith.constant 0 : i32
      %dma_wait3A_765 = tpu.memref_slice %arg11[%dma_wait3A_763, %dma_wait3A_764] : memref<10000x128xf32, #tpu.memory_space<vmem_shared>> -> memref<10000x128xf32, #tpu.memory_space<vmem_shared>>
      tpu.wait_indirect_dma semaphore(%arg12 : memref<!tpu.dma_semaphore, #tpu.memory_space<semaphore_mem>>) src(%dma_wait3A_765 : memref<10000x128xf32, #tpu.memory_space<vmem_shared>>) dst(%dma_wait3A_760 : memref<160x128xf32, #tpu.memory_space<vmem>>)
      %mul3A_766 = arith.constant 8 : i32
      %mul3A_767 = arith.muli %add3A_282, %mul3A_766 : i32
      %add3A_768 = arith.addi %mul3A_2, %mul3A_767 : i32
      %mul3A_769 = arith.constant 200 : i32
      %mul3A_770 = arith.muli %add3A_768, %mul3A_769 : i32
      %add3A_771 = arith.constant 1280 : i32
      %add3A_772 = arith.addi %mul3A_770, %add3A_771 : i32
      %dma_start3A_773 = arith.constant 0 : i32
      %dma_start3A_774 = arith.constant 0 : i32
      %dma_start3A_775 = arith.constant 0 : i32
      %dma_start3A_776 = tpu.memref_slice %arg10[%dma_start3A_773, %dma_start3A_774, %dma_start3A_775] : memref<2x160x128xf32, #tpu.memory_space<vmem>> -> memref<1x160x128xf32, #tpu.memory_space<vmem>>
      %dma_start3A_777 = tpu.memref_squeeze %dma_start3A_776 : memref<1x160x128xf32, #tpu.memory_space<vmem>> -> memref<160x128xf32, #tpu.memory_space<vmem>>
      %dma_start3A_778 = arith.constant 0 : i32
      %dma_start3A_779 = tpu.memref_slice %arg5[%add3A_772, %dma_start3A_778] : memref<3276800x128xf32, #tpu.memory_space<hbm>> -> memref<160x128xf32, #tpu.memory_space<hbm>>
      %dma_start3A_780 = arith.constant 0 : i32
      %dma_start3A_781 = tpu.memref_slice %arg5[%add3A_772, %dma_start3A_780] : memref<3276800x128xf32, #tpu.memory_space<hbm>> -> memref<160x128xf32, #tpu.memory_space<hbm>>
      %dma_start3A_782 = arith.constant 0 : i32
      %dma_start3A_783 = arith.constant 0 : i32
      %dma_start3A_784 = tpu.memref_slice %arg10[%dma_start3A_773, %dma_start3A_782, %dma_start3A_783] : memref<2x160x128xf32, #tpu.memory_space<vmem>> -> memref<1x160x128xf32, #tpu.memory_space<vmem>>
      %dma_start3A_785 = tpu.memref_squeeze %dma_start3A_784 : memref<1x160x128xf32, #tpu.memory_space<vmem>> -> memref<160x128xf32, #tpu.memory_space<vmem>>
      tpu.enqueue_dma source(%dma_start3A_785 : memref<160x128xf32, #tpu.memory_space<vmem>>) target(%dma_start3A_781 : memref<160x128xf32, #tpu.memory_space<hbm>>) target_semaphore(%arg14 : memref<!tpu.dma_semaphore, #tpu.memory_space<semaphore_mem>>)
      %mul3A_786 = arith.constant 8 : i32
      %mul3A_787 = arith.muli %add3A_282, %mul3A_786 : i32
      %add3A_788 = arith.addi %mul3A_2, %mul3A_787 : i32
      %mul3A_789 = arith.constant 200 : i32
      %mul3A_790 = arith.muli %add3A_788, %mul3A_789 : i32
      %add3A_791 = arith.constant 1120 : i32
      %add3A_792 = arith.addi %mul3A_790, %add3A_791 : i32
      %dma_wait3A_793 = arith.constant 1 : i32
      %dma_wait3A_794 = arith.constant 0 : i32
      %dma_wait3A_795 = arith.constant 0 : i32
      %dma_wait3A_796 = tpu.memref_slice %arg10[%dma_wait3A_793, %dma_wait3A_794, %dma_wait3A_795] : memref<2x160x128xf32, #tpu.memory_space<vmem>> -> memref<1x160x128xf32, #tpu.memory_space<vmem>>
      %dma_wait3A_797 = tpu.memref_squeeze %dma_wait3A_796 : memref<1x160x128xf32, #tpu.memory_space<vmem>> -> memref<160x128xf32, #tpu.memory_space<vmem>>
      %dma_wait3A_798 = arith.constant 0 : i32
      %dma_wait3A_799 = tpu.memref_slice %arg5[%add3A_792, %dma_wait3A_798] : memref<3276800x128xf32, #tpu.memory_space<hbm>> -> memref<160x128xf32, #tpu.memory_space<hbm>>
      %dma_wait3A_800 = arith.constant 0 : i32
      %dma_wait3A_801 = tpu.memref_slice %arg5[%add3A_792, %dma_wait3A_800] : memref<3276800x128xf32, #tpu.memory_space<hbm>> -> memref<160x128xf32, #tpu.memory_space<hbm>>
      %dma_wait3A_802 = arith.constant 0 : i32
      %dma_wait3A_803 = arith.constant 0 : i32
      %dma_wait3A_804 = tpu.memref_slice %arg10[%dma_wait3A_793, %dma_wait3A_802, %dma_wait3A_803] : memref<2x160x128xf32, #tpu.memory_space<vmem>> -> memref<1x160x128xf32, #tpu.memory_space<vmem>>
      %dma_wait3A_805 = tpu.memref_squeeze %dma_wait3A_804 : memref<1x160x128xf32, #tpu.memory_space<vmem>> -> memref<160x128xf32, #tpu.memory_space<vmem>>
      tpu.wait_dma2 semaphore(%arg15 : memref<!tpu.dma_semaphore, #tpu.memory_space<semaphore_mem>>) src(%dma_wait3A_805 : memref<160x128xf32, #tpu.memory_space<vmem>>) dst(%dma_wait3A_801 : memref<160x128xf32, #tpu.memory_space<hbm>>)
      %dma_start3A_806 = arith.constant 1 : i32
      %dma_start3A_807 = arith.constant 0 : i32
      %dma_start3A_808 = arith.constant 0 : i32
      %dma_start3A_809 = tpu.memref_slice %arg10[%dma_start3A_806, %dma_start3A_807, %dma_start3A_808] : memref<2x160x128xf32, #tpu.memory_space<vmem>> -> memref<1x160x128xf32, #tpu.memory_space<vmem>>
      %dma_start3A_810 = tpu.memref_squeeze %dma_start3A_809 : memref<1x160x128xf32, #tpu.memory_space<vmem>> -> memref<160x128xf32, #tpu.memory_space<vmem>>
      %dma_start3A_811 = arith.constant 1440 : i32
      %dma_start3A_812 = tpu.memref_slice %arg8[%dma_start3A_811] : memref<1600xi32, #tpu.memory_space<vmem>> -> memref<160xi32, #tpu.memory_space<vmem>>
      %dma_start3A_813 = arith.constant 0 : i32
      %dma_start3A_814 = arith.constant 0 : i32
      %dma_start3A_815 = tpu.memref_slice %arg11[%dma_start3A_813, %dma_start3A_814] : memref<10000x128xf32, #tpu.memory_space<vmem_shared>> -> memref<10000x128xf32, #tpu.memory_space<vmem_shared>>
      tpu.enqueue_indirect_dma source(%dma_start3A_815 : memref<10000x128xf32, #tpu.memory_space<vmem_shared>>) target(%dma_start3A_810 : memref<160x128xf32, #tpu.memory_space<vmem>>) offsets(%dma_start3A_812 : memref<160xi32, #tpu.memory_space<vmem>>) semaphore(%arg13 : memref<!tpu.dma_semaphore, #tpu.memory_space<semaphore_mem>>)
      %dma_wait3A_816 = arith.constant 1 : i32
      %dma_wait3A_817 = arith.constant 0 : i32
      %dma_wait3A_818 = arith.constant 0 : i32
      %dma_wait3A_819 = tpu.memref_slice %arg10[%dma_wait3A_816, %dma_wait3A_817, %dma_wait3A_818] : memref<2x160x128xf32, #tpu.memory_space<vmem>> -> memref<1x160x128xf32, #tpu.memory_space<vmem>>
      %dma_wait3A_820 = tpu.memref_squeeze %dma_wait3A_819 : memref<1x160x128xf32, #tpu.memory_space<vmem>> -> memref<160x128xf32, #tpu.memory_space<vmem>>
      %dma_wait3A_821 = arith.constant 1440 : i32
      %dma_wait3A_822 = tpu.memref_slice %arg8[%dma_wait3A_821] : memref<1600xi32, #tpu.memory_space<vmem>> -> memref<160xi32, #tpu.memory_space<vmem>>
      %dma_wait3A_823 = arith.constant 0 : i32
      %dma_wait3A_824 = arith.constant 0 : i32
      %dma_wait3A_825 = tpu.memref_slice %arg11[%dma_wait3A_823, %dma_wait3A_824] : memref<10000x128xf32, #tpu.memory_space<vmem_shared>> -> memref<10000x128xf32, #tpu.memory_space<vmem_shared>>
      tpu.wait_indirect_dma semaphore(%arg13 : memref<!tpu.dma_semaphore, #tpu.memory_space<semaphore_mem>>) src(%dma_wait3A_825 : memref<10000x128xf32, #tpu.memory_space<vmem_shared>>) dst(%dma_wait3A_820 : memref<160x128xf32, #tpu.memory_space<vmem>>)
      %mul3A_826 = arith.constant 8 : i32
      %mul3A_827 = arith.muli %add3A_282, %mul3A_826 : i32
      %add3A_828 = arith.addi %mul3A_2, %mul3A_827 : i32
      %mul3A_829 = arith.constant 200 : i32
      %mul3A_830 = arith.muli %add3A_828, %mul3A_829 : i32
      %add3A_831 = arith.constant 1440 : i32
      %add3A_832 = arith.addi %mul3A_830, %add3A_831 : i32
      %dma_start3A_833 = arith.constant 1 : i32
      %dma_start3A_834 = arith.constant 0 : i32
      %dma_start3A_835 = arith.constant 0 : i32
      %dma_start3A_836 = tpu.memref_slice %arg10[%dma_start3A_833, %dma_start3A_834, %dma_start3A_835] : memref<2x160x128xf32, #tpu.memory_space<vmem>> -> memref<1x160x128xf32, #tpu.memory_space<vmem>>
      %dma_start3A_837 = tpu.memref_squeeze %dma_start3A_836 : memref<1x160x128xf32, #tpu.memory_space<vmem>> -> memref<160x128xf32, #tpu.memory_space<vmem>>
      %dma_start3A_838 = arith.constant 0 : i32
      %dma_start3A_839 = tpu.memref_slice %arg5[%add3A_832, %dma_start3A_838] : memref<3276800x128xf32, #tpu.memory_space<hbm>> -> memref<160x128xf32, #tpu.memory_space<hbm>>
      %dma_start3A_840 = arith.constant 0 : i32
      %dma_start3A_841 = tpu.memref_slice %arg5[%add3A_832, %dma_start3A_840] : memref<3276800x128xf32, #tpu.memory_space<hbm>> -> memref<160x128xf32, #tpu.memory_space<hbm>>
      %dma_start3A_842 = arith.constant 0 : i32
      %dma_start3A_843 = arith.constant 0 : i32
      %dma_start3A_844 = tpu.memref_slice %arg10[%dma_start3A_833, %dma_start3A_842, %dma_start3A_843] : memref<2x160x128xf32, #tpu.memory_space<vmem>> -> memref<1x160x128xf32, #tpu.memory_space<vmem>>
      %dma_start3A_845 = tpu.memref_squeeze %dma_start3A_844 : memref<1x160x128xf32, #tpu.memory_space<vmem>> -> memref<160x128xf32, #tpu.memory_space<vmem>>
      tpu.enqueue_dma source(%dma_start3A_845 : memref<160x128xf32, #tpu.memory_space<vmem>>) target(%dma_start3A_841 : memref<160x128xf32, #tpu.memory_space<hbm>>) target_semaphore(%arg15 : memref<!tpu.dma_semaphore, #tpu.memory_space<semaphore_mem>>)
      %lt3A_846 = arith.constant 63 : i32
      %lt3A_847 = arith.cmpi slt, %add3A_282, %lt3A_846 : i32
      %convert_element_type3A_848 = arith.extui %lt3A_847 : i1 to i32
      %cond3A_849 = arith.constant 0 : i32
      %cond3A_850 = arith.cmpi ne, %convert_element_type3A_848, %cond3A_849 : i32
      scf.if %cond3A_850 {
        %mul3A_1425 = arith.constant 8 : i32
        %mul3A_1426 = arith.muli %add3A_282, %mul3A_1425 : i32
        %add3A_1427 = arith.addi %mul3A_2, %mul3A_1426 : i32
        %mul3A_1428 = arith.constant 200 : i32
        %mul3A_1429 = arith.muli %add3A_1427, %mul3A_1428 : i32
        %add3A_1430 = arith.constant 1280 : i32
        %add3A_1431 = arith.addi %mul3A_1429, %add3A_1430 : i32
        %dma_wait3A_1432 = arith.constant 0 : i32
        %dma_wait3A_1433 = arith.constant 0 : i32
        %dma_wait3A_1434 = arith.constant 0 : i32
        %dma_wait3A_1435 = tpu.memref_slice %arg10[%dma_wait3A_1432, %dma_wait3A_1433, %dma_wait3A_1434] : memref<2x160x128xf32, #tpu.memory_space<vmem>> -> memref<1x160x128xf32, #tpu.memory_space<vmem>>
        %dma_wait3A_1436 = tpu.memref_squeeze %dma_wait3A_1435 : memref<1x160x128xf32, #tpu.memory_space<vmem>> -> memref<160x128xf32, #tpu.memory_space<vmem>>
        %dma_wait3A_1437 = arith.constant 0 : i32
        %dma_wait3A_1438 = tpu.memref_slice %arg5[%add3A_1431, %dma_wait3A_1437] : memref<3276800x128xf32, #tpu.memory_space<hbm>> -> memref<160x128xf32, #tpu.memory_space<hbm>>
        %dma_wait3A_1439 = arith.constant 0 : i32
        %dma_wait3A_1440 = tpu.memref_slice %arg5[%add3A_1431, %dma_wait3A_1439] : memref<3276800x128xf32, #tpu.memory_space<hbm>> -> memref<160x128xf32, #tpu.memory_space<hbm>>
        %dma_wait3A_1441 = arith.constant 0 : i32
        %dma_wait3A_1442 = arith.constant 0 : i32
        %dma_wait3A_1443 = tpu.memref_slice %arg10[%dma_wait3A_1432, %dma_wait3A_1441, %dma_wait3A_1442] : memref<2x160x128xf32, #tpu.memory_space<vmem>> -> memref<1x160x128xf32, #tpu.memory_space<vmem>>
        %dma_wait3A_1444 = tpu.memref_squeeze %dma_wait3A_1443 : memref<1x160x128xf32, #tpu.memory_space<vmem>> -> memref<160x128xf32, #tpu.memory_space<vmem>>
        tpu.wait_dma2 semaphore(%arg14 : memref<!tpu.dma_semaphore, #tpu.memory_space<semaphore_mem>>) src(%dma_wait3A_1444 : memref<160x128xf32, #tpu.memory_space<vmem>>) dst(%dma_wait3A_1440 : memref<160x128xf32, #tpu.memory_space<hbm>>)
        %dma_start3A_1445 = arith.constant 0 : i32
        %dma_start3A_1446 = arith.constant 0 : i32
        %dma_start3A_1447 = arith.constant 0 : i32
        %dma_start3A_1448 = tpu.memref_slice %arg10[%dma_start3A_1445, %dma_start3A_1446, %dma_start3A_1447] : memref<2x160x128xf32, #tpu.memory_space<vmem>> -> memref<1x160x128xf32, #tpu.memory_space<vmem>>
        %dma_start3A_1449 = tpu.memref_squeeze %dma_start3A_1448 : memref<1x160x128xf32, #tpu.memory_space<vmem>> -> memref<160x128xf32, #tpu.memory_space<vmem>>
        %dma_start3A_1450 = arith.constant 0 : i32
        %dma_start3A_1451 = tpu.memref_slice %arg9[%dma_start3A_1450] : memref<1600xi32, #tpu.memory_space<vmem>> -> memref<160xi32, #tpu.memory_space<vmem>>
        %dma_start3A_1452 = arith.constant 0 : i32
        %dma_start3A_1453 = arith.constant 0 : i32
        %dma_start3A_1454 = tpu.memref_slice %arg11[%dma_start3A_1452, %dma_start3A_1453] : memref<10000x128xf32, #tpu.memory_space<vmem_shared>> -> memref<10000x128xf32, #tpu.memory_space<vmem_shared>>
        tpu.enqueue_indirect_dma source(%dma_start3A_1454 : memref<10000x128xf32, #tpu.memory_space<vmem_shared>>) target(%dma_start3A_1449 : memref<160x128xf32, #tpu.memory_space<vmem>>) offsets(%dma_start3A_1451 : memref<160xi32, #tpu.memory_space<vmem>>) semaphore(%arg12 : memref<!tpu.dma_semaphore, #tpu.memory_space<semaphore_mem>>)
      } else {
      }
      %mul3A_851 = arith.constant 2 : i32
      %mul3A_852 = arith.muli %mul3A_851, %scan3A_278 : i32
      %add3A_853 = arith.constant 1 : i32
      %add3A_854 = arith.addi %mul3A_852, %add3A_853 : i32
      %dma_wait3A_855 = arith.constant 0 : i32
      %dma_wait3A_856 = arith.constant 0 : i32
      %dma_wait3A_857 = arith.constant 0 : i32
      %dma_wait3A_858 = tpu.memref_slice %arg10[%dma_wait3A_855, %dma_wait3A_856, %dma_wait3A_857] : memref<2x160x128xf32, #tpu.memory_space<vmem>> -> memref<1x160x128xf32, #tpu.memory_space<vmem>>
      %dma_wait3A_859 = tpu.memref_squeeze %dma_wait3A_858 : memref<1x160x128xf32, #tpu.memory_space<vmem>> -> memref<160x128xf32, #tpu.memory_space<vmem>>
      %dma_wait3A_860 = arith.constant 0 : i32
      %dma_wait3A_861 = tpu.memref_slice %arg9[%dma_wait3A_860] : memref<1600xi32, #tpu.memory_space<vmem>> -> memref<160xi32, #tpu.memory_space<vmem>>
      %dma_wait3A_862 = arith.constant 0 : i32
      %dma_wait3A_863 = arith.constant 0 : i32
      %dma_wait3A_864 = tpu.memref_slice %arg11[%dma_wait3A_862, %dma_wait3A_863] : memref<10000x128xf32, #tpu.memory_space<vmem_shared>> -> memref<10000x128xf32, #tpu.memory_space<vmem_shared>>
      tpu.wait_indirect_dma semaphore(%arg12 : memref<!tpu.dma_semaphore, #tpu.memory_space<semaphore_mem>>) src(%dma_wait3A_864 : memref<10000x128xf32, #tpu.memory_space<vmem_shared>>) dst(%dma_wait3A_859 : memref<160x128xf32, #tpu.memory_space<vmem>>)
      %mul3A_865 = arith.constant 8 : i32
      %mul3A_866 = arith.muli %add3A_854, %mul3A_865 : i32
      %add3A_867 = arith.addi %mul3A_2, %mul3A_866 : i32
      %mul3A_868 = arith.constant 200 : i32
      %mul3A_869 = arith.muli %add3A_867, %mul3A_868 : i32
      %add3A_870 = arith.constant 0 : i32
      %add3A_871 = arith.addi %mul3A_869, %add3A_870 : i32
      %dma_start3A_872 = arith.constant 0 : i32
      %dma_start3A_873 = arith.constant 0 : i32
      %dma_start3A_874 = arith.constant 0 : i32
      %dma_start3A_875 = tpu.memref_slice %arg10[%dma_start3A_872, %dma_start3A_873, %dma_start3A_874] : memref<2x160x128xf32, #tpu.memory_space<vmem>> -> memref<1x160x128xf32, #tpu.memory_space<vmem>>
      %dma_start3A_876 = tpu.memref_squeeze %dma_start3A_875 : memref<1x160x128xf32, #tpu.memory_space<vmem>> -> memref<160x128xf32, #tpu.memory_space<vmem>>
      %dma_start3A_877 = arith.constant 0 : i32
      %dma_start3A_878 = tpu.memref_slice %arg5[%add3A_871, %dma_start3A_877] : memref<3276800x128xf32, #tpu.memory_space<hbm>> -> memref<160x128xf32, #tpu.memory_space<hbm>>
      %dma_start3A_879 = arith.constant 0 : i32
      %dma_start3A_880 = tpu.memref_slice %arg5[%add3A_871, %dma_start3A_879] : memref<3276800x128xf32, #tpu.memory_space<hbm>> -> memref<160x128xf32, #tpu.memory_space<hbm>>
      %dma_start3A_881 = arith.constant 0 : i32
      %dma_start3A_882 = arith.constant 0 : i32
      %dma_start3A_883 = tpu.memref_slice %arg10[%dma_start3A_872, %dma_start3A_881, %dma_start3A_882] : memref<2x160x128xf32, #tpu.memory_space<vmem>> -> memref<1x160x128xf32, #tpu.memory_space<vmem>>
      %dma_start3A_884 = tpu.memref_squeeze %dma_start3A_883 : memref<1x160x128xf32, #tpu.memory_space<vmem>> -> memref<160x128xf32, #tpu.memory_space<vmem>>
      tpu.enqueue_dma source(%dma_start3A_884 : memref<160x128xf32, #tpu.memory_space<vmem>>) target(%dma_start3A_880 : memref<160x128xf32, #tpu.memory_space<hbm>>) target_semaphore(%arg14 : memref<!tpu.dma_semaphore, #tpu.memory_space<semaphore_mem>>)
      %ge3A_885 = arith.constant 1 : i32
      %ge3A_886 = arith.cmpi sge, %add3A_854, %ge3A_885 : i32
      %convert_element_type3A_887 = arith.extui %ge3A_886 : i1 to i32
      %cond3A_888 = arith.constant 0 : i32
      %cond3A_889 = arith.cmpi ne, %convert_element_type3A_887, %cond3A_888 : i32
      scf.if %cond3A_889 {
        %sub3A = arith.constant 1 : i32
        %sub3A_1425 = arith.subi %add3A_854, %sub3A : i32
        %mul3A_1426 = arith.constant 8 : i32
        %mul3A_1427 = arith.muli %sub3A_1425, %mul3A_1426 : i32
        %add3A_1428 = arith.addi %mul3A_2, %mul3A_1427 : i32
        %mul3A_1429 = arith.constant 200 : i32
        %mul3A_1430 = arith.muli %add3A_1428, %mul3A_1429 : i32
        %add3A_1431 = arith.constant 1440 : i32
        %add3A_1432 = arith.addi %mul3A_1430, %add3A_1431 : i32
        %dma_wait3A_1433 = arith.constant 1 : i32
        %dma_wait3A_1434 = arith.constant 0 : i32
        %dma_wait3A_1435 = arith.constant 0 : i32
        %dma_wait3A_1436 = tpu.memref_slice %arg10[%dma_wait3A_1433, %dma_wait3A_1434, %dma_wait3A_1435] : memref<2x160x128xf32, #tpu.memory_space<vmem>> -> memref<1x160x128xf32, #tpu.memory_space<vmem>>
        %dma_wait3A_1437 = tpu.memref_squeeze %dma_wait3A_1436 : memref<1x160x128xf32, #tpu.memory_space<vmem>> -> memref<160x128xf32, #tpu.memory_space<vmem>>
        %dma_wait3A_1438 = arith.constant 0 : i32
        %dma_wait3A_1439 = tpu.memref_slice %arg5[%add3A_1432, %dma_wait3A_1438] : memref<3276800x128xf32, #tpu.memory_space<hbm>> -> memref<160x128xf32, #tpu.memory_space<hbm>>
        %dma_wait3A_1440 = arith.constant 0 : i32
        %dma_wait3A_1441 = tpu.memref_slice %arg5[%add3A_1432, %dma_wait3A_1440] : memref<3276800x128xf32, #tpu.memory_space<hbm>> -> memref<160x128xf32, #tpu.memory_space<hbm>>
        %dma_wait3A_1442 = arith.constant 0 : i32
        %dma_wait3A_1443 = arith.constant 0 : i32
        %dma_wait3A_1444 = tpu.memref_slice %arg10[%dma_wait3A_1433, %dma_wait3A_1442, %dma_wait3A_1443] : memref<2x160x128xf32, #tpu.memory_space<vmem>> -> memref<1x160x128xf32, #tpu.memory_space<vmem>>
        %dma_wait3A_1445 = tpu.memref_squeeze %dma_wait3A_1444 : memref<1x160x128xf32, #tpu.memory_space<vmem>> -> memref<160x128xf32, #tpu.memory_space<vmem>>
        tpu.wait_dma2 semaphore(%arg15 : memref<!tpu.dma_semaphore, #tpu.memory_space<semaphore_mem>>) src(%dma_wait3A_1445 : memref<160x128xf32, #tpu.memory_space<vmem>>) dst(%dma_wait3A_1441 : memref<160x128xf32, #tpu.memory_space<hbm>>)
      } else {
      }
      %dma_start3A_890 = arith.constant 1 : i32
      %dma_start3A_891 = arith.constant 0 : i32
      %dma_start3A_892 = arith.constant 0 : i32
      %dma_start3A_893 = tpu.memref_slice %arg10[%dma_start3A_890, %dma_start3A_891, %dma_start3A_892] : memref<2x160x128xf32, #tpu.memory_space<vmem>> -> memref<1x160x128xf32, #tpu.memory_space<vmem>>
      %dma_start3A_894 = tpu.memref_squeeze %dma_start3A_893 : memref<1x160x128xf32, #tpu.memory_space<vmem>> -> memref<160x128xf32, #tpu.memory_space<vmem>>
      %dma_start3A_895 = arith.constant 160 : i32
      %dma_start3A_896 = tpu.memref_slice %arg9[%dma_start3A_895] : memref<1600xi32, #tpu.memory_space<vmem>> -> memref<160xi32, #tpu.memory_space<vmem>>
      %dma_start3A_897 = arith.constant 0 : i32
      %dma_start3A_898 = arith.constant 0 : i32
      %dma_start3A_899 = tpu.memref_slice %arg11[%dma_start3A_897, %dma_start3A_898] : memref<10000x128xf32, #tpu.memory_space<vmem_shared>> -> memref<10000x128xf32, #tpu.memory_space<vmem_shared>>
      tpu.enqueue_indirect_dma source(%dma_start3A_899 : memref<10000x128xf32, #tpu.memory_space<vmem_shared>>) target(%dma_start3A_894 : memref<160x128xf32, #tpu.memory_space<vmem>>) offsets(%dma_start3A_896 : memref<160xi32, #tpu.memory_space<vmem>>) semaphore(%arg13 : memref<!tpu.dma_semaphore, #tpu.memory_space<semaphore_mem>>)
      %lt3A_900 = arith.constant 63 : i32
      %lt3A_901 = arith.cmpi slt, %add3A_854, %lt3A_900 : i32
      %convert_element_type3A_902 = arith.extui %lt3A_901 : i1 to i32
      %cond3A_903 = arith.constant 0 : i32
      %cond3A_904 = arith.cmpi ne, %convert_element_type3A_902, %cond3A_903 : i32
      scf.if %cond3A_904 {
        %add3A_1425 = arith.constant 1 : i32
        %add3A_1426 = arith.addi %add3A_854, %add3A_1425 : i32
        %mul3A_1427 = arith.constant 8 : i32
        %mul3A_1428 = arith.muli %add3A_1426, %mul3A_1427 : i32
        %add3A_1429 = arith.addi %mul3A_2, %mul3A_1428 : i32
        %dma_wait3A_1430 = arith.constant 0 : i32
        %dma_wait3A_1431 = tpu.memref_slice %arg2[%add3A_1429, %dma_wait3A_1430] : memref<16384x200xi32, #tpu.memory_space<hbm>> -> memref<8x200xi32, #tpu.memory_space<hbm>>
        %dma_wait3A_1432 = arith.constant 0 : i32
        %dma_wait3A_1433 = tpu.memref_slice %arg2[%add3A_1429, %dma_wait3A_1432] : memref<16384x200xi32, #tpu.memory_space<hbm>> -> memref<8x200xi32, #tpu.memory_space<hbm>>
        tpu.wait_dma2 semaphore(%arg16 : memref<!tpu.dma_semaphore, #tpu.memory_space<semaphore_mem>>) src(%dma_wait3A_1433 : memref<8x200xi32, #tpu.memory_space<hbm>>) dst(%arg6 : memref<8x200xi32, #tpu.memory_space<vmem>>)
        %dma_wait3A_1434 = arith.constant 0 : i32
        %dma_wait3A_1435 = tpu.memref_slice %arg3[%add3A_1429, %dma_wait3A_1434] : memref<16384x200xi32, #tpu.memory_space<hbm>> -> memref<8x200xi32, #tpu.memory_space<hbm>>
        %dma_wait3A_1436 = arith.constant 0 : i32
        %dma_wait3A_1437 = tpu.memref_slice %arg3[%add3A_1429, %dma_wait3A_1436] : memref<16384x200xi32, #tpu.memory_space<hbm>> -> memref<8x200xi32, #tpu.memory_space<hbm>>
        tpu.wait_dma2 semaphore(%arg16 : memref<!tpu.dma_semaphore, #tpu.memory_space<semaphore_mem>>) src(%dma_wait3A_1437 : memref<8x200xi32, #tpu.memory_space<hbm>>) dst(%arg7 : memref<8x200xi32, #tpu.memory_space<vmem>>)
        %scan3A_1438 = arith.constant 0 : i32
        %scan3A_1439 = arith.constant 0 : i32
        %scan3A_1440 = arith.constant 12 : i32
        %scan3A_1441 = arith.addi %scan3A_1439, %scan3A_1440 : i32
        %scan3A_1442 = arith.constant 1 : i32
        scf.for %scan3A_1630 = %scan3A_1439 to %scan3A_1441 step %scan3A_1442  : i32 {
          %mul3A_1631 = arith.constant 16 : i32
          %mul3A_1632 = arith.muli %scan3A_1630, %mul3A_1631 : i32
          %mul3A_1633 = arith.constant 16 : i32
          %mul3A_1634 = arith.muli %scan3A_1630, %mul3A_1633 : i32
          %add3A_1635 = arith.constant 0 : i32
          %add3A_1636 = arith.addi %add3A_1635, %mul3A_1634 : i32
          %get3A_1637 = arith.constant 0 : i32
          %get3A_1638 = arith.index_cast %get3A_1637 : i32 to index
          %get3A_1639 = arith.index_cast %mul3A_1632 : i32 to index
          %get3A_1640 = tpu.vector_load %arg6[%get3A_1638, %get3A_1639] {strides = array<i32>} : memref<8x200xi32, #tpu.memory_space<vmem>>, vector<1x16xi32>,
          %get3A_1641 = vector.shape_cast %get3A_1640 : vector<1x16xi32> to vector<16xi32>
          %mul3A_1642 = arith.constant 100 : i32
          %mul3A_1643 = vector.broadcast %mul3A_1642 : i32 to vector<16xi32>
          %mul3A_1644 = arith.muli %get3A_1641, %mul3A_1643 : vector<16xi32>
          %get3A_1645 = arith.constant 0 : i32
          %get3A_1646 = arith.index_cast %get3A_1645 : i32 to index
          %get3A_1647 = arith.index_cast %mul3A_1632 : i32 to index
          %get3A_1648 = tpu.vector_load %arg7[%get3A_1646, %get3A_1647] {strides = array<i32>} : memref<8x200xi32, #tpu.memory_space<vmem>>, vector<1x16xi32>,
          %get3A_1649 = vector.shape_cast %get3A_1648 : vector<1x16xi32> to vector<16xi32>
          %add3A_1650 = arith.addi %mul3A_1644, %get3A_1649 : vector<16xi32>
          %swap3A_1651 = arith.index_cast %add3A_1636 : i32 to index
          %swap3A_1652 = tpu.vector_load %arg8[%swap3A_1651] {strides = array<i32>} : memref<1600xi32, #tpu.memory_space<vmem>>, vector<16xi32>,
          %swap3A_1653 = vector.shape_cast %swap3A_1652 : vector<16xi32> to vector<16xi32>
          %swap3A_1654 = vector.shape_cast %add3A_1650 : vector<16xi32> to vector<16xi32>
          tpu.vector_store %arg8[%swap3A_1651], %swap3A_1654 {strides = array<i32>} : memref<1600xi32, #tpu.memory_space<vmem>>, vector<16xi32>,
        }
        %scan3A_1443 = arith.constant 12 : i32
        %get3A_1444 = arith.constant 0 : i32
        %get3A_1445 = arith.index_cast %get3A_1444 : i32 to index
        %get3A_1446 = arith.constant 184 : index
        %get3A_1447 = tpu.vector_load %arg6[%get3A_1445, %get3A_1446] {strides = array<i32>} : memref<8x200xi32, #tpu.memory_space<vmem>>, vector<1x16xi32>,
        %get3A_1448 = vector.shape_cast %get3A_1447 : vector<1x16xi32> to vector<16xi32>
        %mul3A_1449 = arith.constant 100 : i32
        %mul3A_1450 = vector.broadcast %mul3A_1449 : i32 to vector<16xi32>
        %mul3A_1451 = arith.muli %get3A_1448, %mul3A_1450 : vector<16xi32>
        %get3A_1452 = arith.constant 0 : i32
        %get3A_1453 = arith.index_cast %get3A_1452 : i32 to index
        %get3A_1454 = arith.constant 184 : index
        %get3A_1455 = tpu.vector_load %arg7[%get3A_1453, %get3A_1454] {strides = array<i32>} : memref<8x200xi32, #tpu.memory_space<vmem>>, vector<1x16xi32>,
        %get3A_1456 = vector.shape_cast %get3A_1455 : vector<1x16xi32> to vector<16xi32>
        %add3A_1457 = arith.addi %mul3A_1451, %get3A_1456 : vector<16xi32>
        %swap3A_1458 = arith.constant 184 : index
        %swap3A_1459 = tpu.vector_load %arg8[%swap3A_1458] {strides = array<i32>} : memref<1600xi32, #tpu.memory_space<vmem>>, vector<16xi32>,
        %swap3A_1460 = vector.shape_cast %swap3A_1459 : vector<16xi32> to vector<16xi32>
        %swap3A_1461 = vector.shape_cast %add3A_1457 : vector<16xi32> to vector<16xi32>
        tpu.vector_store %arg8[%swap3A_1458], %swap3A_1461 {strides = array<i32>} : memref<1600xi32, #tpu.memory_space<vmem>>, vector<16xi32>,
        %scan3A_1462 = arith.constant 0 : i32
        %scan3A_1463 = arith.constant 0 : i32
        %scan3A_1464 = arith.constant 12 : i32
        %scan3A_1465 = arith.addi %scan3A_1463, %scan3A_1464 : i32
        %scan3A_1466 = arith.constant 1 : i32
        scf.for %scan3A_1630 = %scan3A_1463 to %scan3A_1465 step %scan3A_1466  : i32 {
          %mul3A_1631 = arith.constant 16 : i32
          %mul3A_1632 = arith.muli %scan3A_1630, %mul3A_1631 : i32
          %mul3A_1633 = arith.constant 16 : i32
          %mul3A_1634 = arith.muli %scan3A_1630, %mul3A_1633 : i32
          %add3A_1635 = arith.constant 200 : i32
          %add3A_1636 = arith.addi %add3A_1635, %mul3A_1634 : i32
          %get3A_1637 = arith.constant 1 : i32
          %get3A_1638 = arith.index_cast %get3A_1637 : i32 to index
          %get3A_1639 = arith.index_cast %mul3A_1632 : i32 to index
          %get3A_1640 = tpu.vector_load %arg6[%get3A_1638, %get3A_1639] {strides = array<i32>} : memref<8x200xi32, #tpu.memory_space<vmem>>, vector<1x16xi32>,
          %get3A_1641 = vector.shape_cast %get3A_1640 : vector<1x16xi32> to vector<16xi32>
          %mul3A_1642 = arith.constant 100 : i32
          %mul3A_1643 = vector.broadcast %mul3A_1642 : i32 to vector<16xi32>
          %mul3A_1644 = arith.muli %get3A_1641, %mul3A_1643 : vector<16xi32>
          %get3A_1645 = arith.constant 1 : i32
          %get3A_1646 = arith.index_cast %get3A_1645 : i32 to index
          %get3A_1647 = arith.index_cast %mul3A_1632 : i32 to index
          %get3A_1648 = tpu.vector_load %arg7[%get3A_1646, %get3A_1647] {strides = array<i32>} : memref<8x200xi32, #tpu.memory_space<vmem>>, vector<1x16xi32>,
          %get3A_1649 = vector.shape_cast %get3A_1648 : vector<1x16xi32> to vector<16xi32>
          %add3A_1650 = arith.addi %mul3A_1644, %get3A_1649 : vector<16xi32>
          %swap3A_1651 = arith.index_cast %add3A_1636 : i32 to index
          %swap3A_1652 = tpu.vector_load %arg8[%swap3A_1651] {strides = array<i32>} : memref<1600xi32, #tpu.memory_space<vmem>>, vector<16xi32>,
          %swap3A_1653 = vector.shape_cast %swap3A_1652 : vector<16xi32> to vector<16xi32>
          %swap3A_1654 = vector.shape_cast %add3A_1650 : vector<16xi32> to vector<16xi32>
          tpu.vector_store %arg8[%swap3A_1651], %swap3A_1654 {strides = array<i32>} : memref<1600xi32, #tpu.memory_space<vmem>>, vector<16xi32>,
        }
        %scan3A_1467 = arith.constant 12 : i32
        %get3A_1468 = arith.constant 1 : i32
        %get3A_1469 = arith.index_cast %get3A_1468 : i32 to index
        %get3A_1470 = arith.constant 184 : index
        %get3A_1471 = tpu.vector_load %arg6[%get3A_1469, %get3A_1470] {strides = array<i32>} : memref<8x200xi32, #tpu.memory_space<vmem>>, vector<1x16xi32>,
        %get3A_1472 = vector.shape_cast %get3A_1471 : vector<1x16xi32> to vector<16xi32>
        %mul3A_1473 = arith.constant 100 : i32
        %mul3A_1474 = vector.broadcast %mul3A_1473 : i32 to vector<16xi32>
        %mul3A_1475 = arith.muli %get3A_1472, %mul3A_1474 : vector<16xi32>
        %get3A_1476 = arith.constant 1 : i32
        %get3A_1477 = arith.index_cast %get3A_1476 : i32 to index
        %get3A_1478 = arith.constant 184 : index
        %get3A_1479 = tpu.vector_load %arg7[%get3A_1477, %get3A_1478] {strides = array<i32>} : memref<8x200xi32, #tpu.memory_space<vmem>>, vector<1x16xi32>,
        %get3A_1480 = vector.shape_cast %get3A_1479 : vector<1x16xi32> to vector<16xi32>
        %add3A_1481 = arith.addi %mul3A_1475, %get3A_1480 : vector<16xi32>
        %swap3A_1482 = arith.constant 384 : index
        %swap3A_1483 = tpu.vector_load %arg8[%swap3A_1482] {strides = array<i32>} : memref<1600xi32, #tpu.memory_space<vmem>>, vector<16xi32>,
        %swap3A_1484 = vector.shape_cast %swap3A_1483 : vector<16xi32> to vector<16xi32>
        %swap3A_1485 = vector.shape_cast %add3A_1481 : vector<16xi32> to vector<16xi32>
        tpu.vector_store %arg8[%swap3A_1482], %swap3A_1485 {strides = array<i32>} : memref<1600xi32, #tpu.memory_space<vmem>>, vector<16xi32>,
        %scan3A_1486 = arith.constant 0 : i32
        %scan3A_1487 = arith.constant 0 : i32
        %scan3A_1488 = arith.constant 12 : i32
        %scan3A_1489 = arith.addi %scan3A_1487, %scan3A_1488 : i32
        %scan3A_1490 = arith.constant 1 : i32
        scf.for %scan3A_1630 = %scan3A_1487 to %scan3A_1489 step %scan3A_1490  : i32 {
          %mul3A_1631 = arith.constant 16 : i32
          %mul3A_1632 = arith.muli %scan3A_1630, %mul3A_1631 : i32
          %mul3A_1633 = arith.constant 16 : i32
          %mul3A_1634 = arith.muli %scan3A_1630, %mul3A_1633 : i32
          %add3A_1635 = arith.constant 400 : i32
          %add3A_1636 = arith.addi %add3A_1635, %mul3A_1634 : i32
          %get3A_1637 = arith.constant 2 : i32
          %get3A_1638 = arith.index_cast %get3A_1637 : i32 to index
          %get3A_1639 = arith.index_cast %mul3A_1632 : i32 to index
          %get3A_1640 = tpu.vector_load %arg6[%get3A_1638, %get3A_1639] {strides = array<i32>} : memref<8x200xi32, #tpu.memory_space<vmem>>, vector<1x16xi32>,
          %get3A_1641 = vector.shape_cast %get3A_1640 : vector<1x16xi32> to vector<16xi32>
          %mul3A_1642 = arith.constant 100 : i32
          %mul3A_1643 = vector.broadcast %mul3A_1642 : i32 to vector<16xi32>
          %mul3A_1644 = arith.muli %get3A_1641, %mul3A_1643 : vector<16xi32>
          %get3A_1645 = arith.constant 2 : i32
          %get3A_1646 = arith.index_cast %get3A_1645 : i32 to index
          %get3A_1647 = arith.index_cast %mul3A_1632 : i32 to index
          %get3A_1648 = tpu.vector_load %arg7[%get3A_1646, %get3A_1647] {strides = array<i32>} : memref<8x200xi32, #tpu.memory_space<vmem>>, vector<1x16xi32>,
          %get3A_1649 = vector.shape_cast %get3A_1648 : vector<1x16xi32> to vector<16xi32>
          %add3A_1650 = arith.addi %mul3A_1644, %get3A_1649 : vector<16xi32>
          %swap3A_1651 = arith.index_cast %add3A_1636 : i32 to index
          %swap3A_1652 = tpu.vector_load %arg8[%swap3A_1651] {strides = array<i32>} : memref<1600xi32, #tpu.memory_space<vmem>>, vector<16xi32>,
          %swap3A_1653 = vector.shape_cast %swap3A_1652 : vector<16xi32> to vector<16xi32>
          %swap3A_1654 = vector.shape_cast %add3A_1650 : vector<16xi32> to vector<16xi32>
          tpu.vector_store %arg8[%swap3A_1651], %swap3A_1654 {strides = array<i32>} : memref<1600xi32, #tpu.memory_space<vmem>>, vector<16xi32>,
        }
        %scan3A_1491 = arith.constant 12 : i32
        %get3A_1492 = arith.constant 2 : i32
        %get3A_1493 = arith.index_cast %get3A_1492 : i32 to index
        %get3A_1494 = arith.constant 184 : index
        %get3A_1495 = tpu.vector_load %arg6[%get3A_1493, %get3A_1494] {strides = array<i32>} : memref<8x200xi32, #tpu.memory_space<vmem>>, vector<1x16xi32>,
        %get3A_1496 = vector.shape_cast %get3A_1495 : vector<1x16xi32> to vector<16xi32>
        %mul3A_1497 = arith.constant 100 : i32
        %mul3A_1498 = vector.broadcast %mul3A_1497 : i32 to vector<16xi32>
        %mul3A_1499 = arith.muli %get3A_1496, %mul3A_1498 : vector<16xi32>
        %get3A_1500 = arith.constant 2 : i32
        %get3A_1501 = arith.index_cast %get3A_1500 : i32 to index
        %get3A_1502 = arith.constant 184 : index
        %get3A_1503 = tpu.vector_load %arg7[%get3A_1501, %get3A_1502] {strides = array<i32>} : memref<8x200xi32, #tpu.memory_space<vmem>>, vector<1x16xi32>,
        %get3A_1504 = vector.shape_cast %get3A_1503 : vector<1x16xi32> to vector<16xi32>
        %add3A_1505 = arith.addi %mul3A_1499, %get3A_1504 : vector<16xi32>
        %swap3A_1506 = arith.constant 584 : index
        %swap3A_1507 = tpu.vector_load %arg8[%swap3A_1506] {strides = array<i32>} : memref<1600xi32, #tpu.memory_space<vmem>>, vector<16xi32>,
        %swap3A_1508 = vector.shape_cast %swap3A_1507 : vector<16xi32> to vector<16xi32>
        %swap3A_1509 = vector.shape_cast %add3A_1505 : vector<16xi32> to vector<16xi32>
        tpu.vector_store %arg8[%swap3A_1506], %swap3A_1509 {strides = array<i32>} : memref<1600xi32, #tpu.memory_space<vmem>>, vector<16xi32>,
        %scan3A_1510 = arith.constant 0 : i32
        %scan3A_1511 = arith.constant 0 : i32
        %scan3A_1512 = arith.constant 12 : i32
        %scan3A_1513 = arith.addi %scan3A_1511, %scan3A_1512 : i32
        %scan3A_1514 = arith.constant 1 : i32
        scf.for %scan3A_1630 = %scan3A_1511 to %scan3A_1513 step %scan3A_1514  : i32 {
          %mul3A_1631 = arith.constant 16 : i32
          %mul3A_1632 = arith.muli %scan3A_1630, %mul3A_1631 : i32
          %mul3A_1633 = arith.constant 16 : i32
          %mul3A_1634 = arith.muli %scan3A_1630, %mul3A_1633 : i32
          %add3A_1635 = arith.constant 600 : i32
          %add3A_1636 = arith.addi %add3A_1635, %mul3A_1634 : i32
          %get3A_1637 = arith.constant 3 : i32
          %get3A_1638 = arith.index_cast %get3A_1637 : i32 to index
          %get3A_1639 = arith.index_cast %mul3A_1632 : i32 to index
          %get3A_1640 = tpu.vector_load %arg6[%get3A_1638, %get3A_1639] {strides = array<i32>} : memref<8x200xi32, #tpu.memory_space<vmem>>, vector<1x16xi32>,
          %get3A_1641 = vector.shape_cast %get3A_1640 : vector<1x16xi32> to vector<16xi32>
          %mul3A_1642 = arith.constant 100 : i32
          %mul3A_1643 = vector.broadcast %mul3A_1642 : i32 to vector<16xi32>
          %mul3A_1644 = arith.muli %get3A_1641, %mul3A_1643 : vector<16xi32>
          %get3A_1645 = arith.constant 3 : i32
          %get3A_1646 = arith.index_cast %get3A_1645 : i32 to index
          %get3A_1647 = arith.index_cast %mul3A_1632 : i32 to index
          %get3A_1648 = tpu.vector_load %arg7[%get3A_1646, %get3A_1647] {strides = array<i32>} : memref<8x200xi32, #tpu.memory_space<vmem>>, vector<1x16xi32>,
          %get3A_1649 = vector.shape_cast %get3A_1648 : vector<1x16xi32> to vector<16xi32>
          %add3A_1650 = arith.addi %mul3A_1644, %get3A_1649 : vector<16xi32>
          %swap3A_1651 = arith.index_cast %add3A_1636 : i32 to index
          %swap3A_1652 = tpu.vector_load %arg8[%swap3A_1651] {strides = array<i32>} : memref<1600xi32, #tpu.memory_space<vmem>>, vector<16xi32>,
          %swap3A_1653 = vector.shape_cast %swap3A_1652 : vector<16xi32> to vector<16xi32>
          %swap3A_1654 = vector.shape_cast %add3A_1650 : vector<16xi32> to vector<16xi32>
          tpu.vector_store %arg8[%swap3A_1651], %swap3A_1654 {strides = array<i32>} : memref<1600xi32, #tpu.memory_space<vmem>>, vector<16xi32>,
        }
        %scan3A_1515 = arith.constant 12 : i32
        %get3A_1516 = arith.constant 3 : i32
        %get3A_1517 = arith.index_cast %get3A_1516 : i32 to index
        %get3A_1518 = arith.constant 184 : index
        %get3A_1519 = tpu.vector_load %arg6[%get3A_1517, %get3A_1518] {strides = array<i32>} : memref<8x200xi32, #tpu.memory_space<vmem>>, vector<1x16xi32>,
        %get3A_1520 = vector.shape_cast %get3A_1519 : vector<1x16xi32> to vector<16xi32>
        %mul3A_1521 = arith.constant 100 : i32
        %mul3A_1522 = vector.broadcast %mul3A_1521 : i32 to vector<16xi32>
        %mul3A_1523 = arith.muli %get3A_1520, %mul3A_1522 : vector<16xi32>
        %get3A_1524 = arith.constant 3 : i32
        %get3A_1525 = arith.index_cast %get3A_1524 : i32 to index
        %get3A_1526 = arith.constant 184 : index
        %get3A_1527 = tpu.vector_load %arg7[%get3A_1525, %get3A_1526] {strides = array<i32>} : memref<8x200xi32, #tpu.memory_space<vmem>>, vector<1x16xi32>,
        %get3A_1528 = vector.shape_cast %get3A_1527 : vector<1x16xi32> to vector<16xi32>
        %add3A_1529 = arith.addi %mul3A_1523, %get3A_1528 : vector<16xi32>
        %swap3A_1530 = arith.constant 784 : index
        %swap3A_1531 = tpu.vector_load %arg8[%swap3A_1530] {strides = array<i32>} : memref<1600xi32, #tpu.memory_space<vmem>>, vector<16xi32>,
        %swap3A_1532 = vector.shape_cast %swap3A_1531 : vector<16xi32> to vector<16xi32>
        %swap3A_1533 = vector.shape_cast %add3A_1529 : vector<16xi32> to vector<16xi32>
        tpu.vector_store %arg8[%swap3A_1530], %swap3A_1533 {strides = array<i32>} : memref<1600xi32, #tpu.memory_space<vmem>>, vector<16xi32>,
        %scan3A_1534 = arith.constant 0 : i32
        %scan3A_1535 = arith.constant 0 : i32
        %scan3A_1536 = arith.constant 12 : i32
        %scan3A_1537 = arith.addi %scan3A_1535, %scan3A_1536 : i32
        %scan3A_1538 = arith.constant 1 : i32
        scf.for %scan3A_1630 = %scan3A_1535 to %scan3A_1537 step %scan3A_1538  : i32 {
          %mul3A_1631 = arith.constant 16 : i32
          %mul3A_1632 = arith.muli %scan3A_1630, %mul3A_1631 : i32
          %mul3A_1633 = arith.constant 16 : i32
          %mul3A_1634 = arith.muli %scan3A_1630, %mul3A_1633 : i32
          %add3A_1635 = arith.constant 800 : i32
          %add3A_1636 = arith.addi %add3A_1635, %mul3A_1634 : i32
          %get3A_1637 = arith.constant 4 : i32
          %get3A_1638 = arith.index_cast %get3A_1637 : i32 to index
          %get3A_1639 = arith.index_cast %mul3A_1632 : i32 to index
          %get3A_1640 = tpu.vector_load %arg6[%get3A_1638, %get3A_1639] {strides = array<i32>} : memref<8x200xi32, #tpu.memory_space<vmem>>, vector<1x16xi32>,
          %get3A_1641 = vector.shape_cast %get3A_1640 : vector<1x16xi32> to vector<16xi32>
          %mul3A_1642 = arith.constant 100 : i32
          %mul3A_1643 = vector.broadcast %mul3A_1642 : i32 to vector<16xi32>
          %mul3A_1644 = arith.muli %get3A_1641, %mul3A_1643 : vector<16xi32>
          %get3A_1645 = arith.constant 4 : i32
          %get3A_1646 = arith.index_cast %get3A_1645 : i32 to index
          %get3A_1647 = arith.index_cast %mul3A_1632 : i32 to index
          %get3A_1648 = tpu.vector_load %arg7[%get3A_1646, %get3A_1647] {strides = array<i32>} : memref<8x200xi32, #tpu.memory_space<vmem>>, vector<1x16xi32>,
          %get3A_1649 = vector.shape_cast %get3A_1648 : vector<1x16xi32> to vector<16xi32>
          %add3A_1650 = arith.addi %mul3A_1644, %get3A_1649 : vector<16xi32>
          %swap3A_1651 = arith.index_cast %add3A_1636 : i32 to index
          %swap3A_1652 = tpu.vector_load %arg8[%swap3A_1651] {strides = array<i32>} : memref<1600xi32, #tpu.memory_space<vmem>>, vector<16xi32>,
          %swap3A_1653 = vector.shape_cast %swap3A_1652 : vector<16xi32> to vector<16xi32>
          %swap3A_1654 = vector.shape_cast %add3A_1650 : vector<16xi32> to vector<16xi32>
          tpu.vector_store %arg8[%swap3A_1651], %swap3A_1654 {strides = array<i32>} : memref<1600xi32, #tpu.memory_space<vmem>>, vector<16xi32>,
        }
        %scan3A_1539 = arith.constant 12 : i32
        %get3A_1540 = arith.constant 4 : i32
        %get3A_1541 = arith.index_cast %get3A_1540 : i32 to index
        %get3A_1542 = arith.constant 184 : index
        %get3A_1543 = tpu.vector_load %arg6[%get3A_1541, %get3A_1542] {strides = array<i32>} : memref<8x200xi32, #tpu.memory_space<vmem>>, vector<1x16xi32>,
        %get3A_1544 = vector.shape_cast %get3A_1543 : vector<1x16xi32> to vector<16xi32>
        %mul3A_1545 = arith.constant 100 : i32
        %mul3A_1546 = vector.broadcast %mul3A_1545 : i32 to vector<16xi32>
        %mul3A_1547 = arith.muli %get3A_1544, %mul3A_1546 : vector<16xi32>
        %get3A_1548 = arith.constant 4 : i32
        %get3A_1549 = arith.index_cast %get3A_1548 : i32 to index
        %get3A_1550 = arith.constant 184 : index
        %get3A_1551 = tpu.vector_load %arg7[%get3A_1549, %get3A_1550] {strides = array<i32>} : memref<8x200xi32, #tpu.memory_space<vmem>>, vector<1x16xi32>,
        %get3A_1552 = vector.shape_cast %get3A_1551 : vector<1x16xi32> to vector<16xi32>
        %add3A_1553 = arith.addi %mul3A_1547, %get3A_1552 : vector<16xi32>
        %swap3A_1554 = arith.constant 984 : index
        %swap3A_1555 = tpu.vector_load %arg8[%swap3A_1554] {strides = array<i32>} : memref<1600xi32, #tpu.memory_space<vmem>>, vector<16xi32>,
        %swap3A_1556 = vector.shape_cast %swap3A_1555 : vector<16xi32> to vector<16xi32>
        %swap3A_1557 = vector.shape_cast %add3A_1553 : vector<16xi32> to vector<16xi32>
        tpu.vector_store %arg8[%swap3A_1554], %swap3A_1557 {strides = array<i32>} : memref<1600xi32, #tpu.memory_space<vmem>>, vector<16xi32>,
        %scan3A_1558 = arith.constant 0 : i32
        %scan3A_1559 = arith.constant 0 : i32
        %scan3A_1560 = arith.constant 12 : i32
        %scan3A_1561 = arith.addi %scan3A_1559, %scan3A_1560 : i32
        %scan3A_1562 = arith.constant 1 : i32
        scf.for %scan3A_1630 = %scan3A_1559 to %scan3A_1561 step %scan3A_1562  : i32 {
          %mul3A_1631 = arith.constant 16 : i32
          %mul3A_1632 = arith.muli %scan3A_1630, %mul3A_1631 : i32
          %mul3A_1633 = arith.constant 16 : i32
          %mul3A_1634 = arith.muli %scan3A_1630, %mul3A_1633 : i32
          %add3A_1635 = arith.constant 1000 : i32
          %add3A_1636 = arith.addi %add3A_1635, %mul3A_1634 : i32
          %get3A_1637 = arith.constant 5 : i32
          %get3A_1638 = arith.index_cast %get3A_1637 : i32 to index
          %get3A_1639 = arith.index_cast %mul3A_1632 : i32 to index
          %get3A_1640 = tpu.vector_load %arg6[%get3A_1638, %get3A_1639] {strides = array<i32>} : memref<8x200xi32, #tpu.memory_space<vmem>>, vector<1x16xi32>,
          %get3A_1641 = vector.shape_cast %get3A_1640 : vector<1x16xi32> to vector<16xi32>
          %mul3A_1642 = arith.constant 100 : i32
          %mul3A_1643 = vector.broadcast %mul3A_1642 : i32 to vector<16xi32>
          %mul3A_1644 = arith.muli %get3A_1641, %mul3A_1643 : vector<16xi32>
          %get3A_1645 = arith.constant 5 : i32
          %get3A_1646 = arith.index_cast %get3A_1645 : i32 to index
          %get3A_1647 = arith.index_cast %mul3A_1632 : i32 to index
          %get3A_1648 = tpu.vector_load %arg7[%get3A_1646, %get3A_1647] {strides = array<i32>} : memref<8x200xi32, #tpu.memory_space<vmem>>, vector<1x16xi32>,
          %get3A_1649 = vector.shape_cast %get3A_1648 : vector<1x16xi32> to vector<16xi32>
          %add3A_1650 = arith.addi %mul3A_1644, %get3A_1649 : vector<16xi32>
          %swap3A_1651 = arith.index_cast %add3A_1636 : i32 to index
          %swap3A_1652 = tpu.vector_load %arg8[%swap3A_1651] {strides = array<i32>} : memref<1600xi32, #tpu.memory_space<vmem>>, vector<16xi32>,
          %swap3A_1653 = vector.shape_cast %swap3A_1652 : vector<16xi32> to vector<16xi32>
          %swap3A_1654 = vector.shape_cast %add3A_1650 : vector<16xi32> to vector<16xi32>
          tpu.vector_store %arg8[%swap3A_1651], %swap3A_1654 {strides = array<i32>} : memref<1600xi32, #tpu.memory_space<vmem>>, vector<16xi32>,
        }
        %scan3A_1563 = arith.constant 12 : i32
        %get3A_1564 = arith.constant 5 : i32
        %get3A_1565 = arith.index_cast %get3A_1564 : i32 to index
        %get3A_1566 = arith.constant 184 : index
        %get3A_1567 = tpu.vector_load %arg6[%get3A_1565, %get3A_1566] {strides = array<i32>} : memref<8x200xi32, #tpu.memory_space<vmem>>, vector<1x16xi32>,
        %get3A_1568 = vector.shape_cast %get3A_1567 : vector<1x16xi32> to vector<16xi32>
        %mul3A_1569 = arith.constant 100 : i32
        %mul3A_1570 = vector.broadcast %mul3A_1569 : i32 to vector<16xi32>
        %mul3A_1571 = arith.muli %get3A_1568, %mul3A_1570 : vector<16xi32>
        %get3A_1572 = arith.constant 5 : i32
        %get3A_1573 = arith.index_cast %get3A_1572 : i32 to index
        %get3A_1574 = arith.constant 184 : index
        %get3A_1575 = tpu.vector_load %arg7[%get3A_1573, %get3A_1574] {strides = array<i32>} : memref<8x200xi32, #tpu.memory_space<vmem>>, vector<1x16xi32>,
        %get3A_1576 = vector.shape_cast %get3A_1575 : vector<1x16xi32> to vector<16xi32>
        %add3A_1577 = arith.addi %mul3A_1571, %get3A_1576 : vector<16xi32>
        %swap3A_1578 = arith.constant 1184 : index
        %swap3A_1579 = tpu.vector_load %arg8[%swap3A_1578] {strides = array<i32>} : memref<1600xi32, #tpu.memory_space<vmem>>, vector<16xi32>,
        %swap3A_1580 = vector.shape_cast %swap3A_1579 : vector<16xi32> to vector<16xi32>
        %swap3A_1581 = vector.shape_cast %add3A_1577 : vector<16xi32> to vector<16xi32>
        tpu.vector_store %arg8[%swap3A_1578], %swap3A_1581 {strides = array<i32>} : memref<1600xi32, #tpu.memory_space<vmem>>, vector<16xi32>,
        %scan3A_1582 = arith.constant 0 : i32
        %scan3A_1583 = arith.constant 0 : i32
        %scan3A_1584 = arith.constant 12 : i32
        %scan3A_1585 = arith.addi %scan3A_1583, %scan3A_1584 : i32
        %scan3A_1586 = arith.constant 1 : i32
        scf.for %scan3A_1630 = %scan3A_1583 to %scan3A_1585 step %scan3A_1586  : i32 {
          %mul3A_1631 = arith.constant 16 : i32
          %mul3A_1632 = arith.muli %scan3A_1630, %mul3A_1631 : i32
          %mul3A_1633 = arith.constant 16 : i32
          %mul3A_1634 = arith.muli %scan3A_1630, %mul3A_1633 : i32
          %add3A_1635 = arith.constant 1200 : i32
          %add3A_1636 = arith.addi %add3A_1635, %mul3A_1634 : i32
          %get3A_1637 = arith.constant 6 : i32
          %get3A_1638 = arith.index_cast %get3A_1637 : i32 to index
          %get3A_1639 = arith.index_cast %mul3A_1632 : i32 to index
          %get3A_1640 = tpu.vector_load %arg6[%get3A_1638, %get3A_1639] {strides = array<i32>} : memref<8x200xi32, #tpu.memory_space<vmem>>, vector<1x16xi32>,
          %get3A_1641 = vector.shape_cast %get3A_1640 : vector<1x16xi32> to vector<16xi32>
          %mul3A_1642 = arith.constant 100 : i32
          %mul3A_1643 = vector.broadcast %mul3A_1642 : i32 to vector<16xi32>
          %mul3A_1644 = arith.muli %get3A_1641, %mul3A_1643 : vector<16xi32>
          %get3A_1645 = arith.constant 6 : i32
          %get3A_1646 = arith.index_cast %get3A_1645 : i32 to index
          %get3A_1647 = arith.index_cast %mul3A_1632 : i32 to index
          %get3A_1648 = tpu.vector_load %arg7[%get3A_1646, %get3A_1647] {strides = array<i32>} : memref<8x200xi32, #tpu.memory_space<vmem>>, vector<1x16xi32>,
          %get3A_1649 = vector.shape_cast %get3A_1648 : vector<1x16xi32> to vector<16xi32>
          %add3A_1650 = arith.addi %mul3A_1644, %get3A_1649 : vector<16xi32>
          %swap3A_1651 = arith.index_cast %add3A_1636 : i32 to index
          %swap3A_1652 = tpu.vector_load %arg8[%swap3A_1651] {strides = array<i32>} : memref<1600xi32, #tpu.memory_space<vmem>>, vector<16xi32>,
          %swap3A_1653 = vector.shape_cast %swap3A_1652 : vector<16xi32> to vector<16xi32>
          %swap3A_1654 = vector.shape_cast %add3A_1650 : vector<16xi32> to vector<16xi32>
          tpu.vector_store %arg8[%swap3A_1651], %swap3A_1654 {strides = array<i32>} : memref<1600xi32, #tpu.memory_space<vmem>>, vector<16xi32>,
        }
        %scan3A_1587 = arith.constant 12 : i32
        %get3A_1588 = arith.constant 6 : i32
        %get3A_1589 = arith.index_cast %get3A_1588 : i32 to index
        %get3A_1590 = arith.constant 184 : index
        %get3A_1591 = tpu.vector_load %arg6[%get3A_1589, %get3A_1590] {strides = array<i32>} : memref<8x200xi32, #tpu.memory_space<vmem>>, vector<1x16xi32>,
        %get3A_1592 = vector.shape_cast %get3A_1591 : vector<1x16xi32> to vector<16xi32>
        %mul3A_1593 = arith.constant 100 : i32
        %mul3A_1594 = vector.broadcast %mul3A_1593 : i32 to vector<16xi32>
        %mul3A_1595 = arith.muli %get3A_1592, %mul3A_1594 : vector<16xi32>
        %get3A_1596 = arith.constant 6 : i32
        %get3A_1597 = arith.index_cast %get3A_1596 : i32 to index
        %get3A_1598 = arith.constant 184 : index
        %get3A_1599 = tpu.vector_load %arg7[%get3A_1597, %get3A_1598] {strides = array<i32>} : memref<8x200xi32, #tpu.memory_space<vmem>>, vector<1x16xi32>,
        %get3A_1600 = vector.shape_cast %get3A_1599 : vector<1x16xi32> to vector<16xi32>
        %add3A_1601 = arith.addi %mul3A_1595, %get3A_1600 : vector<16xi32>
        %swap3A_1602 = arith.constant 1384 : index
        %swap3A_1603 = tpu.vector_load %arg8[%swap3A_1602] {strides = array<i32>} : memref<1600xi32, #tpu.memory_space<vmem>>, vector<16xi32>,
        %swap3A_1604 = vector.shape_cast %swap3A_1603 : vector<16xi32> to vector<16xi32>
        %swap3A_1605 = vector.shape_cast %add3A_1601 : vector<16xi32> to vector<16xi32>
        tpu.vector_store %arg8[%swap3A_1602], %swap3A_1605 {strides = array<i32>} : memref<1600xi32, #tpu.memory_space<vmem>>, vector<16xi32>,
        %scan3A_1606 = arith.constant 0 : i32
        %scan3A_1607 = arith.constant 0 : i32
        %scan3A_1608 = arith.constant 12 : i32
        %scan3A_1609 = arith.addi %scan3A_1607, %scan3A_1608 : i32
        %scan3A_1610 = arith.constant 1 : i32
        scf.for %scan3A_1630 = %scan3A_1607 to %scan3A_1609 step %scan3A_1610  : i32 {
          %mul3A_1631 = arith.constant 16 : i32
          %mul3A_1632 = arith.muli %scan3A_1630, %mul3A_1631 : i32
          %mul3A_1633 = arith.constant 16 : i32
          %mul3A_1634 = arith.muli %scan3A_1630, %mul3A_1633 : i32
          %add3A_1635 = arith.constant 1400 : i32
          %add3A_1636 = arith.addi %add3A_1635, %mul3A_1634 : i32
          %get3A_1637 = arith.constant 7 : i32
          %get3A_1638 = arith.index_cast %get3A_1637 : i32 to index
          %get3A_1639 = arith.index_cast %mul3A_1632 : i32 to index
          %get3A_1640 = tpu.vector_load %arg6[%get3A_1638, %get3A_1639] {strides = array<i32>} : memref<8x200xi32, #tpu.memory_space<vmem>>, vector<1x16xi32>,
          %get3A_1641 = vector.shape_cast %get3A_1640 : vector<1x16xi32> to vector<16xi32>
          %mul3A_1642 = arith.constant 100 : i32
          %mul3A_1643 = vector.broadcast %mul3A_1642 : i32 to vector<16xi32>
          %mul3A_1644 = arith.muli %get3A_1641, %mul3A_1643 : vector<16xi32>
          %get3A_1645 = arith.constant 7 : i32
          %get3A_1646 = arith.index_cast %get3A_1645 : i32 to index
          %get3A_1647 = arith.index_cast %mul3A_1632 : i32 to index
          %get3A_1648 = tpu.vector_load %arg7[%get3A_1646, %get3A_1647] {strides = array<i32>} : memref<8x200xi32, #tpu.memory_space<vmem>>, vector<1x16xi32>,
          %get3A_1649 = vector.shape_cast %get3A_1648 : vector<1x16xi32> to vector<16xi32>
          %add3A_1650 = arith.addi %mul3A_1644, %get3A_1649 : vector<16xi32>
          %swap3A_1651 = arith.index_cast %add3A_1636 : i32 to index
          %swap3A_1652 = tpu.vector_load %arg8[%swap3A_1651] {strides = array<i32>} : memref<1600xi32, #tpu.memory_space<vmem>>, vector<16xi32>,
          %swap3A_1653 = vector.shape_cast %swap3A_1652 : vector<16xi32> to vector<16xi32>
          %swap3A_1654 = vector.shape_cast %add3A_1650 : vector<16xi32> to vector<16xi32>
          tpu.vector_store %arg8[%swap3A_1651], %swap3A_1654 {strides = array<i32>} : memref<1600xi32, #tpu.memory_space<vmem>>, vector<16xi32>,
        }
        %scan3A_1611 = arith.constant 12 : i32
        %get3A_1612 = arith.constant 7 : i32
        %get3A_1613 = arith.index_cast %get3A_1612 : i32 to index
        %get3A_1614 = arith.constant 184 : index
        %get3A_1615 = tpu.vector_load %arg6[%get3A_1613, %get3A_1614] {strides = array<i32>} : memref<8x200xi32, #tpu.memory_space<vmem>>, vector<1x16xi32>,
        %get3A_1616 = vector.shape_cast %get3A_1615 : vector<1x16xi32> to vector<16xi32>
        %mul3A_1617 = arith.constant 100 : i32
        %mul3A_1618 = vector.broadcast %mul3A_1617 : i32 to vector<16xi32>
        %mul3A_1619 = arith.muli %get3A_1616, %mul3A_1618 : vector<16xi32>
        %get3A_1620 = arith.constant 7 : i32
        %get3A_1621 = arith.index_cast %get3A_1620 : i32 to index
        %get3A_1622 = arith.constant 184 : index
        %get3A_1623 = tpu.vector_load %arg7[%get3A_1621, %get3A_1622] {strides = array<i32>} : memref<8x200xi32, #tpu.memory_space<vmem>>, vector<1x16xi32>,
        %get3A_1624 = vector.shape_cast %get3A_1623 : vector<1x16xi32> to vector<16xi32>
        %add3A_1625 = arith.addi %mul3A_1619, %get3A_1624 : vector<16xi32>
        %swap3A_1626 = arith.constant 1584 : index
        %swap3A_1627 = tpu.vector_load %arg8[%swap3A_1626] {strides = array<i32>} : memref<1600xi32, #tpu.memory_space<vmem>>, vector<16xi32>,
        %swap3A_1628 = vector.shape_cast %swap3A_1627 : vector<16xi32> to vector<16xi32>
        %swap3A_1629 = vector.shape_cast %add3A_1625 : vector<16xi32> to vector<16xi32>
        tpu.vector_store %arg8[%swap3A_1626], %swap3A_1629 {strides = array<i32>} : memref<1600xi32, #tpu.memory_space<vmem>>, vector<16xi32>,
      } else {
      }
      %lt3A_905 = arith.constant 62 : i32
      %lt3A_906 = arith.cmpi slt, %add3A_854, %lt3A_905 : i32
      %convert_element_type3A_907 = arith.extui %lt3A_906 : i1 to i32
      %cond3A_908 = arith.constant 0 : i32
      %cond3A_909 = arith.cmpi ne, %convert_element_type3A_907, %cond3A_908 : i32
      scf.if %cond3A_909 {
        %add3A_1425 = arith.constant 2 : i32
        %add3A_1426 = arith.addi %add3A_854, %add3A_1425 : i32
        %mul3A_1427 = arith.constant 8 : i32
        %mul3A_1428 = arith.muli %add3A_1426, %mul3A_1427 : i32
        %add3A_1429 = arith.addi %mul3A_2, %mul3A_1428 : i32
        %dma_start3A_1430 = arith.constant 0 : i32
        %dma_start3A_1431 = tpu.memref_slice %arg2[%add3A_1429, %dma_start3A_1430] : memref<16384x200xi32, #tpu.memory_space<hbm>> -> memref<8x200xi32, #tpu.memory_space<hbm>>
        %dma_start3A_1432 = arith.constant 0 : i32
        %dma_start3A_1433 = tpu.memref_slice %arg2[%add3A_1429, %dma_start3A_1432] : memref<16384x200xi32, #tpu.memory_space<hbm>> -> memref<8x200xi32, #tpu.memory_space<hbm>>
        tpu.enqueue_dma source(%dma_start3A_1433 : memref<8x200xi32, #tpu.memory_space<hbm>>) target(%arg6 : memref<8x200xi32, #tpu.memory_space<vmem>>) target_semaphore(%arg16 : memref<!tpu.dma_semaphore, #tpu.memory_space<semaphore_mem>>)
        %dma_start3A_1434 = arith.constant 0 : i32
        %dma_start3A_1435 = tpu.memref_slice %arg3[%add3A_1429, %dma_start3A_1434] : memref<16384x200xi32, #tpu.memory_space<hbm>> -> memref<8x200xi32, #tpu.memory_space<hbm>>
        %dma_start3A_1436 = arith.constant 0 : i32
        %dma_start3A_1437 = tpu.memref_slice %arg3[%add3A_1429, %dma_start3A_1436] : memref<16384x200xi32, #tpu.memory_space<hbm>> -> memref<8x200xi32, #tpu.memory_space<hbm>>
        tpu.enqueue_dma source(%dma_start3A_1437 : memref<8x200xi32, #tpu.memory_space<hbm>>) target(%arg7 : memref<8x200xi32, #tpu.memory_space<vmem>>) target_semaphore(%arg16 : memref<!tpu.dma_semaphore, #tpu.memory_space<semaphore_mem>>)
      } else {
      }
      %dma_wait3A_910 = arith.constant 1 : i32
      %dma_wait3A_911 = arith.constant 0 : i32
      %dma_wait3A_912 = arith.constant 0 : i32
      %dma_wait3A_913 = tpu.memref_slice %arg10[%dma_wait3A_910, %dma_wait3A_911, %dma_wait3A_912] : memref<2x160x128xf32, #tpu.memory_space<vmem>> -> memref<1x160x128xf32, #tpu.memory_space<vmem>>
      %dma_wait3A_914 = tpu.memref_squeeze %dma_wait3A_913 : memref<1x160x128xf32, #tpu.memory_space<vmem>> -> memref<160x128xf32, #tpu.memory_space<vmem>>
      %dma_wait3A_915 = arith.constant 160 : i32
      %dma_wait3A_916 = tpu.memref_slice %arg9[%dma_wait3A_915] : memref<1600xi32, #tpu.memory_space<vmem>> -> memref<160xi32, #tpu.memory_space<vmem>>
      %dma_wait3A_917 = arith.constant 0 : i32
      %dma_wait3A_918 = arith.constant 0 : i32
      %dma_wait3A_919 = tpu.memref_slice %arg11[%dma_wait3A_917, %dma_wait3A_918] : memref<10000x128xf32, #tpu.memory_space<vmem_shared>> -> memref<10000x128xf32, #tpu.memory_space<vmem_shared>>
      tpu.wait_indirect_dma semaphore(%arg13 : memref<!tpu.dma_semaphore, #tpu.memory_space<semaphore_mem>>) src(%dma_wait3A_919 : memref<10000x128xf32, #tpu.memory_space<vmem_shared>>) dst(%dma_wait3A_914 : memref<160x128xf32, #tpu.memory_space<vmem>>)
      %mul3A_920 = arith.constant 8 : i32
      %mul3A_921 = arith.muli %add3A_854, %mul3A_920 : i32
      %add3A_922 = arith.addi %mul3A_2, %mul3A_921 : i32
      %mul3A_923 = arith.constant 200 : i32
      %mul3A_924 = arith.muli %add3A_922, %mul3A_923 : i32
      %add3A_925 = arith.constant 160 : i32
      %add3A_926 = arith.addi %mul3A_924, %add3A_925 : i32
      %dma_start3A_927 = arith.constant 1 : i32
      %dma_start3A_928 = arith.constant 0 : i32
      %dma_start3A_929 = arith.constant 0 : i32
      %dma_start3A_930 = tpu.memref_slice %arg10[%dma_start3A_927, %dma_start3A_928, %dma_start3A_929] : memref<2x160x128xf32, #tpu.memory_space<vmem>> -> memref<1x160x128xf32, #tpu.memory_space<vmem>>
      %dma_start3A_931 = tpu.memref_squeeze %dma_start3A_930 : memref<1x160x128xf32, #tpu.memory_space<vmem>> -> memref<160x128xf32, #tpu.memory_space<vmem>>
      %dma_start3A_932 = arith.constant 0 : i32
      %dma_start3A_933 = tpu.memref_slice %arg5[%add3A_926, %dma_start3A_932] : memref<3276800x128xf32, #tpu.memory_space<hbm>> -> memref<160x128xf32, #tpu.memory_space<hbm>>
      %dma_start3A_934 = arith.constant 0 : i32
      %dma_start3A_935 = tpu.memref_slice %arg5[%add3A_926, %dma_start3A_934] : memref<3276800x128xf32, #tpu.memory_space<hbm>> -> memref<160x128xf32, #tpu.memory_space<hbm>>
      %dma_start3A_936 = arith.constant 0 : i32
      %dma_start3A_937 = arith.constant 0 : i32
      %dma_start3A_938 = tpu.memref_slice %arg10[%dma_start3A_927, %dma_start3A_936, %dma_start3A_937] : memref<2x160x128xf32, #tpu.memory_space<vmem>> -> memref<1x160x128xf32, #tpu.memory_space<vmem>>
      %dma_start3A_939 = tpu.memref_squeeze %dma_start3A_938 : memref<1x160x128xf32, #tpu.memory_space<vmem>> -> memref<160x128xf32, #tpu.memory_space<vmem>>
      tpu.enqueue_dma source(%dma_start3A_939 : memref<160x128xf32, #tpu.memory_space<vmem>>) target(%dma_start3A_935 : memref<160x128xf32, #tpu.memory_space<hbm>>) target_semaphore(%arg15 : memref<!tpu.dma_semaphore, #tpu.memory_space<semaphore_mem>>)
      %mul3A_940 = arith.constant 8 : i32
      %mul3A_941 = arith.muli %add3A_854, %mul3A_940 : i32
      %add3A_942 = arith.addi %mul3A_2, %mul3A_941 : i32
      %mul3A_943 = arith.constant 200 : i32
      %mul3A_944 = arith.muli %add3A_942, %mul3A_943 : i32
      %add3A_945 = arith.constant 0 : i32
      %add3A_946 = arith.addi %mul3A_944, %add3A_945 : i32
      %dma_wait3A_947 = arith.constant 0 : i32
      %dma_wait3A_948 = arith.constant 0 : i32
      %dma_wait3A_949 = arith.constant 0 : i32
      %dma_wait3A_950 = tpu.memref_slice %arg10[%dma_wait3A_947, %dma_wait3A_948, %dma_wait3A_949] : memref<2x160x128xf32, #tpu.memory_space<vmem>> -> memref<1x160x128xf32, #tpu.memory_space<vmem>>
      %dma_wait3A_951 = tpu.memref_squeeze %dma_wait3A_950 : memref<1x160x128xf32, #tpu.memory_space<vmem>> -> memref<160x128xf32, #tpu.memory_space<vmem>>
      %dma_wait3A_952 = arith.constant 0 : i32
      %dma_wait3A_953 = tpu.memref_slice %arg5[%add3A_946, %dma_wait3A_952] : memref<3276800x128xf32, #tpu.memory_space<hbm>> -> memref<160x128xf32, #tpu.memory_space<hbm>>
      %dma_wait3A_954 = arith.constant 0 : i32
      %dma_wait3A_955 = tpu.memref_slice %arg5[%add3A_946, %dma_wait3A_954] : memref<3276800x128xf32, #tpu.memory_space<hbm>> -> memref<160x128xf32, #tpu.memory_space<hbm>>
      %dma_wait3A_956 = arith.constant 0 : i32
      %dma_wait3A_957 = arith.constant 0 : i32
      %dma_wait3A_958 = tpu.memref_slice %arg10[%dma_wait3A_947, %dma_wait3A_956, %dma_wait3A_957] : memref<2x160x128xf32, #tpu.memory_space<vmem>> -> memref<1x160x128xf32, #tpu.memory_space<vmem>>
      %dma_wait3A_959 = tpu.memref_squeeze %dma_wait3A_958 : memref<1x160x128xf32, #tpu.memory_space<vmem>> -> memref<160x128xf32, #tpu.memory_space<vmem>>
      tpu.wait_dma2 semaphore(%arg14 : memref<!tpu.dma_semaphore, #tpu.memory_space<semaphore_mem>>) src(%dma_wait3A_959 : memref<160x128xf32, #tpu.memory_space<vmem>>) dst(%dma_wait3A_955 : memref<160x128xf32, #tpu.memory_space<hbm>>)
      %dma_start3A_960 = arith.constant 0 : i32
      %dma_start3A_961 = arith.constant 0 : i32
      %dma_start3A_962 = arith.constant 0 : i32
      %dma_start3A_963 = tpu.memref_slice %arg10[%dma_start3A_960, %dma_start3A_961, %dma_start3A_962] : memref<2x160x128xf32, #tpu.memory_space<vmem>> -> memref<1x160x128xf32, #tpu.memory_space<vmem>>
      %dma_start3A_964 = tpu.memref_squeeze %dma_start3A_963 : memref<1x160x128xf32, #tpu.memory_space<vmem>> -> memref<160x128xf32, #tpu.memory_space<vmem>>
      %dma_start3A_965 = arith.constant 320 : i32
      %dma_start3A_966 = tpu.memref_slice %arg9[%dma_start3A_965] : memref<1600xi32, #tpu.memory_space<vmem>> -> memref<160xi32, #tpu.memory_space<vmem>>
      %dma_start3A_967 = arith.constant 0 : i32
      %dma_start3A_968 = arith.constant 0 : i32
      %dma_start3A_969 = tpu.memref_slice %arg11[%dma_start3A_967, %dma_start3A_968] : memref<10000x128xf32, #tpu.memory_space<vmem_shared>> -> memref<10000x128xf32, #tpu.memory_space<vmem_shared>>
      tpu.enqueue_indirect_dma source(%dma_start3A_969 : memref<10000x128xf32, #tpu.memory_space<vmem_shared>>) target(%dma_start3A_964 : memref<160x128xf32, #tpu.memory_space<vmem>>) offsets(%dma_start3A_966 : memref<160xi32, #tpu.memory_space<vmem>>) semaphore(%arg12 : memref<!tpu.dma_semaphore, #tpu.memory_space<semaphore_mem>>)
      %dma_wait3A_970 = arith.constant 0 : i32
      %dma_wait3A_971 = arith.constant 0 : i32
      %dma_wait3A_972 = arith.constant 0 : i32
      %dma_wait3A_973 = tpu.memref_slice %arg10[%dma_wait3A_970, %dma_wait3A_971, %dma_wait3A_972] : memref<2x160x128xf32, #tpu.memory_space<vmem>> -> memref<1x160x128xf32, #tpu.memory_space<vmem>>
      %dma_wait3A_974 = tpu.memref_squeeze %dma_wait3A_973 : memref<1x160x128xf32, #tpu.memory_space<vmem>> -> memref<160x128xf32, #tpu.memory_space<vmem>>
      %dma_wait3A_975 = arith.constant 320 : i32
      %dma_wait3A_976 = tpu.memref_slice %arg9[%dma_wait3A_975] : memref<1600xi32, #tpu.memory_space<vmem>> -> memref<160xi32, #tpu.memory_space<vmem>>
      %dma_wait3A_977 = arith.constant 0 : i32
      %dma_wait3A_978 = arith.constant 0 : i32
      %dma_wait3A_979 = tpu.memref_slice %arg11[%dma_wait3A_977, %dma_wait3A_978] : memref<10000x128xf32, #tpu.memory_space<vmem_shared>> -> memref<10000x128xf32, #tpu.memory_space<vmem_shared>>
      tpu.wait_indirect_dma semaphore(%arg12 : memref<!tpu.dma_semaphore, #tpu.memory_space<semaphore_mem>>) src(%dma_wait3A_979 : memref<10000x128xf32, #tpu.memory_space<vmem_shared>>) dst(%dma_wait3A_974 : memref<160x128xf32, #tpu.memory_space<vmem>>)
      %mul3A_980 = arith.constant 8 : i32
      %mul3A_981 = arith.muli %add3A_854, %mul3A_980 : i32
      %add3A_982 = arith.addi %mul3A_2, %mul3A_981 : i32
      %mul3A_983 = arith.constant 200 : i32
      %mul3A_984 = arith.muli %add3A_982, %mul3A_983 : i32
      %add3A_985 = arith.constant 320 : i32
      %add3A_986 = arith.addi %mul3A_984, %add3A_985 : i32
      %dma_start3A_987 = arith.constant 0 : i32
      %dma_start3A_988 = arith.constant 0 : i32
      %dma_start3A_989 = arith.constant 0 : i32
      %dma_start3A_990 = tpu.memref_slice %arg10[%dma_start3A_987, %dma_start3A_988, %dma_start3A_989] : memref<2x160x128xf32, #tpu.memory_space<vmem>> -> memref<1x160x128xf32, #tpu.memory_space<vmem>>
      %dma_start3A_991 = tpu.memref_squeeze %dma_start3A_990 : memref<1x160x128xf32, #tpu.memory_space<vmem>> -> memref<160x128xf32, #tpu.memory_space<vmem>>
      %dma_start3A_992 = arith.constant 0 : i32
      %dma_start3A_993 = tpu.memref_slice %arg5[%add3A_986, %dma_start3A_992] : memref<3276800x128xf32, #tpu.memory_space<hbm>> -> memref<160x128xf32, #tpu.memory_space<hbm>>
      %dma_start3A_994 = arith.constant 0 : i32
      %dma_start3A_995 = tpu.memref_slice %arg5[%add3A_986, %dma_start3A_994] : memref<3276800x128xf32, #tpu.memory_space<hbm>> -> memref<160x128xf32, #tpu.memory_space<hbm>>
      %dma_start3A_996 = arith.constant 0 : i32
      %dma_start3A_997 = arith.constant 0 : i32
      %dma_start3A_998 = tpu.memref_slice %arg10[%dma_start3A_987, %dma_start3A_996, %dma_start3A_997] : memref<2x160x128xf32, #tpu.memory_space<vmem>> -> memref<1x160x128xf32, #tpu.memory_space<vmem>>
      %dma_start3A_999 = tpu.memref_squeeze %dma_start3A_998 : memref<1x160x128xf32, #tpu.memory_space<vmem>> -> memref<160x128xf32, #tpu.memory_space<vmem>>
      tpu.enqueue_dma source(%dma_start3A_999 : memref<160x128xf32, #tpu.memory_space<vmem>>) target(%dma_start3A_995 : memref<160x128xf32, #tpu.memory_space<hbm>>) target_semaphore(%arg14 : memref<!tpu.dma_semaphore, #tpu.memory_space<semaphore_mem>>)
      %mul3A_1000 = arith.constant 8 : i32
      %mul3A_1001 = arith.muli %add3A_854, %mul3A_1000 : i32
      %add3A_1002 = arith.addi %mul3A_2, %mul3A_1001 : i32
      %mul3A_1003 = arith.constant 200 : i32
      %mul3A_1004 = arith.muli %add3A_1002, %mul3A_1003 : i32
      %add3A_1005 = arith.constant 160 : i32
      %add3A_1006 = arith.addi %mul3A_1004, %add3A_1005 : i32
      %dma_wait3A_1007 = arith.constant 1 : i32
      %dma_wait3A_1008 = arith.constant 0 : i32
      %dma_wait3A_1009 = arith.constant 0 : i32
      %dma_wait3A_1010 = tpu.memref_slice %arg10[%dma_wait3A_1007, %dma_wait3A_1008, %dma_wait3A_1009] : memref<2x160x128xf32, #tpu.memory_space<vmem>> -> memref<1x160x128xf32, #tpu.memory_space<vmem>>
      %dma_wait3A_1011 = tpu.memref_squeeze %dma_wait3A_1010 : memref<1x160x128xf32, #tpu.memory_space<vmem>> -> memref<160x128xf32, #tpu.memory_space<vmem>>
      %dma_wait3A_1012 = arith.constant 0 : i32
      %dma_wait3A_1013 = tpu.memref_slice %arg5[%add3A_1006, %dma_wait3A_1012] : memref<3276800x128xf32, #tpu.memory_space<hbm>> -> memref<160x128xf32, #tpu.memory_space<hbm>>
      %dma_wait3A_1014 = arith.constant 0 : i32
      %dma_wait3A_1015 = tpu.memref_slice %arg5[%add3A_1006, %dma_wait3A_1014] : memref<3276800x128xf32, #tpu.memory_space<hbm>> -> memref<160x128xf32, #tpu.memory_space<hbm>>
      %dma_wait3A_1016 = arith.constant 0 : i32
      %dma_wait3A_1017 = arith.constant 0 : i32
      %dma_wait3A_1018 = tpu.memref_slice %arg10[%dma_wait3A_1007, %dma_wait3A_1016, %dma_wait3A_1017] : memref<2x160x128xf32, #tpu.memory_space<vmem>> -> memref<1x160x128xf32, #tpu.memory_space<vmem>>
      %dma_wait3A_1019 = tpu.memref_squeeze %dma_wait3A_1018 : memref<1x160x128xf32, #tpu.memory_space<vmem>> -> memref<160x128xf32, #tpu.memory_space<vmem>>
      tpu.wait_dma2 semaphore(%arg15 : memref<!tpu.dma_semaphore, #tpu.memory_space<semaphore_mem>>) src(%dma_wait3A_1019 : memref<160x128xf32, #tpu.memory_space<vmem>>) dst(%dma_wait3A_1015 : memref<160x128xf32, #tpu.memory_space<hbm>>)
      %dma_start3A_1020 = arith.constant 1 : i32
      %dma_start3A_1021 = arith.constant 0 : i32
      %dma_start3A_1022 = arith.constant 0 : i32
      %dma_start3A_1023 = tpu.memref_slice %arg10[%dma_start3A_1020, %dma_start3A_1021, %dma_start3A_1022] : memref<2x160x128xf32, #tpu.memory_space<vmem>> -> memref<1x160x128xf32, #tpu.memory_space<vmem>>
      %dma_start3A_1024 = tpu.memref_squeeze %dma_start3A_1023 : memref<1x160x128xf32, #tpu.memory_space<vmem>> -> memref<160x128xf32, #tpu.memory_space<vmem>>
      %dma_start3A_1025 = arith.constant 480 : i32
      %dma_start3A_1026 = tpu.memref_slice %arg9[%dma_start3A_1025] : memref<1600xi32, #tpu.memory_space<vmem>> -> memref<160xi32, #tpu.memory_space<vmem>>
      %dma_start3A_1027 = arith.constant 0 : i32
      %dma_start3A_1028 = arith.constant 0 : i32
      %dma_start3A_1029 = tpu.memref_slice %arg11[%dma_start3A_1027, %dma_start3A_1028] : memref<10000x128xf32, #tpu.memory_space<vmem_shared>> -> memref<10000x128xf32, #tpu.memory_space<vmem_shared>>
      tpu.enqueue_indirect_dma source(%dma_start3A_1029 : memref<10000x128xf32, #tpu.memory_space<vmem_shared>>) target(%dma_start3A_1024 : memref<160x128xf32, #tpu.memory_space<vmem>>) offsets(%dma_start3A_1026 : memref<160xi32, #tpu.memory_space<vmem>>) semaphore(%arg13 : memref<!tpu.dma_semaphore, #tpu.memory_space<semaphore_mem>>)
      %dma_wait3A_1030 = arith.constant 1 : i32
      %dma_wait3A_1031 = arith.constant 0 : i32
      %dma_wait3A_1032 = arith.constant 0 : i32
      %dma_wait3A_1033 = tpu.memref_slice %arg10[%dma_wait3A_1030, %dma_wait3A_1031, %dma_wait3A_1032] : memref<2x160x128xf32, #tpu.memory_space<vmem>> -> memref<1x160x128xf32, #tpu.memory_space<vmem>>
      %dma_wait3A_1034 = tpu.memref_squeeze %dma_wait3A_1033 : memref<1x160x128xf32, #tpu.memory_space<vmem>> -> memref<160x128xf32, #tpu.memory_space<vmem>>
      %dma_wait3A_1035 = arith.constant 480 : i32
      %dma_wait3A_1036 = tpu.memref_slice %arg9[%dma_wait3A_1035] : memref<1600xi32, #tpu.memory_space<vmem>> -> memref<160xi32, #tpu.memory_space<vmem>>
      %dma_wait3A_1037 = arith.constant 0 : i32
      %dma_wait3A_1038 = arith.constant 0 : i32
      %dma_wait3A_1039 = tpu.memref_slice %arg11[%dma_wait3A_1037, %dma_wait3A_1038] : memref<10000x128xf32, #tpu.memory_space<vmem_shared>> -> memref<10000x128xf32, #tpu.memory_space<vmem_shared>>
      tpu.wait_indirect_dma semaphore(%arg13 : memref<!tpu.dma_semaphore, #tpu.memory_space<semaphore_mem>>) src(%dma_wait3A_1039 : memref<10000x128xf32, #tpu.memory_space<vmem_shared>>) dst(%dma_wait3A_1034 : memref<160x128xf32, #tpu.memory_space<vmem>>)
      %mul3A_1040 = arith.constant 8 : i32
      %mul3A_1041 = arith.muli %add3A_854, %mul3A_1040 : i32
      %add3A_1042 = arith.addi %mul3A_2, %mul3A_1041 : i32
      %mul3A_1043 = arith.constant 200 : i32
      %mul3A_1044 = arith.muli %add3A_1042, %mul3A_1043 : i32
      %add3A_1045 = arith.constant 480 : i32
      %add3A_1046 = arith.addi %mul3A_1044, %add3A_1045 : i32
      %dma_start3A_1047 = arith.constant 1 : i32
      %dma_start3A_1048 = arith.constant 0 : i32
      %dma_start3A_1049 = arith.constant 0 : i32
      %dma_start3A_1050 = tpu.memref_slice %arg10[%dma_start3A_1047, %dma_start3A_1048, %dma_start3A_1049] : memref<2x160x128xf32, #tpu.memory_space<vmem>> -> memref<1x160x128xf32, #tpu.memory_space<vmem>>
      %dma_start3A_1051 = tpu.memref_squeeze %dma_start3A_1050 : memref<1x160x128xf32, #tpu.memory_space<vmem>> -> memref<160x128xf32, #tpu.memory_space<vmem>>
      %dma_start3A_1052 = arith.constant 0 : i32
      %dma_start3A_1053 = tpu.memref_slice %arg5[%add3A_1046, %dma_start3A_1052] : memref<3276800x128xf32, #tpu.memory_space<hbm>> -> memref<160x128xf32, #tpu.memory_space<hbm>>
      %dma_start3A_1054 = arith.constant 0 : i32
      %dma_start3A_1055 = tpu.memref_slice %arg5[%add3A_1046, %dma_start3A_1054] : memref<3276800x128xf32, #tpu.memory_space<hbm>> -> memref<160x128xf32, #tpu.memory_space<hbm>>
      %dma_start3A_1056 = arith.constant 0 : i32
      %dma_start3A_1057 = arith.constant 0 : i32
      %dma_start3A_1058 = tpu.memref_slice %arg10[%dma_start3A_1047, %dma_start3A_1056, %dma_start3A_1057] : memref<2x160x128xf32, #tpu.memory_space<vmem>> -> memref<1x160x128xf32, #tpu.memory_space<vmem>>
      %dma_start3A_1059 = tpu.memref_squeeze %dma_start3A_1058 : memref<1x160x128xf32, #tpu.memory_space<vmem>> -> memref<160x128xf32, #tpu.memory_space<vmem>>
      tpu.enqueue_dma source(%dma_start3A_1059 : memref<160x128xf32, #tpu.memory_space<vmem>>) target(%dma_start3A_1055 : memref<160x128xf32, #tpu.memory_space<hbm>>) target_semaphore(%arg15 : memref<!tpu.dma_semaphore, #tpu.memory_space<semaphore_mem>>)
      %mul3A_1060 = arith.constant 8 : i32
      %mul3A_1061 = arith.muli %add3A_854, %mul3A_1060 : i32
      %add3A_1062 = arith.addi %mul3A_2, %mul3A_1061 : i32
      %mul3A_1063 = arith.constant 200 : i32
      %mul3A_1064 = arith.muli %add3A_1062, %mul3A_1063 : i32
      %add3A_1065 = arith.constant 320 : i32
      %add3A_1066 = arith.addi %mul3A_1064, %add3A_1065 : i32
      %dma_wait3A_1067 = arith.constant 0 : i32
      %dma_wait3A_1068 = arith.constant 0 : i32
      %dma_wait3A_1069 = arith.constant 0 : i32
      %dma_wait3A_1070 = tpu.memref_slice %arg10[%dma_wait3A_1067, %dma_wait3A_1068, %dma_wait3A_1069] : memref<2x160x128xf32, #tpu.memory_space<vmem>> -> memref<1x160x128xf32, #tpu.memory_space<vmem>>
      %dma_wait3A_1071 = tpu.memref_squeeze %dma_wait3A_1070 : memref<1x160x128xf32, #tpu.memory_space<vmem>> -> memref<160x128xf32, #tpu.memory_space<vmem>>
      %dma_wait3A_1072 = arith.constant 0 : i32
      %dma_wait3A_1073 = tpu.memref_slice %arg5[%add3A_1066, %dma_wait3A_1072] : memref<3276800x128xf32, #tpu.memory_space<hbm>> -> memref<160x128xf32, #tpu.memory_space<hbm>>
      %dma_wait3A_1074 = arith.constant 0 : i32
      %dma_wait3A_1075 = tpu.memref_slice %arg5[%add3A_1066, %dma_wait3A_1074] : memref<3276800x128xf32, #tpu.memory_space<hbm>> -> memref<160x128xf32, #tpu.memory_space<hbm>>
      %dma_wait3A_1076 = arith.constant 0 : i32
      %dma_wait3A_1077 = arith.constant 0 : i32
      %dma_wait3A_1078 = tpu.memref_slice %arg10[%dma_wait3A_1067, %dma_wait3A_1076, %dma_wait3A_1077] : memref<2x160x128xf32, #tpu.memory_space<vmem>> -> memref<1x160x128xf32, #tpu.memory_space<vmem>>
      %dma_wait3A_1079 = tpu.memref_squeeze %dma_wait3A_1078 : memref<1x160x128xf32, #tpu.memory_space<vmem>> -> memref<160x128xf32, #tpu.memory_space<vmem>>
      tpu.wait_dma2 semaphore(%arg14 : memref<!tpu.dma_semaphore, #tpu.memory_space<semaphore_mem>>) src(%dma_wait3A_1079 : memref<160x128xf32, #tpu.memory_space<vmem>>) dst(%dma_wait3A_1075 : memref<160x128xf32, #tpu.memory_space<hbm>>)
      %dma_start3A_1080 = arith.constant 0 : i32
      %dma_start3A_1081 = arith.constant 0 : i32
      %dma_start3A_1082 = arith.constant 0 : i32
      %dma_start3A_1083 = tpu.memref_slice %arg10[%dma_start3A_1080, %dma_start3A_1081, %dma_start3A_1082] : memref<2x160x128xf32, #tpu.memory_space<vmem>> -> memref<1x160x128xf32, #tpu.memory_space<vmem>>
      %dma_start3A_1084 = tpu.memref_squeeze %dma_start3A_1083 : memref<1x160x128xf32, #tpu.memory_space<vmem>> -> memref<160x128xf32, #tpu.memory_space<vmem>>
      %dma_start3A_1085 = arith.constant 640 : i32
      %dma_start3A_1086 = tpu.memref_slice %arg9[%dma_start3A_1085] : memref<1600xi32, #tpu.memory_space<vmem>> -> memref<160xi32, #tpu.memory_space<vmem>>
      %dma_start3A_1087 = arith.constant 0 : i32
      %dma_start3A_1088 = arith.constant 0 : i32
      %dma_start3A_1089 = tpu.memref_slice %arg11[%dma_start3A_1087, %dma_start3A_1088] : memref<10000x128xf32, #tpu.memory_space<vmem_shared>> -> memref<10000x128xf32, #tpu.memory_space<vmem_shared>>
      tpu.enqueue_indirect_dma source(%dma_start3A_1089 : memref<10000x128xf32, #tpu.memory_space<vmem_shared>>) target(%dma_start3A_1084 : memref<160x128xf32, #tpu.memory_space<vmem>>) offsets(%dma_start3A_1086 : memref<160xi32, #tpu.memory_space<vmem>>) semaphore(%arg12 : memref<!tpu.dma_semaphore, #tpu.memory_space<semaphore_mem>>)
      %dma_wait3A_1090 = arith.constant 0 : i32
      %dma_wait3A_1091 = arith.constant 0 : i32
      %dma_wait3A_1092 = arith.constant 0 : i32
      %dma_wait3A_1093 = tpu.memref_slice %arg10[%dma_wait3A_1090, %dma_wait3A_1091, %dma_wait3A_1092] : memref<2x160x128xf32, #tpu.memory_space<vmem>> -> memref<1x160x128xf32, #tpu.memory_space<vmem>>
      %dma_wait3A_1094 = tpu.memref_squeeze %dma_wait3A_1093 : memref<1x160x128xf32, #tpu.memory_space<vmem>> -> memref<160x128xf32, #tpu.memory_space<vmem>>
      %dma_wait3A_1095 = arith.constant 640 : i32
      %dma_wait3A_1096 = tpu.memref_slice %arg9[%dma_wait3A_1095] : memref<1600xi32, #tpu.memory_space<vmem>> -> memref<160xi32, #tpu.memory_space<vmem>>
      %dma_wait3A_1097 = arith.constant 0 : i32
      %dma_wait3A_1098 = arith.constant 0 : i32
      %dma_wait3A_1099 = tpu.memref_slice %arg11[%dma_wait3A_1097, %dma_wait3A_1098] : memref<10000x128xf32, #tpu.memory_space<vmem_shared>> -> memref<10000x128xf32, #tpu.memory_space<vmem_shared>>
      tpu.wait_indirect_dma semaphore(%arg12 : memref<!tpu.dma_semaphore, #tpu.memory_space<semaphore_mem>>) src(%dma_wait3A_1099 : memref<10000x128xf32, #tpu.memory_space<vmem_shared>>) dst(%dma_wait3A_1094 : memref<160x128xf32, #tpu.memory_space<vmem>>)
      %mul3A_1100 = arith.constant 8 : i32
      %mul3A_1101 = arith.muli %add3A_854, %mul3A_1100 : i32
      %add3A_1102 = arith.addi %mul3A_2, %mul3A_1101 : i32
      %mul3A_1103 = arith.constant 200 : i32
      %mul3A_1104 = arith.muli %add3A_1102, %mul3A_1103 : i32
      %add3A_1105 = arith.constant 640 : i32
      %add3A_1106 = arith.addi %mul3A_1104, %add3A_1105 : i32
      %dma_start3A_1107 = arith.constant 0 : i32
      %dma_start3A_1108 = arith.constant 0 : i32
      %dma_start3A_1109 = arith.constant 0 : i32
      %dma_start3A_1110 = tpu.memref_slice %arg10[%dma_start3A_1107, %dma_start3A_1108, %dma_start3A_1109] : memref<2x160x128xf32, #tpu.memory_space<vmem>> -> memref<1x160x128xf32, #tpu.memory_space<vmem>>
      %dma_start3A_1111 = tpu.memref_squeeze %dma_start3A_1110 : memref<1x160x128xf32, #tpu.memory_space<vmem>> -> memref<160x128xf32, #tpu.memory_space<vmem>>
      %dma_start3A_1112 = arith.constant 0 : i32
      %dma_start3A_1113 = tpu.memref_slice %arg5[%add3A_1106, %dma_start3A_1112] : memref<3276800x128xf32, #tpu.memory_space<hbm>> -> memref<160x128xf32, #tpu.memory_space<hbm>>
      %dma_start3A_1114 = arith.constant 0 : i32
      %dma_start3A_1115 = tpu.memref_slice %arg5[%add3A_1106, %dma_start3A_1114] : memref<3276800x128xf32, #tpu.memory_space<hbm>> -> memref<160x128xf32, #tpu.memory_space<hbm>>
      %dma_start3A_1116 = arith.constant 0 : i32
      %dma_start3A_1117 = arith.constant 0 : i32
      %dma_start3A_1118 = tpu.memref_slice %arg10[%dma_start3A_1107, %dma_start3A_1116, %dma_start3A_1117] : memref<2x160x128xf32, #tpu.memory_space<vmem>> -> memref<1x160x128xf32, #tpu.memory_space<vmem>>
      %dma_start3A_1119 = tpu.memref_squeeze %dma_start3A_1118 : memref<1x160x128xf32, #tpu.memory_space<vmem>> -> memref<160x128xf32, #tpu.memory_space<vmem>>
      tpu.enqueue_dma source(%dma_start3A_1119 : memref<160x128xf32, #tpu.memory_space<vmem>>) target(%dma_start3A_1115 : memref<160x128xf32, #tpu.memory_space<hbm>>) target_semaphore(%arg14 : memref<!tpu.dma_semaphore, #tpu.memory_space<semaphore_mem>>)
      %mul3A_1120 = arith.constant 8 : i32
      %mul3A_1121 = arith.muli %add3A_854, %mul3A_1120 : i32
      %add3A_1122 = arith.addi %mul3A_2, %mul3A_1121 : i32
      %mul3A_1123 = arith.constant 200 : i32
      %mul3A_1124 = arith.muli %add3A_1122, %mul3A_1123 : i32
      %add3A_1125 = arith.constant 480 : i32
      %add3A_1126 = arith.addi %mul3A_1124, %add3A_1125 : i32
      %dma_wait3A_1127 = arith.constant 1 : i32
      %dma_wait3A_1128 = arith.constant 0 : i32
      %dma_wait3A_1129 = arith.constant 0 : i32
      %dma_wait3A_1130 = tpu.memref_slice %arg10[%dma_wait3A_1127, %dma_wait3A_1128, %dma_wait3A_1129] : memref<2x160x128xf32, #tpu.memory_space<vmem>> -> memref<1x160x128xf32, #tpu.memory_space<vmem>>
      %dma_wait3A_1131 = tpu.memref_squeeze %dma_wait3A_1130 : memref<1x160x128xf32, #tpu.memory_space<vmem>> -> memref<160x128xf32, #tpu.memory_space<vmem>>
      %dma_wait3A_1132 = arith.constant 0 : i32
      %dma_wait3A_1133 = tpu.memref_slice %arg5[%add3A_1126, %dma_wait3A_1132] : memref<3276800x128xf32, #tpu.memory_space<hbm>> -> memref<160x128xf32, #tpu.memory_space<hbm>>
      %dma_wait3A_1134 = arith.constant 0 : i32
      %dma_wait3A_1135 = tpu.memref_slice %arg5[%add3A_1126, %dma_wait3A_1134] : memref<3276800x128xf32, #tpu.memory_space<hbm>> -> memref<160x128xf32, #tpu.memory_space<hbm>>
      %dma_wait3A_1136 = arith.constant 0 : i32
      %dma_wait3A_1137 = arith.constant 0 : i32
      %dma_wait3A_1138 = tpu.memref_slice %arg10[%dma_wait3A_1127, %dma_wait3A_1136, %dma_wait3A_1137] : memref<2x160x128xf32, #tpu.memory_space<vmem>> -> memref<1x160x128xf32, #tpu.memory_space<vmem>>
      %dma_wait3A_1139 = tpu.memref_squeeze %dma_wait3A_1138 : memref<1x160x128xf32, #tpu.memory_space<vmem>> -> memref<160x128xf32, #tpu.memory_space<vmem>>
      tpu.wait_dma2 semaphore(%arg15 : memref<!tpu.dma_semaphore, #tpu.memory_space<semaphore_mem>>) src(%dma_wait3A_1139 : memref<160x128xf32, #tpu.memory_space<vmem>>) dst(%dma_wait3A_1135 : memref<160x128xf32, #tpu.memory_space<hbm>>)
      %dma_start3A_1140 = arith.constant 1 : i32
      %dma_start3A_1141 = arith.constant 0 : i32
      %dma_start3A_1142 = arith.constant 0 : i32
      %dma_start3A_1143 = tpu.memref_slice %arg10[%dma_start3A_1140, %dma_start3A_1141, %dma_start3A_1142] : memref<2x160x128xf32, #tpu.memory_space<vmem>> -> memref<1x160x128xf32, #tpu.memory_space<vmem>>
      %dma_start3A_1144 = tpu.memref_squeeze %dma_start3A_1143 : memref<1x160x128xf32, #tpu.memory_space<vmem>> -> memref<160x128xf32, #tpu.memory_space<vmem>>
      %dma_start3A_1145 = arith.constant 800 : i32
      %dma_start3A_1146 = tpu.memref_slice %arg9[%dma_start3A_1145] : memref<1600xi32, #tpu.memory_space<vmem>> -> memref<160xi32, #tpu.memory_space<vmem>>
      %dma_start3A_1147 = arith.constant 0 : i32
      %dma_start3A_1148 = arith.constant 0 : i32
      %dma_start3A_1149 = tpu.memref_slice %arg11[%dma_start3A_1147, %dma_start3A_1148] : memref<10000x128xf32, #tpu.memory_space<vmem_shared>> -> memref<10000x128xf32, #tpu.memory_space<vmem_shared>>
      tpu.enqueue_indirect_dma source(%dma_start3A_1149 : memref<10000x128xf32, #tpu.memory_space<vmem_shared>>) target(%dma_start3A_1144 : memref<160x128xf32, #tpu.memory_space<vmem>>) offsets(%dma_start3A_1146 : memref<160xi32, #tpu.memory_space<vmem>>) semaphore(%arg13 : memref<!tpu.dma_semaphore, #tpu.memory_space<semaphore_mem>>)
      %dma_wait3A_1150 = arith.constant 1 : i32
      %dma_wait3A_1151 = arith.constant 0 : i32
      %dma_wait3A_1152 = arith.constant 0 : i32
      %dma_wait3A_1153 = tpu.memref_slice %arg10[%dma_wait3A_1150, %dma_wait3A_1151, %dma_wait3A_1152] : memref<2x160x128xf32, #tpu.memory_space<vmem>> -> memref<1x160x128xf32, #tpu.memory_space<vmem>>
      %dma_wait3A_1154 = tpu.memref_squeeze %dma_wait3A_1153 : memref<1x160x128xf32, #tpu.memory_space<vmem>> -> memref<160x128xf32, #tpu.memory_space<vmem>>
      %dma_wait3A_1155 = arith.constant 800 : i32
      %dma_wait3A_1156 = tpu.memref_slice %arg9[%dma_wait3A_1155] : memref<1600xi32, #tpu.memory_space<vmem>> -> memref<160xi32, #tpu.memory_space<vmem>>
      %dma_wait3A_1157 = arith.constant 0 : i32
      %dma_wait3A_1158 = arith.constant 0 : i32
      %dma_wait3A_1159 = tpu.memref_slice %arg11[%dma_wait3A_1157, %dma_wait3A_1158] : memref<10000x128xf32, #tpu.memory_space<vmem_shared>> -> memref<10000x128xf32, #tpu.memory_space<vmem_shared>>
      tpu.wait_indirect_dma semaphore(%arg13 : memref<!tpu.dma_semaphore, #tpu.memory_space<semaphore_mem>>) src(%dma_wait3A_1159 : memref<10000x128xf32, #tpu.memory_space<vmem_shared>>) dst(%dma_wait3A_1154 : memref<160x128xf32, #tpu.memory_space<vmem>>)
      %mul3A_1160 = arith.constant 8 : i32
      %mul3A_1161 = arith.muli %add3A_854, %mul3A_1160 : i32
      %add3A_1162 = arith.addi %mul3A_2, %mul3A_1161 : i32
      %mul3A_1163 = arith.constant 200 : i32
      %mul3A_1164 = arith.muli %add3A_1162, %mul3A_1163 : i32
      %add3A_1165 = arith.constant 800 : i32
      %add3A_1166 = arith.addi %mul3A_1164, %add3A_1165 : i32
      %dma_start3A_1167 = arith.constant 1 : i32
      %dma_start3A_1168 = arith.constant 0 : i32
      %dma_start3A_1169 = arith.constant 0 : i32
      %dma_start3A_1170 = tpu.memref_slice %arg10[%dma_start3A_1167, %dma_start3A_1168, %dma_start3A_1169] : memref<2x160x128xf32, #tpu.memory_space<vmem>> -> memref<1x160x128xf32, #tpu.memory_space<vmem>>
      %dma_start3A_1171 = tpu.memref_squeeze %dma_start3A_1170 : memref<1x160x128xf32, #tpu.memory_space<vmem>> -> memref<160x128xf32, #tpu.memory_space<vmem>>
      %dma_start3A_1172 = arith.constant 0 : i32
      %dma_start3A_1173 = tpu.memref_slice %arg5[%add3A_1166, %dma_start3A_1172] : memref<3276800x128xf32, #tpu.memory_space<hbm>> -> memref<160x128xf32, #tpu.memory_space<hbm>>
      %dma_start3A_1174 = arith.constant 0 : i32
      %dma_start3A_1175 = tpu.memref_slice %arg5[%add3A_1166, %dma_start3A_1174] : memref<3276800x128xf32, #tpu.memory_space<hbm>> -> memref<160x128xf32, #tpu.memory_space<hbm>>
      %dma_start3A_1176 = arith.constant 0 : i32
      %dma_start3A_1177 = arith.constant 0 : i32
      %dma_start3A_1178 = tpu.memref_slice %arg10[%dma_start3A_1167, %dma_start3A_1176, %dma_start3A_1177] : memref<2x160x128xf32, #tpu.memory_space<vmem>> -> memref<1x160x128xf32, #tpu.memory_space<vmem>>
      %dma_start3A_1179 = tpu.memref_squeeze %dma_start3A_1178 : memref<1x160x128xf32, #tpu.memory_space<vmem>> -> memref<160x128xf32, #tpu.memory_space<vmem>>
      tpu.enqueue_dma source(%dma_start3A_1179 : memref<160x128xf32, #tpu.memory_space<vmem>>) target(%dma_start3A_1175 : memref<160x128xf32, #tpu.memory_space<hbm>>) target_semaphore(%arg15 : memref<!tpu.dma_semaphore, #tpu.memory_space<semaphore_mem>>)
      %mul3A_1180 = arith.constant 8 : i32
      %mul3A_1181 = arith.muli %add3A_854, %mul3A_1180 : i32
      %add3A_1182 = arith.addi %mul3A_2, %mul3A_1181 : i32
      %mul3A_1183 = arith.constant 200 : i32
      %mul3A_1184 = arith.muli %add3A_1182, %mul3A_1183 : i32
      %add3A_1185 = arith.constant 640 : i32
      %add3A_1186 = arith.addi %mul3A_1184, %add3A_1185 : i32
      %dma_wait3A_1187 = arith.constant 0 : i32
      %dma_wait3A_1188 = arith.constant 0 : i32
      %dma_wait3A_1189 = arith.constant 0 : i32
      %dma_wait3A_1190 = tpu.memref_slice %arg10[%dma_wait3A_1187, %dma_wait3A_1188, %dma_wait3A_1189] : memref<2x160x128xf32, #tpu.memory_space<vmem>> -> memref<1x160x128xf32, #tpu.memory_space<vmem>>
      %dma_wait3A_1191 = tpu.memref_squeeze %dma_wait3A_1190 : memref<1x160x128xf32, #tpu.memory_space<vmem>> -> memref<160x128xf32, #tpu.memory_space<vmem>>
      %dma_wait3A_1192 = arith.constant 0 : i32
      %dma_wait3A_1193 = tpu.memref_slice %arg5[%add3A_1186, %dma_wait3A_1192] : memref<3276800x128xf32, #tpu.memory_space<hbm>> -> memref<160x128xf32, #tpu.memory_space<hbm>>
      %dma_wait3A_1194 = arith.constant 0 : i32
      %dma_wait3A_1195 = tpu.memref_slice %arg5[%add3A_1186, %dma_wait3A_1194] : memref<3276800x128xf32, #tpu.memory_space<hbm>> -> memref<160x128xf32, #tpu.memory_space<hbm>>
      %dma_wait3A_1196 = arith.constant 0 : i32
      %dma_wait3A_1197 = arith.constant 0 : i32
      %dma_wait3A_1198 = tpu.memref_slice %arg10[%dma_wait3A_1187, %dma_wait3A_1196, %dma_wait3A_1197] : memref<2x160x128xf32, #tpu.memory_space<vmem>> -> memref<1x160x128xf32, #tpu.memory_space<vmem>>
      %dma_wait3A_1199 = tpu.memref_squeeze %dma_wait3A_1198 : memref<1x160x128xf32, #tpu.memory_space<vmem>> -> memref<160x128xf32, #tpu.memory_space<vmem>>
      tpu.wait_dma2 semaphore(%arg14 : memref<!tpu.dma_semaphore, #tpu.memory_space<semaphore_mem>>) src(%dma_wait3A_1199 : memref<160x128xf32, #tpu.memory_space<vmem>>) dst(%dma_wait3A_1195 : memref<160x128xf32, #tpu.memory_space<hbm>>)
      %dma_start3A_1200 = arith.constant 0 : i32
      %dma_start3A_1201 = arith.constant 0 : i32
      %dma_start3A_1202 = arith.constant 0 : i32
      %dma_start3A_1203 = tpu.memref_slice %arg10[%dma_start3A_1200, %dma_start3A_1201, %dma_start3A_1202] : memref<2x160x128xf32, #tpu.memory_space<vmem>> -> memref<1x160x128xf32, #tpu.memory_space<vmem>>
      %dma_start3A_1204 = tpu.memref_squeeze %dma_start3A_1203 : memref<1x160x128xf32, #tpu.memory_space<vmem>> -> memref<160x128xf32, #tpu.memory_space<vmem>>
      %dma_start3A_1205 = arith.constant 960 : i32
      %dma_start3A_1206 = tpu.memref_slice %arg9[%dma_start3A_1205] : memref<1600xi32, #tpu.memory_space<vmem>> -> memref<160xi32, #tpu.memory_space<vmem>>
      %dma_start3A_1207 = arith.constant 0 : i32
      %dma_start3A_1208 = arith.constant 0 : i32
      %dma_start3A_1209 = tpu.memref_slice %arg11[%dma_start3A_1207, %dma_start3A_1208] : memref<10000x128xf32, #tpu.memory_space<vmem_shared>> -> memref<10000x128xf32, #tpu.memory_space<vmem_shared>>
      tpu.enqueue_indirect_dma source(%dma_start3A_1209 : memref<10000x128xf32, #tpu.memory_space<vmem_shared>>) target(%dma_start3A_1204 : memref<160x128xf32, #tpu.memory_space<vmem>>) offsets(%dma_start3A_1206 : memref<160xi32, #tpu.memory_space<vmem>>) semaphore(%arg12 : memref<!tpu.dma_semaphore, #tpu.memory_space<semaphore_mem>>)
      %dma_wait3A_1210 = arith.constant 0 : i32
      %dma_wait3A_1211 = arith.constant 0 : i32
      %dma_wait3A_1212 = arith.constant 0 : i32
      %dma_wait3A_1213 = tpu.memref_slice %arg10[%dma_wait3A_1210, %dma_wait3A_1211, %dma_wait3A_1212] : memref<2x160x128xf32, #tpu.memory_space<vmem>> -> memref<1x160x128xf32, #tpu.memory_space<vmem>>
      %dma_wait3A_1214 = tpu.memref_squeeze %dma_wait3A_1213 : memref<1x160x128xf32, #tpu.memory_space<vmem>> -> memref<160x128xf32, #tpu.memory_space<vmem>>
      %dma_wait3A_1215 = arith.constant 960 : i32
      %dma_wait3A_1216 = tpu.memref_slice %arg9[%dma_wait3A_1215] : memref<1600xi32, #tpu.memory_space<vmem>> -> memref<160xi32, #tpu.memory_space<vmem>>
      %dma_wait3A_1217 = arith.constant 0 : i32
      %dma_wait3A_1218 = arith.constant 0 : i32
      %dma_wait3A_1219 = tpu.memref_slice %arg11[%dma_wait3A_1217, %dma_wait3A_1218] : memref<10000x128xf32, #tpu.memory_space<vmem_shared>> -> memref<10000x128xf32, #tpu.memory_space<vmem_shared>>
      tpu.wait_indirect_dma semaphore(%arg12 : memref<!tpu.dma_semaphore, #tpu.memory_space<semaphore_mem>>) src(%dma_wait3A_1219 : memref<10000x128xf32, #tpu.memory_space<vmem_shared>>) dst(%dma_wait3A_1214 : memref<160x128xf32, #tpu.memory_space<vmem>>)
      %mul3A_1220 = arith.constant 8 : i32
      %mul3A_1221 = arith.muli %add3A_854, %mul3A_1220 : i32
      %add3A_1222 = arith.addi %mul3A_2, %mul3A_1221 : i32
      %mul3A_1223 = arith.constant 200 : i32
      %mul3A_1224 = arith.muli %add3A_1222, %mul3A_1223 : i32
      %add3A_1225 = arith.constant 960 : i32
      %add3A_1226 = arith.addi %mul3A_1224, %add3A_1225 : i32
      %dma_start3A_1227 = arith.constant 0 : i32
      %dma_start3A_1228 = arith.constant 0 : i32
      %dma_start3A_1229 = arith.constant 0 : i32
      %dma_start3A_1230 = tpu.memref_slice %arg10[%dma_start3A_1227, %dma_start3A_1228, %dma_start3A_1229] : memref<2x160x128xf32, #tpu.memory_space<vmem>> -> memref<1x160x128xf32, #tpu.memory_space<vmem>>
      %dma_start3A_1231 = tpu.memref_squeeze %dma_start3A_1230 : memref<1x160x128xf32, #tpu.memory_space<vmem>> -> memref<160x128xf32, #tpu.memory_space<vmem>>
      %dma_start3A_1232 = arith.constant 0 : i32
      %dma_start3A_1233 = tpu.memref_slice %arg5[%add3A_1226, %dma_start3A_1232] : memref<3276800x128xf32, #tpu.memory_space<hbm>> -> memref<160x128xf32, #tpu.memory_space<hbm>>
      %dma_start3A_1234 = arith.constant 0 : i32
      %dma_start3A_1235 = tpu.memref_slice %arg5[%add3A_1226, %dma_start3A_1234] : memref<3276800x128xf32, #tpu.memory_space<hbm>> -> memref<160x128xf32, #tpu.memory_space<hbm>>
      %dma_start3A_1236 = arith.constant 0 : i32
      %dma_start3A_1237 = arith.constant 0 : i32
      %dma_start3A_1238 = tpu.memref_slice %arg10[%dma_start3A_1227, %dma_start3A_1236, %dma_start3A_1237] : memref<2x160x128xf32, #tpu.memory_space<vmem>> -> memref<1x160x128xf32, #tpu.memory_space<vmem>>
      %dma_start3A_1239 = tpu.memref_squeeze %dma_start3A_1238 : memref<1x160x128xf32, #tpu.memory_space<vmem>> -> memref<160x128xf32, #tpu.memory_space<vmem>>
      tpu.enqueue_dma source(%dma_start3A_1239 : memref<160x128xf32, #tpu.memory_space<vmem>>) target(%dma_start3A_1235 : memref<160x128xf32, #tpu.memory_space<hbm>>) target_semaphore(%arg14 : memref<!tpu.dma_semaphore, #tpu.memory_space<semaphore_mem>>)
      %mul3A_1240 = arith.constant 8 : i32
      %mul3A_1241 = arith.muli %add3A_854, %mul3A_1240 : i32
      %add3A_1242 = arith.addi %mul3A_2, %mul3A_1241 : i32
      %mul3A_1243 = arith.constant 200 : i32
      %mul3A_1244 = arith.muli %add3A_1242, %mul3A_1243 : i32
      %add3A_1245 = arith.constant 800 : i32
      %add3A_1246 = arith.addi %mul3A_1244, %add3A_1245 : i32
      %dma_wait3A_1247 = arith.constant 1 : i32
      %dma_wait3A_1248 = arith.constant 0 : i32
      %dma_wait3A_1249 = arith.constant 0 : i32
      %dma_wait3A_1250 = tpu.memref_slice %arg10[%dma_wait3A_1247, %dma_wait3A_1248, %dma_wait3A_1249] : memref<2x160x128xf32, #tpu.memory_space<vmem>> -> memref<1x160x128xf32, #tpu.memory_space<vmem>>
      %dma_wait3A_1251 = tpu.memref_squeeze %dma_wait3A_1250 : memref<1x160x128xf32, #tpu.memory_space<vmem>> -> memref<160x128xf32, #tpu.memory_space<vmem>>
      %dma_wait3A_1252 = arith.constant 0 : i32
      %dma_wait3A_1253 = tpu.memref_slice %arg5[%add3A_1246, %dma_wait3A_1252] : memref<3276800x128xf32, #tpu.memory_space<hbm>> -> memref<160x128xf32, #tpu.memory_space<hbm>>
      %dma_wait3A_1254 = arith.constant 0 : i32
      %dma_wait3A_1255 = tpu.memref_slice %arg5[%add3A_1246, %dma_wait3A_1254] : memref<3276800x128xf32, #tpu.memory_space<hbm>> -> memref<160x128xf32, #tpu.memory_space<hbm>>
      %dma_wait3A_1256 = arith.constant 0 : i32
      %dma_wait3A_1257 = arith.constant 0 : i32
      %dma_wait3A_1258 = tpu.memref_slice %arg10[%dma_wait3A_1247, %dma_wait3A_1256, %dma_wait3A_1257] : memref<2x160x128xf32, #tpu.memory_space<vmem>> -> memref<1x160x128xf32, #tpu.memory_space<vmem>>
      %dma_wait3A_1259 = tpu.memref_squeeze %dma_wait3A_1258 : memref<1x160x128xf32, #tpu.memory_space<vmem>> -> memref<160x128xf32, #tpu.memory_space<vmem>>
      tpu.wait_dma2 semaphore(%arg15 : memref<!tpu.dma_semaphore, #tpu.memory_space<semaphore_mem>>) src(%dma_wait3A_1259 : memref<160x128xf32, #tpu.memory_space<vmem>>) dst(%dma_wait3A_1255 : memref<160x128xf32, #tpu.memory_space<hbm>>)
      %dma_start3A_1260 = arith.constant 1 : i32
      %dma_start3A_1261 = arith.constant 0 : i32
      %dma_start3A_1262 = arith.constant 0 : i32
      %dma_start3A_1263 = tpu.memref_slice %arg10[%dma_start3A_1260, %dma_start3A_1261, %dma_start3A_1262] : memref<2x160x128xf32, #tpu.memory_space<vmem>> -> memref<1x160x128xf32, #tpu.memory_space<vmem>>
      %dma_start3A_1264 = tpu.memref_squeeze %dma_start3A_1263 : memref<1x160x128xf32, #tpu.memory_space<vmem>> -> memref<160x128xf32, #tpu.memory_space<vmem>>
      %dma_start3A_1265 = arith.constant 1120 : i32
      %dma_start3A_1266 = tpu.memref_slice %arg9[%dma_start3A_1265] : memref<1600xi32, #tpu.memory_space<vmem>> -> memref<160xi32, #tpu.memory_space<vmem>>
      %dma_start3A_1267 = arith.constant 0 : i32
      %dma_start3A_1268 = arith.constant 0 : i32
      %dma_start3A_1269 = tpu.memref_slice %arg11[%dma_start3A_1267, %dma_start3A_1268] : memref<10000x128xf32, #tpu.memory_space<vmem_shared>> -> memref<10000x128xf32, #tpu.memory_space<vmem_shared>>
      tpu.enqueue_indirect_dma source(%dma_start3A_1269 : memref<10000x128xf32, #tpu.memory_space<vmem_shared>>) target(%dma_start3A_1264 : memref<160x128xf32, #tpu.memory_space<vmem>>) offsets(%dma_start3A_1266 : memref<160xi32, #tpu.memory_space<vmem>>) semaphore(%arg13 : memref<!tpu.dma_semaphore, #tpu.memory_space<semaphore_mem>>)
      %dma_wait3A_1270 = arith.constant 1 : i32
      %dma_wait3A_1271 = arith.constant 0 : i32
      %dma_wait3A_1272 = arith.constant 0 : i32
      %dma_wait3A_1273 = tpu.memref_slice %arg10[%dma_wait3A_1270, %dma_wait3A_1271, %dma_wait3A_1272] : memref<2x160x128xf32, #tpu.memory_space<vmem>> -> memref<1x160x128xf32, #tpu.memory_space<vmem>>
      %dma_wait3A_1274 = tpu.memref_squeeze %dma_wait3A_1273 : memref<1x160x128xf32, #tpu.memory_space<vmem>> -> memref<160x128xf32, #tpu.memory_space<vmem>>
      %dma_wait3A_1275 = arith.constant 1120 : i32
      %dma_wait3A_1276 = tpu.memref_slice %arg9[%dma_wait3A_1275] : memref<1600xi32, #tpu.memory_space<vmem>> -> memref<160xi32, #tpu.memory_space<vmem>>
      %dma_wait3A_1277 = arith.constant 0 : i32
      %dma_wait3A_1278 = arith.constant 0 : i32
      %dma_wait3A_1279 = tpu.memref_slice %arg11[%dma_wait3A_1277, %dma_wait3A_1278] : memref<10000x128xf32, #tpu.memory_space<vmem_shared>> -> memref<10000x128xf32, #tpu.memory_space<vmem_shared>>
      tpu.wait_indirect_dma semaphore(%arg13 : memref<!tpu.dma_semaphore, #tpu.memory_space<semaphore_mem>>) src(%dma_wait3A_1279 : memref<10000x128xf32, #tpu.memory_space<vmem_shared>>) dst(%dma_wait3A_1274 : memref<160x128xf32, #tpu.memory_space<vmem>>)
      %mul3A_1280 = arith.constant 8 : i32
      %mul3A_1281 = arith.muli %add3A_854, %mul3A_1280 : i32
      %add3A_1282 = arith.addi %mul3A_2, %mul3A_1281 : i32
      %mul3A_1283 = arith.constant 200 : i32
      %mul3A_1284 = arith.muli %add3A_1282, %mul3A_1283 : i32
      %add3A_1285 = arith.constant 1120 : i32
      %add3A_1286 = arith.addi %mul3A_1284, %add3A_1285 : i32
      %dma_start3A_1287 = arith.constant 1 : i32
      %dma_start3A_1288 = arith.constant 0 : i32
      %dma_start3A_1289 = arith.constant 0 : i32
      %dma_start3A_1290 = tpu.memref_slice %arg10[%dma_start3A_1287, %dma_start3A_1288, %dma_start3A_1289] : memref<2x160x128xf32, #tpu.memory_space<vmem>> -> memref<1x160x128xf32, #tpu.memory_space<vmem>>
      %dma_start3A_1291 = tpu.memref_squeeze %dma_start3A_1290 : memref<1x160x128xf32, #tpu.memory_space<vmem>> -> memref<160x128xf32, #tpu.memory_space<vmem>>
      %dma_start3A_1292 = arith.constant 0 : i32
      %dma_start3A_1293 = tpu.memref_slice %arg5[%add3A_1286, %dma_start3A_1292] : memref<3276800x128xf32, #tpu.memory_space<hbm>> -> memref<160x128xf32, #tpu.memory_space<hbm>>
      %dma_start3A_1294 = arith.constant 0 : i32
      %dma_start3A_1295 = tpu.memref_slice %arg5[%add3A_1286, %dma_start3A_1294] : memref<3276800x128xf32, #tpu.memory_space<hbm>> -> memref<160x128xf32, #tpu.memory_space<hbm>>
      %dma_start3A_1296 = arith.constant 0 : i32
      %dma_start3A_1297 = arith.constant 0 : i32
      %dma_start3A_1298 = tpu.memref_slice %arg10[%dma_start3A_1287, %dma_start3A_1296, %dma_start3A_1297] : memref<2x160x128xf32, #tpu.memory_space<vmem>> -> memref<1x160x128xf32, #tpu.memory_space<vmem>>
      %dma_start3A_1299 = tpu.memref_squeeze %dma_start3A_1298 : memref<1x160x128xf32, #tpu.memory_space<vmem>> -> memref<160x128xf32, #tpu.memory_space<vmem>>
      tpu.enqueue_dma source(%dma_start3A_1299 : memref<160x128xf32, #tpu.memory_space<vmem>>) target(%dma_start3A_1295 : memref<160x128xf32, #tpu.memory_space<hbm>>) target_semaphore(%arg15 : memref<!tpu.dma_semaphore, #tpu.memory_space<semaphore_mem>>)
      %mul3A_1300 = arith.constant 8 : i32
      %mul3A_1301 = arith.muli %add3A_854, %mul3A_1300 : i32
      %add3A_1302 = arith.addi %mul3A_2, %mul3A_1301 : i32
      %mul3A_1303 = arith.constant 200 : i32
      %mul3A_1304 = arith.muli %add3A_1302, %mul3A_1303 : i32
      %add3A_1305 = arith.constant 960 : i32
      %add3A_1306 = arith.addi %mul3A_1304, %add3A_1305 : i32
      %dma_wait3A_1307 = arith.constant 0 : i32
      %dma_wait3A_1308 = arith.constant 0 : i32
      %dma_wait3A_1309 = arith.constant 0 : i32
      %dma_wait3A_1310 = tpu.memref_slice %arg10[%dma_wait3A_1307, %dma_wait3A_1308, %dma_wait3A_1309] : memref<2x160x128xf32, #tpu.memory_space<vmem>> -> memref<1x160x128xf32, #tpu.memory_space<vmem>>
      %dma_wait3A_1311 = tpu.memref_squeeze %dma_wait3A_1310 : memref<1x160x128xf32, #tpu.memory_space<vmem>> -> memref<160x128xf32, #tpu.memory_space<vmem>>
      %dma_wait3A_1312 = arith.constant 0 : i32
      %dma_wait3A_1313 = tpu.memref_slice %arg5[%add3A_1306, %dma_wait3A_1312] : memref<3276800x128xf32, #tpu.memory_space<hbm>> -> memref<160x128xf32, #tpu.memory_space<hbm>>
      %dma_wait3A_1314 = arith.constant 0 : i32
      %dma_wait3A_1315 = tpu.memref_slice %arg5[%add3A_1306, %dma_wait3A_1314] : memref<3276800x128xf32, #tpu.memory_space<hbm>> -> memref<160x128xf32, #tpu.memory_space<hbm>>
      %dma_wait3A_1316 = arith.constant 0 : i32
      %dma_wait3A_1317 = arith.constant 0 : i32
      %dma_wait3A_1318 = tpu.memref_slice %arg10[%dma_wait3A_1307, %dma_wait3A_1316, %dma_wait3A_1317] : memref<2x160x128xf32, #tpu.memory_space<vmem>> -> memref<1x160x128xf32, #tpu.memory_space<vmem>>
      %dma_wait3A_1319 = tpu.memref_squeeze %dma_wait3A_1318 : memref<1x160x128xf32, #tpu.memory_space<vmem>> -> memref<160x128xf32, #tpu.memory_space<vmem>>
      tpu.wait_dma2 semaphore(%arg14 : memref<!tpu.dma_semaphore, #tpu.memory_space<semaphore_mem>>) src(%dma_wait3A_1319 : memref<160x128xf32, #tpu.memory_space<vmem>>) dst(%dma_wait3A_1315 : memref<160x128xf32, #tpu.memory_space<hbm>>)
      %dma_start3A_1320 = arith.constant 0 : i32
      %dma_start3A_1321 = arith.constant 0 : i32
      %dma_start3A_1322 = arith.constant 0 : i32
      %dma_start3A_1323 = tpu.memref_slice %arg10[%dma_start3A_1320, %dma_start3A_1321, %dma_start3A_1322] : memref<2x160x128xf32, #tpu.memory_space<vmem>> -> memref<1x160x128xf32, #tpu.memory_space<vmem>>
      %dma_start3A_1324 = tpu.memref_squeeze %dma_start3A_1323 : memref<1x160x128xf32, #tpu.memory_space<vmem>> -> memref<160x128xf32, #tpu.memory_space<vmem>>
      %dma_start3A_1325 = arith.constant 1280 : i32
      %dma_start3A_1326 = tpu.memref_slice %arg9[%dma_start3A_1325] : memref<1600xi32, #tpu.memory_space<vmem>> -> memref<160xi32, #tpu.memory_space<vmem>>
      %dma_start3A_1327 = arith.constant 0 : i32
      %dma_start3A_1328 = arith.constant 0 : i32
      %dma_start3A_1329 = tpu.memref_slice %arg11[%dma_start3A_1327, %dma_start3A_1328] : memref<10000x128xf32, #tpu.memory_space<vmem_shared>> -> memref<10000x128xf32, #tpu.memory_space<vmem_shared>>
      tpu.enqueue_indirect_dma source(%dma_start3A_1329 : memref<10000x128xf32, #tpu.memory_space<vmem_shared>>) target(%dma_start3A_1324 : memref<160x128xf32, #tpu.memory_space<vmem>>) offsets(%dma_start3A_1326 : memref<160xi32, #tpu.memory_space<vmem>>) semaphore(%arg12 : memref<!tpu.dma_semaphore, #tpu.memory_space<semaphore_mem>>)
      %dma_wait3A_1330 = arith.constant 0 : i32
      %dma_wait3A_1331 = arith.constant 0 : i32
      %dma_wait3A_1332 = arith.constant 0 : i32
      %dma_wait3A_1333 = tpu.memref_slice %arg10[%dma_wait3A_1330, %dma_wait3A_1331, %dma_wait3A_1332] : memref<2x160x128xf32, #tpu.memory_space<vmem>> -> memref<1x160x128xf32, #tpu.memory_space<vmem>>
      %dma_wait3A_1334 = tpu.memref_squeeze %dma_wait3A_1333 : memref<1x160x128xf32, #tpu.memory_space<vmem>> -> memref<160x128xf32, #tpu.memory_space<vmem>>
      %dma_wait3A_1335 = arith.constant 1280 : i32
      %dma_wait3A_1336 = tpu.memref_slice %arg9[%dma_wait3A_1335] : memref<1600xi32, #tpu.memory_space<vmem>> -> memref<160xi32, #tpu.memory_space<vmem>>
      %dma_wait3A_1337 = arith.constant 0 : i32
      %dma_wait3A_1338 = arith.constant 0 : i32
      %dma_wait3A_1339 = tpu.memref_slice %arg11[%dma_wait3A_1337, %dma_wait3A_1338] : memref<10000x128xf32, #tpu.memory_space<vmem_shared>> -> memref<10000x128xf32, #tpu.memory_space<vmem_shared>>
      tpu.wait_indirect_dma semaphore(%arg12 : memref<!tpu.dma_semaphore, #tpu.memory_space<semaphore_mem>>) src(%dma_wait3A_1339 : memref<10000x128xf32, #tpu.memory_space<vmem_shared>>) dst(%dma_wait3A_1334 : memref<160x128xf32, #tpu.memory_space<vmem>>)
      %mul3A_1340 = arith.constant 8 : i32
      %mul3A_1341 = arith.muli %add3A_854, %mul3A_1340 : i32
      %add3A_1342 = arith.addi %mul3A_2, %mul3A_1341 : i32
      %mul3A_1343 = arith.constant 200 : i32
      %mul3A_1344 = arith.muli %add3A_1342, %mul3A_1343 : i32
      %add3A_1345 = arith.constant 1280 : i32
      %add3A_1346 = arith.addi %mul3A_1344, %add3A_1345 : i32
      %dma_start3A_1347 = arith.constant 0 : i32
      %dma_start3A_1348 = arith.constant 0 : i32
      %dma_start3A_1349 = arith.constant 0 : i32
      %dma_start3A_1350 = tpu.memref_slice %arg10[%dma_start3A_1347, %dma_start3A_1348, %dma_start3A_1349] : memref<2x160x128xf32, #tpu.memory_space<vmem>> -> memref<1x160x128xf32, #tpu.memory_space<vmem>>
      %dma_start3A_1351 = tpu.memref_squeeze %dma_start3A_1350 : memref<1x160x128xf32, #tpu.memory_space<vmem>> -> memref<160x128xf32, #tpu.memory_space<vmem>>
      %dma_start3A_1352 = arith.constant 0 : i32
      %dma_start3A_1353 = tpu.memref_slice %arg5[%add3A_1346, %dma_start3A_1352] : memref<3276800x128xf32, #tpu.memory_space<hbm>> -> memref<160x128xf32, #tpu.memory_space<hbm>>
      %dma_start3A_1354 = arith.constant 0 : i32
      %dma_start3A_1355 = tpu.memref_slice %arg5[%add3A_1346, %dma_start3A_1354] : memref<3276800x128xf32, #tpu.memory_space<hbm>> -> memref<160x128xf32, #tpu.memory_space<hbm>>
      %dma_start3A_1356 = arith.constant 0 : i32
      %dma_start3A_1357 = arith.constant 0 : i32
      %dma_start3A_1358 = tpu.memref_slice %arg10[%dma_start3A_1347, %dma_start3A_1356, %dma_start3A_1357] : memref<2x160x128xf32, #tpu.memory_space<vmem>> -> memref<1x160x128xf32, #tpu.memory_space<vmem>>
      %dma_start3A_1359 = tpu.memref_squeeze %dma_start3A_1358 : memref<1x160x128xf32, #tpu.memory_space<vmem>> -> memref<160x128xf32, #tpu.memory_space<vmem>>
      tpu.enqueue_dma source(%dma_start3A_1359 : memref<160x128xf32, #tpu.memory_space<vmem>>) target(%dma_start3A_1355 : memref<160x128xf32, #tpu.memory_space<hbm>>) target_semaphore(%arg14 : memref<!tpu.dma_semaphore, #tpu.memory_space<semaphore_mem>>)
      %mul3A_1360 = arith.constant 8 : i32
      %mul3A_1361 = arith.muli %add3A_854, %mul3A_1360 : i32
      %add3A_1362 = arith.addi %mul3A_2, %mul3A_1361 : i32
      %mul3A_1363 = arith.constant 200 : i32
      %mul3A_1364 = arith.muli %add3A_1362, %mul3A_1363 : i32
      %add3A_1365 = arith.constant 1120 : i32
      %add3A_1366 = arith.addi %mul3A_1364, %add3A_1365 : i32
      %dma_wait3A_1367 = arith.constant 1 : i32
      %dma_wait3A_1368 = arith.constant 0 : i32
      %dma_wait3A_1369 = arith.constant 0 : i32
      %dma_wait3A_1370 = tpu.memref_slice %arg10[%dma_wait3A_1367, %dma_wait3A_1368, %dma_wait3A_1369] : memref<2x160x128xf32, #tpu.memory_space<vmem>> -> memref<1x160x128xf32, #tpu.memory_space<vmem>>
      %dma_wait3A_1371 = tpu.memref_squeeze %dma_wait3A_1370 : memref<1x160x128xf32, #tpu.memory_space<vmem>> -> memref<160x128xf32, #tpu.memory_space<vmem>>
      %dma_wait3A_1372 = arith.constant 0 : i32
      %dma_wait3A_1373 = tpu.memref_slice %arg5[%add3A_1366, %dma_wait3A_1372] : memref<3276800x128xf32, #tpu.memory_space<hbm>> -> memref<160x128xf32, #tpu.memory_space<hbm>>
      %dma_wait3A_1374 = arith.constant 0 : i32
      %dma_wait3A_1375 = tpu.memref_slice %arg5[%add3A_1366, %dma_wait3A_1374] : memref<3276800x128xf32, #tpu.memory_space<hbm>> -> memref<160x128xf32, #tpu.memory_space<hbm>>
      %dma_wait3A_1376 = arith.constant 0 : i32
      %dma_wait3A_1377 = arith.constant 0 : i32
      %dma_wait3A_1378 = tpu.memref_slice %arg10[%dma_wait3A_1367, %dma_wait3A_1376, %dma_wait3A_1377] : memref<2x160x128xf32, #tpu.memory_space<vmem>> -> memref<1x160x128xf32, #tpu.memory_space<vmem>>
      %dma_wait3A_1379 = tpu.memref_squeeze %dma_wait3A_1378 : memref<1x160x128xf32, #tpu.memory_space<vmem>> -> memref<160x128xf32, #tpu.memory_space<vmem>>
      tpu.wait_dma2 semaphore(%arg15 : memref<!tpu.dma_semaphore, #tpu.memory_space<semaphore_mem>>) src(%dma_wait3A_1379 : memref<160x128xf32, #tpu.memory_space<vmem>>) dst(%dma_wait3A_1375 : memref<160x128xf32, #tpu.memory_space<hbm>>)
      %dma_start3A_1380 = arith.constant 1 : i32
      %dma_start3A_1381 = arith.constant 0 : i32
      %dma_start3A_1382 = arith.constant 0 : i32
      %dma_start3A_1383 = tpu.memref_slice %arg10[%dma_start3A_1380, %dma_start3A_1381, %dma_start3A_1382] : memref<2x160x128xf32, #tpu.memory_space<vmem>> -> memref<1x160x128xf32, #tpu.memory_space<vmem>>
      %dma_start3A_1384 = tpu.memref_squeeze %dma_start3A_1383 : memref<1x160x128xf32, #tpu.memory_space<vmem>> -> memref<160x128xf32, #tpu.memory_space<vmem>>
      %dma_start3A_1385 = arith.constant 1440 : i32
      %dma_start3A_1386 = tpu.memref_slice %arg9[%dma_start3A_1385] : memref<1600xi32, #tpu.memory_space<vmem>> -> memref<160xi32, #tpu.memory_space<vmem>>
      %dma_start3A_1387 = arith.constant 0 : i32
      %dma_start3A_1388 = arith.constant 0 : i32
      %dma_start3A_1389 = tpu.memref_slice %arg11[%dma_start3A_1387, %dma_start3A_1388] : memref<10000x128xf32, #tpu.memory_space<vmem_shared>> -> memref<10000x128xf32, #tpu.memory_space<vmem_shared>>
      tpu.enqueue_indirect_dma source(%dma_start3A_1389 : memref<10000x128xf32, #tpu.memory_space<vmem_shared>>) target(%dma_start3A_1384 : memref<160x128xf32, #tpu.memory_space<vmem>>) offsets(%dma_start3A_1386 : memref<160xi32, #tpu.memory_space<vmem>>) semaphore(%arg13 : memref<!tpu.dma_semaphore, #tpu.memory_space<semaphore_mem>>)
      %dma_wait3A_1390 = arith.constant 1 : i32
      %dma_wait3A_1391 = arith.constant 0 : i32
      %dma_wait3A_1392 = arith.constant 0 : i32
      %dma_wait3A_1393 = tpu.memref_slice %arg10[%dma_wait3A_1390, %dma_wait3A_1391, %dma_wait3A_1392] : memref<2x160x128xf32, #tpu.memory_space<vmem>> -> memref<1x160x128xf32, #tpu.memory_space<vmem>>
      %dma_wait3A_1394 = tpu.memref_squeeze %dma_wait3A_1393 : memref<1x160x128xf32, #tpu.memory_space<vmem>> -> memref<160x128xf32, #tpu.memory_space<vmem>>
      %dma_wait3A_1395 = arith.constant 1440 : i32
      %dma_wait3A_1396 = tpu.memref_slice %arg9[%dma_wait3A_1395] : memref<1600xi32, #tpu.memory_space<vmem>> -> memref<160xi32, #tpu.memory_space<vmem>>
      %dma_wait3A_1397 = arith.constant 0 : i32
      %dma_wait3A_1398 = arith.constant 0 : i32
      %dma_wait3A_1399 = tpu.memref_slice %arg11[%dma_wait3A_1397, %dma_wait3A_1398] : memref<10000x128xf32, #tpu.memory_space<vmem_shared>> -> memref<10000x128xf32, #tpu.memory_space<vmem_shared>>
      tpu.wait_indirect_dma semaphore(%arg13 : memref<!tpu.dma_semaphore, #tpu.memory_space<semaphore_mem>>) src(%dma_wait3A_1399 : memref<10000x128xf32, #tpu.memory_space<vmem_shared>>) dst(%dma_wait3A_1394 : memref<160x128xf32, #tpu.memory_space<vmem>>)
      %mul3A_1400 = arith.constant 8 : i32
      %mul3A_1401 = arith.muli %add3A_854, %mul3A_1400 : i32
      %add3A_1402 = arith.addi %mul3A_2, %mul3A_1401 : i32
      %mul3A_1403 = arith.constant 200 : i32
      %mul3A_1404 = arith.muli %add3A_1402, %mul3A_1403 : i32
      %add3A_1405 = arith.constant 1440 : i32
      %add3A_1406 = arith.addi %mul3A_1404, %add3A_1405 : i32
      %dma_start3A_1407 = arith.constant 1 : i32
      %dma_start3A_1408 = arith.constant 0 : i32
      %dma_start3A_1409 = arith.constant 0 : i32
      %dma_start3A_1410 = tpu.memref_slice %arg10[%dma_start3A_1407, %dma_start3A_1408, %dma_start3A_1409] : memref<2x160x128xf32, #tpu.memory_space<vmem>> -> memref<1x160x128xf32, #tpu.memory_space<vmem>>
      %dma_start3A_1411 = tpu.memref_squeeze %dma_start3A_1410 : memref<1x160x128xf32, #tpu.memory_space<vmem>> -> memref<160x128xf32, #tpu.memory_space<vmem>>
      %dma_start3A_1412 = arith.constant 0 : i32
      %dma_start3A_1413 = tpu.memref_slice %arg5[%add3A_1406, %dma_start3A_1412] : memref<3276800x128xf32, #tpu.memory_space<hbm>> -> memref<160x128xf32, #tpu.memory_space<hbm>>
      %dma_start3A_1414 = arith.constant 0 : i32
      %dma_start3A_1415 = tpu.memref_slice %arg5[%add3A_1406, %dma_start3A_1414] : memref<3276800x128xf32, #tpu.memory_space<hbm>> -> memref<160x128xf32, #tpu.memory_space<hbm>>
      %dma_start3A_1416 = arith.constant 0 : i32
      %dma_start3A_1417 = arith.constant 0 : i32
      %dma_start3A_1418 = tpu.memref_slice %arg10[%dma_start3A_1407, %dma_start3A_1416, %dma_start3A_1417] : memref<2x160x128xf32, #tpu.memory_space<vmem>> -> memref<1x160x128xf32, #tpu.memory_space<vmem>>
      %dma_start3A_1419 = tpu.memref_squeeze %dma_start3A_1418 : memref<1x160x128xf32, #tpu.memory_space<vmem>> -> memref<160x128xf32, #tpu.memory_space<vmem>>
      tpu.enqueue_dma source(%dma_start3A_1419 : memref<160x128xf32, #tpu.memory_space<vmem>>) target(%dma_start3A_1415 : memref<160x128xf32, #tpu.memory_space<hbm>>) target_semaphore(%arg15 : memref<!tpu.dma_semaphore, #tpu.memory_space<semaphore_mem>>)
      %lt3A_1420 = arith.constant 63 : i32
      %lt3A_1421 = arith.cmpi slt, %add3A_854, %lt3A_1420 : i32
      %convert_element_type3A_1422 = arith.extui %lt3A_1421 : i1 to i32
      %cond3A_1423 = arith.constant 0 : i32
      %cond3A_1424 = arith.cmpi ne, %convert_element_type3A_1422, %cond3A_1423 : i32
      scf.if %cond3A_1424 {
        %mul3A_1425 = arith.constant 8 : i32
        %mul3A_1426 = arith.muli %add3A_854, %mul3A_1425 : i32
        %add3A_1427 = arith.addi %mul3A_2, %mul3A_1426 : i32
        %mul3A_1428 = arith.constant 200 : i32
        %mul3A_1429 = arith.muli %add3A_1427, %mul3A_1428 : i32
        %add3A_1430 = arith.constant 1280 : i32
        %add3A_1431 = arith.addi %mul3A_1429, %add3A_1430 : i32
        %dma_wait3A_1432 = arith.constant 0 : i32
        %dma_wait3A_1433 = arith.constant 0 : i32
        %dma_wait3A_1434 = arith.constant 0 : i32
        %dma_wait3A_1435 = tpu.memref_slice %arg10[%dma_wait3A_1432, %dma_wait3A_1433, %dma_wait3A_1434] : memref<2x160x128xf32, #tpu.memory_space<vmem>> -> memref<1x160x128xf32, #tpu.memory_space<vmem>>
        %dma_wait3A_1436 = tpu.memref_squeeze %dma_wait3A_1435 : memref<1x160x128xf32, #tpu.memory_space<vmem>> -> memref<160x128xf32, #tpu.memory_space<vmem>>
        %dma_wait3A_1437 = arith.constant 0 : i32
        %dma_wait3A_1438 = tpu.memref_slice %arg5[%add3A_1431, %dma_wait3A_1437] : memref<3276800x128xf32, #tpu.memory_space<hbm>> -> memref<160x128xf32, #tpu.memory_space<hbm>>
        %dma_wait3A_1439 = arith.constant 0 : i32
        %dma_wait3A_1440 = tpu.memref_slice %arg5[%add3A_1431, %dma_wait3A_1439] : memref<3276800x128xf32, #tpu.memory_space<hbm>> -> memref<160x128xf32, #tpu.memory_space<hbm>>
        %dma_wait3A_1441 = arith.constant 0 : i32
        %dma_wait3A_1442 = arith.constant 0 : i32
        %dma_wait3A_1443 = tpu.memref_slice %arg10[%dma_wait3A_1432, %dma_wait3A_1441, %dma_wait3A_1442] : memref<2x160x128xf32, #tpu.memory_space<vmem>> -> memref<1x160x128xf32, #tpu.memory_space<vmem>>
        %dma_wait3A_1444 = tpu.memref_squeeze %dma_wait3A_1443 : memref<1x160x128xf32, #tpu.memory_space<vmem>> -> memref<160x128xf32, #tpu.memory_space<vmem>>
        tpu.wait_dma2 semaphore(%arg14 : memref<!tpu.dma_semaphore, #tpu.memory_space<semaphore_mem>>) src(%dma_wait3A_1444 : memref<160x128xf32, #tpu.memory_space<vmem>>) dst(%dma_wait3A_1440 : memref<160x128xf32, #tpu.memory_space<hbm>>)
        %dma_start3A_1445 = arith.constant 0 : i32
        %dma_start3A_1446 = arith.constant 0 : i32
        %dma_start3A_1447 = arith.constant 0 : i32
        %dma_start3A_1448 = tpu.memref_slice %arg10[%dma_start3A_1445, %dma_start3A_1446, %dma_start3A_1447] : memref<2x160x128xf32, #tpu.memory_space<vmem>> -> memref<1x160x128xf32, #tpu.memory_space<vmem>>
        %dma_start3A_1449 = tpu.memref_squeeze %dma_start3A_1448 : memref<1x160x128xf32, #tpu.memory_space<vmem>> -> memref<160x128xf32, #tpu.memory_space<vmem>>
        %dma_start3A_1450 = arith.constant 0 : i32
        %dma_start3A_1451 = tpu.memref_slice %arg8[%dma_start3A_1450] : memref<1600xi32, #tpu.memory_space<vmem>> -> memref<160xi32, #tpu.memory_space<vmem>>
        %dma_start3A_1452 = arith.constant 0 : i32
        %dma_start3A_1453 = arith.constant 0 : i32
        %dma_start3A_1454 = tpu.memref_slice %arg11[%dma_start3A_1452, %dma_start3A_1453] : memref<10000x128xf32, #tpu.memory_space<vmem_shared>> -> memref<10000x128xf32, #tpu.memory_space<vmem_shared>>
        tpu.enqueue_indirect_dma source(%dma_start3A_1454 : memref<10000x128xf32, #tpu.memory_space<vmem_shared>>) target(%dma_start3A_1449 : memref<160x128xf32, #tpu.memory_space<vmem>>) offsets(%dma_start3A_1451 : memref<160xi32, #tpu.memory_space<vmem>>) semaphore(%arg12 : memref<!tpu.dma_semaphore, #tpu.memory_space<semaphore_mem>>)
      } else {
      }
    }
    %scan3A_239 = arith.constant 32 : i32
    %add3A_240 = arith.constant 504 : i32
    %add3A_241 = arith.addi %mul3A_2, %add3A_240 : i32
    %mul3A_242 = arith.constant 200 : i32
    %mul3A_243 = arith.muli %add3A_241, %mul3A_242 : i32
    %add3A_244 = arith.constant 1280 : i32
    %add3A_245 = arith.addi %mul3A_243, %add3A_244 : i32
    %dma_wait3A_246 = arith.constant 0 : i32
    %dma_wait3A_247 = arith.constant 0 : i32
    %dma_wait3A_248 = arith.constant 0 : i32
    %dma_wait3A_249 = tpu.memref_slice %arg10[%dma_wait3A_246, %dma_wait3A_247, %dma_wait3A_248] : memref<2x160x128xf32, #tpu.memory_space<vmem>> -> memref<1x160x128xf32, #tpu.memory_space<vmem>>
    %dma_wait3A_250 = tpu.memref_squeeze %dma_wait3A_249 : memref<1x160x128xf32, #tpu.memory_space<vmem>> -> memref<160x128xf32, #tpu.memory_space<vmem>>
    %dma_wait3A_251 = arith.constant 0 : i32
    %dma_wait3A_252 = tpu.memref_slice %arg5[%add3A_245, %dma_wait3A_251] : memref<3276800x128xf32, #tpu.memory_space<hbm>> -> memref<160x128xf32, #tpu.memory_space<hbm>>
    %dma_wait3A_253 = arith.constant 0 : i32
    %dma_wait3A_254 = tpu.memref_slice %arg5[%add3A_245, %dma_wait3A_253] : memref<3276800x128xf32, #tpu.memory_space<hbm>> -> memref<160x128xf32, #tpu.memory_space<hbm>>
    %dma_wait3A_255 = arith.constant 0 : i32
    %dma_wait3A_256 = arith.constant 0 : i32
    %dma_wait3A_257 = tpu.memref_slice %arg10[%dma_wait3A_246, %dma_wait3A_255, %dma_wait3A_256] : memref<2x160x128xf32, #tpu.memory_space<vmem>> -> memref<1x160x128xf32, #tpu.memory_space<vmem>>
    %dma_wait3A_258 = tpu.memref_squeeze %dma_wait3A_257 : memref<1x160x128xf32, #tpu.memory_space<vmem>> -> memref<160x128xf32, #tpu.memory_space<vmem>>
    tpu.wait_dma2 semaphore(%arg14 : memref<!tpu.dma_semaphore, #tpu.memory_space<semaphore_mem>>) src(%dma_wait3A_258 : memref<160x128xf32, #tpu.memory_space<vmem>>) dst(%dma_wait3A_254 : memref<160x128xf32, #tpu.memory_space<hbm>>)
    %add3A_259 = arith.constant 504 : i32
    %add3A_260 = arith.addi %mul3A_2, %add3A_259 : i32
    %mul3A_261 = arith.constant 200 : i32
    %mul3A_262 = arith.muli %add3A_260, %mul3A_261 : i32
    %add3A_263 = arith.constant 1440 : i32
    %add3A_264 = arith.addi %mul3A_262, %add3A_263 : i32
    %dma_wait3A_265 = arith.constant 1 : i32
    %dma_wait3A_266 = arith.constant 0 : i32
    %dma_wait3A_267 = arith.constant 0 : i32
    %dma_wait3A_268 = tpu.memref_slice %arg10[%dma_wait3A_265, %dma_wait3A_266, %dma_wait3A_267] : memref<2x160x128xf32, #tpu.memory_space<vmem>> -> memref<1x160x128xf32, #tpu.memory_space<vmem>>
    %dma_wait3A_269 = tpu.memref_squeeze %dma_wait3A_268 : memref<1x160x128xf32, #tpu.memory_space<vmem>> -> memref<160x128xf32, #tpu.memory_space<vmem>>
    %dma_wait3A_270 = arith.constant 0 : i32
    %dma_wait3A_271 = tpu.memref_slice %arg5[%add3A_264, %dma_wait3A_270] : memref<3276800x128xf32, #tpu.memory_space<hbm>> -> memref<160x128xf32, #tpu.memory_space<hbm>>
    %dma_wait3A_272 = arith.constant 0 : i32
    %dma_wait3A_273 = tpu.memref_slice %arg5[%add3A_264, %dma_wait3A_272] : memref<3276800x128xf32, #tpu.memory_space<hbm>> -> memref<160x128xf32, #tpu.memory_space<hbm>>
    %dma_wait3A_274 = arith.constant 0 : i32
    %dma_wait3A_275 = arith.constant 0 : i32
    %dma_wait3A_276 = tpu.memref_slice %arg10[%dma_wait3A_265, %dma_wait3A_274, %dma_wait3A_275] : memref<2x160x128xf32, #tpu.memory_space<vmem>> -> memref<1x160x128xf32, #tpu.memory_space<vmem>>
    %dma_wait3A_277 = tpu.memref_squeeze %dma_wait3A_276 : memref<1x160x128xf32, #tpu.memory_space<vmem>> -> memref<160x128xf32, #tpu.memory_space<vmem>>
    tpu.wait_dma2 semaphore(%arg15 : memref<!tpu.dma_semaphore, #tpu.memory_space<semaphore_mem>>) src(%dma_wait3A_277 : memref<160x128xf32, #tpu.memory_space<vmem>>) dst(%dma_wait3A_273 : memref<160x128xf32, #tpu.memory_space<hbm>>)
    return
  }
}

</mosaic_0001>

<sc_bundles>
// kernel: _sc_gather_pairs.3.cloned.1.call-start
scs
__scs_entry_jumppad:
0x0: {  	(pc) =	sbr.rel $0x88, $3  }
0x1: {  	(tag) =	ssettag $0x0;
	lr =	simm.s32 $0x1  }
0x2: {  	[smem:$0x3F9E] =	sst lr;
	_ =	strace $0xD0000000  }
0x3: {  	_ = 	snop  }
0x4: {  	_ = 	snop  }
0x5: {  	_ = 	snop  }
0x6: {  	_ = 	snop  }
0x7: {  	_ = 	snop  }
__scs_overlays_trampoline_lowered:
0x8: {  	[smem:$0x3FAD] =	sst s0  }
0x9: {  	[smem:$0x3FAE] =	sst s1  }
0xa: {  	[smem:$0x3FAF] =	sst s2  }
0xb: {  	[smem:$0x3FB0] =	sst s3  }
0xc: {  	[smem:$0x3FB1] =	sst s4  }
0xd: {  	[smem:$0x3FB2] =	sst s5  }
0xe: {  	[smem:$0x3FB3] =	sst s6  }
0xf: {  	[smem:$0x3FB4] =	sst s7  }
0x10: {  	[smem:$0x3FB5] =	sst s8  }
0x11: {  	[smem:$0x3FB6] =	sst s9;
	s0 =	simm.s32 @!p0 $0x0  }
0x12: {  	s1 =	sld [smem:$0x3F9C];
	s0 =	simm.s32 @p0 $0x1  }
0x13: {  	[smem:$0x3FB7] =	sst s0;
	s0 =	simm.s32 @!p1 $0x0  }
0x14: {  	s2 =	sld [smem:$0x3F9B];
	s0 =	simm.s32 @p1 $0x1  }
0x15: {  	[smem:$0x3FB8] =	sst s0;
	s0 =	simm.s32 @!p2 $0x0  }
0x16: {  	s3 =	sld [smem:$0x3FDB];
	s0 =	simm.s32 @p2 $0x1  }
0x17: {  	s4 =	simm.s32 $0x1BF5;
	[smem:$0x3FBA] =	sst s0  }
0x18: {  	s0 =	sld [smem:$0x3F9D];
	_ =	swait.ge [sflag:s4], $0x0  }
0x19: {  	s7 =	sld [smem:$0x3F9E]  }
0x1a: {  	s8 =	sadd.s32 $0xFFFFE003, lr  }
0x1b: {  	s9 =	sadd.s32 $0xFFFFFEF7, lr;
	s5 =	simm.s32 $0xFFFFFFFF;
	p2 =	slt.u32 s8, $0xFFFFF086  }
0x1c: {  	p1 =	slt.u32 s9, $0xF7A;
	s5 =	simm.s32 @!p2 $0x0  }
0x1d: {  	s5 =	simm.s32 @p1 $0x1;
	p0 =	seq.s32 s7, s2  }
0x1e: {  	s7 =	smul.u32 @!p0 $0xF7A, s2;
	p2 =	seq.s32 @!p0 s5, $0x0  }
0x1f: {  	s9 =	smul.u32 $0xF7A, s1;
	s8 =	simm.s32 @!p0 $0x1BF5;
	p2 =	por !p2, p0  }
0x20: {  	[sflag:s8] =	ssyncset.s32 @!p0 $0xFFFFF086;
	s6 =	sadd.s32 @!p0 s3, s7;
	s7 =	simm.s32 @!p0 $0x108  }
0x21: {  	s3 =	sadd.s32 s3, s9;
	s6 =	sadd.s32 @!p0 $0x88, s6;
	s7 =	simm.s32 @p2 $0x1082  }
0x22: {  	[simem:s7], [sflag:s8] =	dma.local @!p0 [hbm:s6], $0xF7A  }
0x23: {  	s9 =	sor.u32 $0xD0000000, s2;
	s6 =	simm.s32 $0x108;
	_ =	swait.ge @!p0 [sflag:s8], $0x0  }
0x24: {  	s3 =	sadd.s32 $0x88, s3;
	s6 =	simm.s32 @!p1 $0x1082;
	[sflag:s4] =	ssyncset.s32 $0xFFFFF086  }
0x25: {  	[simem:s6], [sflag:s4] =	dma.local [hbm:s3], $0xF7A  }
0x26: {  	[smem:$0x3F9E] =	sst s1;
	(tag) =	ssettag s2;
	_ =	strace s9  }
0x27: {  	s1 =	sld [smem:$0x3FAE]  }
0x28: {  	s2 =	sld [smem:$0x3FAF]  }
0x29: {  	s4 =	sld [smem:$0x3FB1]  }
0x2a: {  	p0 =	seq.s32 s5, $0x0;
	s5 =	sld [smem:$0x3FB2]  }
0x2b: {  	s6 =	sld [smem:$0x3FB3]  }
0x2c: {  	s7 =	sld [smem:$0x3FB4]  }
0x2d: {  	s3 =	simm.s32 $0x108;
	s8 =	sld [smem:$0x3FB5]  }
0x2e: {  	s3 =	simm.s32 @!p0 $0x1082;
	s9 =	sld [smem:$0x3FB6]  }
0x2f: {  	lr =	sadd.s32 s0, s3;
	s0 =	sld [smem:$0x3FAD]  }
0x30: {  	s3 =	sld [smem:$0x3FB0]  }
0x31: {  	[smem:$0x3FB9] =	sst s10  }
0x32: {  	s10 =	sld [smem:$0x3FB7];
	_ =	sdelay $0x3  }
0x33: {  	p0 =	seq.s32 s10, $0x1;
	s10 =	sld [smem:$0x3FB9];
	_ =	sdelay $0x3  }
0x34: {  	[smem:$0x3FB9] =	sst s10  }
0x35: {  	s10 =	sld [smem:$0x3FB8];
	_ =	sdelay $0x3  }
0x36: {  	p1 =	seq.s32 s10, $0x1;
	s10 =	sld [smem:$0x3FB9];
	_ =	sdelay $0x3  }
0x37: {  	[smem:$0x3FB9] =	sst s10  }
0x38: {  	s10 =	sld [smem:$0x3FBA]  }
0x39: {  	_ = 	snop;
	(pc) =	sbr.ind lr, $3  }
0x3a: {  	_ = 	snop  }
0x3b: {  	_ = 	snop  }
0x3c: {  	p2 =	seq.s32 s10, $0x1;
	s10 =	sld [smem:$0x3FB9]  }
0x3d: {  	_ =	shalt  }
0x3e: {  	_ =	shalt  }
0x3f: {  	_ =	shalt  }
0x40: {  	_ =	shalt  }
0x41: {  	_ =	shalt  }
0x42: {  	_ =	shalt  }
0x43: {  	_ =	shalt  }
0x44: {  	_ =	shalt  }
0x45: {  	_ =	shalt  }
0x46: {  	_ =	shalt  }
0x47: {  	_ =	shalt  }
0x48: {  	_ =	shalt  }
0x49: {  	_ =	shalt  }
0x4a: {  	_ =	shalt  }
0x4b: {  	_ =	shalt  }
0x4c: {  	_ =	shalt  }
0x4d: {  	_ =	shalt  }
0x4e: {  	_ =	shalt  }
0x4f: {  	_ =	shalt  }
0x50: {  	_ =	shalt  }
0x51: {  	_ =	shalt  }
0x52: {  	_ =	shalt  }
0x53: {  	_ =	shalt  }
0x54: {  	_ =	shalt  }
0x55: {  	_ =	shalt  }
0x56: {  	_ =	shalt  }
0x57: {  	_ =	shalt  }
0x58: {  	_ =	shalt  }
0x59: {  	_ =	shalt  }
0x5a: {  	_ =	shalt  }
0x5b: {  	_ =	shalt  }
0x5c: {  	_ =	shalt  }
0x5d: {  	_ =	shalt  }
0x5e: {  	_ =	shalt  }
0x5f: {  	_ =	shalt  }
0x60: {  	_ =	shalt  }
0x61: {  	_ =	shalt  }
0x62: {  	_ =	shalt  }
0x63: {  	_ =	shalt  }
0x64: {  	_ =	shalt  }
0x65: {  	_ =	shalt  }
0x66: {  	_ =	shalt  }
0x67: {  	_ =	shalt  }
0x68: {  	_ =	shalt  }
0x69: {  	_ =	shalt  }
0x6a: {  	_ =	shalt  }
0x6b: {  	_ =	shalt  }
0x6c: {  	_ =	shalt  }
0x6d: {  	_ =	shalt  }
0x6e: {  	_ =	shalt  }
0x6f: {  	_ =	shalt  }
0x70: {  	_ =	shalt  }
0x71: {  	_ =	shalt  }
0x72: {  	_ =	shalt  }
0x73: {  	_ =	shalt  }
0x74: {  	_ =	shalt  }
0x75: {  	_ =	shalt  }
0x76: {  	_ =	shalt  }
0x77: {  	_ =	shalt  }
0x78: {  	_ =	shalt  }
0x79: {  	_ =	shalt  }
0x7a: {  	_ =	shalt  }
0x7b: {  	_ =	shalt  }
0x7c: {  	_ =	shalt  }
0x7d: {  	_ =	shalt  }
0x7e: {  	_ =	shalt  }
0x7f: {  	_ =	shalt  }
0x80: {  	_ =	shalt  }
0x81: {  	_ =	shalt  }
0x82: {  	_ =	shalt  }
0x83: {  	_ =	shalt  }
0x84: {  	_ =	shalt  }
0x85: {  	_ =	shalt  }
0x86: {  	_ =	shalt  }
0x87: {  	_ =	shalt  }
.Lfunc_end0:
.L_simem_size_0:
called_computation_lowered:
.L_overlay_start_0:
0x88: {  	s2 =	sld [smem:$0x3FD9]  }
0x89: {  	s3 =	sld [smem:$0x3FFE];
	_ =	sdelay $0x1  }
0x8a: {  	s1 =	srdreg.scid  }
0x8b: {  	s0 =	sand.u32 $0x1, s1  }
0x8c: {  	s17 =	sshll.u32 s0, $0xA;
	s2 =	sadd.s32 s3, s2  }
0x8d: {  	s2 =	sadd.s32 s2, s17  }
0x8e: {  	[smem:$0x3FC5] =	sst s2  }
0x8f: {  	_ = 	snop  }
0x90: {  	s2 =	sld [smem:$0x3FC7]  }
0x91: {  	s18 =	sld [smem:$0x3FD0];
	(tm) =	ssettm $0x1  }
0x92: {  	s4 =	sld [smem:$0x3FFB];
	_ =	sdelay $0x3  }
0x93: {  	_ =	strace s4  }
0x94: {  	s4 =	sld [smem:$0x3FFC];
	_ =	sdelay $0x3  }
0x95: {  	_ =	strace s4  }
0x96: {  	s4 =	sld [smem:$0x3FFD];
	_ =	sdelay $0x3  }
0x97: {  	_ =	strace s4  }
0x98: {  	_ =	strace $0x8FFFFFFF  }
0x99: {  	s19 =	sld [smem:$0x3FDB];
	_ =	sdelay $0x1  }
0x9a: {  	s5 =	simm.s32 $_scs_section_size  }
0x9b: {  	s6 =	simm.s32 $_size__tile_overlayer_lowered;
	s7 =	simm.s32 $_tile_overlayer_lowered  }
0x9c: {  	s22 =	simm.s32 $0x1BFF;
	s21 =	sshll.u32 s7, $0x1;
	s4 =	sadd.s32 s5, s19  }
0x9d: {  	s8 =	simm.s32 $0x0;
	s20 =	sshll.u32 s6, $0x1;
	s6 =	sadd.s32 s21, s4  }
0x9e: {  	[timem:s8], [sflag:s22] =	dma.local [hbm:s6], s20  }
0x9f: {  	_ =	swait.ge [sflag:s22], s20  }
0xa0: {  	s5 =	ssub.s32 $0x0, s20;
	[sflag:s22] =	ssyncset.done $0x0  }
0xa1: {  	[sflag:s22] =	ssyncadd.s32 s5;
	_ =	sdelay $0x1  }
0xa2: {  	s23 =	simm.s32 $0x1B8B  }
0xa3: {  	_ =	swait.ge [sflag:s23], $0x1  }
0xa4: {  	[sflag:s23] =	ssyncset.done $0x0  }
0xa5: {  	s25 =	simm.s32 $0x1B8E;
	s24 =	sld [smem:$0x3FFE];
	[sflag:s23] =	ssyncadd.s32 $0xFFFFFFFF  }
0xa6: {  	s26 =	simm.s32 $execute0_lowered;
	[smem:$0x3FD2] =	sst s25  }
0xa7: {  	s6 =	sshll.u32 s26, $0x1;
	_ =	strace $0x80000046;
	[dreg:$0x1] =	wrdreg $0xFFFFFFFF  }
0xa8: {  	s28 =	simm.s32 $_size_execute0_lowered;
	s4 =	sadd.s32 s4, s6;
	[dreg:$0x0] =	wrdreg $0x0  }
0xa9: {  	s6 =	sshll.u32 s28, $0x1;
	[dreg:$0x2] =	wrdreg s4  }
0xaa: {  	[dreg:$0x3] =	wrdreg s6  }
0xab: {  	[dreg:$0x4] =	wrdreg $0xC0  }
0xac: {  	_ =	task [dreg:s8], $0x5FFFF  }
0xad: {  	[dreg:$0x1] =	wrdreg $0xFFFFFFFF  }
0xae: {  	[dreg:$0x0] =	wrdreg $0x60  }
0xaf: {  	[dreg:$0x2] =	wrdreg s24  }
0xb0: {  	[dreg:$0x3] =	wrdreg s2  }
0xb1: {  	[dreg:$0x4] =	wrdreg s18  }
0xb2: {  	[dreg:$0x5] =	wrdreg $0xBD000  }
0xb3: {  	[dreg:$0x6] =	wrdreg $0x9  }
0xb4: {  	_ =	task.clear_ibuf [dreg:s8], $0x7FFFF;
	_ =	strace $0x90000046  }
0xb5: {  	s29 =	simm.s32 $0x9;
	_ =	strace $0x80000048  }
0xb6: {  	_ =	swait.ge [sflag:s29], $0x1  }
0xb7: {  	[sflag:s29] =	ssyncadd.s32 $0xFFFFFFFF  }
0xb8: {  	_ =	strace $0x90000048  }
0xb9: {  	_ =	sfence  }
0xba: {  	s30 =	sld [smem:$0x0];
	_ =	sdelay $0x2  }
0xbb: {  	s31 =	sshll.u32 s1, $0xD;
	s1 =	sshrl.u32 s1, $0x2  }
0xbc: {  	s3 =	sand.u32 $0x4000, s31;
	s1 =	sadd.s32 s1, s30  }
0xbd: {  	s0 =	sor.u32 s3, s0;
	s1 =	sshll.u32 s1, $0x11  }
0xbe: {  	s0 =	sor.u32 s1, s0  }
0xbf: {  	s0 =	sadd.s32 $0x8F2B, s0  }
0xc0: {  	[sflag:s0] =	ssyncadd.remote.s32 $0x1  }
0xc1: {  	_ =	sfence.sel $0xFFFF  }
0xc2: {  	[dreg:$0x0] =	wrdreg $0xFFFFFFFF;
	(pc) =	sbr.abs _section_cstart, $3  }
0xc3: {  	[dreg:$0x1] =	wrdreg $0xFFFFFFFF  }
0xc4: {  	_ =	task.clear_ibuf [dreg:s8], $0x2FFFF;
	_ =	strace $0x9FFFFFFF  }
0xc5: {  	(tm) =	ssettm $0x7FFFFFFF  }
tec
execute0_lowered:
.L_overlay_start_1:
0x0: {  	(tag) =	ssettag $0x1  }
0x1: {  	s0 =	rddreg [dreg:$0x0]  }
0x2: {  	s7 =	rddreg [dreg:$0x1]  }
0x3: {  	s1 =	rddreg [dreg:$0x2]  }
0x4: {  	s2 =	rddreg [dreg:$0x3]  }
0x5: {  	s3 =	simm.s32 $0x0;
	s4 =	srdreg.scid;
	s8 =	stileid.u32  }
0x6: {  	s13 =	simm.s32 $0x800;
	s28 =	simm.s32 $0x6D00;
	s29 =	simm.s32 $0x2  }
0x7: {  	s30 =	simm.s32 $0x3;
	s31 =	simm.s32 $0x1AE0;
	s17 =	simm.s32 $0x1C20  }
0x8: {  	[smem:$0x7FF] =	sst s3;
	s6 =	sand.u32 $0x1, s4;
	s4 =	sadd.s32 $0x1400, s0  }
0x9: {  	s9 =	sshll.u32 s8, $0xA;
	s5 =	sadd.s32 $0x81400, s0;
	s11 =	smul.u32 $0x4E000, s8  }
0xa: {  	s22 =	smul.u32 $0x2700, s8;
	s23 =	sshll.u32 s8, $0x6;
	p0 =	sne.s32 s8, $0x0  }
0xb: {  	s8 =	simm.s32 $0x0;
	_ =	strace $0x80000047;
	s10 =	sshll.u32 s6, $0x9  }
0xc: {  	s19 =	ssub.s32 $0x2, s6;
	s24 =	sor.u32 $0x1C06, s23;
	s23 =	simm.s32 $0x1B80  }
0xd: {  	s6 =	sor.u32 s10, s9;
	s20 =	sshrl.u32 s19, $0x1;
	s11 =	sshrl.u32 s11, $0x2  }
0xe: {  	s9 =	sadd.s32 s7, s22;
	[dreg:$0x8] =	wrdreg s24;
	s7 =	sadd.s32 $0x27000, s7  }
0xf: {  	s22 =	simm.s32 $0xA0;
	s24 =	simm.s32 $0x1D00;
	s10 =	sshll.u32 s6, $0x5  }
0x10: {  	s0 =	ssub.s32 s19, s20;
	s11 =	sadd.s32 s11, s2;
	[dreg:$0x7] =	wrdreg s9  }
0x11: {  	s9 =	sadd.s32 $0x138000, s2;
	[dreg:$0x9] =	wrdreg s7;
	s21 =	sadd.s32 s4, s10  }
0x12: {  	v0 =	vimm.s32 $0xFEDCBA98;
	s14 =	sor.u32 $0x10, s6;
	s12 =	sadd.s32 s5, s10;
	[dreg:$0x5] =	wrdreg s21  }
0x13: {  	v1 =	vimm.s32 $0x76543210;
	v0 =	vunpack.c.l.s4.s8 v0;
	s25 =	sor.u32 $0x100, s10;
	s0 =	smax.u32 s0, $0x1;
	[dreg:$0x6] =	wrdreg s12  }
.Ltmp0:
0x14: {  	v1 =	vunpack.c.l.s4.s8 v1;
	s26 =	sshrl.u32 s11, $0x3;
	[dreg:$0xc] =	wrdreg s0;
	(pc) =	sbr.rel .LBB2_1-.Ltmp0, $4  }
0x15: {  	v0 =	vunpack.c.0.s8.s32 v0;
	s15 =	sor.u32 $0x18, s6;
	s10 =	sadd.s32 s4, s25;
	[dreg:$0xd] =	wrdreg s26  }
0x16: {  	v1 =	vunpack.c.0.s8.s32 v1;
	s7 =	sadd.s32 s5, s25;
	s0 =	sshrl.u32 @!p0 s9, $0x3;
	[dreg:$0xa] =	wrdreg s10  }
0x17: {  	v0 =	vand.u32 $0xF, v0;
	s21 =	simm.s32 $0x5;
	s25 =	simm.s32 $0x1;
	[dreg:$0xb] =	wrdreg s7  }
0x18: {  	vm0 =	vmmov $0xff;
	s26 =	simm.s32 $0x1A40;
	v0 =	vcombine.low v0, v1;
	[dreg:$0xe] =	wrdreg s0;
	s0 =	simm.s32 $0x4  }
.LBB2_53:
0x19: {  	_ =	swait.ge [sflag:s30], $0x5000  }
0x1a: {  	[sflag:s30] =	ssyncset.done $0x0  }
0x1b: {  	[sflag:s30] =	ssyncadd.s32 $0xFFFFB000  }
0x1c: {  	_ =	swait.ge [sflag:s0], $0x5000  }
0x1d: {  	s8 =	rddreg [dreg:$0xf]  }
0x1e: {  	s7 =	rddreg [dreg:$0xc];
	s8 =	sadd.s32 $0x1, s8  }
0x1f: {  	p1 =	sne.s32 s8, s7  }
.Ltmp1:
0x20: {  	_ = 	snop;
	(pc) =	sbr.rel @!p1 .LBB2_54-.Ltmp1, $3  }
0x21: {  	_ =	sdelay $0x1  }
0x22: {  	[sflag:s0] =	ssyncset.done $0x0  }
0x23: {  	s13 =	simm.s32 $0x800;
	[sflag:s0] =	ssyncadd.s32 $0xFFFFB000  }
.LBB2_1:
0x24: {  	[dreg:$0xf] =	wrdreg s8  }
0x25: {  	s7 =	rddreg [dreg:$0x5]  }
0x26: {  	s11 =	rddreg [dreg:$0x6]  }
0x27: {  	s12 =	rddreg [dreg:$0x7]  }
0x28: {  	s8 =	rddreg [dreg:$0x8]  }
0x29: {  	[tilespmem:s3], [sflag:$0x5] =	stream.linear.gather [hbm4b:s7+s3], $0x800, $0x38;
	[tilespmem:$0x1F580] =	vst v63  }
0x2a: {  	s9 =	rddreg [dreg:$0xd];
	s16 =	simm.s32 $0x6  }
0x2b: {  	[tilespmem:s13], [sflag:$0x5] =	stream.linear.gather [hbm4b:s11+s3], $0x800, $0x38;
	[tilespmem:$0x1F580] =	vst v63  }
0x2c: {  	[spmem:s9], [sflag:s8] =	dma.local [hbm:s12], $0x2700  }
0x2d: {  	_ =	swait.ge [sflag:s16], $0x2700  }
0x2e: {  	[sflag:s16] =	ssyncset.done $0x0;
	s7 =	rddreg [dreg:$0x9]  }
0x2f: {  	s9 =	rddreg [dreg:$0xe];
	[sflag:s16] =	ssyncadd.s32 $0xFFFFD900  }
0x30: {  	[spmem:s9], [sflag:s8] =	dma.local @!p0 [hbm:s7], $0x100  }
0x31: {  	s7 =	simm.s32 @!p0 $0x6  }
0x32: {  	_ =	swait.ge @!p0 [sflag:s7], $0x100  }
0x33: {  	[sflag:s7] =	ssyncset.done @!p0 $0x0  }
0x34: {  	[sflag:s7] =	ssyncadd.s32 @!p0 $0xFFFFFF00  }
0x35: {  	[bflag:$0x0] =	sbarrier.arrive $0xFFFF  }
0x36: {  	_ =	swait.ge [sflag:s21], $0x800  }
0x37: {  	[sflag:s21] =	ssyncset.done $0x0  }
0x38: {  	[sflag:s21] =	ssyncadd.s32 $0xFFFFF800  }
0x39: {  	_ =	swait.ge [sflag:s21], $0x800  }
0x3a: {  	s18 =	sand.u32 $0x70, s3;
	s19 =	sand.u32 $0x400, s3;
	[sflag:s21] =	ssyncset.done $0x0  }
0x3b: {  	s7 =	sor.u32 s18, s19;
	[sflag:s21] =	ssyncadd.s32 $0xFFFFF800  }
0x3c: {  	v1 =	vld [tilespmem:s7+$0x0];
	_ =	sdelay $0x1  }
0x3d: {  	v2 =	vld [tilespmem:s7+$0x800];
	_ =	sdelay $0x2  }
0x3e: {  	s20 =	simm.s32 $0x10;
	v1 =	vmul.u32 $0x64, v1  }
0x3f: {  	s11 =	sand.u32 $0x70, s20;
	s8 =	simm.s32 $0x80  }
0x40: {  	s9 =	simm.s32 $0x20;
	s12 =	sand.u32 $0x400, s8;
	s7 =	simm.s32 $0x1000;
	v1 =	vadd.s32 v2, v1  }
.LBB2_2:
0x41: {  	p1 =	sne.s32 s9, $0xB0;
	s10 =	sor.u32 s11, s12;
	[tilespmem:s7+$0x0] =	vst v1  }
0x42: {  	v1 =	vld [tilespmem:s10+$0x0];
	_ =	sdelay $0x1  }
0x43: {  	v2 =	vld [tilespmem:s10+$0x800]  }
.Ltmp2:
0x44: {  	(pc) =	sbr.rel @p1 .LBB2_2-.Ltmp2, $4  }
0x45: {  	_ = 	snop  }
0x46: {  	v1 =	vmul.u32 $0x64, v1  }
0x47: {  	s8 =	sadd.s32 $0x80, s8;
	s7 =	sadd.s32 $0x10, s7  }
0x48: {  	s11 =	sand.u32 $0x70, s9;
	s9 =	sadd.s32 $0x10, s9;
	s12 =	sand.u32 $0x400, s8;
	v1 =	vadd.s32 v2, v1  }
0x49: {  	s8 =	sor.u32 s11, s12;
	[tilespmem:s7+$0x0] =	vst v1  }
0x4a: {  	v1 =	vld [tilespmem:s8+$0x0];
	_ =	sdelay $0x1  }
0x4b: {  	v2 =	vld [tilespmem:s8+$0x800];
	_ =	sdelay $0x2  }
0x4c: {  	v1 =	vmul.u32 $0x64, v1;
	_ =	sdelay $0x1  }
0x4d: {  	s12 =	sadd.s32 $0x10, s7;
	v1 =	vadd.s32 v2, v1  }
0x4e: {  	[tilespmem:s12+$0x0] =	vst v1  }
0x4f: {  	v1 =	vld [tilespmem:$0x430]  }
0x50: {  	v2 =	vld.msk [tilespmem:$0x440], $0xff  }
0x51: {  	v3 =	vld [tilespmem:$0xC30]  }
0x52: {  	v4 =	vld.msk [tilespmem:$0xC40], $0xff;
	_ =	sdelay $0x2  }
0x53: {  	v1 =	vmul.u32 $0x64, v1;
	v2 =	vmul.u32 $0x64, v2;
	_ =	sdelay $0x1  }
0x54: {  	v1 =	vadd.s32 v1, v3;
	v2 =	vadd.s32 v2, v4  }
0x55: {  	s16 =	simm.s32 $0x0;
	v1 =	vperm.xlane v1, v0;
	v2 =	vperm.xlane v2, v0  }
0x56: {  	s18 =	sand.u32 $0x400, s16  }
0x57: {  	s7 =	sor.u32 s18, s16;
	v1 =	vsel vm0, v1, v2  }
0x58: {  	s7 =	sor.u32 $0x80, s7;
	[tilespmem:$0x10B8] =	vst v1  }
0x59: {  	v1 =	vld [tilespmem:s7+$0x0];
	_ =	sdelay $0x1  }
0x5a: {  	v2 =	vld [tilespmem:s7+$0x800];
	_ =	sdelay $0x2  }
0x5b: {  	s19 =	simm.s32 $0x80;
	v1 =	vmul.u32 $0x64, v1  }
0x5c: {  	s20 =	simm.s32 $0x10;
	s9 =	sand.u32 $0x400, s19  }
0x5d: {  	s8 =	sor.u32 s9, s20;
	s7 =	simm.s32 $0x10C8;
	v1 =	vadd.s32 v2, v1  }
0x5e: {  	s9 =	sor.u32 $0x80, s8;
	[tilespmem:s7+$0x0] =	vst v1  }
0x5f: {  	v2 =	vld [tilespmem:s9+$0x0];
	_ =	sdelay $0x1  }
0x60: {  	v1 =	vld [tilespmem:s9+$0x800];
	_ =	sdelay $0x2  }
0x61: {  	s8 =	simm.s32 $0x100;
	v2 =	vmul.u32 $0x64, v2  }
0x62: {  	s11 =	simm.s32 $0x20;
	s10 =	sand.u32 $0x400, s8;
	s9 =	simm.s32 $0x30  }
.LBB2_4:
0x63: {  	p1 =	sne.s32 s9, $0xB0;
	s10 =	sor.u32 s10, s11;
	v1 =	vadd.s32 v1, v2;
	s7 =	sadd.s32 $0x10, s7  }
0x64: {  	s11 =	smov.u32 s9;
	s10 =	sor.u32 $0x80, s10;
	[tilespmem:s7+$0x0] =	vst v1  }
0x65: {  	v2 =	vld [tilespmem:s10+$0x0];
	_ =	sdelay $0x1  }
.Ltmp3:
0x66: {  	v1 =	vld [tilespmem:s10+$0x800];
	(pc) =	sbr.rel @p1 .LBB2_4-.Ltmp3, $3  }
0x67: {  	_ =	sdelay $0x1  }
0x68: {  	s8 =	sadd.s32 $0x80, s8;
	v2 =	vmul.u32 $0x64, v2  }
0x69: {  	s9 =	sadd.s32 $0x10, s9;
	s10 =	sand.u32 $0x400, s8  }
0x6a: {  	s8 =	sor.u32 s10, s11;
	v1 =	vadd.s32 v1, v2;
	s7 =	sadd.s32 $0x10, s7  }
0x6b: {  	s8 =	sor.u32 $0x80, s8;
	[tilespmem:s7+$0x0] =	vst v1  }
0x6c: {  	v1 =	vld [tilespmem:s8+$0x0];
	_ =	sdelay $0x1  }
0x6d: {  	v2 =	vld [tilespmem:s8+$0x800];
	_ =	sdelay $0x2  }
0x6e: {  	v1 =	vmul.u32 $0x64, v1;
	_ =	sdelay $0x1  }
0x6f: {  	s7 =	sadd.s32 $0x10, s7;
	v1 =	vadd.s32 v2, v1  }
0x70: {  	[tilespmem:s7+$0x0] =	vst v1  }
0x71: {  	v1 =	vld [tilespmem:$0x4B0]  }
0x72: {  	v2 =	vld.msk [tilespmem:$0x4C0], $0xff  }
0x73: {  	v3 =	vld [tilespmem:$0xCB0]  }
0x74: {  	v4 =	vld.msk [tilespmem:$0xCC0], $0xff;
	_ =	sdelay $0x2  }
0x75: {  	v1 =	vmul.u32 $0x64, v1;
	v2 =	vmul.u32 $0x64, v2;
	_ =	sdelay $0x1  }
0x76: {  	v1 =	vadd.s32 v1, v3;
	v2 =	vadd.s32 v2, v4  }
0x77: {  	v1 =	vperm.xlane v1, v0;
	v2 =	vperm.xlane v2, v0  }
0x78: {  	s19 =	simm.s32 $0x0  }
0x79: {  	s20 =	sand.u32 $0x70, s19;
	s7 =	sand.u32 $0x400, s19;
	v1 =	vsel vm0, v1, v2  }
0x7a: {  	s7 =	sor.u32 s7, s20;
	[tilespmem:$0x1180] =	vst v1  }
0x7b: {  	v1 =	vld [tilespmem:s7+$0x100];
	_ =	sdelay $0x1  }
0x7c: {  	v2 =	vld [tilespmem:s7+$0x900];
	_ =	sdelay $0x2  }
0x7d: {  	s9 =	simm.s32 $0x10;
	v1 =	vmul.u32 $0x64, v1  }
0x7e: {  	s11 =	sand.u32 $0x70, s9;
	s8 =	simm.s32 $0x80  }
0x7f: {  	s9 =	simm.s32 $0x20;
	s12 =	sand.u32 $0x400, s8;
	s7 =	simm.s32 $0x1190;
	v1 =	vadd.s32 v2, v1  }
.LBB2_6:
0x80: {  	p1 =	sne.s32 s9, $0xB0;
	s10 =	sor.u32 s12, s11;
	[tilespmem:s7+$0x0] =	vst v1  }
0x81: {  	v1 =	vld [tilespmem:s10+$0x100];
	_ =	sdelay $0x1  }
0x82: {  	v2 =	vld [tilespmem:s10+$0x900]  }
.Ltmp4:
0x83: {  	(pc) =	sbr.rel @p1 .LBB2_6-.Ltmp4, $4  }
0x84: {  	_ = 	snop  }
0x85: {  	v1 =	vmul.u32 $0x64, v1  }
0x86: {  	s8 =	sadd.s32 $0x80, s8;
	s7 =	sadd.s32 $0x10, s7  }
0x87: {  	s11 =	sand.u32 $0x70, s9;
	s9 =	sadd.s32 $0x10, s9;
	s12 =	sand.u32 $0x400, s8;
	v1 =	vadd.s32 v2, v1  }
0x88: {  	s8 =	sor.u32 s12, s11;
	[tilespmem:s7+$0x0] =	vst v1  }
0x89: {  	v1 =	vld [tilespmem:s8+$0x100];
	_ =	sdelay $0x1  }
0x8a: {  	v2 =	vld [tilespmem:s8+$0x900];
	_ =	sdelay $0x2  }
0x8b: {  	v1 =	vmul.u32 $0x64, v1;
	_ =	sdelay $0x1  }
0x8c: {  	s12 =	sadd.s32 $0x10, s7;
	v1 =	vadd.s32 v2, v1  }
0x8d: {  	[tilespmem:s12+$0x0] =	vst v1  }
0x8e: {  	v1 =	vld [tilespmem:$0x530]  }
0x8f: {  	v2 =	vld.msk [tilespmem:$0x540], $0xff  }
0x90: {  	v3 =	vld [tilespmem:$0xD30]  }
0x91: {  	v4 =	vld.msk [tilespmem:$0xD40], $0xff;
	_ =	sdelay $0x2  }
0x92: {  	v1 =	vmul.u32 $0x64, v1;
	v2 =	vmul.u32 $0x64, v2;
	_ =	sdelay $0x1  }
0x93: {  	v1 =	vadd.s32 v1, v3;
	v2 =	vadd.s32 v2, v4  }
0x94: {  	s16 =	simm.s32 $0x0;
	v1 =	vperm.xlane v1, v0;
	v2 =	vperm.xlane v2, v0  }
0x95: {  	s18 =	sand.u32 $0x400, s16  }
0x96: {  	s7 =	sor.u32 s18, s16;
	v1 =	vsel vm0, v1, v2  }
0x97: {  	s7 =	sor.u32 $0x180, s7;
	[tilespmem:$0x1248] =	vst v1  }
0x98: {  	v1 =	vld [tilespmem:s7+$0x0];
	_ =	sdelay $0x1  }
0x99: {  	v2 =	vld [tilespmem:s7+$0x800];
	_ =	sdelay $0x2  }
0x9a: {  	s19 =	simm.s32 $0x80;
	v1 =	vmul.u32 $0x64, v1  }
0x9b: {  	s20 =	simm.s32 $0x10;
	s9 =	sand.u32 $0x400, s19  }
0x9c: {  	s8 =	sor.u32 s9, s20;
	s7 =	simm.s32 $0x1258;
	v1 =	vadd.s32 v2, v1  }
0x9d: {  	s9 =	sor.u32 $0x180, s8;
	[tilespmem:s7+$0x0] =	vst v1  }
0x9e: {  	v2 =	vld [tilespmem:s9+$0x0];
	_ =	sdelay $0x1  }
0x9f: {  	v1 =	vld [tilespmem:s9+$0x800];
	_ =	sdelay $0x2  }
0xa0: {  	s8 =	simm.s32 $0x100;
	v2 =	vmul.u32 $0x64, v2  }
0xa1: {  	s11 =	simm.s32 $0x20;
	s10 =	sand.u32 $0x400, s8;
	s9 =	simm.s32 $0x30  }
.LBB2_8:
0xa2: {  	p1 =	sne.s32 s9, $0xB0;
	s10 =	sor.u32 s10, s11;
	v1 =	vadd.s32 v1, v2;
	s7 =	sadd.s32 $0x10, s7  }
0xa3: {  	s11 =	smov.u32 s9;
	s10 =	sor.u32 $0x180, s10;
	[tilespmem:s7+$0x0] =	vst v1  }
0xa4: {  	v2 =	vld [tilespmem:s10+$0x0];
	_ =	sdelay $0x1  }
.Ltmp5:
0xa5: {  	v1 =	vld [tilespmem:s10+$0x800];
	(pc) =	sbr.rel @p1 .LBB2_8-.Ltmp5, $3  }
0xa6: {  	_ =	sdelay $0x1  }
0xa7: {  	s8 =	sadd.s32 $0x80, s8;
	v2 =	vmul.u32 $0x64, v2  }
0xa8: {  	s9 =	sadd.s32 $0x10, s9;
	s10 =	sand.u32 $0x400, s8  }
0xa9: {  	s8 =	sor.u32 s10, s11;
	v1 =	vadd.s32 v1, v2;
	s7 =	sadd.s32 $0x10, s7  }
0xaa: {  	s8 =	sor.u32 $0x180, s8;
	[tilespmem:s7+$0x0] =	vst v1  }
0xab: {  	v1 =	vld [tilespmem:s8+$0x0];
	_ =	sdelay $0x1  }
0xac: {  	v2 =	vld [tilespmem:s8+$0x800];
	_ =	sdelay $0x2  }
0xad: {  	v1 =	vmul.u32 $0x64, v1;
	_ =	sdelay $0x1  }
0xae: {  	s7 =	sadd.s32 $0x10, s7;
	v1 =	vadd.s32 v2, v1  }
0xaf: {  	[tilespmem:s7+$0x0] =	vst v1  }
0xb0: {  	v1 =	vld [tilespmem:$0x5B0]  }
0xb1: {  	v2 =	vld.msk [tilespmem:$0x5C0], $0xff  }
0xb2: {  	v3 =	vld [tilespmem:$0xDB0]  }
0xb3: {  	v4 =	vld.msk [tilespmem:$0xDC0], $0xff;
	_ =	sdelay $0x2  }
0xb4: {  	v1 =	vmul.u32 $0x64, v1;
	v2 =	vmul.u32 $0x64, v2;
	_ =	sdelay $0x1  }
0xb5: {  	v1 =	vadd.s32 v1, v3;
	v2 =	vadd.s32 v2, v4  }
0xb6: {  	v1 =	vperm.xlane v1, v0;
	v2 =	vperm.xlane v2, v0  }
0xb7: {  	s19 =	simm.s32 $0x0  }
0xb8: {  	s20 =	sand.u32 $0x70, s19;
	s7 =	sand.u32 $0x400, s19;
	v1 =	vsel vm0, v1, v2  }
0xb9: {  	s7 =	sor.u32 s7, s20;
	[tilespmem:$0x1310] =	vst v1  }
0xba: {  	v1 =	vld [tilespmem:s7+$0x200];
	_ =	sdelay $0x1  }
0xbb: {  	v2 =	vld [tilespmem:s7+$0xA00];
	_ =	sdelay $0x2  }
0xbc: {  	s9 =	simm.s32 $0x10;
	v1 =	vmul.u32 $0x64, v1  }
0xbd: {  	s11 =	sand.u32 $0x70, s9;
	s8 =	simm.s32 $0x80  }
0xbe: {  	s9 =	simm.s32 $0x20;
	s12 =	sand.u32 $0x400, s8;
	s7 =	simm.s32 $0x1320;
	v1 =	vadd.s32 v2, v1  }
.LBB2_10:
0xbf: {  	p1 =	sne.s32 s9, $0xB0;
	s10 =	sor.u32 s12, s11;
	[tilespmem:s7+$0x0] =	vst v1  }
0xc0: {  	v1 =	vld [tilespmem:s10+$0x200];
	_ =	sdelay $0x1  }
0xc1: {  	v2 =	vld [tilespmem:s10+$0xA00]  }
.Ltmp6:
0xc2: {  	(pc) =	sbr.rel @p1 .LBB2_10-.Ltmp6, $4  }
0xc3: {  	_ = 	snop  }
0xc4: {  	v1 =	vmul.u32 $0x64, v1  }
0xc5: {  	s8 =	sadd.s32 $0x80, s8;
	s7 =	sadd.s32 $0x10, s7  }
0xc6: {  	s11 =	sand.u32 $0x70, s9;
	s9 =	sadd.s32 $0x10, s9;
	s12 =	sand.u32 $0x400, s8;
	v1 =	vadd.s32 v2, v1  }
0xc7: {  	s8 =	sor.u32 s12, s11;
	[tilespmem:s7+$0x0] =	vst v1  }
0xc8: {  	v1 =	vld [tilespmem:s8+$0x200];
	_ =	sdelay $0x1  }
0xc9: {  	v2 =	vld [tilespmem:s8+$0xA00];
	_ =	sdelay $0x2  }
0xca: {  	v1 =	vmul.u32 $0x64, v1;
	_ =	sdelay $0x1  }
0xcb: {  	s12 =	sadd.s32 $0x10, s7;
	v1 =	vadd.s32 v2, v1  }
0xcc: {  	[tilespmem:s12+$0x0] =	vst v1  }
0xcd: {  	v1 =	vld [tilespmem:$0x630]  }
0xce: {  	v2 =	vld.msk [tilespmem:$0x640], $0xff  }
0xcf: {  	v3 =	vld [tilespmem:$0xE30]  }
0xd0: {  	v4 =	vld.msk [tilespmem:$0xE40], $0xff;
	_ =	sdelay $0x2  }
0xd1: {  	v1 =	vmul.u32 $0x64, v1;
	v2 =	vmul.u32 $0x64, v2;
	_ =	sdelay $0x1  }
0xd2: {  	v1 =	vadd.s32 v1, v3;
	v2 =	vadd.s32 v2, v4  }
0xd3: {  	s16 =	simm.s32 $0x0;
	v1 =	vperm.xlane v1, v0;
	v2 =	vperm.xlane v2, v0  }
0xd4: {  	s18 =	sand.u32 $0x400, s16  }
0xd5: {  	s7 =	sor.u32 s18, s16;
	v1 =	vsel vm0, v1, v2  }
0xd6: {  	s7 =	sor.u32 $0x280, s7;
	[tilespmem:$0x13D8] =	vst v1  }
0xd7: {  	v1 =	vld [tilespmem:s7+$0x0];
	_ =	sdelay $0x1  }
0xd8: {  	v2 =	vld [tilespmem:s7+$0x800];
	_ =	sdelay $0x2  }
0xd9: {  	s19 =	simm.s32 $0x80;
	v1 =	vmul.u32 $0x64, v1  }
0xda: {  	s20 =	simm.s32 $0x10;
	s9 =	sand.u32 $0x400, s19  }
0xdb: {  	s8 =	sor.u32 s9, s20;
	s7 =	simm.s32 $0x13E8;
	v1 =	vadd.s32 v2, v1  }
0xdc: {  	s9 =	sor.u32 $0x280, s8;
	[tilespmem:s7+$0x0] =	vst v1  }
0xdd: {  	v2 =	vld [tilespmem:s9+$0x0];
	_ =	sdelay $0x1  }
0xde: {  	v1 =	vld [tilespmem:s9+$0x800];
	_ =	sdelay $0x2  }
0xdf: {  	s8 =	simm.s32 $0x100;
	v2 =	vmul.u32 $0x64, v2  }
0xe0: {  	s11 =	simm.s32 $0x20;
	s10 =	sand.u32 $0x400, s8;
	s9 =	simm.s32 $0x30  }
.LBB2_12:
0xe1: {  	p1 =	sne.s32 s9, $0xB0;
	s10 =	sor.u32 s10, s11;
	v1 =	vadd.s32 v1, v2;
	s7 =	sadd.s32 $0x10, s7  }
0xe2: {  	s11 =	smov.u32 s9;
	s10 =	sor.u32 $0x280, s10;
	[tilespmem:s7+$0x0] =	vst v1  }
0xe3: {  	v2 =	vld [tilespmem:s10+$0x0];
	_ =	sdelay $0x1  }
.Ltmp7:
0xe4: {  	v1 =	vld [tilespmem:s10+$0x800];
	(pc) =	sbr.rel @p1 .LBB2_12-.Ltmp7, $3  }
0xe5: {  	_ =	sdelay $0x1  }
0xe6: {  	s8 =	sadd.s32 $0x80, s8;
	v2 =	vmul.u32 $0x64, v2  }
0xe7: {  	s9 =	sadd.s32 $0x10, s9;
	s10 =	sand.u32 $0x400, s8  }
0xe8: {  	s8 =	sor.u32 s10, s11;
	v1 =	vadd.s32 v1, v2;
	s7 =	sadd.s32 $0x10, s7  }
0xe9: {  	s8 =	sor.u32 $0x280, s8;
	[tilespmem:s7+$0x0] =	vst v1  }
0xea: {  	v1 =	vld [tilespmem:s8+$0x0];
	_ =	sdelay $0x1  }
0xeb: {  	v2 =	vld [tilespmem:s8+$0x800];
	_ =	sdelay $0x2  }
0xec: {  	v1 =	vmul.u32 $0x64, v1;
	_ =	sdelay $0x1  }
0xed: {  	s7 =	sadd.s32 $0x10, s7;
	v1 =	vadd.s32 v2, v1  }
0xee: {  	[tilespmem:s7+$0x0] =	vst v1  }
0xef: {  	v1 =	vld [tilespmem:$0x6B0]  }
0xf0: {  	v2 =	vld.msk [tilespmem:$0x6C0], $0xff  }
0xf1: {  	v3 =	vld [tilespmem:$0xEB0]  }
0xf2: {  	v4 =	vld.msk [tilespmem:$0xEC0], $0xff;
	_ =	sdelay $0x2  }
0xf3: {  	v1 =	vmul.u32 $0x64, v1;
	v2 =	vmul.u32 $0x64, v2;
	_ =	sdelay $0x1  }
0xf4: {  	v1 =	vadd.s32 v1, v3;
	v2 =	vadd.s32 v2, v4  }
0xf5: {  	v1 =	vperm.xlane v1, v0;
	v2 =	vperm.xlane v2, v0  }
0xf6: {  	s19 =	simm.s32 $0x0  }
0xf7: {  	s20 =	sand.u32 $0x70, s19;
	s7 =	sand.u32 $0x400, s19;
	v1 =	vsel vm0, v1, v2  }
0xf8: {  	s7 =	sor.u32 s7, s20;
	[tilespmem:$0x14A0] =	vst v1  }
0xf9: {  	v1 =	vld [tilespmem:s7+$0x300];
	_ =	sdelay $0x1  }
0xfa: {  	v2 =	vld [tilespmem:s7+$0xB00];
	_ =	sdelay $0x2  }
0xfb: {  	s9 =	simm.s32 $0x10;
	v1 =	vmul.u32 $0x64, v1  }
0xfc: {  	s11 =	sand.u32 $0x70, s9;
	s8 =	simm.s32 $0x80  }
0xfd: {  	s9 =	simm.s32 $0x20;
	s12 =	sand.u32 $0x400, s8;
	s7 =	simm.s32 $0x14B0;
	v1 =	vadd.s32 v2, v1  }
.LBB2_14:
0xfe: {  	p1 =	sne.s32 s9, $0xB0;
	s10 =	sor.u32 s12, s11;
	[tilespmem:s7+$0x0] =	vst v1  }
0xff: {  	v1 =	vld [tilespmem:s10+$0x300];
	_ =	sdelay $0x1  }
0x100: {  	v2 =	vld [tilespmem:s10+$0xB00]  }
.Ltmp8:
0x101: {  	(pc) =	sbr.rel @p1 .LBB2_14-.Ltmp8, $4  }
0x102: {  	_ = 	snop  }
0x103: {  	v1 =	vmul.u32 $0x64, v1  }
0x104: {  	s8 =	sadd.s32 $0x80, s8;
	s7 =	sadd.s32 $0x10, s7  }
0x105: {  	s11 =	sand.u32 $0x70, s9;
	s9 =	sadd.s32 $0x10, s9;
	s12 =	sand.u32 $0x400, s8;
	v1 =	vadd.s32 v2, v1  }
0x106: {  	s8 =	sor.u32 s12, s11;
	[tilespmem:s7+$0x0] =	vst v1  }
0x107: {  	v1 =	vld [tilespmem:s8+$0x300];
	_ =	sdelay $0x1  }
0x108: {  	v2 =	vld [tilespmem:s8+$0xB00];
	_ =	sdelay $0x2  }
0x109: {  	v1 =	vmul.u32 $0x64, v1;
	_ =	sdelay $0x1  }
0x10a: {  	s19 =	sadd.s32 $0x10, s7;
	v1 =	vadd.s32 v2, v1  }
0x10b: {  	[tilespmem:s19+$0x0] =	vst v1  }
0x10c: {  	v1 =	vld [tilespmem:$0x730]  }
0x10d: {  	v2 =	vld.msk [tilespmem:$0x740], $0xff  }
0x10e: {  	v3 =	vld [tilespmem:$0xF30]  }
0x10f: {  	v4 =	vld.msk [tilespmem:$0xF40], $0xff;
	_ =	sdelay $0x2  }
0x110: {  	v1 =	vmul.u32 $0x64, v1;
	v2 =	vmul.u32 $0x64, v2;
	_ =	sdelay $0x1  }
0x111: {  	v1 =	vadd.s32 v1, v3;
	v2 =	vadd.s32 v2, v4  }
0x112: {  	v1 =	vperm.xlane v1, v0;
	v2 =	vperm.xlane v2, v0  }
0x113: {  	s20 =	simm.s32 $0x0  }
0x114: {  	s7 =	sor.u32 s20, s20;
	v1 =	vsel vm0, v1, v2  }
0x115: {  	s7 =	sor.u32 $0x380, s7;
	[tilespmem:$0x1568] =	vst v1  }
0x116: {  	v1 =	vld [tilespmem:s7+$0x0];
	_ =	sdelay $0x1  }
0x117: {  	v2 =	vld [tilespmem:s7+$0x800];
	_ =	sdelay $0x2  }
0x118: {  	v1 =	vmul.u32 $0x64, v1  }
0x119: {  	s9 =	simm.s32 $0x10;
	s8 =	simm.s32 $0x80  }
0x11a: {  	s11 =	sor.u32 s8, s9;
	s9 =	simm.s32 $0x20;
	s7 =	simm.s32 $0x1578;
	v1 =	vadd.s32 v2, v1  }
.LBB2_16:
0x11b: {  	p1 =	sne.s32 s9, $0xB0;
	s10 =	sor.u32 $0x380, s11;
	[tilespmem:s7+$0x0] =	vst v1  }
0x11c: {  	v1 =	vld [tilespmem:s10+$0x0];
	_ =	sdelay $0x1  }
0x11d: {  	v2 =	vld [tilespmem:s10+$0x800]  }
.Ltmp9:
0x11e: {  	(pc) =	sbr.rel @p1 .LBB2_16-.Ltmp9, $4  }
0x11f: {  	_ = 	snop  }
0x120: {  	v1 =	vmul.u32 $0x64, v1  }
0x121: {  	s8 =	sadd.s32 $0x80, s8  }
0x122: {  	s7 =	sadd.s32 $0x10, s7;
	s11 =	sor.u32 s8, s9;
	s9 =	sadd.s32 $0x10, s9;
	v1 =	vadd.s32 v2, v1  }
0x123: {  	s8 =	sor.u32 $0x380, s11;
	[tilespmem:s7+$0x0] =	vst v1  }
0x124: {  	v1 =	vld [tilespmem:s8+$0x0];
	_ =	sdelay $0x1  }
0x125: {  	v2 =	vld [tilespmem:s8+$0x800];
	_ =	sdelay $0x2  }
0x126: {  	v1 =	vmul.u32 $0x64, v1;
	_ =	sdelay $0x1  }
0x127: {  	s16 =	sadd.s32 $0x10, s7;
	v1 =	vadd.s32 v2, v1  }
0x128: {  	[tilespmem:s16+$0x0] =	vst v1  }
0x129: {  	v1 =	vld [tilespmem:$0x7B0]  }
0x12a: {  	v2 =	vld.msk [tilespmem:$0x7C0], $0xff  }
0x12b: {  	v3 =	vld [tilespmem:$0xFB0]  }
0x12c: {  	v4 =	vld.msk [tilespmem:$0xFC0], $0xff;
	_ =	sdelay $0x2  }
0x12d: {  	v1 =	vmul.u32 $0x64, v1;
	v2 =	vmul.u32 $0x64, v2;
	_ =	sdelay $0x1  }
0x12e: {  	v1 =	vadd.s32 v1, v3;
	v2 =	vadd.s32 v2, v4  }
0x12f: {  	v1 =	vperm.xlane v1, v0;
	v2 =	vperm.xlane v2, v0;
	_ =	sdelay $0x1  }
0x130: {  	v1 =	vsel vm0, v1, v2  }
0x131: {  	s7 =	simm.s32 $0x0;
	s18 =	rddreg [dreg:$0xa];
	[tilespmem:$0x1630] =	vst v1  }
0x132: {  	[tilespmem:s7], [sflag:$0x5] =	stream.linear.gather [hbm4b:s18+s7], $0x800, $0x38;
	[tilespmem:$0x1F580] =	vst v63  }
.Ltmp10:
0x133: {  	_ = 	snop;
	(pc) =	sbr.rel .LBB2_18-.Ltmp10, $4  }
0x134: {  	s19 =	rddreg [dreg:$0xb]  }
0x135: {  	[tilespmem:s13], [sflag:$0x5] =	stream.linear.gather [hbm4b:s19+s7], $0x800, $0x38;
	[tilespmem:$0x1F580] =	vst v63  }
0x136: {  	s20 =	simm.s32 $0x1000;
	s8 =	simm.s32 $0x0  }
0x137: {  	[tilespmem:s24], [sflag:$0x1] =	stream.indirect.gather [spmem:s2], $0x80, s20, s22, $0xb8;
	[tilespmem:$0x1F580] =	vst v63  }
.LBB2_52:
0x138: {  	s9 =	sadd.s32 @!p1 s9, s15  }
0x139: {  	s9 =	sshll.u32 @!p1 s9, $0x5  }
0x13a: {  	s10 =	sadd.s32 @!p1 s4, s9  }
0x13b: {  	[tilespmem:s11], [sflag:$0x5] =	stream.linear.gather @!p1 [hbm4b:s10+s11], $0x800, $0x38;
	[tilespmem:$0x1F580] =	vst v63  }
0x13c: {  	s20 =	smul.u32 $0x6400, s13;
	s9 =	sadd.s32 @!p1 s5, s9  }
0x13d: {  	[tilespmem:s12], [sflag:$0x5] =	stream.linear.gather @!p1 [hbm4b:s9+s11], $0x800, $0x38;
	[tilespmem:$0x1F580] =	vst v63  }
0x13e: {  	s12 =	sshrl.u32 s20, $0x3;
	_ =	swait.ge [sflag:s29], $0x5000  }
0x13f: {  	s9 =	sadd.s32 s1, s12;
	[sflag:s29] =	ssyncset.done $0x0  }
0x140: {  	s13 =	sadd.s32 $0xA00, s9;
	[sflag:s29] =	ssyncadd.s32 $0xFFFFB000  }
0x141: {  	[hbm4b:s13+s3] =	stream.linear.scatter [tilespmem:s28], [sflag:$0x4], $0x5000, $0x38;
	[tilespmem:$0x1F580] =	vst v63  }
0x142: {  	_ =	swait.ge [sflag:s30], $0x5000  }
0x143: {  	[sflag:s30] =	ssyncset.done $0x0  }
0x144: {  	s16 =	simm.s32 $0x17C0;
	[sflag:s30] =	ssyncadd.s32 $0xFFFFB000  }
0x145: {  	[tilespmem:s24], [sflag:$0x1] =	stream.indirect.gather [spmem:s2], $0x80, s16, s22, $0xb8;
	[tilespmem:$0x1F580] =	vst v63  }
0x146: {  	_ =	swait.ge [sflag:s25], $0x5000  }
0x147: {  	[sflag:s25] =	ssyncset.done $0x0  }
0x148: {  	s18 =	sadd.s32 $0x1400, s9;
	[sflag:s25] =	ssyncadd.s32 $0xFFFFB000  }
0x149: {  	[hbm4b:s18+s3] =	stream.linear.scatter [tilespmem:s24], [sflag:$0x3], $0x5000, $0x38;
	[tilespmem:$0x1F580] =	vst v63  }
0x14a: {  	_ =	swait.ge [sflag:s0], $0x5000  }
0x14b: {  	[sflag:s0] =	ssyncset.done $0x0  }
0x14c: {  	s19 =	simm.s32 $0x1860;
	[sflag:s0] =	ssyncadd.s32 $0xFFFFB000  }
0x14d: {  	[tilespmem:s28], [sflag:$0x2] =	stream.indirect.gather [spmem:s2], $0x80, s19, s22, $0xb8;
	[tilespmem:$0x1F580] =	vst v63  }
0x14e: {  	_ =	swait.ge [sflag:s29], $0x5000  }
0x14f: {  	[sflag:s29] =	ssyncset.done $0x0  }
0x150: {  	s20 =	sadd.s32 $0x1E00, s9;
	[sflag:s29] =	ssyncadd.s32 $0xFFFFB000  }
0x151: {  	[hbm4b:s20+s3] =	stream.linear.scatter [tilespmem:s28], [sflag:$0x4], $0x5000, $0x38;
	[tilespmem:$0x1F580] =	vst v63  }
0x152: {  	_ =	swait.ge [sflag:s30], $0x5000  }
0x153: {  	[sflag:s30] =	ssyncset.done $0x0  }
0x154: {  	s11 =	simm.s32 $0x1900;
	[sflag:s30] =	ssyncadd.s32 $0xFFFFB000  }
0x155: {  	[tilespmem:s24], [sflag:$0x1] =	stream.indirect.gather [spmem:s2], $0x80, s11, s22, $0xb8;
	[tilespmem:$0x1F580] =	vst v63  }
0x156: {  	_ =	swait.ge [sflag:s25], $0x5000  }
0x157: {  	[sflag:s25] =	ssyncset.done $0x0  }
0x158: {  	s12 =	sadd.s32 $0x2800, s9;
	[sflag:s25] =	ssyncadd.s32 $0xFFFFB000  }
0x159: {  	[hbm4b:s12+s3] =	stream.linear.scatter [tilespmem:s24], [sflag:$0x3], $0x5000, $0x38;
	[tilespmem:$0x1F580] =	vst v63  }
0x15a: {  	_ =	swait.ge [sflag:s0], $0x5000  }
0x15b: {  	[sflag:s0] =	ssyncset.done $0x0  }
0x15c: {  	s13 =	simm.s32 $0x19A0;
	[sflag:s0] =	ssyncadd.s32 $0xFFFFB000  }
0x15d: {  	[tilespmem:s28], [sflag:$0x2] =	stream.indirect.gather [spmem:s2], $0x80, s13, s22, $0xb8;
	[tilespmem:$0x1F580] =	vst v63  }
0x15e: {  	_ =	swait.ge [sflag:s29], $0x5000  }
0x15f: {  	[sflag:s29] =	ssyncset.done $0x0  }
0x160: {  	s16 =	sadd.s32 $0x3200, s9;
	[sflag:s29] =	ssyncadd.s32 $0xFFFFB000  }
0x161: {  	[hbm4b:s16+s3] =	stream.linear.scatter [tilespmem:s28], [sflag:$0x4], $0x5000, $0x38;
	[tilespmem:$0x1F580] =	vst v63  }
0x162: {  	_ =	swait.ge [sflag:s30], $0x5000  }
0x163: {  	[sflag:s30] =	ssyncset.done $0x0  }
0x164: {  	[sflag:s30] =	ssyncadd.s32 $0xFFFFB000  }
0x165: {  	[tilespmem:s24], [sflag:$0x1] =	stream.indirect.gather [spmem:s2], $0x80, s26, s22, $0xb8;
	[tilespmem:$0x1F580] =	vst v63  }
0x166: {  	_ =	swait.ge [sflag:s25], $0x5000  }
0x167: {  	[sflag:s25] =	ssyncset.done $0x0  }
0x168: {  	s18 =	sadd.s32 $0x3C00, s9;
	[sflag:s25] =	ssyncadd.s32 $0xFFFFB000  }
0x169: {  	[hbm4b:s18+s3] =	stream.linear.scatter [tilespmem:s24], [sflag:$0x3], $0x5000, $0x38;
	[tilespmem:$0x1F580] =	vst v63  }
0x16a: {  	_ =	swait.ge [sflag:s0], $0x5000  }
0x16b: {  	[sflag:s0] =	ssyncset.done $0x0  }
0x16c: {  	[sflag:s0] =	ssyncadd.s32 $0xFFFFB000  }
0x16d: {  	[tilespmem:s28], [sflag:$0x2] =	stream.indirect.gather [spmem:s2], $0x80, s31, s22, $0xb8;
	[tilespmem:$0x1F580] =	vst v63  }
0x16e: {  	_ =	swait.ge [sflag:s29], $0x5000  }
0x16f: {  	[sflag:s29] =	ssyncset.done $0x0  }
0x170: {  	s19 =	sadd.s32 $0x4600, s9;
	[sflag:s29] =	ssyncadd.s32 $0xFFFFB000  }
0x171: {  	[hbm4b:s19+s3] =	stream.linear.scatter [tilespmem:s28], [sflag:$0x4], $0x5000, $0x38;
	[tilespmem:$0x1F580] =	vst v63  }
0x172: {  	_ =	swait.ge [sflag:s30], $0x5000  }
0x173: {  	[sflag:s30] =	ssyncset.done $0x0  }
0x174: {  	[sflag:s30] =	ssyncadd.s32 $0xFFFFB000  }
0x175: {  	[tilespmem:s24], [sflag:$0x1] =	stream.indirect.gather [spmem:s2], $0x80, s23, s22, $0xb8;
	[tilespmem:$0x1F580] =	vst v63  }
0x176: {  	_ =	swait.ge [sflag:s25], $0x5000  }
0x177: {  	[sflag:s25] =	ssyncset.done $0x0  }
0x178: {  	s20 =	sadd.s32 $0x5000, s9;
	[sflag:s25] =	ssyncadd.s32 $0xFFFFB000  }
0x179: {  	[hbm4b:s20+s3] =	stream.linear.scatter [tilespmem:s24], [sflag:$0x3], $0x5000, $0x38;
	[tilespmem:$0x1F580] =	vst v63  }
0x17a: {  	_ =	swait.ge [sflag:s0], $0x5000  }
0x17b: {  	[sflag:s0] =	ssyncset.done $0x0  }
0x17c: {  	[sflag:s0] =	ssyncadd.s32 $0xFFFFB000  }
0x17d: {  	[tilespmem:s28], [sflag:$0x2] =	stream.indirect.gather [spmem:s2], $0x80, s17, s22, $0xb8;
	[tilespmem:$0x1F580] =	vst v63  }
0x17e: {  	_ =	swait.ge [sflag:s29], $0x5000  }
0x17f: {  	s8 =	sadd.s32 $0x1, s8;
	[sflag:s29] =	ssyncset.done $0x0  }
0x180: {  	p1 =	sne.s32 s8, $0x20;
	s9 =	sadd.s32 $0x5A00, s9;
	[sflag:s29] =	ssyncadd.s32 $0xFFFFB000  }
0x181: {  	[hbm4b:s9+s3] =	stream.linear.scatter [tilespmem:s28], [sflag:$0x4], $0x5000, $0x38;
	[tilespmem:$0x1F580] =	vst v63  }
.Ltmp11:
0x182: {  	s9 =	simm.s32 @!p2 $0x3;
	(pc) =	sbr.rel @!p1 .LBB2_53-.Ltmp11, $4  }
0x183: {  	_ =	swait.ge @!p2 [sflag:s9], $0x5000  }
0x184: {  	s10 =	simm.s32 @!p2 $0x1000;
	[sflag:s9] =	ssyncset.done @!p2 $0x0  }
0x185: {  	s11 =	simm.s32 @!p2 $0x1D00;
	[sflag:s9] =	ssyncadd.s32 @!p2 $0xFFFFB000;
	s9 =	simm.s32 @!p2 $0xA0  }
0x186: {  	[tilespmem:s11], [sflag:$0x1] =	stream.indirect.gather @!p2 [spmem:s2], $0x80, s10, s9, $0xb8;
	[tilespmem:$0x1F580] =	vst v63  }
.LBB2_18:
0x187: {  	s9 =	sshll.u32 s8, $0x4  }
0x188: {  	s16 =	sor.u32 s6, s9  }
0x189: {  	_ =	swait.ge [sflag:s25], $0x5000;
	s10 =	smul.u32 $0xC80, s16  }
0x18a: {  	[sflag:s25] =	ssyncset.done $0x0  }
0x18b: {  	p1 =	seq.s32 s8, $0x0;
	[sflag:s25] =	ssyncadd.s32 $0xFFFFB000;
	s10 =	sadd.s32 s1, s10  }
0x18c: {  	[hbm4b:s10+s3] =	stream.linear.scatter [tilespmem:s24], [sflag:$0x3], $0x5000, $0x38;
	[tilespmem:$0x1F580] =	vst v63  }
0x18d: {  	s10 =	simm.s32 @!p1 $0x4  }
0x18e: {  	_ =	swait.ge @!p1 [sflag:s10], $0x5000  }
0x18f: {  	[sflag:s10] =	ssyncset.done @!p1 $0x0  }
0x190: {  	s18 =	simm.s32 $0x10A0;
	[sflag:s10] =	ssyncadd.s32 @!p1 $0xFFFFB000  }
0x191: {  	[tilespmem:s28], [sflag:$0x2] =	stream.indirect.gather [spmem:s2], $0x80, s18, s22, $0xb8;
	[tilespmem:$0x1F580] =	vst v63  }
0x192: {  	_ =	swait.ge [sflag:s21], $0x800  }
0x193: {  	[sflag:s21] =	ssyncset.done $0x0  }
0x194: {  	[sflag:s21] =	ssyncadd.s32 $0xFFFFF800  }
0x195: {  	_ =	swait.ge [sflag:s21], $0x800  }
0x196: {  	s19 =	sand.u32 $0x70, s7;
	s11 =	sand.u32 $0x400, s7;
	[sflag:s21] =	ssyncset.done $0x0  }
0x197: {  	s10 =	sor.u32 s19, s11;
	[sflag:s21] =	ssyncadd.s32 $0xFFFFF800  }
0x198: {  	v1 =	vld [tilespmem:s10+$0x0];
	_ =	sdelay $0x1  }
0x199: {  	v2 =	vld [tilespmem:s10+$0x800];
	_ =	sdelay $0x2  }
0x19a: {  	s13 =	sshll.u32 s8, $0x1;
	v1 =	vmul.u32 $0x64, v1  }
0x19b: {  	s20 =	simm.s32 $0x10;
	s12 =	simm.s32 $0x80;
	s11 =	simm.s32 $0x1680  }
0x19c: {  	s19 =	sand.u32 $0x70, s20;
	s20 =	sand.u32 $0x400, s12;
	s18 =	simm.s32 $0x20;
	v1 =	vadd.s32 v2, v1  }
.LBB2_19:
0x19d: {  	p1 =	sne.s32 s18, $0xB0;
	s10 =	sor.u32 s19, s20;
	[tilespmem:s11+$0x0] =	vst v1  }
0x19e: {  	v1 =	vld [tilespmem:s10+$0x0];
	_ =	sdelay $0x1  }
0x19f: {  	v2 =	vld [tilespmem:s10+$0x800]  }
.Ltmp12:
0x1a0: {  	(pc) =	sbr.rel @p1 .LBB2_19-.Ltmp12, $4  }
0x1a1: {  	_ = 	snop  }
0x1a2: {  	v1 =	vmul.u32 $0x64, v1  }
0x1a3: {  	s12 =	sadd.s32 $0x80, s12;
	s11 =	sadd.s32 $0x10, s11  }
0x1a4: {  	s19 =	sand.u32 $0x70, s18;
	s18 =	sadd.s32 $0x10, s18;
	s20 =	sand.u32 $0x400, s12;
	v1 =	vadd.s32 v2, v1  }
0x1a5: {  	s10 =	sor.u32 s19, s20;
	[tilespmem:s11+$0x0] =	vst v1  }
0x1a6: {  	v1 =	vld [tilespmem:s10+$0x0];
	_ =	sdelay $0x1  }
0x1a7: {  	v2 =	vld [tilespmem:s10+$0x800];
	_ =	sdelay $0x2  }
0x1a8: {  	v1 =	vmul.u32 $0x64, v1;
	_ =	sdelay $0x1  }
0x1a9: {  	s12 =	sadd.s32 $0x10, s11;
	v1 =	vadd.s32 v2, v1  }
0x1aa: {  	[tilespmem:s12+$0x0] =	vst v1  }
0x1ab: {  	v1 =	vld [tilespmem:$0x430]  }
0x1ac: {  	v2 =	vld.msk [tilespmem:$0x440], $0xff  }
0x1ad: {  	v3 =	vld [tilespmem:$0xC30]  }
0x1ae: {  	v4 =	vld.msk [tilespmem:$0xC40], $0xff;
	_ =	sdelay $0x2  }
0x1af: {  	v1 =	vmul.u32 $0x64, v1;
	v2 =	vmul.u32 $0x64, v2;
	_ =	sdelay $0x1  }
0x1b0: {  	v1 =	vadd.s32 v1, v3;
	v2 =	vadd.s32 v2, v4  }
0x1b1: {  	s18 =	simm.s32 $0x0;
	v1 =	vperm.xlane v1, v0;
	v2 =	vperm.xlane v2, v0  }
0x1b2: {  	s19 =	sand.u32 $0x400, s18  }
0x1b3: {  	s10 =	sor.u32 s19, s18;
	v1 =	vsel vm0, v1, v2  }
0x1b4: {  	s10 =	sor.u32 $0x80, s10;
	[tilespmem:$0x1738] =	vst v1  }
0x1b5: {  	v1 =	vld [tilespmem:s10+$0x0];
	_ =	sdelay $0x1  }
0x1b6: {  	v2 =	vld [tilespmem:s10+$0x800];
	_ =	sdelay $0x2  }
0x1b7: {  	s20 =	simm.s32 $0x80;
	v1 =	vmul.u32 $0x64, v1  }
0x1b8: {  	s12 =	simm.s32 $0x10;
	s10 =	sand.u32 $0x400, s20  }
0x1b9: {  	s11 =	simm.s32 $0x1748;
	s10 =	sor.u32 s10, s12;
	v1 =	vadd.s32 v2, v1  }
0x1ba: {  	s10 =	sor.u32 $0x80, s10;
	[tilespmem:s11+$0x0] =	vst v1  }
0x1bb: {  	v2 =	vld [tilespmem:s10+$0x0];
	_ =	sdelay $0x1  }
0x1bc: {  	v1 =	vld [tilespmem:s10+$0x800];
	_ =	sdelay $0x2  }
0x1bd: {  	s12 =	simm.s32 $0x100;
	v2 =	vmul.u32 $0x64, v2  }
0x1be: {  	s18 =	simm.s32 $0x30;
	s20 =	simm.s32 $0x20;
	s10 =	sand.u32 $0x400, s12  }
.LBB2_21:
0x1bf: {  	p1 =	sne.s32 s18, $0xB0;
	s10 =	sor.u32 s10, s20;
	v1 =	vadd.s32 v1, v2;
	s11 =	sadd.s32 $0x10, s11  }
0x1c0: {  	s20 =	smov.u32 s18;
	s10 =	sor.u32 $0x80, s10;
	[tilespmem:s11+$0x0] =	vst v1  }
0x1c1: {  	v2 =	vld [tilespmem:s10+$0x0];
	_ =	sdelay $0x1  }
.Ltmp13:
0x1c2: {  	v1 =	vld [tilespmem:s10+$0x800];
	(pc) =	sbr.rel @p1 .LBB2_21-.Ltmp13, $3  }
0x1c3: {  	_ =	sdelay $0x1  }
0x1c4: {  	s12 =	sadd.s32 $0x80, s12;
	v2 =	vmul.u32 $0x64, v2  }
0x1c5: {  	s18 =	sadd.s32 $0x10, s18;
	s10 =	sand.u32 $0x400, s12  }
0x1c6: {  	s10 =	sor.u32 s10, s20;
	v1 =	vadd.s32 v1, v2;
	s11 =	sadd.s32 $0x10, s11  }
0x1c7: {  	s10 =	sor.u32 $0x80, s10;
	[tilespmem:s11+$0x0] =	vst v1  }
0x1c8: {  	v1 =	vld [tilespmem:s10+$0x0];
	_ =	sdelay $0x1  }
0x1c9: {  	v2 =	vld [tilespmem:s10+$0x800];
	_ =	sdelay $0x2  }
0x1ca: {  	v1 =	vmul.u32 $0x64, v1;
	_ =	sdelay $0x1  }
0x1cb: {  	s12 =	sadd.s32 $0x10, s11;
	v1 =	vadd.s32 v2, v1  }
0x1cc: {  	[tilespmem:s12+$0x0] =	vst v1  }
0x1cd: {  	v1 =	vld [tilespmem:$0x4B0]  }
0x1ce: {  	v2 =	vld.msk [tilespmem:$0x4C0], $0xff  }
0x1cf: {  	v3 =	vld [tilespmem:$0xCB0]  }
0x1d0: {  	v4 =	vld.msk [tilespmem:$0xCC0], $0xff;
	_ =	sdelay $0x2  }
0x1d1: {  	v1 =	vmul.u32 $0x64, v1;
	v2 =	vmul.u32 $0x64, v2;
	_ =	sdelay $0x1  }
0x1d2: {  	v1 =	vadd.s32 v1, v3;
	v2 =	vadd.s32 v2, v4  }
0x1d3: {  	v1 =	vperm.xlane v1, v0;
	v2 =	vperm.xlane v2, v0  }
0x1d4: {  	s18 =	simm.s32 $0x0  }
0x1d5: {  	s19 =	sand.u32 $0x70, s18;
	s10 =	sand.u32 $0x400, s18;
	v1 =	vsel vm0, v1, v2  }
0x1d6: {  	s10 =	sor.u32 s10, s19;
	[tilespmem:$0x1800] =	vst v1  }
0x1d7: {  	v1 =	vld [tilespmem:s10+$0x100];
	_ =	sdelay $0x1  }
0x1d8: {  	v2 =	vld [tilespmem:s10+$0x900];
	_ =	sdelay $0x2  }
0x1d9: {  	v1 =	vmul.u32 $0x64, v1  }
0x1da: {  	s20 =	simm.s32 $0x10;
	s11 =	simm.s32 $0x1810;
	s12 =	simm.s32 $0x80  }
0x1db: {  	s18 =	simm.s32 $0x20;
	s19 =	sand.u32 $0x70, s20;
	s20 =	sand.u32 $0x400, s12;
	v1 =	vadd.s32 v2, v1  }
.LBB2_23:
0x1dc: {  	p1 =	sne.s32 s18, $0xB0;
	s10 =	sor.u32 s20, s19;
	[tilespmem:s11+$0x0] =	vst v1  }
0x1dd: {  	v1 =	vld [tilespmem:s10+$0x100];
	_ =	sdelay $0x1  }
0x1de: {  	v2 =	vld [tilespmem:s10+$0x900]  }
.Ltmp14:
0x1df: {  	(pc) =	sbr.rel @p1 .LBB2_23-.Ltmp14, $4  }
0x1e0: {  	_ = 	snop  }
0x1e1: {  	v1 =	vmul.u32 $0x64, v1  }
0x1e2: {  	s12 =	sadd.s32 $0x80, s12;
	s11 =	sadd.s32 $0x10, s11  }
0x1e3: {  	s19 =	sand.u32 $0x70, s18;
	s18 =	sadd.s32 $0x10, s18;
	s20 =	sand.u32 $0x400, s12;
	v1 =	vadd.s32 v2, v1  }
0x1e4: {  	s10 =	sor.u32 s20, s19;
	[tilespmem:s11+$0x0] =	vst v1  }
0x1e5: {  	v1 =	vld [tilespmem:s10+$0x100];
	_ =	sdelay $0x1  }
0x1e6: {  	v2 =	vld [tilespmem:s10+$0x900];
	_ =	sdelay $0x2  }
0x1e7: {  	v1 =	vmul.u32 $0x64, v1;
	_ =	sdelay $0x1  }
0x1e8: {  	s12 =	sadd.s32 $0x10, s11;
	v1 =	vadd.s32 v2, v1  }
0x1e9: {  	[tilespmem:s12+$0x0] =	vst v1  }
0x1ea: {  	v1 =	vld [tilespmem:$0x530]  }
0x1eb: {  	v2 =	vld.msk [tilespmem:$0x540], $0xff  }
0x1ec: {  	v3 =	vld [tilespmem:$0xD30]  }
0x1ed: {  	v4 =	vld.msk [tilespmem:$0xD40], $0xff;
	_ =	sdelay $0x2  }
0x1ee: {  	v1 =	vmul.u32 $0x64, v1;
	v2 =	vmul.u32 $0x64, v2;
	_ =	sdelay $0x1  }
0x1ef: {  	v1 =	vadd.s32 v1, v3;
	v2 =	vadd.s32 v2, v4  }
0x1f0: {  	s18 =	simm.s32 $0x0;
	v1 =	vperm.xlane v1, v0;
	v2 =	vperm.xlane v2, v0  }
0x1f1: {  	s19 =	sand.u32 $0x400, s18  }
0x1f2: {  	s10 =	sor.u32 s19, s18;
	v1 =	vsel vm0, v1, v2  }
0x1f3: {  	s10 =	sor.u32 $0x180, s10;
	[tilespmem:$0x18C8] =	vst v1  }
0x1f4: {  	v1 =	vld [tilespmem:s10+$0x0];
	_ =	sdelay $0x1  }
0x1f5: {  	v2 =	vld [tilespmem:s10+$0x800];
	_ =	sdelay $0x2  }
0x1f6: {  	s20 =	simm.s32 $0x80;
	v1 =	vmul.u32 $0x64, v1  }
0x1f7: {  	s12 =	simm.s32 $0x10;
	s10 =	sand.u32 $0x400, s20  }
0x1f8: {  	s11 =	simm.s32 $0x18D8;
	s10 =	sor.u32 s10, s12;
	v1 =	vadd.s32 v2, v1  }
0x1f9: {  	s10 =	sor.u32 $0x180, s10;
	[tilespmem:s11+$0x0] =	vst v1  }
0x1fa: {  	v2 =	vld [tilespmem:s10+$0x0];
	_ =	sdelay $0x1  }
0x1fb: {  	v1 =	vld [tilespmem:s10+$0x800];
	_ =	sdelay $0x2  }
0x1fc: {  	s12 =	simm.s32 $0x100;
	v2 =	vmul.u32 $0x64, v2  }
0x1fd: {  	s18 =	simm.s32 $0x30;
	s20 =	simm.s32 $0x20;
	s10 =	sand.u32 $0x400, s12  }
.LBB2_25:
0x1fe: {  	p1 =	sne.s32 s18, $0xB0;
	s10 =	sor.u32 s10, s20;
	v1 =	vadd.s32 v1, v2;
	s11 =	sadd.s32 $0x10, s11  }
0x1ff: {  	s20 =	smov.u32 s18;
	s10 =	sor.u32 $0x180, s10;
	[tilespmem:s11+$0x0] =	vst v1  }
0x200: {  	v2 =	vld [tilespmem:s10+$0x0];
	_ =	sdelay $0x1  }
.Ltmp15:
0x201: {  	v1 =	vld [tilespmem:s10+$0x800];
	(pc) =	sbr.rel @p1 .LBB2_25-.Ltmp15, $3  }
0x202: {  	_ =	sdelay $0x1  }
0x203: {  	s12 =	sadd.s32 $0x80, s12;
	v2 =	vmul.u32 $0x64, v2  }
0x204: {  	s18 =	sadd.s32 $0x10, s18;
	s10 =	sand.u32 $0x400, s12  }
0x205: {  	s10 =	sor.u32 s10, s20;
	v1 =	vadd.s32 v1, v2;
	s11 =	sadd.s32 $0x10, s11  }
0x206: {  	s10 =	sor.u32 $0x180, s10;
	[tilespmem:s11+$0x0] =	vst v1  }
0x207: {  	v1 =	vld [tilespmem:s10+$0x0];
	_ =	sdelay $0x1  }
0x208: {  	v2 =	vld [tilespmem:s10+$0x800];
	_ =	sdelay $0x2  }
0x209: {  	v1 =	vmul.u32 $0x64, v1;
	_ =	sdelay $0x1  }
0x20a: {  	s12 =	sadd.s32 $0x10, s11;
	v1 =	vadd.s32 v2, v1  }
0x20b: {  	[tilespmem:s12+$0x0] =	vst v1  }
0x20c: {  	v1 =	vld [tilespmem:$0x5B0]  }
0x20d: {  	v2 =	vld.msk [tilespmem:$0x5C0], $0xff  }
0x20e: {  	v3 =	vld [tilespmem:$0xDB0]  }
0x20f: {  	v4 =	vld.msk [tilespmem:$0xDC0], $0xff;
	_ =	sdelay $0x2  }
0x210: {  	v1 =	vmul.u32 $0x64, v1;
	v2 =	vmul.u32 $0x64, v2;
	_ =	sdelay $0x1  }
0x211: {  	v1 =	vadd.s32 v1, v3;
	v2 =	vadd.s32 v2, v4  }
0x212: {  	v1 =	vperm.xlane v1, v0;
	v2 =	vperm.xlane v2, v0  }
0x213: {  	s18 =	simm.s32 $0x0  }
0x214: {  	s19 =	sand.u32 $0x70, s18;
	s10 =	sand.u32 $0x400, s18;
	v1 =	vsel vm0, v1, v2  }
0x215: {  	s10 =	sor.u32 s10, s19;
	[tilespmem:$0x1990] =	vst v1  }
0x216: {  	v1 =	vld [tilespmem:s10+$0x200];
	_ =	sdelay $0x1  }
0x217: {  	v2 =	vld [tilespmem:s10+$0xA00];
	_ =	sdelay $0x2  }
0x218: {  	v1 =	vmul.u32 $0x64, v1  }
0x219: {  	s20 =	simm.s32 $0x10;
	s11 =	simm.s32 $0x19A0;
	s12 =	simm.s32 $0x80  }
0x21a: {  	s18 =	simm.s32 $0x20;
	s19 =	sand.u32 $0x70, s20;
	s20 =	sand.u32 $0x400, s12;
	v1 =	vadd.s32 v2, v1  }
.LBB2_27:
0x21b: {  	p1 =	sne.s32 s18, $0xB0;
	s10 =	sor.u32 s20, s19;
	[tilespmem:s11+$0x0] =	vst v1  }
0x21c: {  	v1 =	vld [tilespmem:s10+$0x200];
	_ =	sdelay $0x1  }
0x21d: {  	v2 =	vld [tilespmem:s10+$0xA00]  }
.Ltmp16:
0x21e: {  	(pc) =	sbr.rel @p1 .LBB2_27-.Ltmp16, $4  }
0x21f: {  	_ = 	snop  }
0x220: {  	v1 =	vmul.u32 $0x64, v1  }
0x221: {  	s12 =	sadd.s32 $0x80, s12;
	s11 =	sadd.s32 $0x10, s11  }
0x222: {  	s19 =	sand.u32 $0x70, s18;
	s18 =	sadd.s32 $0x10, s18;
	s20 =	sand.u32 $0x400, s12;
	v1 =	vadd.s32 v2, v1  }
0x223: {  	s10 =	sor.u32 s20, s19;
	[tilespmem:s11+$0x0] =	vst v1  }
0x224: {  	v1 =	vld [tilespmem:s10+$0x200];
	_ =	sdelay $0x1  }
0x225: {  	v2 =	vld [tilespmem:s10+$0xA00];
	_ =	sdelay $0x2  }
0x226: {  	v1 =	vmul.u32 $0x64, v1;
	_ =	sdelay $0x1  }
0x227: {  	s12 =	sadd.s32 $0x10, s11;
	v1 =	vadd.s32 v2, v1  }
0x228: {  	[tilespmem:s12+$0x0] =	vst v1  }
0x229: {  	v1 =	vld [tilespmem:$0x630]  }
0x22a: {  	v2 =	vld.msk [tilespmem:$0x640], $0xff  }
0x22b: {  	v3 =	vld [tilespmem:$0xE30]  }
0x22c: {  	v4 =	vld.msk [tilespmem:$0xE40], $0xff;
	_ =	sdelay $0x2  }
0x22d: {  	v1 =	vmul.u32 $0x64, v1;
	v2 =	vmul.u32 $0x64, v2;
	_ =	sdelay $0x1  }
0x22e: {  	v1 =	vadd.s32 v1, v3;
	v2 =	vadd.s32 v2, v4  }
0x22f: {  	s18 =	simm.s32 $0x0;
	v1 =	vperm.xlane v1, v0;
	v2 =	vperm.xlane v2, v0  }
0x230: {  	s19 =	sand.u32 $0x400, s18  }
0x231: {  	s10 =	sor.u32 s19, s18;
	v1 =	vsel vm0, v1, v2  }
0x232: {  	s10 =	sor.u32 $0x280, s10;
	[tilespmem:$0x1A58] =	vst v1  }
0x233: {  	v1 =	vld [tilespmem:s10+$0x0];
	_ =	sdelay $0x1  }
0x234: {  	v2 =	vld [tilespmem:s10+$0x800];
	_ =	sdelay $0x2  }
0x235: {  	s20 =	simm.s32 $0x80;
	v1 =	vmul.u32 $0x64, v1  }
0x236: {  	s12 =	simm.s32 $0x10;
	s10 =	sand.u32 $0x400, s20  }
0x237: {  	s11 =	simm.s32 $0x1A68;
	s10 =	sor.u32 s10, s12;
	v1 =	vadd.s32 v2, v1  }
0x238: {  	s10 =	sor.u32 $0x280, s10;
	[tilespmem:s11+$0x0] =	vst v1  }
0x239: {  	v2 =	vld [tilespmem:s10+$0x0];
	_ =	sdelay $0x1  }
0x23a: {  	v1 =	vld [tilespmem:s10+$0x800];
	_ =	sdelay $0x2  }
0x23b: {  	s12 =	simm.s32 $0x100;
	v2 =	vmul.u32 $0x64, v2  }
0x23c: {  	s18 =	simm.s32 $0x30;
	s20 =	simm.s32 $0x20;
	s10 =	sand.u32 $0x400, s12  }
.LBB2_29:
0x23d: {  	p1 =	sne.s32 s18, $0xB0;
	s10 =	sor.u32 s10, s20;
	v1 =	vadd.s32 v1, v2;
	s11 =	sadd.s32 $0x10, s11  }
0x23e: {  	s20 =	smov.u32 s18;
	s10 =	sor.u32 $0x280, s10;
	[tilespmem:s11+$0x0] =	vst v1  }
0x23f: {  	v2 =	vld [tilespmem:s10+$0x0];
	_ =	sdelay $0x1  }
.Ltmp17:
0x240: {  	v1 =	vld [tilespmem:s10+$0x800];
	(pc) =	sbr.rel @p1 .LBB2_29-.Ltmp17, $3  }
0x241: {  	_ =	sdelay $0x1  }
0x242: {  	s12 =	sadd.s32 $0x80, s12;
	v2 =	vmul.u32 $0x64, v2  }
0x243: {  	s18 =	sadd.s32 $0x10, s18;
	s10 =	sand.u32 $0x400, s12  }
0x244: {  	s10 =	sor.u32 s10, s20;
	v1 =	vadd.s32 v1, v2;
	s11 =	sadd.s32 $0x10, s11  }
0x245: {  	s10 =	sor.u32 $0x280, s10;
	[tilespmem:s11+$0x0] =	vst v1  }
0x246: {  	v1 =	vld [tilespmem:s10+$0x0];
	_ =	sdelay $0x1  }
0x247: {  	v2 =	vld [tilespmem:s10+$0x800];
	_ =	sdelay $0x2  }
0x248: {  	v1 =	vmul.u32 $0x64, v1;
	_ =	sdelay $0x1  }
0x249: {  	s12 =	sadd.s32 $0x10, s11;
	v1 =	vadd.s32 v2, v1  }
0x24a: {  	[tilespmem:s12+$0x0] =	vst v1  }
0x24b: {  	v1 =	vld [tilespmem:$0x6B0]  }
0x24c: {  	v2 =	vld.msk [tilespmem:$0x6C0], $0xff  }
0x24d: {  	v3 =	vld [tilespmem:$0xEB0]  }
0x24e: {  	v4 =	vld.msk [tilespmem:$0xEC0], $0xff;
	_ =	sdelay $0x2  }
0x24f: {  	v1 =	vmul.u32 $0x64, v1;
	v2 =	vmul.u32 $0x64, v2;
	_ =	sdelay $0x1  }
0x250: {  	v1 =	vadd.s32 v1, v3;
	v2 =	vadd.s32 v2, v4  }
0x251: {  	v1 =	vperm.xlane v1, v0;
	v2 =	vperm.xlane v2, v0  }
0x252: {  	s18 =	simm.s32 $0x0  }
0x253: {  	s19 =	sand.u32 $0x70, s18;
	s10 =	sand.u32 $0x400, s18;
	v1 =	vsel vm0, v1, v2  }
0x254: {  	s10 =	sor.u32 s10, s19;
	[tilespmem:$0x1B20] =	vst v1  }
0x255: {  	v1 =	vld [tilespmem:s10+$0x300];
	_ =	sdelay $0x1  }
0x256: {  	v2 =	vld [tilespmem:s10+$0xB00];
	_ =	sdelay $0x2  }
0x257: {  	v1 =	vmul.u32 $0x64, v1  }
0x258: {  	s20 =	simm.s32 $0x10;
	s11 =	simm.s32 $0x1B30;
	s12 =	simm.s32 $0x80  }
0x259: {  	s18 =	simm.s32 $0x20;
	s19 =	sand.u32 $0x70, s20;
	s20 =	sand.u32 $0x400, s12;
	v1 =	vadd.s32 v2, v1  }
.LBB2_31:
0x25a: {  	p1 =	sne.s32 s18, $0xB0;
	s10 =	sor.u32 s20, s19;
	[tilespmem:s11+$0x0] =	vst v1  }
0x25b: {  	v1 =	vld [tilespmem:s10+$0x300];
	_ =	sdelay $0x1  }
0x25c: {  	v2 =	vld [tilespmem:s10+$0xB00]  }
.Ltmp18:
0x25d: {  	(pc) =	sbr.rel @p1 .LBB2_31-.Ltmp18, $4  }
0x25e: {  	_ = 	snop  }
0x25f: {  	v1 =	vmul.u32 $0x64, v1  }
0x260: {  	s12 =	sadd.s32 $0x80, s12;
	s11 =	sadd.s32 $0x10, s11  }
0x261: {  	s19 =	sand.u32 $0x70, s18;
	s18 =	sadd.s32 $0x10, s18;
	s20 =	sand.u32 $0x400, s12;
	v1 =	vadd.s32 v2, v1  }
0x262: {  	s10 =	sor.u32 s20, s19;
	[tilespmem:s11+$0x0] =	vst v1  }
0x263: {  	v1 =	vld [tilespmem:s10+$0x300];
	_ =	sdelay $0x1  }
0x264: {  	v2 =	vld [tilespmem:s10+$0xB00];
	_ =	sdelay $0x2  }
0x265: {  	v1 =	vmul.u32 $0x64, v1;
	_ =	sdelay $0x1  }
0x266: {  	s18 =	sadd.s32 $0x10, s11;
	v1 =	vadd.s32 v2, v1  }
0x267: {  	[tilespmem:s18+$0x0] =	vst v1  }
0x268: {  	v1 =	vld [tilespmem:$0x730]  }
0x269: {  	v2 =	vld.msk [tilespmem:$0x740], $0xff  }
0x26a: {  	v3 =	vld [tilespmem:$0xF30]  }
0x26b: {  	v4 =	vld.msk [tilespmem:$0xF40], $0xff;
	_ =	sdelay $0x2  }
0x26c: {  	v1 =	vmul.u32 $0x64, v1;
	v2 =	vmul.u32 $0x64, v2;
	_ =	sdelay $0x1  }
0x26d: {  	v1 =	vadd.s32 v1, v3;
	v2 =	vadd.s32 v2, v4  }
0x26e: {  	v1 =	vperm.xlane v1, v0;
	v2 =	vperm.xlane v2, v0  }
0x26f: {  	s19 =	simm.s32 $0x0  }
0x270: {  	s10 =	sor.u32 s19, s19;
	v1 =	vsel vm0, v1, v2  }
0x271: {  	s10 =	sor.u32 $0x380, s10;
	[tilespmem:$0x1BE8] =	vst v1  }
0x272: {  	v1 =	vld [tilespmem:s10+$0x0];
	_ =	sdelay $0x1  }
0x273: {  	v2 =	vld [tilespmem:s10+$0x800];
	_ =	sdelay $0x2  }
0x274: {  	v1 =	vmul.u32 $0x64, v1  }
0x275: {  	s20 =	simm.s32 $0x10;
	s12 =	simm.s32 $0x80  }
0x276: {  	s11 =	simm.s32 $0x1BF8;
	s19 =	sor.u32 s12, s20;
	s18 =	simm.s32 $0x20;
	v1 =	vadd.s32 v2, v1  }
.LBB2_33:
0x277: {  	p1 =	sne.s32 s18, $0xB0;
	s10 =	sor.u32 $0x380, s19;
	[tilespmem:s11+$0x0] =	vst v1  }
0x278: {  	v1 =	vld [tilespmem:s10+$0x0];
	_ =	sdelay $0x1  }
0x279: {  	v2 =	vld [tilespmem:s10+$0x800]  }
.Ltmp19:
0x27a: {  	(pc) =	sbr.rel @p1 .LBB2_33-.Ltmp19, $4  }
0x27b: {  	_ = 	snop  }
0x27c: {  	v1 =	vmul.u32 $0x64, v1  }
0x27d: {  	s12 =	sadd.s32 $0x80, s12  }
0x27e: {  	s11 =	sadd.s32 $0x10, s11;
	s19 =	sor.u32 s12, s18;
	s18 =	sadd.s32 $0x10, s18;
	v1 =	vadd.s32 v2, v1  }
0x27f: {  	s10 =	sor.u32 $0x380, s19;
	[tilespmem:s11+$0x0] =	vst v1  }
0x280: {  	v1 =	vld [tilespmem:s10+$0x0];
	_ =	sdelay $0x1  }
0x281: {  	v2 =	vld [tilespmem:s10+$0x800];
	_ =	sdelay $0x2  }
0x282: {  	v1 =	vmul.u32 $0x64, v1;
	_ =	sdelay $0x1  }
0x283: {  	s18 =	sadd.s32 $0x10, s11;
	v1 =	vadd.s32 v2, v1  }
0x284: {  	[tilespmem:s18+$0x0] =	vst v1  }
0x285: {  	v1 =	vld [tilespmem:$0x7B0]  }
0x286: {  	v2 =	vld.msk [tilespmem:$0x7C0], $0xff  }
0x287: {  	v3 =	vld [tilespmem:$0xFB0]  }
0x288: {  	v4 =	vld.msk [tilespmem:$0xFC0], $0xff;
	_ =	sdelay $0x2  }
0x289: {  	v1 =	vmul.u32 $0x64, v1;
	v2 =	vmul.u32 $0x64, v2;
	_ =	sdelay $0x1  }
0x28a: {  	v1 =	vadd.s32 v1, v3;
	v2 =	vadd.s32 v2, v4  }
0x28b: {  	p1 =	seq.s32 s8, $0x1F;
	v1 =	vperm.xlane v1, v0;
	v2 =	vperm.xlane v2, v0  }
0x28c: {  	s10 =	sadd.s32 @!p1 s9, s14  }
0x28d: {  	s10 =	sshll.u32 @!p1 s10, $0x5;
	v1 =	vsel vm0, v1, v2  }
0x28e: {  	s11 =	simm.s32 @!p1 $0x0;
	s12 =	sadd.s32 @!p1 s4, s10;
	[tilespmem:$0x1CB0] =	vst v1  }
0x28f: {  	[tilespmem:s11], [sflag:$0x5] =	stream.linear.gather @!p1 [hbm4b:s12+s11], $0x800, $0x38;
	[tilespmem:$0x1F580] =	vst v63  }
0x290: {  	s16 =	smul.u32 $0x6400, s16;
	s10 =	sadd.s32 @!p1 s5, s10;
	s12 =	simm.s32 @!p1 $0x800  }
0x291: {  	[tilespmem:s12], [sflag:$0x5] =	stream.linear.gather @!p1 [hbm4b:s10+s11], $0x800, $0x38;
	[tilespmem:$0x1F580] =	vst v63  }
0x292: {  	s19 =	sshrl.u32 s16, $0x3;
	_ =	swait.ge [sflag:s29], $0x5000  }
0x293: {  	s16 =	sadd.s32 s1, s19;
	[sflag:s29] =	ssyncset.done $0x0  }
0x294: {  	s10 =	sadd.s32 $0xA00, s16;
	[sflag:s29] =	ssyncadd.s32 $0xFFFFB000  }
0x295: {  	[hbm4b:s10+s3] =	stream.linear.scatter [tilespmem:s28], [sflag:$0x4], $0x5000, $0x38;
	[tilespmem:$0x1F580] =	vst v63  }
0x296: {  	_ =	swait.ge [sflag:s30], $0x5000  }
0x297: {  	[sflag:s30] =	ssyncset.done $0x0  }
0x298: {  	s20 =	simm.s32 $0x1140;
	[sflag:s30] =	ssyncadd.s32 $0xFFFFB000  }
0x299: {  	[tilespmem:s24], [sflag:$0x1] =	stream.indirect.gather [spmem:s2], $0x80, s20, s22, $0xb8;
	[tilespmem:$0x1F580] =	vst v63  }
0x29a: {  	_ =	swait.ge [sflag:s25], $0x5000  }
0x29b: {  	[sflag:s25] =	ssyncset.done $0x0  }
0x29c: {  	s18 =	sadd.s32 $0x1400, s16;
	[sflag:s25] =	ssyncadd.s32 $0xFFFFB000  }
0x29d: {  	[hbm4b:s18+s3] =	stream.linear.scatter [tilespmem:s24], [sflag:$0x3], $0x5000, $0x38;
	[tilespmem:$0x1F580] =	vst v63  }
0x29e: {  	_ =	swait.ge [sflag:s0], $0x5000  }
0x29f: {  	[sflag:s0] =	ssyncset.done $0x0  }
0x2a0: {  	s19 =	simm.s32 $0x11E0;
	[sflag:s0] =	ssyncadd.s32 $0xFFFFB000  }
0x2a1: {  	[tilespmem:s28], [sflag:$0x2] =	stream.indirect.gather [spmem:s2], $0x80, s19, s22, $0xb8;
	[tilespmem:$0x1F580] =	vst v63  }
0x2a2: {  	_ =	swait.ge [sflag:s29], $0x5000  }
0x2a3: {  	[sflag:s29] =	ssyncset.done $0x0  }
0x2a4: {  	s20 =	sadd.s32 $0x1E00, s16;
	[sflag:s29] =	ssyncadd.s32 $0xFFFFB000  }
0x2a5: {  	[hbm4b:s20+s3] =	stream.linear.scatter [tilespmem:s28], [sflag:$0x4], $0x5000, $0x38;
	[tilespmem:$0x1F580] =	vst v63  }
0x2a6: {  	_ =	swait.ge [sflag:s30], $0x5000  }
0x2a7: {  	[sflag:s30] =	ssyncset.done $0x0  }
0x2a8: {  	s18 =	simm.s32 $0x1280;
	[sflag:s30] =	ssyncadd.s32 $0xFFFFB000  }
0x2a9: {  	[tilespmem:s24], [sflag:$0x1] =	stream.indirect.gather [spmem:s2], $0x80, s18, s22, $0xb8;
	[tilespmem:$0x1F580] =	vst v63  }
0x2aa: {  	_ =	swait.ge [sflag:s25], $0x5000  }
0x2ab: {  	[sflag:s25] =	ssyncset.done $0x0  }
0x2ac: {  	s19 =	sadd.s32 $0x2800, s16;
	[sflag:s25] =	ssyncadd.s32 $0xFFFFB000  }
0x2ad: {  	[hbm4b:s19+s3] =	stream.linear.scatter [tilespmem:s24], [sflag:$0x3], $0x5000, $0x38;
	[tilespmem:$0x1F580] =	vst v63  }
0x2ae: {  	_ =	swait.ge [sflag:s0], $0x5000  }
0x2af: {  	[sflag:s0] =	ssyncset.done $0x0  }
0x2b0: {  	s20 =	simm.s32 $0x1320;
	[sflag:s0] =	ssyncadd.s32 $0xFFFFB000  }
0x2b1: {  	[tilespmem:s28], [sflag:$0x2] =	stream.indirect.gather [spmem:s2], $0x80, s20, s22, $0xb8;
	[tilespmem:$0x1F580] =	vst v63  }
0x2b2: {  	_ =	swait.ge [sflag:s29], $0x5000  }
0x2b3: {  	[sflag:s29] =	ssyncset.done $0x0  }
0x2b4: {  	s18 =	sadd.s32 $0x3200, s16;
	[sflag:s29] =	ssyncadd.s32 $0xFFFFB000  }
0x2b5: {  	[hbm4b:s18+s3] =	stream.linear.scatter [tilespmem:s28], [sflag:$0x4], $0x5000, $0x38;
	[tilespmem:$0x1F580] =	vst v63  }
0x2b6: {  	_ =	swait.ge [sflag:s30], $0x5000  }
0x2b7: {  	[sflag:s30] =	ssyncset.done $0x0  }
0x2b8: {  	s19 =	simm.s32 $0x13C0;
	[sflag:s30] =	ssyncadd.s32 $0xFFFFB000  }
0x2b9: {  	[tilespmem:s24], [sflag:$0x1] =	stream.indirect.gather [spmem:s2], $0x80, s19, s22, $0xb8;
	[tilespmem:$0x1F580] =	vst v63  }
0x2ba: {  	_ =	swait.ge [sflag:s25], $0x5000  }
0x2bb: {  	[sflag:s25] =	ssyncset.done $0x0  }
0x2bc: {  	s20 =	sadd.s32 $0x3C00, s16;
	[sflag:s25] =	ssyncadd.s32 $0xFFFFB000  }
0x2bd: {  	[hbm4b:s20+s3] =	stream.linear.scatter [tilespmem:s24], [sflag:$0x3], $0x5000, $0x38;
	[tilespmem:$0x1F580] =	vst v63  }
0x2be: {  	_ =	swait.ge [sflag:s0], $0x5000  }
0x2bf: {  	[sflag:s0] =	ssyncset.done $0x0  }
0x2c0: {  	s18 =	simm.s32 $0x1460;
	[sflag:s0] =	ssyncadd.s32 $0xFFFFB000  }
0x2c1: {  	[tilespmem:s28], [sflag:$0x2] =	stream.indirect.gather [spmem:s2], $0x80, s18, s22, $0xb8;
	[tilespmem:$0x1F580] =	vst v63  }
0x2c2: {  	_ =	swait.ge [sflag:s29], $0x5000  }
0x2c3: {  	[sflag:s29] =	ssyncset.done $0x0  }
0x2c4: {  	s19 =	sadd.s32 $0x4600, s16;
	[sflag:s29] =	ssyncadd.s32 $0xFFFFB000  }
0x2c5: {  	[hbm4b:s19+s3] =	stream.linear.scatter [tilespmem:s28], [sflag:$0x4], $0x5000, $0x38;
	[tilespmem:$0x1F580] =	vst v63  }
0x2c6: {  	_ =	swait.ge [sflag:s30], $0x5000  }
0x2c7: {  	[sflag:s30] =	ssyncset.done $0x0  }
0x2c8: {  	s20 =	simm.s32 $0x1500;
	[sflag:s30] =	ssyncadd.s32 $0xFFFFB000  }
0x2c9: {  	[tilespmem:s24], [sflag:$0x1] =	stream.indirect.gather [spmem:s2], $0x80, s20, s22, $0xb8;
	[tilespmem:$0x1F580] =	vst v63  }
0x2ca: {  	_ =	swait.ge [sflag:s25], $0x5000  }
0x2cb: {  	[sflag:s25] =	ssyncset.done $0x0  }
0x2cc: {  	s18 =	sadd.s32 $0x5000, s16;
	[sflag:s25] =	ssyncadd.s32 $0xFFFFB000  }
0x2cd: {  	[hbm4b:s18+s3] =	stream.linear.scatter [tilespmem:s24], [sflag:$0x3], $0x5000, $0x38;
	[tilespmem:$0x1F580] =	vst v63  }
0x2ce: {  	_ =	swait.ge [sflag:s0], $0x5000  }
0x2cf: {  	[sflag:s0] =	ssyncset.done $0x0  }
0x2d0: {  	s19 =	simm.s32 $0x15A0;
	[sflag:s0] =	ssyncadd.s32 $0xFFFFB000  }
0x2d1: {  	[tilespmem:s28], [sflag:$0x2] =	stream.indirect.gather [spmem:s2], $0x80, s19, s22, $0xb8;
	[tilespmem:$0x1F580] =	vst v63  }
0x2d2: {  	_ =	swait.ge [sflag:s29], $0x5000  }
0x2d3: {  	[sflag:s29] =	ssyncset.done $0x0  }
0x2d4: {  	s20 =	sadd.s32 $0x5A00, s16;
	[sflag:s29] =	ssyncadd.s32 $0xFFFFB000  }
0x2d5: {  	[hbm4b:s20+s3] =	stream.linear.scatter [tilespmem:s28], [sflag:$0x4], $0x5000, $0x38;
	[tilespmem:$0x1F580] =	vst v63  }
0x2d6: {  	s18 =	sor.u32 $0x1, s13;
	_ =	swait.ge [sflag:s30], $0x5000  }
0x2d7: {  	s13 =	sshll.u32 s18, $0x3;
	[sflag:s30] =	ssyncset.done $0x0  }
0x2d8: {  	s16 =	simm.s32 $0x1680;
	s13 =	sadd.s32 s6, s13;
	[sflag:s30] =	ssyncadd.s32 $0xFFFFB000  }
0x2d9: {  	[tilespmem:s24], [sflag:$0x1] =	stream.indirect.gather [spmem:s2], $0x80, s16, s22, $0xb8;
	[tilespmem:$0x1F580] =	vst v63  }
0x2da: {  	s19 =	smul.u32 $0xC80, s13;
	_ =	swait.ge [sflag:s25], $0x5000  }
0x2db: {  	[sflag:s25] =	ssyncset.done $0x0  }
0x2dc: {  	p2 =	sgt.u32 s18, $0x3E;
	s16 =	sadd.s32 s1, s19;
	[sflag:s25] =	ssyncadd.s32 $0xFFFFB000  }
0x2dd: {  	[hbm4b:s16+s3] =	stream.linear.scatter [tilespmem:s24], [sflag:$0x3], $0x5000, $0x38;
	[tilespmem:$0x1F580] =	vst v63  }
.Ltmp20:
0x2de: {  	_ = 	snop;
	(pc) =	sbr.rel @p2 .LBB2_52-.Ltmp20, $4  }
0x2df: {  	_ =	swait.ge [sflag:s0], $0x5000  }
0x2e0: {  	[sflag:s0] =	ssyncset.done $0x0  }
0x2e1: {  	s20 =	simm.s32 $0x1720;
	[sflag:s0] =	ssyncadd.s32 $0xFFFFB000  }
0x2e2: {  	[tilespmem:s28], [sflag:$0x2] =	stream.indirect.gather [spmem:s2], $0x80, s20, s22, $0xb8;
	[tilespmem:$0x1F580] =	vst v63  }
0x2e3: {  	_ =	swait.ge [sflag:s21], $0x800  }
0x2e4: {  	[sflag:s21] =	ssyncset.done $0x0  }
0x2e5: {  	[sflag:s21] =	ssyncadd.s32 $0xFFFFF800  }
0x2e6: {  	s10 =	simm.s32 $0x0;
	_ =	swait.ge [sflag:s21], $0x800  }
0x2e7: {  	s16 =	sand.u32 $0x70, s10;
	s10 =	sand.u32 $0x400, s10;
	[sflag:s21] =	ssyncset.done $0x0  }
0x2e8: {  	s10 =	sor.u32 s16, s10;
	[sflag:s21] =	ssyncadd.s32 $0xFFFFF800  }
0x2e9: {  	v1 =	vld [tilespmem:s10+$0x0];
	_ =	sdelay $0x1  }
0x2ea: {  	v2 =	vld [tilespmem:s10+$0x800];
	_ =	sdelay $0x2  }
0x2eb: {  	s20 =	simm.s32 $0x10;
	v1 =	vmul.u32 $0x64, v1  }
0x2ec: {  	s18 =	simm.s32 $0x80;
	s19 =	sand.u32 $0x70, s20  }
0x2ed: {  	s20 =	simm.s32 $0x20;
	s16 =	simm.s32 $0x1000;
	s10 =	sand.u32 $0x400, s18;
	v1 =	vadd.s32 v2, v1  }
.LBB2_36:
0x2ee: {  	p3 =	sne.s32 s20, $0xB0;
	s10 =	sor.u32 s19, s10;
	[tilespmem:s16+$0x0] =	vst v1  }
0x2ef: {  	v1 =	vld [tilespmem:s10+$0x0];
	_ =	sdelay $0x1  }
0x2f0: {  	v2 =	vld [tilespmem:s10+$0x800]  }
.Ltmp21:
0x2f1: {  	(pc) =	sbr.rel @p3 .LBB2_36-.Ltmp21, $4  }
0x2f2: {  	_ = 	snop  }
0x2f3: {  	v1 =	vmul.u32 $0x64, v1  }
0x2f4: {  	s18 =	sadd.s32 $0x80, s18;
	s16 =	sadd.s32 $0x10, s16  }
0x2f5: {  	s19 =	sand.u32 $0x70, s20;
	s20 =	sadd.s32 $0x10, s20;
	s10 =	sand.u32 $0x400, s18;
	v1 =	vadd.s32 v2, v1  }
0x2f6: {  	s10 =	sor.u32 s19, s10;
	[tilespmem:s16+$0x0] =	vst v1  }
0x2f7: {  	v1 =	vld [tilespmem:s10+$0x0];
	_ =	sdelay $0x1  }
0x2f8: {  	v2 =	vld [tilespmem:s10+$0x800];
	_ =	sdelay $0x2  }
0x2f9: {  	v1 =	vmul.u32 $0x64, v1;
	_ =	sdelay $0x1  }
0x2fa: {  	s16 =	sadd.s32 $0x10, s16;
	v1 =	vadd.s32 v2, v1  }
0x2fb: {  	[tilespmem:s16+$0x0] =	vst v1  }
0x2fc: {  	v1 =	vld [tilespmem:$0x430]  }
0x2fd: {  	v2 =	vld.msk [tilespmem:$0x440], $0xff  }
0x2fe: {  	v3 =	vld [tilespmem:$0xC30]  }
0x2ff: {  	v4 =	vld.msk [tilespmem:$0xC40], $0xff;
	_ =	sdelay $0x2  }
0x300: {  	v1 =	vmul.u32 $0x64, v1;
	v2 =	vmul.u32 $0x64, v2;
	_ =	sdelay $0x1  }
0x301: {  	v1 =	vadd.s32 v1, v3;
	v2 =	vadd.s32 v2, v4  }
0x302: {  	s18 =	simm.s32 $0x0;
	v1 =	vperm.xlane v1, v0;
	v2 =	vperm.xlane v2, v0  }
0x303: {  	s19 =	sand.u32 $0x400, s18  }
0x304: {  	s10 =	sor.u32 s19, s18;
	v1 =	vsel vm0, v1, v2  }
0x305: {  	s10 =	sor.u32 $0x80, s10;
	[tilespmem:$0x10B8] =	vst v1  }
0x306: {  	v1 =	vld [tilespmem:s10+$0x0];
	_ =	sdelay $0x1  }
0x307: {  	v2 =	vld [tilespmem:s10+$0x800];
	_ =	sdelay $0x2  }
0x308: {  	s20 =	simm.s32 $0x80;
	v1 =	vmul.u32 $0x64, v1  }
0x309: {  	s18 =	simm.s32 $0x10;
	s10 =	sand.u32 $0x400, s20  }
0x30a: {  	s16 =	simm.s32 $0x10C8;
	s10 =	sor.u32 s10, s18;
	v1 =	vadd.s32 v2, v1  }
0x30b: {  	s10 =	sor.u32 $0x80, s10;
	[tilespmem:s16+$0x0] =	vst v1  }
0x30c: {  	v2 =	vld [tilespmem:s10+$0x0];
	_ =	sdelay $0x1  }
0x30d: {  	v1 =	vld [tilespmem:s10+$0x800];
	_ =	sdelay $0x2  }
0x30e: {  	s18 =	simm.s32 $0x100;
	v2 =	vmul.u32 $0x64, v2  }
0x30f: {  	s19 =	simm.s32 $0x20;
	s20 =	simm.s32 $0x30;
	s10 =	sand.u32 $0x400, s18  }
.LBB2_38:
0x310: {  	p3 =	sne.s32 s20, $0xB0;
	s10 =	sor.u32 s10, s19;
	v1 =	vadd.s32 v1, v2;
	s16 =	sadd.s32 $0x10, s16  }
0x311: {  	s19 =	smov.u32 s20;
	s10 =	sor.u32 $0x80, s10;
	[tilespmem:s16+$0x0] =	vst v1  }
0x312: {  	v2 =	vld [tilespmem:s10+$0x0];
	_ =	sdelay $0x1  }
.Ltmp22:
0x313: {  	v1 =	vld [tilespmem:s10+$0x800];
	(pc) =	sbr.rel @p3 .LBB2_38-.Ltmp22, $3  }
0x314: {  	_ =	sdelay $0x1  }
0x315: {  	s18 =	sadd.s32 $0x80, s18;
	v2 =	vmul.u32 $0x64, v2  }
0x316: {  	s20 =	sadd.s32 $0x10, s20;
	s10 =	sand.u32 $0x400, s18  }
0x317: {  	s10 =	sor.u32 s10, s19;
	v1 =	vadd.s32 v1, v2;
	s16 =	sadd.s32 $0x10, s16  }
0x318: {  	s10 =	sor.u32 $0x80, s10;
	[tilespmem:s16+$0x0] =	vst v1  }
0x319: {  	v1 =	vld [tilespmem:s10+$0x0];
	_ =	sdelay $0x1  }
0x31a: {  	v2 =	vld [tilespmem:s10+$0x800];
	_ =	sdelay $0x2  }
0x31b: {  	v1 =	vmul.u32 $0x64, v1;
	_ =	sdelay $0x1  }
0x31c: {  	s16 =	sadd.s32 $0x10, s16;
	v1 =	vadd.s32 v2, v1  }
0x31d: {  	[tilespmem:s16+$0x0] =	vst v1  }
0x31e: {  	v1 =	vld [tilespmem:$0x4B0]  }
0x31f: {  	v2 =	vld.msk [tilespmem:$0x4C0], $0xff  }
0x320: {  	v3 =	vld [tilespmem:$0xCB0]  }
0x321: {  	v4 =	vld.msk [tilespmem:$0xCC0], $0xff;
	_ =	sdelay $0x2  }
0x322: {  	v1 =	vmul.u32 $0x64, v1;
	v2 =	vmul.u32 $0x64, v2;
	_ =	sdelay $0x1  }
0x323: {  	v1 =	vadd.s32 v1, v3;
	v2 =	vadd.s32 v2, v4  }
0x324: {  	v1 =	vperm.xlane v1, v0;
	v2 =	vperm.xlane v2, v0  }
0x325: {  	s18 =	simm.s32 $0x0  }
0x326: {  	s19 =	sand.u32 $0x70, s18;
	s10 =	sand.u32 $0x400, s18;
	v1 =	vsel vm0, v1, v2  }
0x327: {  	s10 =	sor.u32 s10, s19;
	[tilespmem:$0x1180] =	vst v1  }
0x328: {  	v1 =	vld [tilespmem:s10+$0x100];
	_ =	sdelay $0x1  }
0x329: {  	v2 =	vld [tilespmem:s10+$0x900];
	_ =	sdelay $0x2  }
0x32a: {  	s20 =	simm.s32 $0x10;
	v1 =	vmul.u32 $0x64, v1  }
0x32b: {  	s18 =	simm.s32 $0x80;
	s19 =	sand.u32 $0x70, s20  }
0x32c: {  	s20 =	simm.s32 $0x20;
	s16 =	simm.s32 $0x1190;
	s10 =	sand.u32 $0x400, s18;
	v1 =	vadd.s32 v2, v1  }
.LBB2_40:
0x32d: {  	p3 =	sne.s32 s20, $0xB0;
	s10 =	sor.u32 s10, s19;
	[tilespmem:s16+$0x0] =	vst v1  }
0x32e: {  	v1 =	vld [tilespmem:s10+$0x100];
	_ =	sdelay $0x1  }
0x32f: {  	v2 =	vld [tilespmem:s10+$0x900]  }
.Ltmp23:
0x330: {  	(pc) =	sbr.rel @p3 .LBB2_40-.Ltmp23, $4  }
0x331: {  	_ = 	snop  }
0x332: {  	v1 =	vmul.u32 $0x64, v1  }
0x333: {  	s18 =	sadd.s32 $0x80, s18;
	s16 =	sadd.s32 $0x10, s16  }
0x334: {  	s19 =	sand.u32 $0x70, s20;
	s20 =	sadd.s32 $0x10, s20;
	s10 =	sand.u32 $0x400, s18;
	v1 =	vadd.s32 v2, v1  }
0x335: {  	s10 =	sor.u32 s10, s19;
	[tilespmem:s16+$0x0] =	vst v1  }
0x336: {  	v1 =	vld [tilespmem:s10+$0x100];
	_ =	sdelay $0x1  }
0x337: {  	v2 =	vld [tilespmem:s10+$0x900];
	_ =	sdelay $0x2  }
0x338: {  	v1 =	vmul.u32 $0x64, v1;
	_ =	sdelay $0x1  }
0x339: {  	s16 =	sadd.s32 $0x10, s16;
	v1 =	vadd.s32 v2, v1  }
0x33a: {  	[tilespmem:s16+$0x0] =	vst v1  }
0x33b: {  	v1 =	vld [tilespmem:$0x530]  }
0x33c: {  	v2 =	vld.msk [tilespmem:$0x540], $0xff  }
0x33d: {  	v3 =	vld [tilespmem:$0xD30]  }
0x33e: {  	v4 =	vld.msk [tilespmem:$0xD40], $0xff;
	_ =	sdelay $0x2  }
0x33f: {  	v1 =	vmul.u32 $0x64, v1;
	v2 =	vmul.u32 $0x64, v2;
	_ =	sdelay $0x1  }
0x340: {  	v1 =	vadd.s32 v1, v3;
	v2 =	vadd.s32 v2, v4  }
0x341: {  	s18 =	simm.s32 $0x0;
	v1 =	vperm.xlane v1, v0;
	v2 =	vperm.xlane v2, v0  }
0x342: {  	s19 =	sand.u32 $0x400, s18  }
0x343: {  	s10 =	sor.u32 s19, s18;
	v1 =	vsel vm0, v1, v2  }
0x344: {  	s10 =	sor.u32 $0x180, s10;
	[tilespmem:$0x1248] =	vst v1  }
0x345: {  	v1 =	vld [tilespmem:s10+$0x0];
	_ =	sdelay $0x1  }
0x346: {  	v2 =	vld [tilespmem:s10+$0x800];
	_ =	sdelay $0x2  }
0x347: {  	s20 =	simm.s32 $0x80;
	v1 =	vmul.u32 $0x64, v1  }
0x348: {  	s18 =	simm.s32 $0x10;
	s10 =	sand.u32 $0x400, s20  }
0x349: {  	s16 =	simm.s32 $0x1258;
	s10 =	sor.u32 s10, s18;
	v1 =	vadd.s32 v2, v1  }
0x34a: {  	s10 =	sor.u32 $0x180, s10;
	[tilespmem:s16+$0x0] =	vst v1  }
0x34b: {  	v2 =	vld [tilespmem:s10+$0x0];
	_ =	sdelay $0x1  }
0x34c: {  	v1 =	vld [tilespmem:s10+$0x800];
	_ =	sdelay $0x2  }
0x34d: {  	s18 =	simm.s32 $0x100;
	v2 =	vmul.u32 $0x64, v2  }
0x34e: {  	s19 =	simm.s32 $0x20;
	s20 =	simm.s32 $0x30;
	s10 =	sand.u32 $0x400, s18  }
.LBB2_42:
0x34f: {  	p3 =	sne.s32 s20, $0xB0;
	s10 =	sor.u32 s10, s19;
	v1 =	vadd.s32 v1, v2;
	s16 =	sadd.s32 $0x10, s16  }
0x350: {  	s19 =	smov.u32 s20;
	s10 =	sor.u32 $0x180, s10;
	[tilespmem:s16+$0x0] =	vst v1  }
0x351: {  	v2 =	vld [tilespmem:s10+$0x0];
	_ =	sdelay $0x1  }
.Ltmp24:
0x352: {  	v1 =	vld [tilespmem:s10+$0x800];
	(pc) =	sbr.rel @p3 .LBB2_42-.Ltmp24, $3  }
0x353: {  	_ =	sdelay $0x1  }
0x354: {  	s18 =	sadd.s32 $0x80, s18;
	v2 =	vmul.u32 $0x64, v2  }
0x355: {  	s20 =	sadd.s32 $0x10, s20;
	s10 =	sand.u32 $0x400, s18  }
0x356: {  	s10 =	sor.u32 s10, s19;
	v1 =	vadd.s32 v1, v2;
	s16 =	sadd.s32 $0x10, s16  }
0x357: {  	s10 =	sor.u32 $0x180, s10;
	[tilespmem:s16+$0x0] =	vst v1  }
0x358: {  	v1 =	vld [tilespmem:s10+$0x0];
	_ =	sdelay $0x1  }
0x359: {  	v2 =	vld [tilespmem:s10+$0x800];
	_ =	sdelay $0x2  }
0x35a: {  	v1 =	vmul.u32 $0x64, v1;
	_ =	sdelay $0x1  }
0x35b: {  	s16 =	sadd.s32 $0x10, s16;
	v1 =	vadd.s32 v2, v1  }
0x35c: {  	[tilespmem:s16+$0x0] =	vst v1  }
0x35d: {  	v1 =	vld [tilespmem:$0x5B0]  }
0x35e: {  	v2 =	vld.msk [tilespmem:$0x5C0], $0xff  }
0x35f: {  	v3 =	vld [tilespmem:$0xDB0]  }
0x360: {  	v4 =	vld.msk [tilespmem:$0xDC0], $0xff;
	_ =	sdelay $0x2  }
0x361: {  	v1 =	vmul.u32 $0x64, v1;
	v2 =	vmul.u32 $0x64, v2;
	_ =	sdelay $0x1  }
0x362: {  	v1 =	vadd.s32 v1, v3;
	v2 =	vadd.s32 v2, v4  }
0x363: {  	v1 =	vperm.xlane v1, v0;
	v2 =	vperm.xlane v2, v0  }
0x364: {  	s18 =	simm.s32 $0x0  }
0x365: {  	s19 =	sand.u32 $0x70, s18;
	s10 =	sand.u32 $0x400, s18;
	v1 =	vsel vm0, v1, v2  }
0x366: {  	s10 =	sor.u32 s10, s19;
	[tilespmem:$0x1310] =	vst v1  }
0x367: {  	v1 =	vld [tilespmem:s10+$0x200];
	_ =	sdelay $0x1  }
0x368: {  	v2 =	vld [tilespmem:s10+$0xA00];
	_ =	sdelay $0x2  }
0x369: {  	s20 =	simm.s32 $0x10;
	v1 =	vmul.u32 $0x64, v1  }
0x36a: {  	s18 =	simm.s32 $0x80;
	s19 =	sand.u32 $0x70, s20  }
0x36b: {  	s20 =	simm.s32 $0x20;
	s16 =	simm.s32 $0x1320;
	s10 =	sand.u32 $0x400, s18;
	v1 =	vadd.s32 v2, v1  }
.LBB2_44:
0x36c: {  	p3 =	sne.s32 s20, $0xB0;
	s10 =	sor.u32 s10, s19;
	[tilespmem:s16+$0x0] =	vst v1  }
0x36d: {  	v1 =	vld [tilespmem:s10+$0x200];
	_ =	sdelay $0x1  }
0x36e: {  	v2 =	vld [tilespmem:s10+$0xA00]  }
.Ltmp25:
0x36f: {  	(pc) =	sbr.rel @p3 .LBB2_44-.Ltmp25, $4  }
0x370: {  	_ = 	snop  }
0x371: {  	v1 =	vmul.u32 $0x64, v1  }
0x372: {  	s18 =	sadd.s32 $0x80, s18;
	s16 =	sadd.s32 $0x10, s16  }
0x373: {  	s19 =	sand.u32 $0x70, s20;
	s20 =	sadd.s32 $0x10, s20;
	s10 =	sand.u32 $0x400, s18;
	v1 =	vadd.s32 v2, v1  }
0x374: {  	s10 =	sor.u32 s10, s19;
	[tilespmem:s16+$0x0] =	vst v1  }
0x375: {  	v1 =	vld [tilespmem:s10+$0x200];
	_ =	sdelay $0x1  }
0x376: {  	v2 =	vld [tilespmem:s10+$0xA00];
	_ =	sdelay $0x2  }
0x377: {  	v1 =	vmul.u32 $0x64, v1;
	_ =	sdelay $0x1  }
0x378: {  	s16 =	sadd.s32 $0x10, s16;
	v1 =	vadd.s32 v2, v1  }
0x379: {  	[tilespmem:s16+$0x0] =	vst v1  }
0x37a: {  	v1 =	vld [tilespmem:$0x630]  }
0x37b: {  	v2 =	vld.msk [tilespmem:$0x640], $0xff  }
0x37c: {  	v3 =	vld [tilespmem:$0xE30]  }
0x37d: {  	v4 =	vld.msk [tilespmem:$0xE40], $0xff;
	_ =	sdelay $0x2  }
0x37e: {  	v1 =	vmul.u32 $0x64, v1;
	v2 =	vmul.u32 $0x64, v2;
	_ =	sdelay $0x1  }
0x37f: {  	v1 =	vadd.s32 v1, v3;
	v2 =	vadd.s32 v2, v4  }
0x380: {  	s18 =	simm.s32 $0x0;
	v1 =	vperm.xlane v1, v0;
	v2 =	vperm.xlane v2, v0  }
0x381: {  	s19 =	sand.u32 $0x400, s18  }
0x382: {  	s10 =	sor.u32 s19, s18;
	v1 =	vsel vm0, v1, v2  }
0x383: {  	s10 =	sor.u32 $0x280, s10;
	[tilespmem:$0x13D8] =	vst v1  }
0x384: {  	v1 =	vld [tilespmem:s10+$0x0];
	_ =	sdelay $0x1  }
0x385: {  	v2 =	vld [tilespmem:s10+$0x800];
	_ =	sdelay $0x2  }
0x386: {  	s20 =	simm.s32 $0x80;
	v1 =	vmul.u32 $0x64, v1  }
0x387: {  	s18 =	simm.s32 $0x10;
	s10 =	sand.u32 $0x400, s20  }
0x388: {  	s16 =	simm.s32 $0x13E8;
	s10 =	sor.u32 s10, s18;
	v1 =	vadd.s32 v2, v1  }
0x389: {  	s10 =	sor.u32 $0x280, s10;
	[tilespmem:s16+$0x0] =	vst v1  }
0x38a: {  	v2 =	vld [tilespmem:s10+$0x0];
	_ =	sdelay $0x1  }
0x38b: {  	v1 =	vld [tilespmem:s10+$0x800];
	_ =	sdelay $0x2  }
0x38c: {  	s18 =	simm.s32 $0x100;
	v2 =	vmul.u32 $0x64, v2  }
0x38d: {  	s19 =	simm.s32 $0x20;
	s20 =	simm.s32 $0x30;
	s10 =	sand.u32 $0x400, s18  }
.LBB2_46:
0x38e: {  	p3 =	sne.s32 s20, $0xB0;
	s10 =	sor.u32 s10, s19;
	v1 =	vadd.s32 v1, v2;
	s16 =	sadd.s32 $0x10, s16  }
0x38f: {  	s19 =	smov.u32 s20;
	s10 =	sor.u32 $0x280, s10;
	[tilespmem:s16+$0x0] =	vst v1  }
0x390: {  	v2 =	vld [tilespmem:s10+$0x0];
	_ =	sdelay $0x1  }
.Ltmp26:
0x391: {  	v1 =	vld [tilespmem:s10+$0x800];
	(pc) =	sbr.rel @p3 .LBB2_46-.Ltmp26, $3  }
0x392: {  	_ =	sdelay $0x1  }
0x393: {  	s18 =	sadd.s32 $0x80, s18;
	v2 =	vmul.u32 $0x64, v2  }
0x394: {  	s20 =	sadd.s32 $0x10, s20;
	s10 =	sand.u32 $0x400, s18  }
0x395: {  	s10 =	sor.u32 s10, s19;
	v1 =	vadd.s32 v1, v2;
	s16 =	sadd.s32 $0x10, s16  }
0x396: {  	s10 =	sor.u32 $0x280, s10;
	[tilespmem:s16+$0x0] =	vst v1  }
0x397: {  	v1 =	vld [tilespmem:s10+$0x0];
	_ =	sdelay $0x1  }
0x398: {  	v2 =	vld [tilespmem:s10+$0x800];
	_ =	sdelay $0x2  }
0x399: {  	v1 =	vmul.u32 $0x64, v1;
	_ =	sdelay $0x1  }
0x39a: {  	s16 =	sadd.s32 $0x10, s16;
	v1 =	vadd.s32 v2, v1  }
0x39b: {  	[tilespmem:s16+$0x0] =	vst v1  }
0x39c: {  	v1 =	vld [tilespmem:$0x6B0]  }
0x39d: {  	v2 =	vld.msk [tilespmem:$0x6C0], $0xff  }
0x39e: {  	v3 =	vld [tilespmem:$0xEB0]  }
0x39f: {  	v4 =	vld.msk [tilespmem:$0xEC0], $0xff;
	_ =	sdelay $0x2  }
0x3a0: {  	v1 =	vmul.u32 $0x64, v1;
	v2 =	vmul.u32 $0x64, v2;
	_ =	sdelay $0x1  }
0x3a1: {  	v1 =	vadd.s32 v1, v3;
	v2 =	vadd.s32 v2, v4  }
0x3a2: {  	v1 =	vperm.xlane v1, v0;
	v2 =	vperm.xlane v2, v0  }
0x3a3: {  	s18 =	simm.s32 $0x0  }
0x3a4: {  	s19 =	sand.u32 $0x70, s18;
	s10 =	sand.u32 $0x400, s18;
	v1 =	vsel vm0, v1, v2  }
0x3a5: {  	s10 =	sor.u32 s10, s19;
	[tilespmem:$0x14A0] =	vst v1  }
0x3a6: {  	v1 =	vld [tilespmem:s10+$0x300];
	_ =	sdelay $0x1  }
0x3a7: {  	v2 =	vld [tilespmem:s10+$0xB00];
	_ =	sdelay $0x2  }
0x3a8: {  	s20 =	simm.s32 $0x10;
	v1 =	vmul.u32 $0x64, v1  }
0x3a9: {  	s18 =	simm.s32 $0x80;
	s19 =	sand.u32 $0x70, s20  }
0x3aa: {  	s20 =	simm.s32 $0x20;
	s16 =	simm.s32 $0x14B0;
	s10 =	sand.u32 $0x400, s18;
	v1 =	vadd.s32 v2, v1  }
.LBB2_48:
0x3ab: {  	p3 =	sne.s32 s20, $0xB0;
	s10 =	sor.u32 s10, s19;
	[tilespmem:s16+$0x0] =	vst v1  }
0x3ac: {  	v1 =	vld [tilespmem:s10+$0x300];
	_ =	sdelay $0x1  }
0x3ad: {  	v2 =	vld [tilespmem:s10+$0xB00]  }
.Ltmp27:
0x3ae: {  	(pc) =	sbr.rel @p3 .LBB2_48-.Ltmp27, $4  }
0x3af: {  	_ = 	snop  }
0x3b0: {  	v1 =	vmul.u32 $0x64, v1  }
0x3b1: {  	s18 =	sadd.s32 $0x80, s18;
	s16 =	sadd.s32 $0x10, s16  }
0x3b2: {  	s19 =	sand.u32 $0x70, s20;
	s20 =	sadd.s32 $0x10, s20;
	s10 =	sand.u32 $0x400, s18;
	v1 =	vadd.s32 v2, v1  }
0x3b3: {  	s10 =	sor.u32 s10, s19;
	[tilespmem:s16+$0x0] =	vst v1  }
0x3b4: {  	v1 =	vld [tilespmem:s10+$0x300];
	_ =	sdelay $0x1  }
0x3b5: {  	v2 =	vld [tilespmem:s10+$0xB00];
	_ =	sdelay $0x2  }
0x3b6: {  	v1 =	vmul.u32 $0x64, v1;
	_ =	sdelay $0x1  }
0x3b7: {  	s18 =	sadd.s32 $0x10, s16;
	v1 =	vadd.s32 v2, v1  }
0x3b8: {  	[tilespmem:s18+$0x0] =	vst v1  }
0x3b9: {  	v1 =	vld [tilespmem:$0x730]  }
0x3ba: {  	v2 =	vld.msk [tilespmem:$0x740], $0xff  }
0x3bb: {  	v3 =	vld [tilespmem:$0xF30]  }
0x3bc: {  	v4 =	vld.msk [tilespmem:$0xF40], $0xff;
	_ =	sdelay $0x2  }
0x3bd: {  	v1 =	vmul.u32 $0x64, v1;
	v2 =	vmul.u32 $0x64, v2;
	_ =	sdelay $0x1  }
0x3be: {  	v1 =	vadd.s32 v1, v3;
	v2 =	vadd.s32 v2, v4  }
0x3bf: {  	v1 =	vperm.xlane v1, v0;
	v2 =	vperm.xlane v2, v0  }
0x3c0: {  	s19 =	simm.s32 $0x0  }
0x3c1: {  	s10 =	sor.u32 s19, s19;
	v1 =	vsel vm0, v1, v2  }
0x3c2: {  	s10 =	sor.u32 $0x380, s10;
	[tilespmem:$0x1568] =	vst v1  }
0x3c3: {  	v1 =	vld [tilespmem:s10+$0x0];
	_ =	sdelay $0x1  }
0x3c4: {  	v2 =	vld [tilespmem:s10+$0x800];
	_ =	sdelay $0x2  }
0x3c5: {  	v1 =	vmul.u32 $0x64, v1  }
0x3c6: {  	s20 =	simm.s32 $0x10;
	s18 =	simm.s32 $0x80  }
0x3c7: {  	s16 =	simm.s32 $0x1578;
	s19 =	simm.s32 $0x20;
	s20 =	sor.u32 s18, s20;
	v1 =	vadd.s32 v2, v1  }
.LBB2_50:
0x3c8: {  	p3 =	sne.s32 s19, $0xB0;
	s10 =	sor.u32 $0x380, s20;
	[tilespmem:s16+$0x0] =	vst v1  }
0x3c9: {  	v1 =	vld [tilespmem:s10+$0x0];
	_ =	sdelay $0x1  }
0x3ca: {  	v2 =	vld [tilespmem:s10+$0x800]  }
.Ltmp28:
0x3cb: {  	(pc) =	sbr.rel @p3 .LBB2_50-.Ltmp28, $4  }
0x3cc: {  	_ = 	snop  }
0x3cd: {  	v1 =	vmul.u32 $0x64, v1  }
0x3ce: {  	s18 =	sadd.s32 $0x80, s18  }
0x3cf: {  	s16 =	sadd.s32 $0x10, s16;
	s20 =	sor.u32 s18, s19;
	s19 =	sadd.s32 $0x10, s19;
	v1 =	vadd.s32 v2, v1  }
0x3d0: {  	s10 =	sor.u32 $0x380, s20;
	[tilespmem:s16+$0x0] =	vst v1  }
0x3d1: {  	v1 =	vld [tilespmem:s10+$0x0];
	_ =	sdelay $0x1  }
0x3d2: {  	v2 =	vld [tilespmem:s10+$0x800];
	_ =	sdelay $0x2  }
0x3d3: {  	v1 =	vmul.u32 $0x64, v1;
	_ =	sdelay $0x1  }
0x3d4: {  	s20 =	sadd.s32 $0x10, s16;
	v1 =	vadd.s32 v2, v1  }
0x3d5: {  	[tilespmem:s20+$0x0] =	vst v1  }
0x3d6: {  	v1 =	vld [tilespmem:$0x7B0]  }
0x3d7: {  	v2 =	vld.msk [tilespmem:$0x7C0], $0xff  }
0x3d8: {  	v3 =	vld [tilespmem:$0xFB0]  }
0x3d9: {  	v4 =	vld.msk [tilespmem:$0xFC0], $0xff;
	_ =	sdelay $0x2  }
0x3da: {  	v1 =	vmul.u32 $0x64, v1;
	v2 =	vmul.u32 $0x64, v2;
	_ =	sdelay $0x1  }
.Ltmp29:
0x3db: {  	v1 =	vadd.s32 v1, v3;
	v2 =	vadd.s32 v2, v4;
	(pc) =	sbr.rel .LBB2_52-.Ltmp29, $3  }
0x3dc: {  	v1 =	vperm.xlane v1, v0;
	v2 =	vperm.xlane v2, v0;
	_ =	sdelay $0x1  }
0x3dd: {  	v1 =	vsel vm0, v1, v2  }
0x3de: {  	[tilespmem:$0x1630] =	vst v1  }
.LBB2_54:
0x3df: {  	_ =	sfence.sel $0x180000  }
0x3e0: {  	[bflag:$0x0] =	sbarrier.arrive $0xFFFF  }
0x3e1: {  	_ =	strace $0x90000047  }
0x3e2: {  	[bflag:$0x2] =	sbarrier.arrive $0xFFFF  }
0x3e3: {  	s0 =	rddreg [dreg:$0x4]  }
0x3e4: {  	s0 =	sadd.s32 @!p0 $0x100000, s0  }
0x3e5: {  	[sflag:s0] =	ssyncadd.tile.s32 @!p0 $0x1;
	_ =	shalt  }
.Lfunc_end2:
_tile_overlayer_lowered:
.L_overlay_start_2:
0x3e6: {  	(tag) =	ssettag $0x2  }
0x3e7: {  	s0 =	rddreg [dreg:$0x0];
	s2 =	stileid.u32  }
0x3e8: {  	s1 =	rddreg [dreg:$0x1];
	p0 =	sne.s32 s2, $0x0  }
0x3e9: {  	s3 =	rddreg [dreg:$0x2];
	[bflag:$0x3] =	sbarrier.arrive $0xFFFF;
	s2 =	simm.s32 @!p0 $0x1C06  }
0x3ea: {  	[timem:s3], [sflag:s2] =	dma.local @!p0 [hbm:s0], s1  }
0x3eb: {  	s0 =	simm.s32 @!p0 $0x6  }
0x3ec: {  	_ =	swait.ge @!p0 [sflag:s0], s1  }
0x3ed: {  	s1 =	ssub.s32 @!p0 $0x0, s1;
	[sflag:s0] =	ssyncset.done @!p0 $0x0  }
0x3ee: {  	[sflag:s0] =	ssyncadd.s32 @!p0 s1  }
0x3ef: {  	[bflag:$0x3] =	sbarrier.arrive $0xFFFF  }
0x3f0: {  	_ =	shalt  }

</sc_bundles>
